<compile_context>
chip_gen: v7x
topology: tpu7x:2x2x1
jax: 0.10.2.dev20260603
libtpu: 0.0.44.dev20260713+nightly
codegen_flags: <defaults>
</compile_context>

<pallas_src>
import functools

import jax
import jax.numpy as jnp
from jax import lax
from jax.experimental import pallas as pl
from jax.experimental.pallas import tpu as pltpu
from jax.experimental.pallas import tpu_sc as plsc

_POOL = 7
_H = 32
_W = 32
_C = 512
_K = 30



def _roi_pool_tc_kernel(bbox_ref, fm_ref, out_ref):
    b = pl.program_id(0)
    j = pl.program_id(1)
    n_steps = pl.num_programs(1)
    r0 = (b * n_steps + j) * _K
    boxes = bbox_ref[pl.ds(r0, _K), :]

    frac = (lax.broadcasted_iota(jnp.int32, (1, _POOL), 1)
            .astype(jnp.float32) / (_POOL - 1))

    def make_w(c1, c2, dim):
        coords = c1 * (dim - 1) + frac * ((c2 - c1) * (dim - 1))
        c0f = jnp.floor(coords)
        w = coords - c0f
        c0i = c0f.astype(jnp.int32)
        lo = jnp.clip(c0i, 0, dim - 1)
        hi = jnp.clip(c0i + 1, 0, dim - 1)
        valid = (coords >= 0.0) & (coords <= dim - 1)
        wa = jnp.where(valid, 1.0 - w, 0.0)
        wb = jnp.where(valid, w, 0.0)
        iota = lax.broadcasted_iota(jnp.int32, (_K, _POOL, dim), 2)
        return (jnp.where(iota == lo[:, :, None], wa[:, :, None], 0.0)
                + jnp.where(iota == hi[:, :, None], wb[:, :, None], 0.0))

    wy = make_w(boxes[:, 0:1], boxes[:, 2:3], _H)
    wx = make_w(boxes[:, 1:2], boxes[:, 3:4], _W)

    fmt = fm_ref[0]
    s = lax.dot_general(
        wx.reshape(_K * _POOL, _W), fmt,
        dimension_numbers=(((1,), (0,)), ((), ())),
        preferred_element_type=jnp.float32,
    ).reshape(_K, _POOL, _H, _C)
    out_ref[...] = lax.dot_general(
        wy, s,
        dimension_numbers=(((2,), (2,)), ((0,), (0,))),
        preferred_element_type=jnp.float32,
    )


def _roi_pool_tc(feature_map, roi_bboxes):
    B, N = roi_bboxes.shape[0], roi_bboxes.shape[1]
    boxes = roi_bboxes.reshape(B * N, 4)
    fmt = jnp.swapaxes(feature_map, 1, 2)
    out = pl.pallas_call(
        _roi_pool_tc_kernel,
        grid=(B, N // _K),
        in_specs=[
            pl.BlockSpec((B * N, 4), lambda b, j: (0, 0)),
            pl.BlockSpec((1, _W, _H, _C), lambda b, j: (b, 0, 0, 0)),
        ],
        out_specs=pl.BlockSpec(
            (_K, _POOL, _POOL, _C), lambda b, j: (b * (N // _K) + j, 0, 0, 0)),
        out_shape=jax.ShapeDtypeStruct((B * N, _POOL, _POOL, _C), jnp.float32),
    )(boxes, fmt)
    return out.reshape(B, N, _POOL, _POOL, _C)




def _roi_pool_tc2_kernel(bbox_ref, fm_ref, r7y_ref, r7x_ref, ey_ref, ex_ref,
                         out_ref):
    b = pl.program_id(0)
    j = pl.program_id(1)
    n_steps = pl.num_programs(1)
    r0 = (b * n_steps + j) * _K
    boxes = bbox_ref[pl.ds(r0, _K), :]

    frac = (lax.broadcasted_iota(jnp.int32, (1, _POOL), 1)
            .astype(jnp.float32) / (_POOL - 1))

    def make_w(c1, c2, dim):
        coords = c1 * (dim - 1) + frac * ((c2 - c1) * (dim - 1))
        c0f = jnp.floor(coords)
        w = coords - c0f
        c0i = c0f.astype(jnp.int32)
        lo = jnp.clip(c0i, 0, dim - 1)
        hi = jnp.clip(c0i + 1, 0, dim - 1)
        valid = (coords >= 0.0) & (coords <= dim - 1)
        wa = jnp.where(valid, 1.0 - w, 0.0)
        wb = jnp.where(valid, w, 0.0)
        iota = lax.broadcasted_iota(jnp.int32, (_K, _POOL, dim), 2)
        return (jnp.where(iota == lo[:, :, None], wa[:, :, None], 0.0)
                + jnp.where(iota == hi[:, :, None], wb[:, :, None], 0.0))

    wy = make_w(boxes[:, 0:1], boxes[:, 2:3], _H).reshape(_K * _POOL, _H)
    wx = make_w(boxes[:, 1:2], boxes[:, 3:4], _W).reshape(_K * _POOL, _W)

    dn = (((1,), (0,)), ((), ()))
    ty = lax.dot_general(wy.astype(jnp.bfloat16), ey_ref[...],
                         dimension_numbers=dn,
                         preferred_element_type=jnp.float32)
    yext = lax.dot_general(r7y_ref[...], ty.astype(jnp.bfloat16),
                           dimension_numbers=dn,
                           preferred_element_type=jnp.float32)
    tx = lax.dot_general(wx.astype(jnp.bfloat16), ex_ref[...],
                         dimension_numbers=dn,
                         preferred_element_type=jnp.float32)
    xext = lax.dot_general(r7x_ref[...], tx.astype(jnp.bfloat16),
                           dimension_numbers=dn,
                           preferred_element_type=jnp.float32)
    w2 = (yext * xext).astype(jnp.bfloat16)
    out_ref[0, 0] = lax.dot_general(
        w2, fm_ref[0],
        dimension_numbers=dn, preferred_element_type=jnp.float32)


def _roi_pool_tc2(feature_map, roi_bboxes):
    B, N = roi_bboxes.shape[0], roi_bboxes.shape[1]
    nj = N // _K
    boxes = roi_bboxes.reshape(B * N, 4)
    fm16 = feature_map.reshape(B, _H * _W, _C).astype(jnp.bfloat16)
    rows = jnp.arange(_K * 49)
    r_idx = rows // 49
    q_idx = (rows // _POOL) % _POOL
    p_idx = rows % _POOL
    cols70 = jnp.arange(_K * _POOL)
    r7y = (cols70[None, :] == r_idx[:, None] * _POOL + q_idx[:, None]
           ).astype(jnp.bfloat16)
    r7x = (cols70[None, :] == r_idx[:, None] * _POOL + p_idx[:, None]
           ).astype(jnp.bfloat16)
    colj = jnp.arange(_H * _W)
    ey = (jnp.arange(_H)[:, None] == colj[None, :] // _W).astype(jnp.bfloat16)
    ex = (jnp.arange(_W)[:, None] == colj[None, :] % _W).astype(jnp.bfloat16)
    out = pl.pallas_call(
        _roi_pool_tc2_kernel,
        grid=(B, nj),
        in_specs=[
            pl.BlockSpec((B * N, 4), lambda b, j: (0, 0)),
            pl.BlockSpec((1, _H * _W, _C), lambda b, j: (b, 0, 0)),
            pl.BlockSpec((_K * 49, _K * _POOL), lambda b, j: (0, 0)),
            pl.BlockSpec((_K * 49, _K * _POOL), lambda b, j: (0, 0)),
            pl.BlockSpec((_H, _H * _W), lambda b, j: (0, 0)),
            pl.BlockSpec((_W, _H * _W), lambda b, j: (0, 0)),
        ],
        out_specs=pl.BlockSpec(
            (1, 1, _K * 49, _C), lambda b, j: (b, j, 0, 0)),
        out_shape=jax.ShapeDtypeStruct((B, nj, _K * 49, _C), jnp.float32),
    )(boxes, fm16, r7y, r7x, ey, ex)
    return out.reshape(B, N, _POOL, _POOL, _C)



_NC = 2
_NS = 16
_NW = _NC * _NS
_L = 16
_PHASES = ((0, 24), (24, 25))


def _splat(ref, i):
    return plsc.load_gather(ref, [jnp.full((_L,), i, jnp.int32)])


def _vgather(vec, idxv):
    return lax.gather(
        vec, idxv[:, None],
        dimension_numbers=lax.GatherDimensionNumbers(
            offset_dims=(), collapsed_slice_dims=(0,), start_index_map=(0,)),
        slice_sizes=(1,), mode=lax.GatherScatterMode.PROMISE_IN_BOUNDS)


def _sc_body(nroi, rpw, npb, fm_hbm, bbox_hbm, out_hbm,
             bbox_v, wprod_v, g1_v, g2_v, out_v, sem, sem2, osem):
    wid = lax.axis_index("s") * _NC + lax.axis_index("c")
    r_base = wid * rpw
    pltpu.sync_copy(bbox_hbm.at[pl.ds(r_base * 4, rpw * 4)],
                    bbox_v.at[pl.ds(0, rpw * 4)])

    lanes = lax.iota(jnp.int32, _L)
    lanes_f = lanes.astype(jnp.float32)
    frac = lanes_f * (1.0 / (_POOL - 1))

    def per_roi(t, carry):
        r = r_base + t

        @pl.when(r < nroi)
        def _():
            y1 = _splat(bbox_v, 4 * t + 0)
            x1 = _splat(bbox_v, 4 * t + 1)
            y2 = _splat(bbox_v, 4 * t + 2)
            x2 = _splat(bbox_v, 4 * t + 3)
            b = r // npb

            ys = y1 * (_H - 1.0) + frac * ((y2 - y1) * (_H - 1.0))
            xs = x1 * (_W - 1.0) + frac * ((x2 - x1) * (_W - 1.0))
            y0i = ys.astype(jnp.int32)
            x0i = xs.astype(jnp.int32)
            wyv = ys - y0i.astype(jnp.float32)
            wxv = xs - x0i.astype(jnp.float32)
            y0c = jnp.clip(y0i, 0, _H - 1)
            x0c = jnp.clip(x0i, 0, _W - 1)
            y1c = jnp.clip(y0i + 1, 0, _H - 1)
            x1c = jnp.clip(x0i + 1, 0, _W - 1)

            idx_regs = []
            for j in range(13):
                pos = lanes + j * _L
                kv = pos // 4
                cor = pos - kv * 4
                qv = kv // _POOL
                pv = kv - qv * _POOL
                yv = jnp.where(cor >= 2, _vgather(y1c, qv), _vgather(y0c, qv))
                xv = jnp.where((cor & 1) == 1, _vgather(x1c, pv),
                               _vgather(x0c, pv))
                idx_regs.append(jnp.clip(b * (_H * _W) + yv * _W + xv,
                                         0, 4 * _H * _W - 1))

            wyaf = 1.0 - wyv
            wxaf = 1.0 - wxv
            for j in range(4):
                kv = lanes + j * _L
                qv = kv // _POOL
                pv = kv - qv * _POOL
                wya = _vgather(wyaf, qv)
                wyb = _vgather(wyv, qv)
                wxa = _vgather(wxaf, pv)
                wxb = _vgather(wxv, pv)
                wprod_v[pl.ds(j * _L, _L)] = wya * wxa
                wprod_v[pl.ds(64 + j * _L, _L)] = wya * wxb
                wprod_v[pl.ds(128 + j * _L, _L)] = wyb * wxa
                wprod_v[pl.ds(192 + j * _L, _L)] = wyb * wxb

            cps1 = [pltpu.async_copy(fm_hbm.at[idx_regs[j]],
                                     g1_v.at[pl.ds(j * _L, _L)], sem)
                    for j in range(6)]
            cps2 = [pltpu.async_copy(fm_hbm.at[idx_regs[6 + j]],
                                     g2_v.at[pl.ds(j * _L, _L)], sem2)
                    for j in range(7)]

            for (k0, npix), g_v, cps in zip(_PHASES, (g1_v, g2_v),
                                            (cps1, cps2)):
                for cp in cps:
                    cp.wait()

                def per_pixel(k, c2):
                    s00 = _splat(wprod_v, k)
                    s01 = _splat(wprod_v, k + 64)
                    s10 = _splat(wprod_v, k + 128)
                    s11 = _splat(wprod_v, k + 192)
                    gr = (k - k0) * 4
                    for c in range(_C // _L):
                        sl = pl.ds(c * _L, _L)
                        acc = (s00 * g_v[gr, sl] + s01 * g_v[gr + 1, sl]
                               + s10 * g_v[gr + 2, sl] + s11 * g_v[gr + 3, sl])
                        out_v[k - k0, sl] = acc
                    return c2

                lax.fori_loop(k0, k0 + npix, per_pixel, 0, unroll=False)
                pltpu.async_copy(out_v.at[pl.ds(0, npix)],
                                 out_hbm.at[r, pl.ds(k0, npix)], osem).wait()
        return carry

    lax.fori_loop(0, rpw, per_roi, 0, unroll=False)


def _roi_pool_sc(feature_map, roi_bboxes):
    B, N = roi_bboxes.shape[0], roi_bboxes.shape[1]
    nroi = B * N
    rpw = (nroi + _NW - 1) // _NW
    fm = feature_map.reshape(B * _H * _W, _C)
    bb = roi_bboxes.reshape(nroi, 4)
    pad = _NW * rpw - nroi
    bbp = jnp.pad(bb, ((0, pad), (0, 0))).reshape(-1)
    body = functools.partial(_sc_body, nroi, rpw, N)
    out = pl.kernel(
        body,
        out_type=jax.ShapeDtypeStruct((nroi, 49, _C), jnp.float32),
        mesh=plsc.VectorSubcoreMesh(
            core_axis_name="c", subcore_axis_name="s",
            num_cores=_NC, num_subcores=_NS),
        scratch_types=[
            pltpu.VMEM((((rpw * 4 + 127) // 128) * 128,), jnp.float32),
            pltpu.VMEM((256,), jnp.float32),
            pltpu.VMEM((96, _C), jnp.float32),
            pltpu.VMEM((112, _C), jnp.float32),
            pltpu.VMEM((25, _C), jnp.float32),
            pltpu.SemaphoreType.DMA,
            pltpu.SemaphoreType.DMA,
            pltpu.SemaphoreType.DMA,
        ],
        compiler_params=pltpu.CompilerParams(needs_layout_passes=False),
    )(fm, bbp)
    return out.reshape(B, N, _POOL, _POOL, _C)


_N_TC = 240


def _roi_pool_hybrid(feature_map, roi_bboxes):
    N = roi_bboxes.shape[1]
    out_tc = _roi_pool_tc2(feature_map, roi_bboxes[:, :_N_TC])
    out_sc = _roi_pool_sc(feature_map, roi_bboxes[:, _N_TC:])
    return jnp.concatenate([out_tc, out_sc], axis=1)


def kernel(feature_map, roi_bboxes):
    return _roi_pool_hybrid(feature_map, roi_bboxes)

# --- scband reference (transcript-rebuilt; emitter-appended) ---
"""Pipeline reference for scband-ro-ipooling-9148280340845 (READ-ONLY COPY).

The authoritative reference and input builder live on the scoring server;
editing this copy changes nothing except your own understanding.
"""

import jax, jax.numpy as jnp
import numpy as np

POOL = (7, 7)

def setup_inputs(seed: int = 0):
    key = jax.random.key(seed)
    k1, k2 = jax.random.split(key)
    feature_map = jax.random.normal(k1, (4, 32, 32, 512), dtype=jnp.float32)
    roi_bboxes = jax.random.uniform(k2, (4, 300, 4), dtype=jnp.float32)
    return {"feature_map": feature_map, "roi_bboxes": roi_bboxes}

def _sample_coords(c1, c2, size, dim):
    # TF crop_and_resize coordinate mapping (bilinear)
    if size > 1:
        frac = jnp.arange(size, dtype=jnp.float32) / (size - 1)
        return c1[:, None] * (dim - 1) + frac[None, :] * (c2 - c1)[:, None] * (dim - 1)
    else:
        return 0.5 * (c1 + c2)[:, None] * (dim - 1)

def crop_and_resize(image, boxes, box_indices, crop_size):
    H, W = image.shape[1], image.shape[2]
    ph, pw = crop_size
    y1, x1, y2, x2 = boxes[:, 0], boxes[:, 1], boxes[:, 2], boxes[:, 3]
    ys = _sample_coords(y1, y2, ph, H)  # [R, ph]
    xs = _sample_coords(x1, x2, pw, W)  # [R, pw]
    R = boxes.shape[0]
    y0 = jnp.floor(ys)
    x0 = jnp.floor(xs)
    wy = ys - y0
    wx = xs - x0
    y0i = y0.astype(jnp.int32)
    x0i = x0.astype(jnp.int32)
    y0c = jnp.clip(y0i, 0, H - 1)
    y1c = jnp.clip(y0i + 1, 0, H - 1)
    x0c = jnp.clip(x0i, 0, W - 1)
    x1c = jnp.clip(x0i + 1, 0, W - 1)
    img = image[box_indices]  # [R, H, W, C] gather over batch dim
    bidx = jnp.arange(R)[:, None, None]
    v00 = img[bidx, y0c[:, :, None], x0c[:, None, :]]
    v01 = img[bidx, y0c[:, :, None], x1c[:, None, :]]
    v10 = img[bidx, y1c[:, :, None], x0c[:, None, :]]
    v11 = img[bidx, y1c[:, :, None], x1c[:, None, :]]
    wy_b = wy[:, :, None, None]
    wx_b = wx[:, None, :, None]
    top = v00 * (1.0 - wx_b) + v01 * wx_b
    bot = v10 * (1.0 - wx_b) + v11 * wx_b
    out = top * (1.0 - wy_b) + bot * wy_b
    valid_y = (ys >= 0) & (ys <= H - 1)
    valid_x = (xs >= 0) & (xs <= W - 1)
    valid = valid_y[:, :, None, None] & valid_x[:, None, :, None]
    return jnp.where(valid, out, 0.0)

def reference(feature_map, roi_bboxes):
    B, N = roi_bboxes.shape[0], roi_bboxes.shape[1]
    row_size = B * N
    box_indices = jnp.reshape(jnp.tile(jnp.arange(B, dtype=jnp.int32)[:, None], (1, N)), (-1,))
    boxes = jnp.reshape(roi_bboxes, (row_size, 4))
    pooled = crop_and_resize(feature_map, boxes, box_indices, POOL)
    return jnp.reshape(pooled, (B, N, POOL[0], POOL[1], feature_map.shape[-1]))

if __name__ == "__main__":
    import jax
    _d = setup_inputs()
    print(jax.jit(kernel)(*tuple(_d.values())))

</pallas_src>

<mosaic_0001>
#map = affine_map<(d0, d1) -> (0, 0)>
#map1 = affine_map<(d0, d1) -> (0)>
#map2 = affine_map<(d0, d1) -> (0, 0, 0)>
module attributes {stable_mosaic.version = 14 : i64} {
  func.func @_sc_body(%arg0: i32, %arg1: i32, %arg2: memref<4096x512xf32, #tpu.memory_space<hbm>>, %arg3: memref<1024xf32, #tpu.memory_space<hbm>>, %arg4: memref<240x49x512xf32, #tpu.memory_space<hbm>>, %arg5: memref<128xf32, #tpu.memory_space<vmem>>, %arg6: memref<256xf32, #tpu.memory_space<vmem>>, %arg7: memref<96x512xf32, #tpu.memory_space<vmem>>, %arg8: memref<112x512xf32, #tpu.memory_space<vmem>>, %arg9: memref<25x512xf32, #tpu.memory_space<vmem>>, %arg10: memref<!tpu.dma_semaphore, #tpu.memory_space<semaphore_mem>>, %arg11: memref<!tpu.dma_semaphore, #tpu.memory_space<semaphore_mem>>, %arg12: memref<!tpu.dma_semaphore, #tpu.memory_space<semaphore_mem>>) attributes {dimension_semantics = [#tpu.dimension_semantics<core_parallel>, #tpu.dimension_semantics<subcore_parallel>], iteration_bounds = array<i64: 2, 16>, scalar_prefetch = 0 : i64, scratch_operands = 8 : i64, tpu.core_type = #tpu.core_type<sc_vector_subcore>, window_params = [{transform_indices = #map}, {transform_indices = #map1}, {transform_indices = #map2}]} {
    %mul3A = arith.constant 2 : i32
    %mul3A_0 = arith.muli %arg1, %mul3A : i32
    %add3A = arith.addi %mul3A_0, %arg0 : i32
    %mul3A_1 = arith.constant 8 : i32
    %mul3A_2 = arith.muli %add3A, %mul3A_1 : i32
    %mul3A_3 = arith.constant 4 : i32
    %mul3A_4 = arith.muli %mul3A_2, %mul3A_3 : i32
    "tpu.region"() ({
      %run_scoped3A = tpu.sem_alloc : memref<!tpu.dma_semaphore, #tpu.memory_space<semaphore_mem>>
      %dma_start3A = arith.constant 0 : i32
      %dma_start3A_13 = tpu.memref_slice %arg5[%dma_start3A] : memref<128xf32, #tpu.memory_space<vmem>> -> memref<32xf32, #tpu.memory_space<vmem>>
      %dma_start3A_14 = tpu.memref_slice %arg3[%mul3A_4] : memref<1024xf32, #tpu.memory_space<hbm>> -> memref<32xf32, #tpu.memory_space<hbm>>
      %dma_start3A_15 = arith.constant 0 : i32
      %dma_start3A_16 = tpu.memref_slice %arg5[%dma_start3A_15] : memref<128xf32, #tpu.memory_space<vmem>> -> memref<32xf32, #tpu.memory_space<vmem>>
      %dma_start3A_17 = tpu.memref_slice %arg3[%mul3A_4] : memref<1024xf32, #tpu.memory_space<hbm>> -> memref<32xf32, #tpu.memory_space<hbm>>
      tpu.enqueue_dma source(%dma_start3A_17 : memref<32xf32, #tpu.memory_space<hbm>>) target(%dma_start3A_16 : memref<32xf32, #tpu.memory_space<vmem>>) target_semaphore(%run_scoped3A : memref<!tpu.dma_semaphore, #tpu.memory_space<semaphore_mem>>)
      %dma_wait3A = arith.constant 0 : i32
      %dma_wait3A_18 = tpu.memref_slice %arg5[%dma_wait3A] : memref<128xf32, #tpu.memory_space<vmem>> -> memref<32xf32, #tpu.memory_space<vmem>>
      %dma_wait3A_19 = tpu.memref_slice %arg3[%mul3A_4] : memref<1024xf32, #tpu.memory_space<hbm>> -> memref<32xf32, #tpu.memory_space<hbm>>
      %dma_wait3A_20 = arith.constant 0 : i32
      %dma_wait3A_21 = tpu.memref_slice %arg5[%dma_wait3A_20] : memref<128xf32, #tpu.memory_space<vmem>> -> memref<32xf32, #tpu.memory_space<vmem>>
      %dma_wait3A_22 = tpu.memref_slice %arg3[%mul3A_4] : memref<1024xf32, #tpu.memory_space<hbm>> -> memref<32xf32, #tpu.memory_space<hbm>>
      tpu.wait_dma2 semaphore(%run_scoped3A : memref<!tpu.dma_semaphore, #tpu.memory_space<semaphore_mem>>) src(%dma_wait3A_22 : memref<32xf32, #tpu.memory_space<hbm>>) dst(%dma_wait3A_21 : memref<32xf32, #tpu.memory_space<vmem>>)
      tpu.yield
    }) : () -> ()
    %iota3A = tpu.iota {dimensions = array<i32: 0>} : vector<16xi32>
    %convert_element_type3A = arith.sitofp %iota3A : vector<16xi32> to vector<16xf32>
    %mul3A_5 = arith.constant 0.166666672 : f32
    %mul3A_6 = vector.broadcast %mul3A_5 : f32 to vector<16xf32>
    %mul3A_7 = arith.mulf %convert_element_type3A, %mul3A_6 : vector<16xf32>
    %scan3A = arith.constant 0 : i32
    %scan3A_8 = arith.constant 0 : i32
    %scan3A_9 = arith.constant 8 : i32
    %scan3A_10 = arith.addi %scan3A_8, %scan3A_9 : i32
    %scan3A_11 = arith.constant 1 : i32
    scf.for %scan3A_13 = %scan3A_8 to %scan3A_10 step %scan3A_11  : i32 {
      %add3A_14 = arith.addi %mul3A_2, %scan3A_13 : i32
      %lt3A = arith.constant 240 : i32
      %lt3A_15 = arith.cmpi slt, %add3A_14, %lt3A : i32
      %convert_element_type3A_16 = arith.extui %lt3A_15 : i1 to i32
      %cond3A = arith.constant 0 : i32
      %cond3A_17 = arith.cmpi ne, %convert_element_type3A_16, %cond3A : i32
      scf.if %cond3A_17 {
        %mul3A_18 = arith.constant 4 : i32
        %mul3A_19 = arith.muli %mul3A_18, %scan3A_13 : i32
        %add3A_20 = arith.constant 0 : i32
        %add3A_21 = arith.addi %mul3A_19, %add3A_20 : i32
        %broadcast_in_dim3A = vector.broadcast %add3A_21 : i32 to vector<16xi32>
        %gather3A = tpu.vector_load_idx %arg5[%broadcast_in_dim3A] : memref<128xf32, #tpu.memory_space<vmem>>[vector<16xi32>], vector<16xf32>,
        %mul3A_22 = arith.constant 4 : i32
        %mul3A_23 = arith.muli %mul3A_22, %scan3A_13 : i32
        %add3A_24 = arith.constant 1 : i32
        %add3A_25 = arith.addi %mul3A_23, %add3A_24 : i32
        %broadcast_in_dim3A_26 = vector.broadcast %add3A_25 : i32 to vector<16xi32>
        %gather3A_27 = tpu.vector_load_idx %arg5[%broadcast_in_dim3A_26] : memref<128xf32, #tpu.memory_space<vmem>>[vector<16xi32>], vector<16xf32>,
        %mul3A_28 = arith.constant 4 : i32
        %mul3A_29 = arith.muli %mul3A_28, %scan3A_13 : i32
        %add3A_30 = arith.constant 2 : i32
        %add3A_31 = arith.addi %mul3A_29, %add3A_30 : i32
        %broadcast_in_dim3A_32 = vector.broadcast %add3A_31 : i32 to vector<16xi32>
        %gather3A_33 = tpu.vector_load_idx %arg5[%broadcast_in_dim3A_32] : memref<128xf32, #tpu.memory_space<vmem>>[vector<16xi32>], vector<16xf32>,
        %mul3A_34 = arith.constant 4 : i32
        %mul3A_35 = arith.muli %mul3A_34, %scan3A_13 : i32
        %add3A_36 = arith.constant 3 : i32
        %add3A_37 = arith.addi %mul3A_35, %add3A_36 : i32
        %broadcast_in_dim3A_38 = vector.broadcast %add3A_37 : i32 to vector<16xi32>
        %gather3A_39 = tpu.vector_load_idx %arg5[%broadcast_in_dim3A_38] : memref<128xf32, #tpu.memory_space<vmem>>[vector<16xi32>], vector<16xf32>,
        %jit3A = arith.constant 60 : i32
        %div3A = arith.divsi %add3A_14, %jit3A : i32
        %sign3A = arith.constant 0 : i32
        %sign3A_40 = arith.cmpi sgt, %add3A_14, %sign3A : i32
        %sign3A_41 = arith.extui %sign3A_40 : i1 to i32
        %sign3A_42 = arith.constant 0 : i32
        %sign3A_43 = arith.cmpi slt, %add3A_14, %sign3A_42 : i32
        %sign3A_44 = arith.extui %sign3A_43 : i1 to i32
        %sign3A_45 = arith.subi %sign3A_41, %sign3A_44 : i32
        %sign3A_46 = arith.constant 0 : i32
        %sign3A_47 = arith.cmpi sgt, %jit3A, %sign3A_46 : i32
        %sign3A_48 = arith.extui %sign3A_47 : i1 to i32
        %sign3A_49 = arith.constant 0 : i32
        %sign3A_50 = arith.cmpi slt, %jit3A, %sign3A_49 : i32
        %sign3A_51 = arith.extui %sign3A_50 : i1 to i32
        %sign3A_52 = arith.subi %sign3A_48, %sign3A_51 : i32
        %ne3A = arith.cmpi ne, %sign3A_45, %sign3A_52 : i32
        %rem3A = arith.remsi %add3A_14, %jit3A : i32
        %ne3A_53 = arith.constant 0 : i32
        %ne3A_54 = arith.cmpi ne, %rem3A, %ne3A_53 : i32
        %and3A = arith.andi %ne3A, %ne3A_54 : i1
        %sub3A = arith.constant 1 : i32
        %sub3A_55 = arith.subi %div3A, %sub3A : i32
        %select_n3A = arith.select %and3A, %sub3A_55, %div3A : i32
        %mul3A_56 = arith.constant 3.100000e+01 : f32
        %mul3A_57 = vector.broadcast %mul3A_56 : f32 to vector<16xf32>
        %mul3A_58 = arith.mulf %gather3A, %mul3A_57 : vector<16xf32>
        %sub3A_59 = arith.subf %gather3A_33, %gather3A : vector<16xf32>
        %mul3A_60 = arith.constant 3.100000e+01 : f32
        %mul3A_61 = vector.broadcast %mul3A_60 : f32 to vector<16xf32>
        %mul3A_62 = arith.mulf %sub3A_59, %mul3A_61 : vector<16xf32>
        %mul3A_63 = arith.mulf %mul3A_7, %mul3A_62 : vector<16xf32>
        %add3A_64 = arith.addf %mul3A_58, %mul3A_63 : vector<16xf32>
        %mul3A_65 = arith.constant 3.100000e+01 : f32
        %mul3A_66 = vector.broadcast %mul3A_65 : f32 to vector<16xf32>
        %mul3A_67 = arith.mulf %gather3A_27, %mul3A_66 : vector<16xf32>
        %sub3A_68 = arith.subf %gather3A_39, %gather3A_27 : vector<16xf32>
        %mul3A_69 = arith.constant 3.100000e+01 : f32
        %mul3A_70 = vector.broadcast %mul3A_69 : f32 to vector<16xf32>
        %mul3A_71 = arith.mulf %sub3A_68, %mul3A_70 : vector<16xf32>
        %mul3A_72 = arith.mulf %mul3A_7, %mul3A_71 : vector<16xf32>
        %add3A_73 = arith.addf %mul3A_67, %mul3A_72 : vector<16xf32>
        %convert_element_type3A_74 = arith.fptosi %add3A_64 : vector<16xf32> to vector<16xi32>
        %convert_element_type3A_75 = arith.fptosi %add3A_73 : vector<16xf32> to vector<16xi32>
        %convert_element_type3A_76 = arith.sitofp %convert_element_type3A_74 : vector<16xi32> to vector<16xf32>
        %sub3A_77 = arith.subf %add3A_64, %convert_element_type3A_76 : vector<16xf32>
        %convert_element_type3A_78 = arith.sitofp %convert_element_type3A_75 : vector<16xi32> to vector<16xf32>
        %sub3A_79 = arith.subf %add3A_73, %convert_element_type3A_78 : vector<16xf32>
        %jit3A_80 = arith.constant 0 : i32
        %jit3A_81 = arith.constant 31 : i32
        %max3A = vector.broadcast %jit3A_80 : i32 to vector<16xi32>
        %max3A_82 = arith.maxsi %max3A, %convert_element_type3A_74 : vector<16xi32>
        %min3A = vector.broadcast %jit3A_81 : i32 to vector<16xi32>
        %min3A_83 = arith.minsi %min3A, %max3A_82 : vector<16xi32>
        %jit3A_84 = arith.constant 0 : i32
        %jit3A_85 = arith.constant 31 : i32
        %max3A_86 = vector.broadcast %jit3A_84 : i32 to vector<16xi32>
        %max3A_87 = arith.maxsi %max3A_86, %convert_element_type3A_75 : vector<16xi32>
        %min3A_88 = vector.broadcast %jit3A_85 : i32 to vector<16xi32>
        %min3A_89 = arith.minsi %min3A_88, %max3A_87 : vector<16xi32>
        %add3A_90 = arith.constant 1 : i32
        %add3A_91 = vector.broadcast %add3A_90 : i32 to vector<16xi32>
        %add3A_92 = arith.addi %convert_element_type3A_74, %add3A_91 : vector<16xi32>
        %jit3A_93 = arith.constant 0 : i32
        %jit3A_94 = arith.constant 31 : i32
        %max3A_95 = vector.broadcast %jit3A_93 : i32 to vector<16xi32>
        %max3A_96 = arith.maxsi %max3A_95, %add3A_92 : vector<16xi32>
        %min3A_97 = vector.broadcast %jit3A_94 : i32 to vector<16xi32>
        %min3A_98 = arith.minsi %min3A_97, %max3A_96 : vector<16xi32>
        %add3A_99 = arith.constant 1 : i32
        %add3A_100 = vector.broadcast %add3A_99 : i32 to vector<16xi32>
        %add3A_101 = arith.addi %convert_element_type3A_75, %add3A_100 : vector<16xi32>
        %jit3A_102 = arith.constant 0 : i32
        %jit3A_103 = arith.constant 31 : i32
        %max3A_104 = vector.broadcast %jit3A_102 : i32 to vector<16xi32>
        %max3A_105 = arith.maxsi %max3A_104, %add3A_101 : vector<16xi32>
        %min3A_106 = vector.broadcast %jit3A_103 : i32 to vector<16xi32>
        %min3A_107 = arith.minsi %min3A_106, %max3A_105 : vector<16xi32>
        %add3A_108 = arith.constant 0 : i32
        %add3A_109 = vector.broadcast %add3A_108 : i32 to vector<16xi32>
        %add3A_110 = arith.addi %iota3A, %add3A_109 : vector<16xi32>
        %jit3A_111 = arith.constant 4 : i32
        %div3A_112 = vector.broadcast %jit3A_111 : i32 to vector<16xi32>
        %div3A_113 = arith.divsi %add3A_110, %div3A_112 : vector<16xi32>
        %sign3A_114 = arith.constant 0 : i32
        %sign3A_115 = vector.broadcast %sign3A_114 : i32 to vector<16xi32>
        %sign3A_116 = arith.cmpi sgt, %add3A_110, %sign3A_115 : vector<16xi32>
        %sign3A_117 = arith.extui %sign3A_116 : vector<16xi1> to vector<16xi32>
        %sign3A_118 = arith.constant 0 : i32
        %sign3A_119 = vector.broadcast %sign3A_118 : i32 to vector<16xi32>
        %sign3A_120 = arith.cmpi slt, %add3A_110, %sign3A_119 : vector<16xi32>
        %sign3A_121 = arith.extui %sign3A_120 : vector<16xi1> to vector<16xi32>
        %sign3A_122 = arith.subi %sign3A_117, %sign3A_121 : vector<16xi32>
        %sign3A_123 = arith.constant 0 : i32
        %sign3A_124 = arith.cmpi sgt, %jit3A_111, %sign3A_123 : i32
        %sign3A_125 = arith.extui %sign3A_124 : i1 to i32
        %sign3A_126 = arith.constant 0 : i32
        %sign3A_127 = arith.cmpi slt, %jit3A_111, %sign3A_126 : i32
        %sign3A_128 = arith.extui %sign3A_127 : i1 to i32
        %sign3A_129 = arith.subi %sign3A_125, %sign3A_128 : i32
        %ne3A_130 = vector.broadcast %sign3A_129 : i32 to vector<16xi32>
        %ne3A_131 = arith.cmpi ne, %sign3A_122, %ne3A_130 : vector<16xi32>
        %rem3A_132 = vector.broadcast %jit3A_111 : i32 to vector<16xi32>
        %rem3A_133 = arith.remsi %add3A_110, %rem3A_132 : vector<16xi32>
        %ne3A_134 = arith.constant 0 : i32
        %ne3A_135 = vector.broadcast %ne3A_134 : i32 to vector<16xi32>
        %ne3A_136 = arith.cmpi ne, %rem3A_133, %ne3A_135 : vector<16xi32>
        %and3A_137 = arith.andi %ne3A_131, %ne3A_136 : vector<16xi1>
        %sub3A_138 = arith.constant 1 : i32
        %sub3A_139 = vector.broadcast %sub3A_138 : i32 to vector<16xi32>
        %sub3A_140 = arith.subi %div3A_113, %sub3A_139 : vector<16xi32>
        %select_n3A_141 = arith.select %and3A_137, %sub3A_140, %div3A_113 : vector<16xi1>, vector<16xi32>
        %mul3A_142 = arith.constant 4 : i32
        %mul3A_143 = vector.broadcast %mul3A_142 : i32 to vector<16xi32>
        %mul3A_144 = arith.muli %select_n3A_141, %mul3A_143 : vector<16xi32>
        %sub3A_145 = arith.subi %add3A_110, %mul3A_144 : vector<16xi32>
        %jit3A_146 = arith.constant 7 : i32
        %div3A_147 = vector.broadcast %jit3A_146 : i32 to vector<16xi32>
        %div3A_148 = arith.divsi %select_n3A_141, %div3A_147 : vector<16xi32>
        %sign3A_149 = arith.constant 0 : i32
        %sign3A_150 = vector.broadcast %sign3A_149 : i32 to vector<16xi32>
        %sign3A_151 = arith.cmpi sgt, %select_n3A_141, %sign3A_150 : vector<16xi32>
        %sign3A_152 = arith.extui %sign3A_151 : vector<16xi1> to vector<16xi32>
        %sign3A_153 = arith.constant 0 : i32
        %sign3A_154 = vector.broadcast %sign3A_153 : i32 to vector<16xi32>
        %sign3A_155 = arith.cmpi slt, %select_n3A_141, %sign3A_154 : vector<16xi32>
        %sign3A_156 = arith.extui %sign3A_155 : vector<16xi1> to vector<16xi32>
        %sign3A_157 = arith.subi %sign3A_152, %sign3A_156 : vector<16xi32>
        %sign3A_158 = arith.constant 0 : i32
        %sign3A_159 = arith.cmpi sgt, %jit3A_146, %sign3A_158 : i32
        %sign3A_160 = arith.extui %sign3A_159 : i1 to i32
        %sign3A_161 = arith.constant 0 : i32
        %sign3A_162 = arith.cmpi slt, %jit3A_146, %sign3A_161 : i32
        %sign3A_163 = arith.extui %sign3A_162 : i1 to i32
        %sign3A_164 = arith.subi %sign3A_160, %sign3A_163 : i32
        %ne3A_165 = vector.broadcast %sign3A_164 : i32 to vector<16xi32>
        %ne3A_166 = arith.cmpi ne, %sign3A_157, %ne3A_165 : vector<16xi32>
        %rem3A_167 = vector.broadcast %jit3A_146 : i32 to vector<16xi32>
        %rem3A_168 = arith.remsi %select_n3A_141, %rem3A_167 : vector<16xi32>
        %ne3A_169 = arith.constant 0 : i32
        %ne3A_170 = vector.broadcast %ne3A_169 : i32 to vector<16xi32>
        %ne3A_171 = arith.cmpi ne, %rem3A_168, %ne3A_170 : vector<16xi32>
        %and3A_172 = arith.andi %ne3A_166, %ne3A_171 : vector<16xi1>
        %sub3A_173 = arith.constant 1 : i32
        %sub3A_174 = vector.broadcast %sub3A_173 : i32 to vector<16xi32>
        %sub3A_175 = arith.subi %div3A_148, %sub3A_174 : vector<16xi32>
        %select_n3A_176 = arith.select %and3A_172, %sub3A_175, %div3A_148 : vector<16xi1>, vector<16xi32>
        %mul3A_177 = arith.constant 7 : i32
        %mul3A_178 = vector.broadcast %mul3A_177 : i32 to vector<16xi32>
        %mul3A_179 = arith.muli %select_n3A_176, %mul3A_178 : vector<16xi32>
        %sub3A_180 = arith.subi %select_n3A_141, %mul3A_179 : vector<16xi32>
        %ge3A = arith.constant 2 : i32
        %ge3A_181 = vector.broadcast %ge3A : i32 to vector<16xi32>
        %ge3A_182 = arith.cmpi sge, %sub3A_145, %ge3A_181 : vector<16xi32>
        %broadcast_in_dim3A_183 = vector.shape_cast %select_n3A_176 : vector<16xi32> to vector<16x1xi32>
        %gather3A_184 = vector.shape_cast %broadcast_in_dim3A_183 : vector<16x1xi32> to vector<16xi32>
        %gather3A_185 = tpu.dynamic_gather %min3A_98[%gather3A_184] in [0] : vector<16xi32>, vector<16xi32> -> vector<16xi32>
        %broadcast_in_dim3A_186 = vector.shape_cast %select_n3A_176 : vector<16xi32> to vector<16x1xi32>
        %gather3A_187 = vector.shape_cast %broadcast_in_dim3A_186 : vector<16x1xi32> to vector<16xi32>
        %gather3A_188 = tpu.dynamic_gather %min3A_83[%gather3A_187] in [0] : vector<16xi32>, vector<16xi32> -> vector<16xi32>
        %select_n3A_189 = arith.select %ge3A_182, %gather3A_185, %gather3A_188 : vector<16xi1>, vector<16xi32>
        %and3A_190 = arith.constant 1 : i32
        %and3A_191 = vector.broadcast %and3A_190 : i32 to vector<16xi32>
        %and3A_192 = arith.andi %sub3A_145, %and3A_191 : vector<16xi32>
        %eq3A = arith.constant 1 : i32
        %eq3A_193 = vector.broadcast %eq3A : i32 to vector<16xi32>
        %eq3A_194 = arith.cmpi eq, %and3A_192, %eq3A_193 : vector<16xi32>
        %broadcast_in_dim3A_195 = vector.shape_cast %sub3A_180 : vector<16xi32> to vector<16x1xi32>
        %gather3A_196 = vector.shape_cast %broadcast_in_dim3A_195 : vector<16x1xi32> to vector<16xi32>
        %gather3A_197 = tpu.dynamic_gather %min3A_107[%gather3A_196] in [0] : vector<16xi32>, vector<16xi32> -> vector<16xi32>
        %broadcast_in_dim3A_198 = vector.shape_cast %sub3A_180 : vector<16xi32> to vector<16x1xi32>
        %gather3A_199 = vector.shape_cast %broadcast_in_dim3A_198 : vector<16x1xi32> to vector<16xi32>
        %gather3A_200 = tpu.dynamic_gather %min3A_89[%gather3A_199] in [0] : vector<16xi32>, vector<16xi32> -> vector<16xi32>
        %select_n3A_201 = arith.select %eq3A_194, %gather3A_197, %gather3A_200 : vector<16xi1>, vector<16xi32>
        %mul3A_202 = arith.constant 1024 : i32
        %mul3A_203 = arith.muli %select_n3A, %mul3A_202 : i32
        %mul3A_204 = arith.constant 32 : i32
        %mul3A_205 = vector.broadcast %mul3A_204 : i32 to vector<16xi32>
        %mul3A_206 = arith.muli %select_n3A_189, %mul3A_205 : vector<16xi32>
        %add3A_207 = vector.broadcast %mul3A_203 : i32 to vector<16xi32>
        %add3A_208 = arith.addi %add3A_207, %mul3A_206 : vector<16xi32>
        %add3A_209 = arith.addi %add3A_208, %select_n3A_201 : vector<16xi32>
        %jit3A_210 = arith.constant 0 : i32
        %jit3A_211 = arith.constant 4095 : i32
        %max3A_212 = vector.broadcast %jit3A_210 : i32 to vector<16xi32>
        %max3A_213 = arith.maxsi %max3A_212, %add3A_209 : vector<16xi32>
        %min3A_214 = vector.broadcast %jit3A_211 : i32 to vector<16xi32>
        %min3A_215 = arith.minsi %min3A_214, %max3A_213 : vector<16xi32>
        %add3A_216 = arith.constant 16 : i32
        %add3A_217 = vector.broadcast %add3A_216 : i32 to vector<16xi32>
        %add3A_218 = arith.addi %iota3A, %add3A_217 : vector<16xi32>
        %jit3A_219 = arith.constant 4 : i32
        %div3A_220 = vector.broadcast %jit3A_219 : i32 to vector<16xi32>
        %div3A_221 = arith.divsi %add3A_218, %div3A_220 : vector<16xi32>
        %sign3A_222 = arith.constant 0 : i32
        %sign3A_223 = vector.broadcast %sign3A_222 : i32 to vector<16xi32>
        %sign3A_224 = arith.cmpi sgt, %add3A_218, %sign3A_223 : vector<16xi32>
        %sign3A_225 = arith.extui %sign3A_224 : vector<16xi1> to vector<16xi32>
        %sign3A_226 = arith.constant 0 : i32
        %sign3A_227 = vector.broadcast %sign3A_226 : i32 to vector<16xi32>
        %sign3A_228 = arith.cmpi slt, %add3A_218, %sign3A_227 : vector<16xi32>
        %sign3A_229 = arith.extui %sign3A_228 : vector<16xi1> to vector<16xi32>
        %sign3A_230 = arith.subi %sign3A_225, %sign3A_229 : vector<16xi32>
        %sign3A_231 = arith.constant 0 : i32
        %sign3A_232 = arith.cmpi sgt, %jit3A_219, %sign3A_231 : i32
        %sign3A_233 = arith.extui %sign3A_232 : i1 to i32
        %sign3A_234 = arith.constant 0 : i32
        %sign3A_235 = arith.cmpi slt, %jit3A_219, %sign3A_234 : i32
        %sign3A_236 = arith.extui %sign3A_235 : i1 to i32
        %sign3A_237 = arith.subi %sign3A_233, %sign3A_236 : i32
        %ne3A_238 = vector.broadcast %sign3A_237 : i32 to vector<16xi32>
        %ne3A_239 = arith.cmpi ne, %sign3A_230, %ne3A_238 : vector<16xi32>
        %rem3A_240 = vector.broadcast %jit3A_219 : i32 to vector<16xi32>
        %rem3A_241 = arith.remsi %add3A_218, %rem3A_240 : vector<16xi32>
        %ne3A_242 = arith.constant 0 : i32
        %ne3A_243 = vector.broadcast %ne3A_242 : i32 to vector<16xi32>
        %ne3A_244 = arith.cmpi ne, %rem3A_241, %ne3A_243 : vector<16xi32>
        %and3A_245 = arith.andi %ne3A_239, %ne3A_244 : vector<16xi1>
        %sub3A_246 = arith.constant 1 : i32
        %sub3A_247 = vector.broadcast %sub3A_246 : i32 to vector<16xi32>
        %sub3A_248 = arith.subi %div3A_221, %sub3A_247 : vector<16xi32>
        %select_n3A_249 = arith.select %and3A_245, %sub3A_248, %div3A_221 : vector<16xi1>, vector<16xi32>
        %mul3A_250 = arith.constant 4 : i32
        %mul3A_251 = vector.broadcast %mul3A_250 : i32 to vector<16xi32>
        %mul3A_252 = arith.muli %select_n3A_249, %mul3A_251 : vector<16xi32>
        %sub3A_253 = arith.subi %add3A_218, %mul3A_252 : vector<16xi32>
        %jit3A_254 = arith.constant 7 : i32
        %div3A_255 = vector.broadcast %jit3A_254 : i32 to vector<16xi32>
        %div3A_256 = arith.divsi %select_n3A_249, %div3A_255 : vector<16xi32>
        %sign3A_257 = arith.constant 0 : i32
        %sign3A_258 = vector.broadcast %sign3A_257 : i32 to vector<16xi32>
        %sign3A_259 = arith.cmpi sgt, %select_n3A_249, %sign3A_258 : vector<16xi32>
        %sign3A_260 = arith.extui %sign3A_259 : vector<16xi1> to vector<16xi32>
        %sign3A_261 = arith.constant 0 : i32
        %sign3A_262 = vector.broadcast %sign3A_261 : i32 to vector<16xi32>
        %sign3A_263 = arith.cmpi slt, %select_n3A_249, %sign3A_262 : vector<16xi32>
        %sign3A_264 = arith.extui %sign3A_263 : vector<16xi1> to vector<16xi32>
        %sign3A_265 = arith.subi %sign3A_260, %sign3A_264 : vector<16xi32>
        %sign3A_266 = arith.constant 0 : i32
        %sign3A_267 = arith.cmpi sgt, %jit3A_254, %sign3A_266 : i32
        %sign3A_268 = arith.extui %sign3A_267 : i1 to i32
        %sign3A_269 = arith.constant 0 : i32
        %sign3A_270 = arith.cmpi slt, %jit3A_254, %sign3A_269 : i32
        %sign3A_271 = arith.extui %sign3A_270 : i1 to i32
        %sign3A_272 = arith.subi %sign3A_268, %sign3A_271 : i32
        %ne3A_273 = vector.broadcast %sign3A_272 : i32 to vector<16xi32>
        %ne3A_274 = arith.cmpi ne, %sign3A_265, %ne3A_273 : vector<16xi32>
        %rem3A_275 = vector.broadcast %jit3A_254 : i32 to vector<16xi32>
        %rem3A_276 = arith.remsi %select_n3A_249, %rem3A_275 : vector<16xi32>
        %ne3A_277 = arith.constant 0 : i32
        %ne3A_278 = vector.broadcast %ne3A_277 : i32 to vector<16xi32>
        %ne3A_279 = arith.cmpi ne, %rem3A_276, %ne3A_278 : vector<16xi32>
        %and3A_280 = arith.andi %ne3A_274, %ne3A_279 : vector<16xi1>
        %sub3A_281 = arith.constant 1 : i32
        %sub3A_282 = vector.broadcast %sub3A_281 : i32 to vector<16xi32>
        %sub3A_283 = arith.subi %div3A_256, %sub3A_282 : vector<16xi32>
        %select_n3A_284 = arith.select %and3A_280, %sub3A_283, %div3A_256 : vector<16xi1>, vector<16xi32>
        %mul3A_285 = arith.constant 7 : i32
        %mul3A_286 = vector.broadcast %mul3A_285 : i32 to vector<16xi32>
        %mul3A_287 = arith.muli %select_n3A_284, %mul3A_286 : vector<16xi32>
        %sub3A_288 = arith.subi %select_n3A_249, %mul3A_287 : vector<16xi32>
        %ge3A_289 = arith.constant 2 : i32
        %ge3A_290 = vector.broadcast %ge3A_289 : i32 to vector<16xi32>
        %ge3A_291 = arith.cmpi sge, %sub3A_253, %ge3A_290 : vector<16xi32>
        %broadcast_in_dim3A_292 = vector.shape_cast %select_n3A_284 : vector<16xi32> to vector<16x1xi32>
        %gather3A_293 = vector.shape_cast %broadcast_in_dim3A_292 : vector<16x1xi32> to vector<16xi32>
        %gather3A_294 = tpu.dynamic_gather %min3A_98[%gather3A_293] in [0] : vector<16xi32>, vector<16xi32> -> vector<16xi32>
        %broadcast_in_dim3A_295 = vector.shape_cast %select_n3A_284 : vector<16xi32> to vector<16x1xi32>
        %gather3A_296 = vector.shape_cast %broadcast_in_dim3A_295 : vector<16x1xi32> to vector<16xi32>
        %gather3A_297 = tpu.dynamic_gather %min3A_83[%gather3A_296] in [0] : vector<16xi32>, vector<16xi32> -> vector<16xi32>
        %select_n3A_298 = arith.select %ge3A_291, %gather3A_294, %gather3A_297 : vector<16xi1>, vector<16xi32>
        %and3A_299 = arith.constant 1 : i32
        %and3A_300 = vector.broadcast %and3A_299 : i32 to vector<16xi32>
        %and3A_301 = arith.andi %sub3A_253, %and3A_300 : vector<16xi32>
        %eq3A_302 = arith.constant 1 : i32
        %eq3A_303 = vector.broadcast %eq3A_302 : i32 to vector<16xi32>
        %eq3A_304 = arith.cmpi eq, %and3A_301, %eq3A_303 : vector<16xi32>
        %broadcast_in_dim3A_305 = vector.shape_cast %sub3A_288 : vector<16xi32> to vector<16x1xi32>
        %gather3A_306 = vector.shape_cast %broadcast_in_dim3A_305 : vector<16x1xi32> to vector<16xi32>
        %gather3A_307 = tpu.dynamic_gather %min3A_107[%gather3A_306] in [0] : vector<16xi32>, vector<16xi32> -> vector<16xi32>
        %broadcast_in_dim3A_308 = vector.shape_cast %sub3A_288 : vector<16xi32> to vector<16x1xi32>
        %gather3A_309 = vector.shape_cast %broadcast_in_dim3A_308 : vector<16x1xi32> to vector<16xi32>
        %gather3A_310 = tpu.dynamic_gather %min3A_89[%gather3A_309] in [0] : vector<16xi32>, vector<16xi32> -> vector<16xi32>
        %select_n3A_311 = arith.select %eq3A_304, %gather3A_307, %gather3A_310 : vector<16xi1>, vector<16xi32>
        %mul3A_312 = arith.constant 1024 : i32
        %mul3A_313 = arith.muli %select_n3A, %mul3A_312 : i32
        %mul3A_314 = arith.constant 32 : i32
        %mul3A_315 = vector.broadcast %mul3A_314 : i32 to vector<16xi32>
        %mul3A_316 = arith.muli %select_n3A_298, %mul3A_315 : vector<16xi32>
        %add3A_317 = vector.broadcast %mul3A_313 : i32 to vector<16xi32>
        %add3A_318 = arith.addi %add3A_317, %mul3A_316 : vector<16xi32>
        %add3A_319 = arith.addi %add3A_318, %select_n3A_311 : vector<16xi32>
        %jit3A_320 = arith.constant 0 : i32
        %jit3A_321 = arith.constant 4095 : i32
        %max3A_322 = vector.broadcast %jit3A_320 : i32 to vector<16xi32>
        %max3A_323 = arith.maxsi %max3A_322, %add3A_319 : vector<16xi32>
        %min3A_324 = vector.broadcast %jit3A_321 : i32 to vector<16xi32>
        %min3A_325 = arith.minsi %min3A_324, %max3A_323 : vector<16xi32>
        %add3A_326 = arith.constant 32 : i32
        %add3A_327 = vector.broadcast %add3A_326 : i32 to vector<16xi32>
        %add3A_328 = arith.addi %iota3A, %add3A_327 : vector<16xi32>
        %jit3A_329 = arith.constant 4 : i32
        %div3A_330 = vector.broadcast %jit3A_329 : i32 to vector<16xi32>
        %div3A_331 = arith.divsi %add3A_328, %div3A_330 : vector<16xi32>
        %sign3A_332 = arith.constant 0 : i32
        %sign3A_333 = vector.broadcast %sign3A_332 : i32 to vector<16xi32>
        %sign3A_334 = arith.cmpi sgt, %add3A_328, %sign3A_333 : vector<16xi32>
        %sign3A_335 = arith.extui %sign3A_334 : vector<16xi1> to vector<16xi32>
        %sign3A_336 = arith.constant 0 : i32
        %sign3A_337 = vector.broadcast %sign3A_336 : i32 to vector<16xi32>
        %sign3A_338 = arith.cmpi slt, %add3A_328, %sign3A_337 : vector<16xi32>
        %sign3A_339 = arith.extui %sign3A_338 : vector<16xi1> to vector<16xi32>
        %sign3A_340 = arith.subi %sign3A_335, %sign3A_339 : vector<16xi32>
        %sign3A_341 = arith.constant 0 : i32
        %sign3A_342 = arith.cmpi sgt, %jit3A_329, %sign3A_341 : i32
        %sign3A_343 = arith.extui %sign3A_342 : i1 to i32
        %sign3A_344 = arith.constant 0 : i32
        %sign3A_345 = arith.cmpi slt, %jit3A_329, %sign3A_344 : i32
        %sign3A_346 = arith.extui %sign3A_345 : i1 to i32
        %sign3A_347 = arith.subi %sign3A_343, %sign3A_346 : i32
        %ne3A_348 = vector.broadcast %sign3A_347 : i32 to vector<16xi32>
        %ne3A_349 = arith.cmpi ne, %sign3A_340, %ne3A_348 : vector<16xi32>
        %rem3A_350 = vector.broadcast %jit3A_329 : i32 to vector<16xi32>
        %rem3A_351 = arith.remsi %add3A_328, %rem3A_350 : vector<16xi32>
        %ne3A_352 = arith.constant 0 : i32
        %ne3A_353 = vector.broadcast %ne3A_352 : i32 to vector<16xi32>
        %ne3A_354 = arith.cmpi ne, %rem3A_351, %ne3A_353 : vector<16xi32>
        %and3A_355 = arith.andi %ne3A_349, %ne3A_354 : vector<16xi1>
        %sub3A_356 = arith.constant 1 : i32
        %sub3A_357 = vector.broadcast %sub3A_356 : i32 to vector<16xi32>
        %sub3A_358 = arith.subi %div3A_331, %sub3A_357 : vector<16xi32>
        %select_n3A_359 = arith.select %and3A_355, %sub3A_358, %div3A_331 : vector<16xi1>, vector<16xi32>
        %mul3A_360 = arith.constant 4 : i32
        %mul3A_361 = vector.broadcast %mul3A_360 : i32 to vector<16xi32>
        %mul3A_362 = arith.muli %select_n3A_359, %mul3A_361 : vector<16xi32>
        %sub3A_363 = arith.subi %add3A_328, %mul3A_362 : vector<16xi32>
        %jit3A_364 = arith.constant 7 : i32
        %div3A_365 = vector.broadcast %jit3A_364 : i32 to vector<16xi32>
        %div3A_366 = arith.divsi %select_n3A_359, %div3A_365 : vector<16xi32>
        %sign3A_367 = arith.constant 0 : i32
        %sign3A_368 = vector.broadcast %sign3A_367 : i32 to vector<16xi32>
        %sign3A_369 = arith.cmpi sgt, %select_n3A_359, %sign3A_368 : vector<16xi32>
        %sign3A_370 = arith.extui %sign3A_369 : vector<16xi1> to vector<16xi32>
        %sign3A_371 = arith.constant 0 : i32
        %sign3A_372 = vector.broadcast %sign3A_371 : i32 to vector<16xi32>
        %sign3A_373 = arith.cmpi slt, %select_n3A_359, %sign3A_372 : vector<16xi32>
        %sign3A_374 = arith.extui %sign3A_373 : vector<16xi1> to vector<16xi32>
        %sign3A_375 = arith.subi %sign3A_370, %sign3A_374 : vector<16xi32>
        %sign3A_376 = arith.constant 0 : i32
        %sign3A_377 = arith.cmpi sgt, %jit3A_364, %sign3A_376 : i32
        %sign3A_378 = arith.extui %sign3A_377 : i1 to i32
        %sign3A_379 = arith.constant 0 : i32
        %sign3A_380 = arith.cmpi slt, %jit3A_364, %sign3A_379 : i32
        %sign3A_381 = arith.extui %sign3A_380 : i1 to i32
        %sign3A_382 = arith.subi %sign3A_378, %sign3A_381 : i32
        %ne3A_383 = vector.broadcast %sign3A_382 : i32 to vector<16xi32>
        %ne3A_384 = arith.cmpi ne, %sign3A_375, %ne3A_383 : vector<16xi32>
        %rem3A_385 = vector.broadcast %jit3A_364 : i32 to vector<16xi32>
        %rem3A_386 = arith.remsi %select_n3A_359, %rem3A_385 : vector<16xi32>
        %ne3A_387 = arith.constant 0 : i32
        %ne3A_388 = vector.broadcast %ne3A_387 : i32 to vector<16xi32>
        %ne3A_389 = arith.cmpi ne, %rem3A_386, %ne3A_388 : vector<16xi32>
        %and3A_390 = arith.andi %ne3A_384, %ne3A_389 : vector<16xi1>
        %sub3A_391 = arith.constant 1 : i32
        %sub3A_392 = vector.broadcast %sub3A_391 : i32 to vector<16xi32>
        %sub3A_393 = arith.subi %div3A_366, %sub3A_392 : vector<16xi32>
        %select_n3A_394 = arith.select %and3A_390, %sub3A_393, %div3A_366 : vector<16xi1>, vector<16xi32>
        %mul3A_395 = arith.constant 7 : i32
        %mul3A_396 = vector.broadcast %mul3A_395 : i32 to vector<16xi32>
        %mul3A_397 = arith.muli %select_n3A_394, %mul3A_396 : vector<16xi32>
        %sub3A_398 = arith.subi %select_n3A_359, %mul3A_397 : vector<16xi32>
        %ge3A_399 = arith.constant 2 : i32
        %ge3A_400 = vector.broadcast %ge3A_399 : i32 to vector<16xi32>
        %ge3A_401 = arith.cmpi sge, %sub3A_363, %ge3A_400 : vector<16xi32>
        %broadcast_in_dim3A_402 = vector.shape_cast %select_n3A_394 : vector<16xi32> to vector<16x1xi32>
        %gather3A_403 = vector.shape_cast %broadcast_in_dim3A_402 : vector<16x1xi32> to vector<16xi32>
        %gather3A_404 = tpu.dynamic_gather %min3A_98[%gather3A_403] in [0] : vector<16xi32>, vector<16xi32> -> vector<16xi32>
        %broadcast_in_dim3A_405 = vector.shape_cast %select_n3A_394 : vector<16xi32> to vector<16x1xi32>
        %gather3A_406 = vector.shape_cast %broadcast_in_dim3A_405 : vector<16x1xi32> to vector<16xi32>
        %gather3A_407 = tpu.dynamic_gather %min3A_83[%gather3A_406] in [0] : vector<16xi32>, vector<16xi32> -> vector<16xi32>
        %select_n3A_408 = arith.select %ge3A_401, %gather3A_404, %gather3A_407 : vector<16xi1>, vector<16xi32>
        %and3A_409 = arith.constant 1 : i32
        %and3A_410 = vector.broadcast %and3A_409 : i32 to vector<16xi32>
        %and3A_411 = arith.andi %sub3A_363, %and3A_410 : vector<16xi32>
        %eq3A_412 = arith.constant 1 : i32
        %eq3A_413 = vector.broadcast %eq3A_412 : i32 to vector<16xi32>
        %eq3A_414 = arith.cmpi eq, %and3A_411, %eq3A_413 : vector<16xi32>
        %broadcast_in_dim3A_415 = vector.shape_cast %sub3A_398 : vector<16xi32> to vector<16x1xi32>
        %gather3A_416 = vector.shape_cast %broadcast_in_dim3A_415 : vector<16x1xi32> to vector<16xi32>
        %gather3A_417 = tpu.dynamic_gather %min3A_107[%gather3A_416] in [0] : vector<16xi32>, vector<16xi32> -> vector<16xi32>
        %broadcast_in_dim3A_418 = vector.shape_cast %sub3A_398 : vector<16xi32> to vector<16x1xi32>
        %gather3A_419 = vector.shape_cast %broadcast_in_dim3A_418 : vector<16x1xi32> to vector<16xi32>
        %gather3A_420 = tpu.dynamic_gather %min3A_89[%gather3A_419] in [0] : vector<16xi32>, vector<16xi32> -> vector<16xi32>
        %select_n3A_421 = arith.select %eq3A_414, %gather3A_417, %gather3A_420 : vector<16xi1>, vector<16xi32>
        %mul3A_422 = arith.constant 1024 : i32
        %mul3A_423 = arith.muli %select_n3A, %mul3A_422 : i32
        %mul3A_424 = arith.constant 32 : i32
        %mul3A_425 = vector.broadcast %mul3A_424 : i32 to vector<16xi32>
        %mul3A_426 = arith.muli %select_n3A_408, %mul3A_425 : vector<16xi32>
        %add3A_427 = vector.broadcast %mul3A_423 : i32 to vector<16xi32>
        %add3A_428 = arith.addi %add3A_427, %mul3A_426 : vector<16xi32>
        %add3A_429 = arith.addi %add3A_428, %select_n3A_421 : vector<16xi32>
        %jit3A_430 = arith.constant 0 : i32
        %jit3A_431 = arith.constant 4095 : i32
        %max3A_432 = vector.broadcast %jit3A_430 : i32 to vector<16xi32>
        %max3A_433 = arith.maxsi %max3A_432, %add3A_429 : vector<16xi32>
        %min3A_434 = vector.broadcast %jit3A_431 : i32 to vector<16xi32>
        %min3A_435 = arith.minsi %min3A_434, %max3A_433 : vector<16xi32>
        %add3A_436 = arith.constant 48 : i32
        %add3A_437 = vector.broadcast %add3A_436 : i32 to vector<16xi32>
        %add3A_438 = arith.addi %iota3A, %add3A_437 : vector<16xi32>
        %jit3A_439 = arith.constant 4 : i32
        %div3A_440 = vector.broadcast %jit3A_439 : i32 to vector<16xi32>
        %div3A_441 = arith.divsi %add3A_438, %div3A_440 : vector<16xi32>
        %sign3A_442 = arith.constant 0 : i32
        %sign3A_443 = vector.broadcast %sign3A_442 : i32 to vector<16xi32>
        %sign3A_444 = arith.cmpi sgt, %add3A_438, %sign3A_443 : vector<16xi32>
        %sign3A_445 = arith.extui %sign3A_444 : vector<16xi1> to vector<16xi32>
        %sign3A_446 = arith.constant 0 : i32
        %sign3A_447 = vector.broadcast %sign3A_446 : i32 to vector<16xi32>
        %sign3A_448 = arith.cmpi slt, %add3A_438, %sign3A_447 : vector<16xi32>
        %sign3A_449 = arith.extui %sign3A_448 : vector<16xi1> to vector<16xi32>
        %sign3A_450 = arith.subi %sign3A_445, %sign3A_449 : vector<16xi32>
        %sign3A_451 = arith.constant 0 : i32
        %sign3A_452 = arith.cmpi sgt, %jit3A_439, %sign3A_451 : i32
        %sign3A_453 = arith.extui %sign3A_452 : i1 to i32
        %sign3A_454 = arith.constant 0 : i32
        %sign3A_455 = arith.cmpi slt, %jit3A_439, %sign3A_454 : i32
        %sign3A_456 = arith.extui %sign3A_455 : i1 to i32
        %sign3A_457 = arith.subi %sign3A_453, %sign3A_456 : i32
        %ne3A_458 = vector.broadcast %sign3A_457 : i32 to vector<16xi32>
        %ne3A_459 = arith.cmpi ne, %sign3A_450, %ne3A_458 : vector<16xi32>
        %rem3A_460 = vector.broadcast %jit3A_439 : i32 to vector<16xi32>
        %rem3A_461 = arith.remsi %add3A_438, %rem3A_460 : vector<16xi32>
        %ne3A_462 = arith.constant 0 : i32
        %ne3A_463 = vector.broadcast %ne3A_462 : i32 to vector<16xi32>
        %ne3A_464 = arith.cmpi ne, %rem3A_461, %ne3A_463 : vector<16xi32>
        %and3A_465 = arith.andi %ne3A_459, %ne3A_464 : vector<16xi1>
        %sub3A_466 = arith.constant 1 : i32
        %sub3A_467 = vector.broadcast %sub3A_466 : i32 to vector<16xi32>
        %sub3A_468 = arith.subi %div3A_441, %sub3A_467 : vector<16xi32>
        %select_n3A_469 = arith.select %and3A_465, %sub3A_468, %div3A_441 : vector<16xi1>, vector<16xi32>
        %mul3A_470 = arith.constant 4 : i32
        %mul3A_471 = vector.broadcast %mul3A_470 : i32 to vector<16xi32>
        %mul3A_472 = arith.muli %select_n3A_469, %mul3A_471 : vector<16xi32>
        %sub3A_473 = arith.subi %add3A_438, %mul3A_472 : vector<16xi32>
        %jit3A_474 = arith.constant 7 : i32
        %div3A_475 = vector.broadcast %jit3A_474 : i32 to vector<16xi32>
        %div3A_476 = arith.divsi %select_n3A_469, %div3A_475 : vector<16xi32>
        %sign3A_477 = arith.constant 0 : i32
        %sign3A_478 = vector.broadcast %sign3A_477 : i32 to vector<16xi32>
        %sign3A_479 = arith.cmpi sgt, %select_n3A_469, %sign3A_478 : vector<16xi32>
        %sign3A_480 = arith.extui %sign3A_479 : vector<16xi1> to vector<16xi32>
        %sign3A_481 = arith.constant 0 : i32
        %sign3A_482 = vector.broadcast %sign3A_481 : i32 to vector<16xi32>
        %sign3A_483 = arith.cmpi slt, %select_n3A_469, %sign3A_482 : vector<16xi32>
        %sign3A_484 = arith.extui %sign3A_483 : vector<16xi1> to vector<16xi32>
        %sign3A_485 = arith.subi %sign3A_480, %sign3A_484 : vector<16xi32>
        %sign3A_486 = arith.constant 0 : i32
        %sign3A_487 = arith.cmpi sgt, %jit3A_474, %sign3A_486 : i32
        %sign3A_488 = arith.extui %sign3A_487 : i1 to i32
        %sign3A_489 = arith.constant 0 : i32
        %sign3A_490 = arith.cmpi slt, %jit3A_474, %sign3A_489 : i32
        %sign3A_491 = arith.extui %sign3A_490 : i1 to i32
        %sign3A_492 = arith.subi %sign3A_488, %sign3A_491 : i32
        %ne3A_493 = vector.broadcast %sign3A_492 : i32 to vector<16xi32>
        %ne3A_494 = arith.cmpi ne, %sign3A_485, %ne3A_493 : vector<16xi32>
        %rem3A_495 = vector.broadcast %jit3A_474 : i32 to vector<16xi32>
        %rem3A_496 = arith.remsi %select_n3A_469, %rem3A_495 : vector<16xi32>
        %ne3A_497 = arith.constant 0 : i32
        %ne3A_498 = vector.broadcast %ne3A_497 : i32 to vector<16xi32>
        %ne3A_499 = arith.cmpi ne, %rem3A_496, %ne3A_498 : vector<16xi32>
        %and3A_500 = arith.andi %ne3A_494, %ne3A_499 : vector<16xi1>
        %sub3A_501 = arith.constant 1 : i32
        %sub3A_502 = vector.broadcast %sub3A_501 : i32 to vector<16xi32>
        %sub3A_503 = arith.subi %div3A_476, %sub3A_502 : vector<16xi32>
        %select_n3A_504 = arith.select %and3A_500, %sub3A_503, %div3A_476 : vector<16xi1>, vector<16xi32>
        %mul3A_505 = arith.constant 7 : i32
        %mul3A_506 = vector.broadcast %mul3A_505 : i32 to vector<16xi32>
        %mul3A_507 = arith.muli %select_n3A_504, %mul3A_506 : vector<16xi32>
        %sub3A_508 = arith.subi %select_n3A_469, %mul3A_507 : vector<16xi32>
        %ge3A_509 = arith.constant 2 : i32
        %ge3A_510 = vector.broadcast %ge3A_509 : i32 to vector<16xi32>
        %ge3A_511 = arith.cmpi sge, %sub3A_473, %ge3A_510 : vector<16xi32>
        %broadcast_in_dim3A_512 = vector.shape_cast %select_n3A_504 : vector<16xi32> to vector<16x1xi32>
        %gather3A_513 = vector.shape_cast %broadcast_in_dim3A_512 : vector<16x1xi32> to vector<16xi32>
        %gather3A_514 = tpu.dynamic_gather %min3A_98[%gather3A_513] in [0] : vector<16xi32>, vector<16xi32> -> vector<16xi32>
        %broadcast_in_dim3A_515 = vector.shape_cast %select_n3A_504 : vector<16xi32> to vector<16x1xi32>
        %gather3A_516 = vector.shape_cast %broadcast_in_dim3A_515 : vector<16x1xi32> to vector<16xi32>
        %gather3A_517 = tpu.dynamic_gather %min3A_83[%gather3A_516] in [0] : vector<16xi32>, vector<16xi32> -> vector<16xi32>
        %select_n3A_518 = arith.select %ge3A_511, %gather3A_514, %gather3A_517 : vector<16xi1>, vector<16xi32>
        %and3A_519 = arith.constant 1 : i32
        %and3A_520 = vector.broadcast %and3A_519 : i32 to vector<16xi32>
        %and3A_521 = arith.andi %sub3A_473, %and3A_520 : vector<16xi32>
        %eq3A_522 = arith.constant 1 : i32
        %eq3A_523 = vector.broadcast %eq3A_522 : i32 to vector<16xi32>
        %eq3A_524 = arith.cmpi eq, %and3A_521, %eq3A_523 : vector<16xi32>
        %broadcast_in_dim3A_525 = vector.shape_cast %sub3A_508 : vector<16xi32> to vector<16x1xi32>
        %gather3A_526 = vector.shape_cast %broadcast_in_dim3A_525 : vector<16x1xi32> to vector<16xi32>
        %gather3A_527 = tpu.dynamic_gather %min3A_107[%gather3A_526] in [0] : vector<16xi32>, vector<16xi32> -> vector<16xi32>
        %broadcast_in_dim3A_528 = vector.shape_cast %sub3A_508 : vector<16xi32> to vector<16x1xi32>
        %gather3A_529 = vector.shape_cast %broadcast_in_dim3A_528 : vector<16x1xi32> to vector<16xi32>
        %gather3A_530 = tpu.dynamic_gather %min3A_89[%gather3A_529] in [0] : vector<16xi32>, vector<16xi32> -> vector<16xi32>
        %select_n3A_531 = arith.select %eq3A_524, %gather3A_527, %gather3A_530 : vector<16xi1>, vector<16xi32>
        %mul3A_532 = arith.constant 1024 : i32
        %mul3A_533 = arith.muli %select_n3A, %mul3A_532 : i32
        %mul3A_534 = arith.constant 32 : i32
        %mul3A_535 = vector.broadcast %mul3A_534 : i32 to vector<16xi32>
        %mul3A_536 = arith.muli %select_n3A_518, %mul3A_535 : vector<16xi32>
        %add3A_537 = vector.broadcast %mul3A_533 : i32 to vector<16xi32>
        %add3A_538 = arith.addi %add3A_537, %mul3A_536 : vector<16xi32>
        %add3A_539 = arith.addi %add3A_538, %select_n3A_531 : vector<16xi32>
        %jit3A_540 = arith.constant 0 : i32
        %jit3A_541 = arith.constant 4095 : i32
        %max3A_542 = vector.broadcast %jit3A_540 : i32 to vector<16xi32>
        %max3A_543 = arith.maxsi %max3A_542, %add3A_539 : vector<16xi32>
        %min3A_544 = vector.broadcast %jit3A_541 : i32 to vector<16xi32>
        %min3A_545 = arith.minsi %min3A_544, %max3A_543 : vector<16xi32>
        %add3A_546 = arith.constant 64 : i32
        %add3A_547 = vector.broadcast %add3A_546 : i32 to vector<16xi32>
        %add3A_548 = arith.addi %iota3A, %add3A_547 : vector<16xi32>
        %jit3A_549 = arith.constant 4 : i32
        %div3A_550 = vector.broadcast %jit3A_549 : i32 to vector<16xi32>
        %div3A_551 = arith.divsi %add3A_548, %div3A_550 : vector<16xi32>
        %sign3A_552 = arith.constant 0 : i32
        %sign3A_553 = vector.broadcast %sign3A_552 : i32 to vector<16xi32>
        %sign3A_554 = arith.cmpi sgt, %add3A_548, %sign3A_553 : vector<16xi32>
        %sign3A_555 = arith.extui %sign3A_554 : vector<16xi1> to vector<16xi32>
        %sign3A_556 = arith.constant 0 : i32
        %sign3A_557 = vector.broadcast %sign3A_556 : i32 to vector<16xi32>
        %sign3A_558 = arith.cmpi slt, %add3A_548, %sign3A_557 : vector<16xi32>
        %sign3A_559 = arith.extui %sign3A_558 : vector<16xi1> to vector<16xi32>
        %sign3A_560 = arith.subi %sign3A_555, %sign3A_559 : vector<16xi32>
        %sign3A_561 = arith.constant 0 : i32
        %sign3A_562 = arith.cmpi sgt, %jit3A_549, %sign3A_561 : i32
        %sign3A_563 = arith.extui %sign3A_562 : i1 to i32
        %sign3A_564 = arith.constant 0 : i32
        %sign3A_565 = arith.cmpi slt, %jit3A_549, %sign3A_564 : i32
        %sign3A_566 = arith.extui %sign3A_565 : i1 to i32
        %sign3A_567 = arith.subi %sign3A_563, %sign3A_566 : i32
        %ne3A_568 = vector.broadcast %sign3A_567 : i32 to vector<16xi32>
        %ne3A_569 = arith.cmpi ne, %sign3A_560, %ne3A_568 : vector<16xi32>
        %rem3A_570 = vector.broadcast %jit3A_549 : i32 to vector<16xi32>
        %rem3A_571 = arith.remsi %add3A_548, %rem3A_570 : vector<16xi32>
        %ne3A_572 = arith.constant 0 : i32
        %ne3A_573 = vector.broadcast %ne3A_572 : i32 to vector<16xi32>
        %ne3A_574 = arith.cmpi ne, %rem3A_571, %ne3A_573 : vector<16xi32>
        %and3A_575 = arith.andi %ne3A_569, %ne3A_574 : vector<16xi1>
        %sub3A_576 = arith.constant 1 : i32
        %sub3A_577 = vector.broadcast %sub3A_576 : i32 to vector<16xi32>
        %sub3A_578 = arith.subi %div3A_551, %sub3A_577 : vector<16xi32>
        %select_n3A_579 = arith.select %and3A_575, %sub3A_578, %div3A_551 : vector<16xi1>, vector<16xi32>
        %mul3A_580 = arith.constant 4 : i32
        %mul3A_581 = vector.broadcast %mul3A_580 : i32 to vector<16xi32>
        %mul3A_582 = arith.muli %select_n3A_579, %mul3A_581 : vector<16xi32>
        %sub3A_583 = arith.subi %add3A_548, %mul3A_582 : vector<16xi32>
        %jit3A_584 = arith.constant 7 : i32
        %div3A_585 = vector.broadcast %jit3A_584 : i32 to vector<16xi32>
        %div3A_586 = arith.divsi %select_n3A_579, %div3A_585 : vector<16xi32>
        %sign3A_587 = arith.constant 0 : i32
        %sign3A_588 = vector.broadcast %sign3A_587 : i32 to vector<16xi32>
        %sign3A_589 = arith.cmpi sgt, %select_n3A_579, %sign3A_588 : vector<16xi32>
        %sign3A_590 = arith.extui %sign3A_589 : vector<16xi1> to vector<16xi32>
        %sign3A_591 = arith.constant 0 : i32
        %sign3A_592 = vector.broadcast %sign3A_591 : i32 to vector<16xi32>
        %sign3A_593 = arith.cmpi slt, %select_n3A_579, %sign3A_592 : vector<16xi32>
        %sign3A_594 = arith.extui %sign3A_593 : vector<16xi1> to vector<16xi32>
        %sign3A_595 = arith.subi %sign3A_590, %sign3A_594 : vector<16xi32>
        %sign3A_596 = arith.constant 0 : i32
        %sign3A_597 = arith.cmpi sgt, %jit3A_584, %sign3A_596 : i32
        %sign3A_598 = arith.extui %sign3A_597 : i1 to i32
        %sign3A_599 = arith.constant 0 : i32
        %sign3A_600 = arith.cmpi slt, %jit3A_584, %sign3A_599 : i32
        %sign3A_601 = arith.extui %sign3A_600 : i1 to i32
        %sign3A_602 = arith.subi %sign3A_598, %sign3A_601 : i32
        %ne3A_603 = vector.broadcast %sign3A_602 : i32 to vector<16xi32>
        %ne3A_604 = arith.cmpi ne, %sign3A_595, %ne3A_603 : vector<16xi32>
        %rem3A_605 = vector.broadcast %jit3A_584 : i32 to vector<16xi32>
        %rem3A_606 = arith.remsi %select_n3A_579, %rem3A_605 : vector<16xi32>
        %ne3A_607 = arith.constant 0 : i32
        %ne3A_608 = vector.broadcast %ne3A_607 : i32 to vector<16xi32>
        %ne3A_609 = arith.cmpi ne, %rem3A_606, %ne3A_608 : vector<16xi32>
        %and3A_610 = arith.andi %ne3A_604, %ne3A_609 : vector<16xi1>
        %sub3A_611 = arith.constant 1 : i32
        %sub3A_612 = vector.broadcast %sub3A_611 : i32 to vector<16xi32>
        %sub3A_613 = arith.subi %div3A_586, %sub3A_612 : vector<16xi32>
        %select_n3A_614 = arith.select %and3A_610, %sub3A_613, %div3A_586 : vector<16xi1>, vector<16xi32>
        %mul3A_615 = arith.constant 7 : i32
        %mul3A_616 = vector.broadcast %mul3A_615 : i32 to vector<16xi32>
        %mul3A_617 = arith.muli %select_n3A_614, %mul3A_616 : vector<16xi32>
        %sub3A_618 = arith.subi %select_n3A_579, %mul3A_617 : vector<16xi32>
        %ge3A_619 = arith.constant 2 : i32
        %ge3A_620 = vector.broadcast %ge3A_619 : i32 to vector<16xi32>
        %ge3A_621 = arith.cmpi sge, %sub3A_583, %ge3A_620 : vector<16xi32>
        %broadcast_in_dim3A_622 = vector.shape_cast %select_n3A_614 : vector<16xi32> to vector<16x1xi32>
        %gather3A_623 = vector.shape_cast %broadcast_in_dim3A_622 : vector<16x1xi32> to vector<16xi32>
        %gather3A_624 = tpu.dynamic_gather %min3A_98[%gather3A_623] in [0] : vector<16xi32>, vector<16xi32> -> vector<16xi32>
        %broadcast_in_dim3A_625 = vector.shape_cast %select_n3A_614 : vector<16xi32> to vector<16x1xi32>
        %gather3A_626 = vector.shape_cast %broadcast_in_dim3A_625 : vector<16x1xi32> to vector<16xi32>
        %gather3A_627 = tpu.dynamic_gather %min3A_83[%gather3A_626] in [0] : vector<16xi32>, vector<16xi32> -> vector<16xi32>
        %select_n3A_628 = arith.select %ge3A_621, %gather3A_624, %gather3A_627 : vector<16xi1>, vector<16xi32>
        %and3A_629 = arith.constant 1 : i32
        %and3A_630 = vector.broadcast %and3A_629 : i32 to vector<16xi32>
        %and3A_631 = arith.andi %sub3A_583, %and3A_630 : vector<16xi32>
        %eq3A_632 = arith.constant 1 : i32
        %eq3A_633 = vector.broadcast %eq3A_632 : i32 to vector<16xi32>
        %eq3A_634 = arith.cmpi eq, %and3A_631, %eq3A_633 : vector<16xi32>
        %broadcast_in_dim3A_635 = vector.shape_cast %sub3A_618 : vector<16xi32> to vector<16x1xi32>
        %gather3A_636 = vector.shape_cast %broadcast_in_dim3A_635 : vector<16x1xi32> to vector<16xi32>
        %gather3A_637 = tpu.dynamic_gather %min3A_107[%gather3A_636] in [0] : vector<16xi32>, vector<16xi32> -> vector<16xi32>
        %broadcast_in_dim3A_638 = vector.shape_cast %sub3A_618 : vector<16xi32> to vector<16x1xi32>
        %gather3A_639 = vector.shape_cast %broadcast_in_dim3A_638 : vector<16x1xi32> to vector<16xi32>
        %gather3A_640 = tpu.dynamic_gather %min3A_89[%gather3A_639] in [0] : vector<16xi32>, vector<16xi32> -> vector<16xi32>
        %select_n3A_641 = arith.select %eq3A_634, %gather3A_637, %gather3A_640 : vector<16xi1>, vector<16xi32>
        %mul3A_642 = arith.constant 1024 : i32
        %mul3A_643 = arith.muli %select_n3A, %mul3A_642 : i32
        %mul3A_644 = arith.constant 32 : i32
        %mul3A_645 = vector.broadcast %mul3A_644 : i32 to vector<16xi32>
        %mul3A_646 = arith.muli %select_n3A_628, %mul3A_645 : vector<16xi32>
        %add3A_647 = vector.broadcast %mul3A_643 : i32 to vector<16xi32>
        %add3A_648 = arith.addi %add3A_647, %mul3A_646 : vector<16xi32>
        %add3A_649 = arith.addi %add3A_648, %select_n3A_641 : vector<16xi32>
        %jit3A_650 = arith.constant 0 : i32
        %jit3A_651 = arith.constant 4095 : i32
        %max3A_652 = vector.broadcast %jit3A_650 : i32 to vector<16xi32>
        %max3A_653 = arith.maxsi %max3A_652, %add3A_649 : vector<16xi32>
        %min3A_654 = vector.broadcast %jit3A_651 : i32 to vector<16xi32>
        %min3A_655 = arith.minsi %min3A_654, %max3A_653 : vector<16xi32>
        %add3A_656 = arith.constant 80 : i32
        %add3A_657 = vector.broadcast %add3A_656 : i32 to vector<16xi32>
        %add3A_658 = arith.addi %iota3A, %add3A_657 : vector<16xi32>
        %jit3A_659 = arith.constant 4 : i32
        %div3A_660 = vector.broadcast %jit3A_659 : i32 to vector<16xi32>
        %div3A_661 = arith.divsi %add3A_658, %div3A_660 : vector<16xi32>
        %sign3A_662 = arith.constant 0 : i32
        %sign3A_663 = vector.broadcast %sign3A_662 : i32 to vector<16xi32>
        %sign3A_664 = arith.cmpi sgt, %add3A_658, %sign3A_663 : vector<16xi32>
        %sign3A_665 = arith.extui %sign3A_664 : vector<16xi1> to vector<16xi32>
        %sign3A_666 = arith.constant 0 : i32
        %sign3A_667 = vector.broadcast %sign3A_666 : i32 to vector<16xi32>
        %sign3A_668 = arith.cmpi slt, %add3A_658, %sign3A_667 : vector<16xi32>
        %sign3A_669 = arith.extui %sign3A_668 : vector<16xi1> to vector<16xi32>
        %sign3A_670 = arith.subi %sign3A_665, %sign3A_669 : vector<16xi32>
        %sign3A_671 = arith.constant 0 : i32
        %sign3A_672 = arith.cmpi sgt, %jit3A_659, %sign3A_671 : i32
        %sign3A_673 = arith.extui %sign3A_672 : i1 to i32
        %sign3A_674 = arith.constant 0 : i32
        %sign3A_675 = arith.cmpi slt, %jit3A_659, %sign3A_674 : i32
        %sign3A_676 = arith.extui %sign3A_675 : i1 to i32
        %sign3A_677 = arith.subi %sign3A_673, %sign3A_676 : i32
        %ne3A_678 = vector.broadcast %sign3A_677 : i32 to vector<16xi32>
        %ne3A_679 = arith.cmpi ne, %sign3A_670, %ne3A_678 : vector<16xi32>
        %rem3A_680 = vector.broadcast %jit3A_659 : i32 to vector<16xi32>
        %rem3A_681 = arith.remsi %add3A_658, %rem3A_680 : vector<16xi32>
        %ne3A_682 = arith.constant 0 : i32
        %ne3A_683 = vector.broadcast %ne3A_682 : i32 to vector<16xi32>
        %ne3A_684 = arith.cmpi ne, %rem3A_681, %ne3A_683 : vector<16xi32>
        %and3A_685 = arith.andi %ne3A_679, %ne3A_684 : vector<16xi1>
        %sub3A_686 = arith.constant 1 : i32
        %sub3A_687 = vector.broadcast %sub3A_686 : i32 to vector<16xi32>
        %sub3A_688 = arith.subi %div3A_661, %sub3A_687 : vector<16xi32>
        %select_n3A_689 = arith.select %and3A_685, %sub3A_688, %div3A_661 : vector<16xi1>, vector<16xi32>
        %mul3A_690 = arith.constant 4 : i32
        %mul3A_691 = vector.broadcast %mul3A_690 : i32 to vector<16xi32>
        %mul3A_692 = arith.muli %select_n3A_689, %mul3A_691 : vector<16xi32>
        %sub3A_693 = arith.subi %add3A_658, %mul3A_692 : vector<16xi32>
        %jit3A_694 = arith.constant 7 : i32
        %div3A_695 = vector.broadcast %jit3A_694 : i32 to vector<16xi32>
        %div3A_696 = arith.divsi %select_n3A_689, %div3A_695 : vector<16xi32>
        %sign3A_697 = arith.constant 0 : i32
        %sign3A_698 = vector.broadcast %sign3A_697 : i32 to vector<16xi32>
        %sign3A_699 = arith.cmpi sgt, %select_n3A_689, %sign3A_698 : vector<16xi32>
        %sign3A_700 = arith.extui %sign3A_699 : vector<16xi1> to vector<16xi32>
        %sign3A_701 = arith.constant 0 : i32
        %sign3A_702 = vector.broadcast %sign3A_701 : i32 to vector<16xi32>
        %sign3A_703 = arith.cmpi slt, %select_n3A_689, %sign3A_702 : vector<16xi32>
        %sign3A_704 = arith.extui %sign3A_703 : vector<16xi1> to vector<16xi32>
        %sign3A_705 = arith.subi %sign3A_700, %sign3A_704 : vector<16xi32>
        %sign3A_706 = arith.constant 0 : i32
        %sign3A_707 = arith.cmpi sgt, %jit3A_694, %sign3A_706 : i32
        %sign3A_708 = arith.extui %sign3A_707 : i1 to i32
        %sign3A_709 = arith.constant 0 : i32
        %sign3A_710 = arith.cmpi slt, %jit3A_694, %sign3A_709 : i32
        %sign3A_711 = arith.extui %sign3A_710 : i1 to i32
        %sign3A_712 = arith.subi %sign3A_708, %sign3A_711 : i32
        %ne3A_713 = vector.broadcast %sign3A_712 : i32 to vector<16xi32>
        %ne3A_714 = arith.cmpi ne, %sign3A_705, %ne3A_713 : vector<16xi32>
        %rem3A_715 = vector.broadcast %jit3A_694 : i32 to vector<16xi32>
        %rem3A_716 = arith.remsi %select_n3A_689, %rem3A_715 : vector<16xi32>
        %ne3A_717 = arith.constant 0 : i32
        %ne3A_718 = vector.broadcast %ne3A_717 : i32 to vector<16xi32>
        %ne3A_719 = arith.cmpi ne, %rem3A_716, %ne3A_718 : vector<16xi32>
        %and3A_720 = arith.andi %ne3A_714, %ne3A_719 : vector<16xi1>
        %sub3A_721 = arith.constant 1 : i32
        %sub3A_722 = vector.broadcast %sub3A_721 : i32 to vector<16xi32>
        %sub3A_723 = arith.subi %div3A_696, %sub3A_722 : vector<16xi32>
        %select_n3A_724 = arith.select %and3A_720, %sub3A_723, %div3A_696 : vector<16xi1>, vector<16xi32>
        %mul3A_725 = arith.constant 7 : i32
        %mul3A_726 = vector.broadcast %mul3A_725 : i32 to vector<16xi32>
        %mul3A_727 = arith.muli %select_n3A_724, %mul3A_726 : vector<16xi32>
        %sub3A_728 = arith.subi %select_n3A_689, %mul3A_727 : vector<16xi32>
        %ge3A_729 = arith.constant 2 : i32
        %ge3A_730 = vector.broadcast %ge3A_729 : i32 to vector<16xi32>
        %ge3A_731 = arith.cmpi sge, %sub3A_693, %ge3A_730 : vector<16xi32>
        %broadcast_in_dim3A_732 = vector.shape_cast %select_n3A_724 : vector<16xi32> to vector<16x1xi32>
        %gather3A_733 = vector.shape_cast %broadcast_in_dim3A_732 : vector<16x1xi32> to vector<16xi32>
        %gather3A_734 = tpu.dynamic_gather %min3A_98[%gather3A_733] in [0] : vector<16xi32>, vector<16xi32> -> vector<16xi32>
        %broadcast_in_dim3A_735 = vector.shape_cast %select_n3A_724 : vector<16xi32> to vector<16x1xi32>
        %gather3A_736 = vector.shape_cast %broadcast_in_dim3A_735 : vector<16x1xi32> to vector<16xi32>
        %gather3A_737 = tpu.dynamic_gather %min3A_83[%gather3A_736] in [0] : vector<16xi32>, vector<16xi32> -> vector<16xi32>
        %select_n3A_738 = arith.select %ge3A_731, %gather3A_734, %gather3A_737 : vector<16xi1>, vector<16xi32>
        %and3A_739 = arith.constant 1 : i32
        %and3A_740 = vector.broadcast %and3A_739 : i32 to vector<16xi32>
        %and3A_741 = arith.andi %sub3A_693, %and3A_740 : vector<16xi32>
        %eq3A_742 = arith.constant 1 : i32
        %eq3A_743 = vector.broadcast %eq3A_742 : i32 to vector<16xi32>
        %eq3A_744 = arith.cmpi eq, %and3A_741, %eq3A_743 : vector<16xi32>
        %broadcast_in_dim3A_745 = vector.shape_cast %sub3A_728 : vector<16xi32> to vector<16x1xi32>
        %gather3A_746 = vector.shape_cast %broadcast_in_dim3A_745 : vector<16x1xi32> to vector<16xi32>
        %gather3A_747 = tpu.dynamic_gather %min3A_107[%gather3A_746] in [0] : vector<16xi32>, vector<16xi32> -> vector<16xi32>
        %broadcast_in_dim3A_748 = vector.shape_cast %sub3A_728 : vector<16xi32> to vector<16x1xi32>
        %gather3A_749 = vector.shape_cast %broadcast_in_dim3A_748 : vector<16x1xi32> to vector<16xi32>
        %gather3A_750 = tpu.dynamic_gather %min3A_89[%gather3A_749] in [0] : vector<16xi32>, vector<16xi32> -> vector<16xi32>
        %select_n3A_751 = arith.select %eq3A_744, %gather3A_747, %gather3A_750 : vector<16xi1>, vector<16xi32>
        %mul3A_752 = arith.constant 1024 : i32
        %mul3A_753 = arith.muli %select_n3A, %mul3A_752 : i32
        %mul3A_754 = arith.constant 32 : i32
        %mul3A_755 = vector.broadcast %mul3A_754 : i32 to vector<16xi32>
        %mul3A_756 = arith.muli %select_n3A_738, %mul3A_755 : vector<16xi32>
        %add3A_757 = vector.broadcast %mul3A_753 : i32 to vector<16xi32>
        %add3A_758 = arith.addi %add3A_757, %mul3A_756 : vector<16xi32>
        %add3A_759 = arith.addi %add3A_758, %select_n3A_751 : vector<16xi32>
        %jit3A_760 = arith.constant 0 : i32
        %jit3A_761 = arith.constant 4095 : i32
        %max3A_762 = vector.broadcast %jit3A_760 : i32 to vector<16xi32>
        %max3A_763 = arith.maxsi %max3A_762, %add3A_759 : vector<16xi32>
        %min3A_764 = vector.broadcast %jit3A_761 : i32 to vector<16xi32>
        %min3A_765 = arith.minsi %min3A_764, %max3A_763 : vector<16xi32>
        %add3A_766 = arith.constant 96 : i32
        %add3A_767 = vector.broadcast %add3A_766 : i32 to vector<16xi32>
        %add3A_768 = arith.addi %iota3A, %add3A_767 : vector<16xi32>
        %jit3A_769 = arith.constant 4 : i32
        %div3A_770 = vector.broadcast %jit3A_769 : i32 to vector<16xi32>
        %div3A_771 = arith.divsi %add3A_768, %div3A_770 : vector<16xi32>
        %sign3A_772 = arith.constant 0 : i32
        %sign3A_773 = vector.broadcast %sign3A_772 : i32 to vector<16xi32>
        %sign3A_774 = arith.cmpi sgt, %add3A_768, %sign3A_773 : vector<16xi32>
        %sign3A_775 = arith.extui %sign3A_774 : vector<16xi1> to vector<16xi32>
        %sign3A_776 = arith.constant 0 : i32
        %sign3A_777 = vector.broadcast %sign3A_776 : i32 to vector<16xi32>
        %sign3A_778 = arith.cmpi slt, %add3A_768, %sign3A_777 : vector<16xi32>
        %sign3A_779 = arith.extui %sign3A_778 : vector<16xi1> to vector<16xi32>
        %sign3A_780 = arith.subi %sign3A_775, %sign3A_779 : vector<16xi32>
        %sign3A_781 = arith.constant 0 : i32
        %sign3A_782 = arith.cmpi sgt, %jit3A_769, %sign3A_781 : i32
        %sign3A_783 = arith.extui %sign3A_782 : i1 to i32
        %sign3A_784 = arith.constant 0 : i32
        %sign3A_785 = arith.cmpi slt, %jit3A_769, %sign3A_784 : i32
        %sign3A_786 = arith.extui %sign3A_785 : i1 to i32
        %sign3A_787 = arith.subi %sign3A_783, %sign3A_786 : i32
        %ne3A_788 = vector.broadcast %sign3A_787 : i32 to vector<16xi32>
        %ne3A_789 = arith.cmpi ne, %sign3A_780, %ne3A_788 : vector<16xi32>
        %rem3A_790 = vector.broadcast %jit3A_769 : i32 to vector<16xi32>
        %rem3A_791 = arith.remsi %add3A_768, %rem3A_790 : vector<16xi32>
        %ne3A_792 = arith.constant 0 : i32
        %ne3A_793 = vector.broadcast %ne3A_792 : i32 to vector<16xi32>
        %ne3A_794 = arith.cmpi ne, %rem3A_791, %ne3A_793 : vector<16xi32>
        %and3A_795 = arith.andi %ne3A_789, %ne3A_794 : vector<16xi1>
        %sub3A_796 = arith.constant 1 : i32
        %sub3A_797 = vector.broadcast %sub3A_796 : i32 to vector<16xi32>
        %sub3A_798 = arith.subi %div3A_771, %sub3A_797 : vector<16xi32>
        %select_n3A_799 = arith.select %and3A_795, %sub3A_798, %div3A_771 : vector<16xi1>, vector<16xi32>
        %mul3A_800 = arith.constant 4 : i32
        %mul3A_801 = vector.broadcast %mul3A_800 : i32 to vector<16xi32>
        %mul3A_802 = arith.muli %select_n3A_799, %mul3A_801 : vector<16xi32>
        %sub3A_803 = arith.subi %add3A_768, %mul3A_802 : vector<16xi32>
        %jit3A_804 = arith.constant 7 : i32
        %div3A_805 = vector.broadcast %jit3A_804 : i32 to vector<16xi32>
        %div3A_806 = arith.divsi %select_n3A_799, %div3A_805 : vector<16xi32>
        %sign3A_807 = arith.constant 0 : i32
        %sign3A_808 = vector.broadcast %sign3A_807 : i32 to vector<16xi32>
        %sign3A_809 = arith.cmpi sgt, %select_n3A_799, %sign3A_808 : vector<16xi32>
        %sign3A_810 = arith.extui %sign3A_809 : vector<16xi1> to vector<16xi32>
        %sign3A_811 = arith.constant 0 : i32
        %sign3A_812 = vector.broadcast %sign3A_811 : i32 to vector<16xi32>
        %sign3A_813 = arith.cmpi slt, %select_n3A_799, %sign3A_812 : vector<16xi32>
        %sign3A_814 = arith.extui %sign3A_813 : vector<16xi1> to vector<16xi32>
        %sign3A_815 = arith.subi %sign3A_810, %sign3A_814 : vector<16xi32>
        %sign3A_816 = arith.constant 0 : i32
        %sign3A_817 = arith.cmpi sgt, %jit3A_804, %sign3A_816 : i32
        %sign3A_818 = arith.extui %sign3A_817 : i1 to i32
        %sign3A_819 = arith.constant 0 : i32
        %sign3A_820 = arith.cmpi slt, %jit3A_804, %sign3A_819 : i32
        %sign3A_821 = arith.extui %sign3A_820 : i1 to i32
        %sign3A_822 = arith.subi %sign3A_818, %sign3A_821 : i32
        %ne3A_823 = vector.broadcast %sign3A_822 : i32 to vector<16xi32>
        %ne3A_824 = arith.cmpi ne, %sign3A_815, %ne3A_823 : vector<16xi32>
        %rem3A_825 = vector.broadcast %jit3A_804 : i32 to vector<16xi32>
        %rem3A_826 = arith.remsi %select_n3A_799, %rem3A_825 : vector<16xi32>
        %ne3A_827 = arith.constant 0 : i32
        %ne3A_828 = vector.broadcast %ne3A_827 : i32 to vector<16xi32>
        %ne3A_829 = arith.cmpi ne, %rem3A_826, %ne3A_828 : vector<16xi32>
        %and3A_830 = arith.andi %ne3A_824, %ne3A_829 : vector<16xi1>
        %sub3A_831 = arith.constant 1 : i32
        %sub3A_832 = vector.broadcast %sub3A_831 : i32 to vector<16xi32>
        %sub3A_833 = arith.subi %div3A_806, %sub3A_832 : vector<16xi32>
        %select_n3A_834 = arith.select %and3A_830, %sub3A_833, %div3A_806 : vector<16xi1>, vector<16xi32>
        %mul3A_835 = arith.constant 7 : i32
        %mul3A_836 = vector.broadcast %mul3A_835 : i32 to vector<16xi32>
        %mul3A_837 = arith.muli %select_n3A_834, %mul3A_836 : vector<16xi32>
        %sub3A_838 = arith.subi %select_n3A_799, %mul3A_837 : vector<16xi32>
        %ge3A_839 = arith.constant 2 : i32
        %ge3A_840 = vector.broadcast %ge3A_839 : i32 to vector<16xi32>
        %ge3A_841 = arith.cmpi sge, %sub3A_803, %ge3A_840 : vector<16xi32>
        %broadcast_in_dim3A_842 = vector.shape_cast %select_n3A_834 : vector<16xi32> to vector<16x1xi32>
        %gather3A_843 = vector.shape_cast %broadcast_in_dim3A_842 : vector<16x1xi32> to vector<16xi32>
        %gather3A_844 = tpu.dynamic_gather %min3A_98[%gather3A_843] in [0] : vector<16xi32>, vector<16xi32> -> vector<16xi32>
        %broadcast_in_dim3A_845 = vector.shape_cast %select_n3A_834 : vector<16xi32> to vector<16x1xi32>
        %gather3A_846 = vector.shape_cast %broadcast_in_dim3A_845 : vector<16x1xi32> to vector<16xi32>
        %gather3A_847 = tpu.dynamic_gather %min3A_83[%gather3A_846] in [0] : vector<16xi32>, vector<16xi32> -> vector<16xi32>
        %select_n3A_848 = arith.select %ge3A_841, %gather3A_844, %gather3A_847 : vector<16xi1>, vector<16xi32>
        %and3A_849 = arith.constant 1 : i32
        %and3A_850 = vector.broadcast %and3A_849 : i32 to vector<16xi32>
        %and3A_851 = arith.andi %sub3A_803, %and3A_850 : vector<16xi32>
        %eq3A_852 = arith.constant 1 : i32
        %eq3A_853 = vector.broadcast %eq3A_852 : i32 to vector<16xi32>
        %eq3A_854 = arith.cmpi eq, %and3A_851, %eq3A_853 : vector<16xi32>
        %broadcast_in_dim3A_855 = vector.shape_cast %sub3A_838 : vector<16xi32> to vector<16x1xi32>
        %gather3A_856 = vector.shape_cast %broadcast_in_dim3A_855 : vector<16x1xi32> to vector<16xi32>
        %gather3A_857 = tpu.dynamic_gather %min3A_107[%gather3A_856] in [0] : vector<16xi32>, vector<16xi32> -> vector<16xi32>
        %broadcast_in_dim3A_858 = vector.shape_cast %sub3A_838 : vector<16xi32> to vector<16x1xi32>
        %gather3A_859 = vector.shape_cast %broadcast_in_dim3A_858 : vector<16x1xi32> to vector<16xi32>
        %gather3A_860 = tpu.dynamic_gather %min3A_89[%gather3A_859] in [0] : vector<16xi32>, vector<16xi32> -> vector<16xi32>
        %select_n3A_861 = arith.select %eq3A_854, %gather3A_857, %gather3A_860 : vector<16xi1>, vector<16xi32>
        %mul3A_862 = arith.constant 1024 : i32
        %mul3A_863 = arith.muli %select_n3A, %mul3A_862 : i32
        %mul3A_864 = arith.constant 32 : i32
        %mul3A_865 = vector.broadcast %mul3A_864 : i32 to vector<16xi32>
        %mul3A_866 = arith.muli %select_n3A_848, %mul3A_865 : vector<16xi32>
        %add3A_867 = vector.broadcast %mul3A_863 : i32 to vector<16xi32>
        %add3A_868 = arith.addi %add3A_867, %mul3A_866 : vector<16xi32>
        %add3A_869 = arith.addi %add3A_868, %select_n3A_861 : vector<16xi32>
        %jit3A_870 = arith.constant 0 : i32
        %jit3A_871 = arith.constant 4095 : i32
        %max3A_872 = vector.broadcast %jit3A_870 : i32 to vector<16xi32>
        %max3A_873 = arith.maxsi %max3A_872, %add3A_869 : vector<16xi32>
        %min3A_874 = vector.broadcast %jit3A_871 : i32 to vector<16xi32>
        %min3A_875 = arith.minsi %min3A_874, %max3A_873 : vector<16xi32>
        %add3A_876 = arith.constant 112 : i32
        %add3A_877 = vector.broadcast %add3A_876 : i32 to vector<16xi32>
        %add3A_878 = arith.addi %iota3A, %add3A_877 : vector<16xi32>
        %jit3A_879 = arith.constant 4 : i32
        %div3A_880 = vector.broadcast %jit3A_879 : i32 to vector<16xi32>
        %div3A_881 = arith.divsi %add3A_878, %div3A_880 : vector<16xi32>
        %sign3A_882 = arith.constant 0 : i32
        %sign3A_883 = vector.broadcast %sign3A_882 : i32 to vector<16xi32>
        %sign3A_884 = arith.cmpi sgt, %add3A_878, %sign3A_883 : vector<16xi32>
        %sign3A_885 = arith.extui %sign3A_884 : vector<16xi1> to vector<16xi32>
        %sign3A_886 = arith.constant 0 : i32
        %sign3A_887 = vector.broadcast %sign3A_886 : i32 to vector<16xi32>
        %sign3A_888 = arith.cmpi slt, %add3A_878, %sign3A_887 : vector<16xi32>
        %sign3A_889 = arith.extui %sign3A_888 : vector<16xi1> to vector<16xi32>
        %sign3A_890 = arith.subi %sign3A_885, %sign3A_889 : vector<16xi32>
        %sign3A_891 = arith.constant 0 : i32
        %sign3A_892 = arith.cmpi sgt, %jit3A_879, %sign3A_891 : i32
        %sign3A_893 = arith.extui %sign3A_892 : i1 to i32
        %sign3A_894 = arith.constant 0 : i32
        %sign3A_895 = arith.cmpi slt, %jit3A_879, %sign3A_894 : i32
        %sign3A_896 = arith.extui %sign3A_895 : i1 to i32
        %sign3A_897 = arith.subi %sign3A_893, %sign3A_896 : i32
        %ne3A_898 = vector.broadcast %sign3A_897 : i32 to vector<16xi32>
        %ne3A_899 = arith.cmpi ne, %sign3A_890, %ne3A_898 : vector<16xi32>
        %rem3A_900 = vector.broadcast %jit3A_879 : i32 to vector<16xi32>
        %rem3A_901 = arith.remsi %add3A_878, %rem3A_900 : vector<16xi32>
        %ne3A_902 = arith.constant 0 : i32
        %ne3A_903 = vector.broadcast %ne3A_902 : i32 to vector<16xi32>
        %ne3A_904 = arith.cmpi ne, %rem3A_901, %ne3A_903 : vector<16xi32>
        %and3A_905 = arith.andi %ne3A_899, %ne3A_904 : vector<16xi1>
        %sub3A_906 = arith.constant 1 : i32
        %sub3A_907 = vector.broadcast %sub3A_906 : i32 to vector<16xi32>
        %sub3A_908 = arith.subi %div3A_881, %sub3A_907 : vector<16xi32>
        %select_n3A_909 = arith.select %and3A_905, %sub3A_908, %div3A_881 : vector<16xi1>, vector<16xi32>
        %mul3A_910 = arith.constant 4 : i32
        %mul3A_911 = vector.broadcast %mul3A_910 : i32 to vector<16xi32>
        %mul3A_912 = arith.muli %select_n3A_909, %mul3A_911 : vector<16xi32>
        %sub3A_913 = arith.subi %add3A_878, %mul3A_912 : vector<16xi32>
        %jit3A_914 = arith.constant 7 : i32
        %div3A_915 = vector.broadcast %jit3A_914 : i32 to vector<16xi32>
        %div3A_916 = arith.divsi %select_n3A_909, %div3A_915 : vector<16xi32>
        %sign3A_917 = arith.constant 0 : i32
        %sign3A_918 = vector.broadcast %sign3A_917 : i32 to vector<16xi32>
        %sign3A_919 = arith.cmpi sgt, %select_n3A_909, %sign3A_918 : vector<16xi32>
        %sign3A_920 = arith.extui %sign3A_919 : vector<16xi1> to vector<16xi32>
        %sign3A_921 = arith.constant 0 : i32
        %sign3A_922 = vector.broadcast %sign3A_921 : i32 to vector<16xi32>
        %sign3A_923 = arith.cmpi slt, %select_n3A_909, %sign3A_922 : vector<16xi32>
        %sign3A_924 = arith.extui %sign3A_923 : vector<16xi1> to vector<16xi32>
        %sign3A_925 = arith.subi %sign3A_920, %sign3A_924 : vector<16xi32>
        %sign3A_926 = arith.constant 0 : i32
        %sign3A_927 = arith.cmpi sgt, %jit3A_914, %sign3A_926 : i32
        %sign3A_928 = arith.extui %sign3A_927 : i1 to i32
        %sign3A_929 = arith.constant 0 : i32
        %sign3A_930 = arith.cmpi slt, %jit3A_914, %sign3A_929 : i32
        %sign3A_931 = arith.extui %sign3A_930 : i1 to i32
        %sign3A_932 = arith.subi %sign3A_928, %sign3A_931 : i32
        %ne3A_933 = vector.broadcast %sign3A_932 : i32 to vector<16xi32>
        %ne3A_934 = arith.cmpi ne, %sign3A_925, %ne3A_933 : vector<16xi32>
        %rem3A_935 = vector.broadcast %jit3A_914 : i32 to vector<16xi32>
        %rem3A_936 = arith.remsi %select_n3A_909, %rem3A_935 : vector<16xi32>
        %ne3A_937 = arith.constant 0 : i32
        %ne3A_938 = vector.broadcast %ne3A_937 : i32 to vector<16xi32>
        %ne3A_939 = arith.cmpi ne, %rem3A_936, %ne3A_938 : vector<16xi32>
        %and3A_940 = arith.andi %ne3A_934, %ne3A_939 : vector<16xi1>
        %sub3A_941 = arith.constant 1 : i32
        %sub3A_942 = vector.broadcast %sub3A_941 : i32 to vector<16xi32>
        %sub3A_943 = arith.subi %div3A_916, %sub3A_942 : vector<16xi32>
        %select_n3A_944 = arith.select %and3A_940, %sub3A_943, %div3A_916 : vector<16xi1>, vector<16xi32>
        %mul3A_945 = arith.constant 7 : i32
        %mul3A_946 = vector.broadcast %mul3A_945 : i32 to vector<16xi32>
        %mul3A_947 = arith.muli %select_n3A_944, %mul3A_946 : vector<16xi32>
        %sub3A_948 = arith.subi %select_n3A_909, %mul3A_947 : vector<16xi32>
        %ge3A_949 = arith.constant 2 : i32
        %ge3A_950 = vector.broadcast %ge3A_949 : i32 to vector<16xi32>
        %ge3A_951 = arith.cmpi sge, %sub3A_913, %ge3A_950 : vector<16xi32>
        %broadcast_in_dim3A_952 = vector.shape_cast %select_n3A_944 : vector<16xi32> to vector<16x1xi32>
        %gather3A_953 = vector.shape_cast %broadcast_in_dim3A_952 : vector<16x1xi32> to vector<16xi32>
        %gather3A_954 = tpu.dynamic_gather %min3A_98[%gather3A_953] in [0] : vector<16xi32>, vector<16xi32> -> vector<16xi32>
        %broadcast_in_dim3A_955 = vector.shape_cast %select_n3A_944 : vector<16xi32> to vector<16x1xi32>
        %gather3A_956 = vector.shape_cast %broadcast_in_dim3A_955 : vector<16x1xi32> to vector<16xi32>
        %gather3A_957 = tpu.dynamic_gather %min3A_83[%gather3A_956] in [0] : vector<16xi32>, vector<16xi32> -> vector<16xi32>
        %select_n3A_958 = arith.select %ge3A_951, %gather3A_954, %gather3A_957 : vector<16xi1>, vector<16xi32>
        %and3A_959 = arith.constant 1 : i32
        %and3A_960 = vector.broadcast %and3A_959 : i32 to vector<16xi32>
        %and3A_961 = arith.andi %sub3A_913, %and3A_960 : vector<16xi32>
        %eq3A_962 = arith.constant 1 : i32
        %eq3A_963 = vector.broadcast %eq3A_962 : i32 to vector<16xi32>
        %eq3A_964 = arith.cmpi eq, %and3A_961, %eq3A_963 : vector<16xi32>
        %broadcast_in_dim3A_965 = vector.shape_cast %sub3A_948 : vector<16xi32> to vector<16x1xi32>
        %gather3A_966 = vector.shape_cast %broadcast_in_dim3A_965 : vector<16x1xi32> to vector<16xi32>
        %gather3A_967 = tpu.dynamic_gather %min3A_107[%gather3A_966] in [0] : vector<16xi32>, vector<16xi32> -> vector<16xi32>
        %broadcast_in_dim3A_968 = vector.shape_cast %sub3A_948 : vector<16xi32> to vector<16x1xi32>
        %gather3A_969 = vector.shape_cast %broadcast_in_dim3A_968 : vector<16x1xi32> to vector<16xi32>
        %gather3A_970 = tpu.dynamic_gather %min3A_89[%gather3A_969] in [0] : vector<16xi32>, vector<16xi32> -> vector<16xi32>
        %select_n3A_971 = arith.select %eq3A_964, %gather3A_967, %gather3A_970 : vector<16xi1>, vector<16xi32>
        %mul3A_972 = arith.constant 1024 : i32
        %mul3A_973 = arith.muli %select_n3A, %mul3A_972 : i32
        %mul3A_974 = arith.constant 32 : i32
        %mul3A_975 = vector.broadcast %mul3A_974 : i32 to vector<16xi32>
        %mul3A_976 = arith.muli %select_n3A_958, %mul3A_975 : vector<16xi32>
        %add3A_977 = vector.broadcast %mul3A_973 : i32 to vector<16xi32>
        %add3A_978 = arith.addi %add3A_977, %mul3A_976 : vector<16xi32>
        %add3A_979 = arith.addi %add3A_978, %select_n3A_971 : vector<16xi32>
        %jit3A_980 = arith.constant 0 : i32
        %jit3A_981 = arith.constant 4095 : i32
        %max3A_982 = vector.broadcast %jit3A_980 : i32 to vector<16xi32>
        %max3A_983 = arith.maxsi %max3A_982, %add3A_979 : vector<16xi32>
        %min3A_984 = vector.broadcast %jit3A_981 : i32 to vector<16xi32>
        %min3A_985 = arith.minsi %min3A_984, %max3A_983 : vector<16xi32>
        %add3A_986 = arith.constant 128 : i32
        %add3A_987 = vector.broadcast %add3A_986 : i32 to vector<16xi32>
        %add3A_988 = arith.addi %iota3A, %add3A_987 : vector<16xi32>
        %jit3A_989 = arith.constant 4 : i32
        %div3A_990 = vector.broadcast %jit3A_989 : i32 to vector<16xi32>
        %div3A_991 = arith.divsi %add3A_988, %div3A_990 : vector<16xi32>
        %sign3A_992 = arith.constant 0 : i32
        %sign3A_993 = vector.broadcast %sign3A_992 : i32 to vector<16xi32>
        %sign3A_994 = arith.cmpi sgt, %add3A_988, %sign3A_993 : vector<16xi32>
        %sign3A_995 = arith.extui %sign3A_994 : vector<16xi1> to vector<16xi32>
        %sign3A_996 = arith.constant 0 : i32
        %sign3A_997 = vector.broadcast %sign3A_996 : i32 to vector<16xi32>
        %sign3A_998 = arith.cmpi slt, %add3A_988, %sign3A_997 : vector<16xi32>
        %sign3A_999 = arith.extui %sign3A_998 : vector<16xi1> to vector<16xi32>
        %sign3A_1000 = arith.subi %sign3A_995, %sign3A_999 : vector<16xi32>
        %sign3A_1001 = arith.constant 0 : i32
        %sign3A_1002 = arith.cmpi sgt, %jit3A_989, %sign3A_1001 : i32
        %sign3A_1003 = arith.extui %sign3A_1002 : i1 to i32
        %sign3A_1004 = arith.constant 0 : i32
        %sign3A_1005 = arith.cmpi slt, %jit3A_989, %sign3A_1004 : i32
        %sign3A_1006 = arith.extui %sign3A_1005 : i1 to i32
        %sign3A_1007 = arith.subi %sign3A_1003, %sign3A_1006 : i32
        %ne3A_1008 = vector.broadcast %sign3A_1007 : i32 to vector<16xi32>
        %ne3A_1009 = arith.cmpi ne, %sign3A_1000, %ne3A_1008 : vector<16xi32>
        %rem3A_1010 = vector.broadcast %jit3A_989 : i32 to vector<16xi32>
        %rem3A_1011 = arith.remsi %add3A_988, %rem3A_1010 : vector<16xi32>
        %ne3A_1012 = arith.constant 0 : i32
        %ne3A_1013 = vector.broadcast %ne3A_1012 : i32 to vector<16xi32>
        %ne3A_1014 = arith.cmpi ne, %rem3A_1011, %ne3A_1013 : vector<16xi32>
        %and3A_1015 = arith.andi %ne3A_1009, %ne3A_1014 : vector<16xi1>
        %sub3A_1016 = arith.constant 1 : i32
        %sub3A_1017 = vector.broadcast %sub3A_1016 : i32 to vector<16xi32>
        %sub3A_1018 = arith.subi %div3A_991, %sub3A_1017 : vector<16xi32>
        %select_n3A_1019 = arith.select %and3A_1015, %sub3A_1018, %div3A_991 : vector<16xi1>, vector<16xi32>
        %mul3A_1020 = arith.constant 4 : i32
        %mul3A_1021 = vector.broadcast %mul3A_1020 : i32 to vector<16xi32>
        %mul3A_1022 = arith.muli %select_n3A_1019, %mul3A_1021 : vector<16xi32>
        %sub3A_1023 = arith.subi %add3A_988, %mul3A_1022 : vector<16xi32>
        %jit3A_1024 = arith.constant 7 : i32
        %div3A_1025 = vector.broadcast %jit3A_1024 : i32 to vector<16xi32>
        %div3A_1026 = arith.divsi %select_n3A_1019, %div3A_1025 : vector<16xi32>
        %sign3A_1027 = arith.constant 0 : i32
        %sign3A_1028 = vector.broadcast %sign3A_1027 : i32 to vector<16xi32>
        %sign3A_1029 = arith.cmpi sgt, %select_n3A_1019, %sign3A_1028 : vector<16xi32>
        %sign3A_1030 = arith.extui %sign3A_1029 : vector<16xi1> to vector<16xi32>
        %sign3A_1031 = arith.constant 0 : i32
        %sign3A_1032 = vector.broadcast %sign3A_1031 : i32 to vector<16xi32>
        %sign3A_1033 = arith.cmpi slt, %select_n3A_1019, %sign3A_1032 : vector<16xi32>
        %sign3A_1034 = arith.extui %sign3A_1033 : vector<16xi1> to vector<16xi32>
        %sign3A_1035 = arith.subi %sign3A_1030, %sign3A_1034 : vector<16xi32>
        %sign3A_1036 = arith.constant 0 : i32
        %sign3A_1037 = arith.cmpi sgt, %jit3A_1024, %sign3A_1036 : i32
        %sign3A_1038 = arith.extui %sign3A_1037 : i1 to i32
        %sign3A_1039 = arith.constant 0 : i32
        %sign3A_1040 = arith.cmpi slt, %jit3A_1024, %sign3A_1039 : i32
        %sign3A_1041 = arith.extui %sign3A_1040 : i1 to i32
        %sign3A_1042 = arith.subi %sign3A_1038, %sign3A_1041 : i32
        %ne3A_1043 = vector.broadcast %sign3A_1042 : i32 to vector<16xi32>
        %ne3A_1044 = arith.cmpi ne, %sign3A_1035, %ne3A_1043 : vector<16xi32>
        %rem3A_1045 = vector.broadcast %jit3A_1024 : i32 to vector<16xi32>
        %rem3A_1046 = arith.remsi %select_n3A_1019, %rem3A_1045 : vector<16xi32>
        %ne3A_1047 = arith.constant 0 : i32
        %ne3A_1048 = vector.broadcast %ne3A_1047 : i32 to vector<16xi32>
        %ne3A_1049 = arith.cmpi ne, %rem3A_1046, %ne3A_1048 : vector<16xi32>
        %and3A_1050 = arith.andi %ne3A_1044, %ne3A_1049 : vector<16xi1>
        %sub3A_1051 = arith.constant 1 : i32
        %sub3A_1052 = vector.broadcast %sub3A_1051 : i32 to vector<16xi32>
        %sub3A_1053 = arith.subi %div3A_1026, %sub3A_1052 : vector<16xi32>
        %select_n3A_1054 = arith.select %and3A_1050, %sub3A_1053, %div3A_1026 : vector<16xi1>, vector<16xi32>
        %mul3A_1055 = arith.constant 7 : i32
        %mul3A_1056 = vector.broadcast %mul3A_1055 : i32 to vector<16xi32>
        %mul3A_1057 = arith.muli %select_n3A_1054, %mul3A_1056 : vector<16xi32>
        %sub3A_1058 = arith.subi %select_n3A_1019, %mul3A_1057 : vector<16xi32>
        %ge3A_1059 = arith.constant 2 : i32
        %ge3A_1060 = vector.broadcast %ge3A_1059 : i32 to vector<16xi32>
        %ge3A_1061 = arith.cmpi sge, %sub3A_1023, %ge3A_1060 : vector<16xi32>
        %broadcast_in_dim3A_1062 = vector.shape_cast %select_n3A_1054 : vector<16xi32> to vector<16x1xi32>
        %gather3A_1063 = vector.shape_cast %broadcast_in_dim3A_1062 : vector<16x1xi32> to vector<16xi32>
        %gather3A_1064 = tpu.dynamic_gather %min3A_98[%gather3A_1063] in [0] : vector<16xi32>, vector<16xi32> -> vector<16xi32>
        %broadcast_in_dim3A_1065 = vector.shape_cast %select_n3A_1054 : vector<16xi32> to vector<16x1xi32>
        %gather3A_1066 = vector.shape_cast %broadcast_in_dim3A_1065 : vector<16x1xi32> to vector<16xi32>
        %gather3A_1067 = tpu.dynamic_gather %min3A_83[%gather3A_1066] in [0] : vector<16xi32>, vector<16xi32> -> vector<16xi32>
        %select_n3A_1068 = arith.select %ge3A_1061, %gather3A_1064, %gather3A_1067 : vector<16xi1>, vector<16xi32>
        %and3A_1069 = arith.constant 1 : i32
        %and3A_1070 = vector.broadcast %and3A_1069 : i32 to vector<16xi32>
        %and3A_1071 = arith.andi %sub3A_1023, %and3A_1070 : vector<16xi32>
        %eq3A_1072 = arith.constant 1 : i32
        %eq3A_1073 = vector.broadcast %eq3A_1072 : i32 to vector<16xi32>
        %eq3A_1074 = arith.cmpi eq, %and3A_1071, %eq3A_1073 : vector<16xi32>
        %broadcast_in_dim3A_1075 = vector.shape_cast %sub3A_1058 : vector<16xi32> to vector<16x1xi32>
        %gather3A_1076 = vector.shape_cast %broadcast_in_dim3A_1075 : vector<16x1xi32> to vector<16xi32>
        %gather3A_1077 = tpu.dynamic_gather %min3A_107[%gather3A_1076] in [0] : vector<16xi32>, vector<16xi32> -> vector<16xi32>
        %broadcast_in_dim3A_1078 = vector.shape_cast %sub3A_1058 : vector<16xi32> to vector<16x1xi32>
        %gather3A_1079 = vector.shape_cast %broadcast_in_dim3A_1078 : vector<16x1xi32> to vector<16xi32>
        %gather3A_1080 = tpu.dynamic_gather %min3A_89[%gather3A_1079] in [0] : vector<16xi32>, vector<16xi32> -> vector<16xi32>
        %select_n3A_1081 = arith.select %eq3A_1074, %gather3A_1077, %gather3A_1080 : vector<16xi1>, vector<16xi32>
        %mul3A_1082 = arith.constant 1024 : i32
        %mul3A_1083 = arith.muli %select_n3A, %mul3A_1082 : i32
        %mul3A_1084 = arith.constant 32 : i32
        %mul3A_1085 = vector.broadcast %mul3A_1084 : i32 to vector<16xi32>
        %mul3A_1086 = arith.muli %select_n3A_1068, %mul3A_1085 : vector<16xi32>
        %add3A_1087 = vector.broadcast %mul3A_1083 : i32 to vector<16xi32>
        %add3A_1088 = arith.addi %add3A_1087, %mul3A_1086 : vector<16xi32>
        %add3A_1089 = arith.addi %add3A_1088, %select_n3A_1081 : vector<16xi32>
        %jit3A_1090 = arith.constant 0 : i32
        %jit3A_1091 = arith.constant 4095 : i32
        %max3A_1092 = vector.broadcast %jit3A_1090 : i32 to vector<16xi32>
        %max3A_1093 = arith.maxsi %max3A_1092, %add3A_1089 : vector<16xi32>
        %min3A_1094 = vector.broadcast %jit3A_1091 : i32 to vector<16xi32>
        %min3A_1095 = arith.minsi %min3A_1094, %max3A_1093 : vector<16xi32>
        %add3A_1096 = arith.constant 144 : i32
        %add3A_1097 = vector.broadcast %add3A_1096 : i32 to vector<16xi32>
        %add3A_1098 = arith.addi %iota3A, %add3A_1097 : vector<16xi32>
        %jit3A_1099 = arith.constant 4 : i32
        %div3A_1100 = vector.broadcast %jit3A_1099 : i32 to vector<16xi32>
        %div3A_1101 = arith.divsi %add3A_1098, %div3A_1100 : vector<16xi32>
        %sign3A_1102 = arith.constant 0 : i32
        %sign3A_1103 = vector.broadcast %sign3A_1102 : i32 to vector<16xi32>
        %sign3A_1104 = arith.cmpi sgt, %add3A_1098, %sign3A_1103 : vector<16xi32>
        %sign3A_1105 = arith.extui %sign3A_1104 : vector<16xi1> to vector<16xi32>
        %sign3A_1106 = arith.constant 0 : i32
        %sign3A_1107 = vector.broadcast %sign3A_1106 : i32 to vector<16xi32>
        %sign3A_1108 = arith.cmpi slt, %add3A_1098, %sign3A_1107 : vector<16xi32>
        %sign3A_1109 = arith.extui %sign3A_1108 : vector<16xi1> to vector<16xi32>
        %sign3A_1110 = arith.subi %sign3A_1105, %sign3A_1109 : vector<16xi32>
        %sign3A_1111 = arith.constant 0 : i32
        %sign3A_1112 = arith.cmpi sgt, %jit3A_1099, %sign3A_1111 : i32
        %sign3A_1113 = arith.extui %sign3A_1112 : i1 to i32
        %sign3A_1114 = arith.constant 0 : i32
        %sign3A_1115 = arith.cmpi slt, %jit3A_1099, %sign3A_1114 : i32
        %sign3A_1116 = arith.extui %sign3A_1115 : i1 to i32
        %sign3A_1117 = arith.subi %sign3A_1113, %sign3A_1116 : i32
        %ne3A_1118 = vector.broadcast %sign3A_1117 : i32 to vector<16xi32>
        %ne3A_1119 = arith.cmpi ne, %sign3A_1110, %ne3A_1118 : vector<16xi32>
        %rem3A_1120 = vector.broadcast %jit3A_1099 : i32 to vector<16xi32>
        %rem3A_1121 = arith.remsi %add3A_1098, %rem3A_1120 : vector<16xi32>
        %ne3A_1122 = arith.constant 0 : i32
        %ne3A_1123 = vector.broadcast %ne3A_1122 : i32 to vector<16xi32>
        %ne3A_1124 = arith.cmpi ne, %rem3A_1121, %ne3A_1123 : vector<16xi32>
        %and3A_1125 = arith.andi %ne3A_1119, %ne3A_1124 : vector<16xi1>
        %sub3A_1126 = arith.constant 1 : i32
        %sub3A_1127 = vector.broadcast %sub3A_1126 : i32 to vector<16xi32>
        %sub3A_1128 = arith.subi %div3A_1101, %sub3A_1127 : vector<16xi32>
        %select_n3A_1129 = arith.select %and3A_1125, %sub3A_1128, %div3A_1101 : vector<16xi1>, vector<16xi32>
        %mul3A_1130 = arith.constant 4 : i32
        %mul3A_1131 = vector.broadcast %mul3A_1130 : i32 to vector<16xi32>
        %mul3A_1132 = arith.muli %select_n3A_1129, %mul3A_1131 : vector<16xi32>
        %sub3A_1133 = arith.subi %add3A_1098, %mul3A_1132 : vector<16xi32>
        %jit3A_1134 = arith.constant 7 : i32
        %div3A_1135 = vector.broadcast %jit3A_1134 : i32 to vector<16xi32>
        %div3A_1136 = arith.divsi %select_n3A_1129, %div3A_1135 : vector<16xi32>
        %sign3A_1137 = arith.constant 0 : i32
        %sign3A_1138 = vector.broadcast %sign3A_1137 : i32 to vector<16xi32>
        %sign3A_1139 = arith.cmpi sgt, %select_n3A_1129, %sign3A_1138 : vector<16xi32>
        %sign3A_1140 = arith.extui %sign3A_1139 : vector<16xi1> to vector<16xi32>
        %sign3A_1141 = arith.constant 0 : i32
        %sign3A_1142 = vector.broadcast %sign3A_1141 : i32 to vector<16xi32>
        %sign3A_1143 = arith.cmpi slt, %select_n3A_1129, %sign3A_1142 : vector<16xi32>
        %sign3A_1144 = arith.extui %sign3A_1143 : vector<16xi1> to vector<16xi32>
        %sign3A_1145 = arith.subi %sign3A_1140, %sign3A_1144 : vector<16xi32>
        %sign3A_1146 = arith.constant 0 : i32
        %sign3A_1147 = arith.cmpi sgt, %jit3A_1134, %sign3A_1146 : i32
        %sign3A_1148 = arith.extui %sign3A_1147 : i1 to i32
        %sign3A_1149 = arith.constant 0 : i32
        %sign3A_1150 = arith.cmpi slt, %jit3A_1134, %sign3A_1149 : i32
        %sign3A_1151 = arith.extui %sign3A_1150 : i1 to i32
        %sign3A_1152 = arith.subi %sign3A_1148, %sign3A_1151 : i32
        %ne3A_1153 = vector.broadcast %sign3A_1152 : i32 to vector<16xi32>
        %ne3A_1154 = arith.cmpi ne, %sign3A_1145, %ne3A_1153 : vector<16xi32>
        %rem3A_1155 = vector.broadcast %jit3A_1134 : i32 to vector<16xi32>
        %rem3A_1156 = arith.remsi %select_n3A_1129, %rem3A_1155 : vector<16xi32>
        %ne3A_1157 = arith.constant 0 : i32
        %ne3A_1158 = vector.broadcast %ne3A_1157 : i32 to vector<16xi32>
        %ne3A_1159 = arith.cmpi ne, %rem3A_1156, %ne3A_1158 : vector<16xi32>
        %and3A_1160 = arith.andi %ne3A_1154, %ne3A_1159 : vector<16xi1>
        %sub3A_1161 = arith.constant 1 : i32
        %sub3A_1162 = vector.broadcast %sub3A_1161 : i32 to vector<16xi32>
        %sub3A_1163 = arith.subi %div3A_1136, %sub3A_1162 : vector<16xi32>
        %select_n3A_1164 = arith.select %and3A_1160, %sub3A_1163, %div3A_1136 : vector<16xi1>, vector<16xi32>
        %mul3A_1165 = arith.constant 7 : i32
        %mul3A_1166 = vector.broadcast %mul3A_1165 : i32 to vector<16xi32>
        %mul3A_1167 = arith.muli %select_n3A_1164, %mul3A_1166 : vector<16xi32>
        %sub3A_1168 = arith.subi %select_n3A_1129, %mul3A_1167 : vector<16xi32>
        %ge3A_1169 = arith.constant 2 : i32
        %ge3A_1170 = vector.broadcast %ge3A_1169 : i32 to vector<16xi32>
        %ge3A_1171 = arith.cmpi sge, %sub3A_1133, %ge3A_1170 : vector<16xi32>
        %broadcast_in_dim3A_1172 = vector.shape_cast %select_n3A_1164 : vector<16xi32> to vector<16x1xi32>
        %gather3A_1173 = vector.shape_cast %broadcast_in_dim3A_1172 : vector<16x1xi32> to vector<16xi32>
        %gather3A_1174 = tpu.dynamic_gather %min3A_98[%gather3A_1173] in [0] : vector<16xi32>, vector<16xi32> -> vector<16xi32>
        %broadcast_in_dim3A_1175 = vector.shape_cast %select_n3A_1164 : vector<16xi32> to vector<16x1xi32>
        %gather3A_1176 = vector.shape_cast %broadcast_in_dim3A_1175 : vector<16x1xi32> to vector<16xi32>
        %gather3A_1177 = tpu.dynamic_gather %min3A_83[%gather3A_1176] in [0] : vector<16xi32>, vector<16xi32> -> vector<16xi32>
        %select_n3A_1178 = arith.select %ge3A_1171, %gather3A_1174, %gather3A_1177 : vector<16xi1>, vector<16xi32>
        %and3A_1179 = arith.constant 1 : i32
        %and3A_1180 = vector.broadcast %and3A_1179 : i32 to vector<16xi32>
        %and3A_1181 = arith.andi %sub3A_1133, %and3A_1180 : vector<16xi32>
        %eq3A_1182 = arith.constant 1 : i32
        %eq3A_1183 = vector.broadcast %eq3A_1182 : i32 to vector<16xi32>
        %eq3A_1184 = arith.cmpi eq, %and3A_1181, %eq3A_1183 : vector<16xi32>
        %broadcast_in_dim3A_1185 = vector.shape_cast %sub3A_1168 : vector<16xi32> to vector<16x1xi32>
        %gather3A_1186 = vector.shape_cast %broadcast_in_dim3A_1185 : vector<16x1xi32> to vector<16xi32>
        %gather3A_1187 = tpu.dynamic_gather %min3A_107[%gather3A_1186] in [0] : vector<16xi32>, vector<16xi32> -> vector<16xi32>
        %broadcast_in_dim3A_1188 = vector.shape_cast %sub3A_1168 : vector<16xi32> to vector<16x1xi32>
        %gather3A_1189 = vector.shape_cast %broadcast_in_dim3A_1188 : vector<16x1xi32> to vector<16xi32>
        %gather3A_1190 = tpu.dynamic_gather %min3A_89[%gather3A_1189] in [0] : vector<16xi32>, vector<16xi32> -> vector<16xi32>
        %select_n3A_1191 = arith.select %eq3A_1184, %gather3A_1187, %gather3A_1190 : vector<16xi1>, vector<16xi32>
        %mul3A_1192 = arith.constant 1024 : i32
        %mul3A_1193 = arith.muli %select_n3A, %mul3A_1192 : i32
        %mul3A_1194 = arith.constant 32 : i32
        %mul3A_1195 = vector.broadcast %mul3A_1194 : i32 to vector<16xi32>
        %mul3A_1196 = arith.muli %select_n3A_1178, %mul3A_1195 : vector<16xi32>
        %add3A_1197 = vector.broadcast %mul3A_1193 : i32 to vector<16xi32>
        %add3A_1198 = arith.addi %add3A_1197, %mul3A_1196 : vector<16xi32>
        %add3A_1199 = arith.addi %add3A_1198, %select_n3A_1191 : vector<16xi32>
        %jit3A_1200 = arith.constant 0 : i32
        %jit3A_1201 = arith.constant 4095 : i32
        %max3A_1202 = vector.broadcast %jit3A_1200 : i32 to vector<16xi32>
        %max3A_1203 = arith.maxsi %max3A_1202, %add3A_1199 : vector<16xi32>
        %min3A_1204 = vector.broadcast %jit3A_1201 : i32 to vector<16xi32>
        %min3A_1205 = arith.minsi %min3A_1204, %max3A_1203 : vector<16xi32>
        %add3A_1206 = arith.constant 160 : i32
        %add3A_1207 = vector.broadcast %add3A_1206 : i32 to vector<16xi32>
        %add3A_1208 = arith.addi %iota3A, %add3A_1207 : vector<16xi32>
        %jit3A_1209 = arith.constant 4 : i32
        %div3A_1210 = vector.broadcast %jit3A_1209 : i32 to vector<16xi32>
        %div3A_1211 = arith.divsi %add3A_1208, %div3A_1210 : vector<16xi32>
        %sign3A_1212 = arith.constant 0 : i32
        %sign3A_1213 = vector.broadcast %sign3A_1212 : i32 to vector<16xi32>
        %sign3A_1214 = arith.cmpi sgt, %add3A_1208, %sign3A_1213 : vector<16xi32>
        %sign3A_1215 = arith.extui %sign3A_1214 : vector<16xi1> to vector<16xi32>
        %sign3A_1216 = arith.constant 0 : i32
        %sign3A_1217 = vector.broadcast %sign3A_1216 : i32 to vector<16xi32>
        %sign3A_1218 = arith.cmpi slt, %add3A_1208, %sign3A_1217 : vector<16xi32>
        %sign3A_1219 = arith.extui %sign3A_1218 : vector<16xi1> to vector<16xi32>
        %sign3A_1220 = arith.subi %sign3A_1215, %sign3A_1219 : vector<16xi32>
        %sign3A_1221 = arith.constant 0 : i32
        %sign3A_1222 = arith.cmpi sgt, %jit3A_1209, %sign3A_1221 : i32
        %sign3A_1223 = arith.extui %sign3A_1222 : i1 to i32
        %sign3A_1224 = arith.constant 0 : i32
        %sign3A_1225 = arith.cmpi slt, %jit3A_1209, %sign3A_1224 : i32
        %sign3A_1226 = arith.extui %sign3A_1225 : i1 to i32
        %sign3A_1227 = arith.subi %sign3A_1223, %sign3A_1226 : i32
        %ne3A_1228 = vector.broadcast %sign3A_1227 : i32 to vector<16xi32>
        %ne3A_1229 = arith.cmpi ne, %sign3A_1220, %ne3A_1228 : vector<16xi32>
        %rem3A_1230 = vector.broadcast %jit3A_1209 : i32 to vector<16xi32>
        %rem3A_1231 = arith.remsi %add3A_1208, %rem3A_1230 : vector<16xi32>
        %ne3A_1232 = arith.constant 0 : i32
        %ne3A_1233 = vector.broadcast %ne3A_1232 : i32 to vector<16xi32>
        %ne3A_1234 = arith.cmpi ne, %rem3A_1231, %ne3A_1233 : vector<16xi32>
        %and3A_1235 = arith.andi %ne3A_1229, %ne3A_1234 : vector<16xi1>
        %sub3A_1236 = arith.constant 1 : i32
        %sub3A_1237 = vector.broadcast %sub3A_1236 : i32 to vector<16xi32>
        %sub3A_1238 = arith.subi %div3A_1211, %sub3A_1237 : vector<16xi32>
        %select_n3A_1239 = arith.select %and3A_1235, %sub3A_1238, %div3A_1211 : vector<16xi1>, vector<16xi32>
        %mul3A_1240 = arith.constant 4 : i32
        %mul3A_1241 = vector.broadcast %mul3A_1240 : i32 to vector<16xi32>
        %mul3A_1242 = arith.muli %select_n3A_1239, %mul3A_1241 : vector<16xi32>
        %sub3A_1243 = arith.subi %add3A_1208, %mul3A_1242 : vector<16xi32>
        %jit3A_1244 = arith.constant 7 : i32
        %div3A_1245 = vector.broadcast %jit3A_1244 : i32 to vector<16xi32>
        %div3A_1246 = arith.divsi %select_n3A_1239, %div3A_1245 : vector<16xi32>
        %sign3A_1247 = arith.constant 0 : i32
        %sign3A_1248 = vector.broadcast %sign3A_1247 : i32 to vector<16xi32>
        %sign3A_1249 = arith.cmpi sgt, %select_n3A_1239, %sign3A_1248 : vector<16xi32>
        %sign3A_1250 = arith.extui %sign3A_1249 : vector<16xi1> to vector<16xi32>
        %sign3A_1251 = arith.constant 0 : i32
        %sign3A_1252 = vector.broadcast %sign3A_1251 : i32 to vector<16xi32>
        %sign3A_1253 = arith.cmpi slt, %select_n3A_1239, %sign3A_1252 : vector<16xi32>
        %sign3A_1254 = arith.extui %sign3A_1253 : vector<16xi1> to vector<16xi32>
        %sign3A_1255 = arith.subi %sign3A_1250, %sign3A_1254 : vector<16xi32>
        %sign3A_1256 = arith.constant 0 : i32
        %sign3A_1257 = arith.cmpi sgt, %jit3A_1244, %sign3A_1256 : i32
        %sign3A_1258 = arith.extui %sign3A_1257 : i1 to i32
        %sign3A_1259 = arith.constant 0 : i32
        %sign3A_1260 = arith.cmpi slt, %jit3A_1244, %sign3A_1259 : i32
        %sign3A_1261 = arith.extui %sign3A_1260 : i1 to i32
        %sign3A_1262 = arith.subi %sign3A_1258, %sign3A_1261 : i32
        %ne3A_1263 = vector.broadcast %sign3A_1262 : i32 to vector<16xi32>
        %ne3A_1264 = arith.cmpi ne, %sign3A_1255, %ne3A_1263 : vector<16xi32>
        %rem3A_1265 = vector.broadcast %jit3A_1244 : i32 to vector<16xi32>
        %rem3A_1266 = arith.remsi %select_n3A_1239, %rem3A_1265 : vector<16xi32>
        %ne3A_1267 = arith.constant 0 : i32
        %ne3A_1268 = vector.broadcast %ne3A_1267 : i32 to vector<16xi32>
        %ne3A_1269 = arith.cmpi ne, %rem3A_1266, %ne3A_1268 : vector<16xi32>
        %and3A_1270 = arith.andi %ne3A_1264, %ne3A_1269 : vector<16xi1>
        %sub3A_1271 = arith.constant 1 : i32
        %sub3A_1272 = vector.broadcast %sub3A_1271 : i32 to vector<16xi32>
        %sub3A_1273 = arith.subi %div3A_1246, %sub3A_1272 : vector<16xi32>
        %select_n3A_1274 = arith.select %and3A_1270, %sub3A_1273, %div3A_1246 : vector<16xi1>, vector<16xi32>
        %mul3A_1275 = arith.constant 7 : i32
        %mul3A_1276 = vector.broadcast %mul3A_1275 : i32 to vector<16xi32>
        %mul3A_1277 = arith.muli %select_n3A_1274, %mul3A_1276 : vector<16xi32>
        %sub3A_1278 = arith.subi %select_n3A_1239, %mul3A_1277 : vector<16xi32>
        %ge3A_1279 = arith.constant 2 : i32
        %ge3A_1280 = vector.broadcast %ge3A_1279 : i32 to vector<16xi32>
        %ge3A_1281 = arith.cmpi sge, %sub3A_1243, %ge3A_1280 : vector<16xi32>
        %broadcast_in_dim3A_1282 = vector.shape_cast %select_n3A_1274 : vector<16xi32> to vector<16x1xi32>
        %gather3A_1283 = vector.shape_cast %broadcast_in_dim3A_1282 : vector<16x1xi32> to vector<16xi32>
        %gather3A_1284 = tpu.dynamic_gather %min3A_98[%gather3A_1283] in [0] : vector<16xi32>, vector<16xi32> -> vector<16xi32>
        %broadcast_in_dim3A_1285 = vector.shape_cast %select_n3A_1274 : vector<16xi32> to vector<16x1xi32>
        %gather3A_1286 = vector.shape_cast %broadcast_in_dim3A_1285 : vector<16x1xi32> to vector<16xi32>
        %gather3A_1287 = tpu.dynamic_gather %min3A_83[%gather3A_1286] in [0] : vector<16xi32>, vector<16xi32> -> vector<16xi32>
        %select_n3A_1288 = arith.select %ge3A_1281, %gather3A_1284, %gather3A_1287 : vector<16xi1>, vector<16xi32>
        %and3A_1289 = arith.constant 1 : i32
        %and3A_1290 = vector.broadcast %and3A_1289 : i32 to vector<16xi32>
        %and3A_1291 = arith.andi %sub3A_1243, %and3A_1290 : vector<16xi32>
        %eq3A_1292 = arith.constant 1 : i32
        %eq3A_1293 = vector.broadcast %eq3A_1292 : i32 to vector<16xi32>
        %eq3A_1294 = arith.cmpi eq, %and3A_1291, %eq3A_1293 : vector<16xi32>
        %broadcast_in_dim3A_1295 = vector.shape_cast %sub3A_1278 : vector<16xi32> to vector<16x1xi32>
        %gather3A_1296 = vector.shape_cast %broadcast_in_dim3A_1295 : vector<16x1xi32> to vector<16xi32>
        %gather3A_1297 = tpu.dynamic_gather %min3A_107[%gather3A_1296] in [0] : vector<16xi32>, vector<16xi32> -> vector<16xi32>
        %broadcast_in_dim3A_1298 = vector.shape_cast %sub3A_1278 : vector<16xi32> to vector<16x1xi32>
        %gather3A_1299 = vector.shape_cast %broadcast_in_dim3A_1298 : vector<16x1xi32> to vector<16xi32>
        %gather3A_1300 = tpu.dynamic_gather %min3A_89[%gather3A_1299] in [0] : vector<16xi32>, vector<16xi32> -> vector<16xi32>
        %select_n3A_1301 = arith.select %eq3A_1294, %gather3A_1297, %gather3A_1300 : vector<16xi1>, vector<16xi32>
        %mul3A_1302 = arith.constant 1024 : i32
        %mul3A_1303 = arith.muli %select_n3A, %mul3A_1302 : i32
        %mul3A_1304 = arith.constant 32 : i32
        %mul3A_1305 = vector.broadcast %mul3A_1304 : i32 to vector<16xi32>
        %mul3A_1306 = arith.muli %select_n3A_1288, %mul3A_1305 : vector<16xi32>
        %add3A_1307 = vector.broadcast %mul3A_1303 : i32 to vector<16xi32>
        %add3A_1308 = arith.addi %add3A_1307, %mul3A_1306 : vector<16xi32>
        %add3A_1309 = arith.addi %add3A_1308, %select_n3A_1301 : vector<16xi32>
        %jit3A_1310 = arith.constant 0 : i32
        %jit3A_1311 = arith.constant 4095 : i32
        %max3A_1312 = vector.broadcast %jit3A_1310 : i32 to vector<16xi32>
        %max3A_1313 = arith.maxsi %max3A_1312, %add3A_1309 : vector<16xi32>
        %min3A_1314 = vector.broadcast %jit3A_1311 : i32 to vector<16xi32>
        %min3A_1315 = arith.minsi %min3A_1314, %max3A_1313 : vector<16xi32>
        %add3A_1316 = arith.constant 176 : i32
        %add3A_1317 = vector.broadcast %add3A_1316 : i32 to vector<16xi32>
        %add3A_1318 = arith.addi %iota3A, %add3A_1317 : vector<16xi32>
        %jit3A_1319 = arith.constant 4 : i32
        %div3A_1320 = vector.broadcast %jit3A_1319 : i32 to vector<16xi32>
        %div3A_1321 = arith.divsi %add3A_1318, %div3A_1320 : vector<16xi32>
        %sign3A_1322 = arith.constant 0 : i32
        %sign3A_1323 = vector.broadcast %sign3A_1322 : i32 to vector<16xi32>
        %sign3A_1324 = arith.cmpi sgt, %add3A_1318, %sign3A_1323 : vector<16xi32>
        %sign3A_1325 = arith.extui %sign3A_1324 : vector<16xi1> to vector<16xi32>
        %sign3A_1326 = arith.constant 0 : i32
        %sign3A_1327 = vector.broadcast %sign3A_1326 : i32 to vector<16xi32>
        %sign3A_1328 = arith.cmpi slt, %add3A_1318, %sign3A_1327 : vector<16xi32>
        %sign3A_1329 = arith.extui %sign3A_1328 : vector<16xi1> to vector<16xi32>
        %sign3A_1330 = arith.subi %sign3A_1325, %sign3A_1329 : vector<16xi32>
        %sign3A_1331 = arith.constant 0 : i32
        %sign3A_1332 = arith.cmpi sgt, %jit3A_1319, %sign3A_1331 : i32
        %sign3A_1333 = arith.extui %sign3A_1332 : i1 to i32
        %sign3A_1334 = arith.constant 0 : i32
        %sign3A_1335 = arith.cmpi slt, %jit3A_1319, %sign3A_1334 : i32
        %sign3A_1336 = arith.extui %sign3A_1335 : i1 to i32
        %sign3A_1337 = arith.subi %sign3A_1333, %sign3A_1336 : i32
        %ne3A_1338 = vector.broadcast %sign3A_1337 : i32 to vector<16xi32>
        %ne3A_1339 = arith.cmpi ne, %sign3A_1330, %ne3A_1338 : vector<16xi32>
        %rem3A_1340 = vector.broadcast %jit3A_1319 : i32 to vector<16xi32>
        %rem3A_1341 = arith.remsi %add3A_1318, %rem3A_1340 : vector<16xi32>
        %ne3A_1342 = arith.constant 0 : i32
        %ne3A_1343 = vector.broadcast %ne3A_1342 : i32 to vector<16xi32>
        %ne3A_1344 = arith.cmpi ne, %rem3A_1341, %ne3A_1343 : vector<16xi32>
        %and3A_1345 = arith.andi %ne3A_1339, %ne3A_1344 : vector<16xi1>
        %sub3A_1346 = arith.constant 1 : i32
        %sub3A_1347 = vector.broadcast %sub3A_1346 : i32 to vector<16xi32>
        %sub3A_1348 = arith.subi %div3A_1321, %sub3A_1347 : vector<16xi32>
        %select_n3A_1349 = arith.select %and3A_1345, %sub3A_1348, %div3A_1321 : vector<16xi1>, vector<16xi32>
        %mul3A_1350 = arith.constant 4 : i32
        %mul3A_1351 = vector.broadcast %mul3A_1350 : i32 to vector<16xi32>
        %mul3A_1352 = arith.muli %select_n3A_1349, %mul3A_1351 : vector<16xi32>
        %sub3A_1353 = arith.subi %add3A_1318, %mul3A_1352 : vector<16xi32>
        %jit3A_1354 = arith.constant 7 : i32
        %div3A_1355 = vector.broadcast %jit3A_1354 : i32 to vector<16xi32>
        %div3A_1356 = arith.divsi %select_n3A_1349, %div3A_1355 : vector<16xi32>
        %sign3A_1357 = arith.constant 0 : i32
        %sign3A_1358 = vector.broadcast %sign3A_1357 : i32 to vector<16xi32>
        %sign3A_1359 = arith.cmpi sgt, %select_n3A_1349, %sign3A_1358 : vector<16xi32>
        %sign3A_1360 = arith.extui %sign3A_1359 : vector<16xi1> to vector<16xi32>
        %sign3A_1361 = arith.constant 0 : i32
        %sign3A_1362 = vector.broadcast %sign3A_1361 : i32 to vector<16xi32>
        %sign3A_1363 = arith.cmpi slt, %select_n3A_1349, %sign3A_1362 : vector<16xi32>
        %sign3A_1364 = arith.extui %sign3A_1363 : vector<16xi1> to vector<16xi32>
        %sign3A_1365 = arith.subi %sign3A_1360, %sign3A_1364 : vector<16xi32>
        %sign3A_1366 = arith.constant 0 : i32
        %sign3A_1367 = arith.cmpi sgt, %jit3A_1354, %sign3A_1366 : i32
        %sign3A_1368 = arith.extui %sign3A_1367 : i1 to i32
        %sign3A_1369 = arith.constant 0 : i32
        %sign3A_1370 = arith.cmpi slt, %jit3A_1354, %sign3A_1369 : i32
        %sign3A_1371 = arith.extui %sign3A_1370 : i1 to i32
        %sign3A_1372 = arith.subi %sign3A_1368, %sign3A_1371 : i32
        %ne3A_1373 = vector.broadcast %sign3A_1372 : i32 to vector<16xi32>
        %ne3A_1374 = arith.cmpi ne, %sign3A_1365, %ne3A_1373 : vector<16xi32>
        %rem3A_1375 = vector.broadcast %jit3A_1354 : i32 to vector<16xi32>
        %rem3A_1376 = arith.remsi %select_n3A_1349, %rem3A_1375 : vector<16xi32>
        %ne3A_1377 = arith.constant 0 : i32
        %ne3A_1378 = vector.broadcast %ne3A_1377 : i32 to vector<16xi32>
        %ne3A_1379 = arith.cmpi ne, %rem3A_1376, %ne3A_1378 : vector<16xi32>
        %and3A_1380 = arith.andi %ne3A_1374, %ne3A_1379 : vector<16xi1>
        %sub3A_1381 = arith.constant 1 : i32
        %sub3A_1382 = vector.broadcast %sub3A_1381 : i32 to vector<16xi32>
        %sub3A_1383 = arith.subi %div3A_1356, %sub3A_1382 : vector<16xi32>
        %select_n3A_1384 = arith.select %and3A_1380, %sub3A_1383, %div3A_1356 : vector<16xi1>, vector<16xi32>
        %mul3A_1385 = arith.constant 7 : i32
        %mul3A_1386 = vector.broadcast %mul3A_1385 : i32 to vector<16xi32>
        %mul3A_1387 = arith.muli %select_n3A_1384, %mul3A_1386 : vector<16xi32>
        %sub3A_1388 = arith.subi %select_n3A_1349, %mul3A_1387 : vector<16xi32>
        %ge3A_1389 = arith.constant 2 : i32
        %ge3A_1390 = vector.broadcast %ge3A_1389 : i32 to vector<16xi32>
        %ge3A_1391 = arith.cmpi sge, %sub3A_1353, %ge3A_1390 : vector<16xi32>
        %broadcast_in_dim3A_1392 = vector.shape_cast %select_n3A_1384 : vector<16xi32> to vector<16x1xi32>
        %gather3A_1393 = vector.shape_cast %broadcast_in_dim3A_1392 : vector<16x1xi32> to vector<16xi32>
        %gather3A_1394 = tpu.dynamic_gather %min3A_98[%gather3A_1393] in [0] : vector<16xi32>, vector<16xi32> -> vector<16xi32>
        %broadcast_in_dim3A_1395 = vector.shape_cast %select_n3A_1384 : vector<16xi32> to vector<16x1xi32>
        %gather3A_1396 = vector.shape_cast %broadcast_in_dim3A_1395 : vector<16x1xi32> to vector<16xi32>
        %gather3A_1397 = tpu.dynamic_gather %min3A_83[%gather3A_1396] in [0] : vector<16xi32>, vector<16xi32> -> vector<16xi32>
        %select_n3A_1398 = arith.select %ge3A_1391, %gather3A_1394, %gather3A_1397 : vector<16xi1>, vector<16xi32>
        %and3A_1399 = arith.constant 1 : i32
        %and3A_1400 = vector.broadcast %and3A_1399 : i32 to vector<16xi32>
        %and3A_1401 = arith.andi %sub3A_1353, %and3A_1400 : vector<16xi32>
        %eq3A_1402 = arith.constant 1 : i32
        %eq3A_1403 = vector.broadcast %eq3A_1402 : i32 to vector<16xi32>
        %eq3A_1404 = arith.cmpi eq, %and3A_1401, %eq3A_1403 : vector<16xi32>
        %broadcast_in_dim3A_1405 = vector.shape_cast %sub3A_1388 : vector<16xi32> to vector<16x1xi32>
        %gather3A_1406 = vector.shape_cast %broadcast_in_dim3A_1405 : vector<16x1xi32> to vector<16xi32>
        %gather3A_1407 = tpu.dynamic_gather %min3A_107[%gather3A_1406] in [0] : vector<16xi32>, vector<16xi32> -> vector<16xi32>
        %broadcast_in_dim3A_1408 = vector.shape_cast %sub3A_1388 : vector<16xi32> to vector<16x1xi32>
        %gather3A_1409 = vector.shape_cast %broadcast_in_dim3A_1408 : vector<16x1xi32> to vector<16xi32>
        %gather3A_1410 = tpu.dynamic_gather %min3A_89[%gather3A_1409] in [0] : vector<16xi32>, vector<16xi32> -> vector<16xi32>
        %select_n3A_1411 = arith.select %eq3A_1404, %gather3A_1407, %gather3A_1410 : vector<16xi1>, vector<16xi32>
        %mul3A_1412 = arith.constant 1024 : i32
        %mul3A_1413 = arith.muli %select_n3A, %mul3A_1412 : i32
        %mul3A_1414 = arith.constant 32 : i32
        %mul3A_1415 = vector.broadcast %mul3A_1414 : i32 to vector<16xi32>
        %mul3A_1416 = arith.muli %select_n3A_1398, %mul3A_1415 : vector<16xi32>
        %add3A_1417 = vector.broadcast %mul3A_1413 : i32 to vector<16xi32>
        %add3A_1418 = arith.addi %add3A_1417, %mul3A_1416 : vector<16xi32>
        %add3A_1419 = arith.addi %add3A_1418, %select_n3A_1411 : vector<16xi32>
        %jit3A_1420 = arith.constant 0 : i32
        %jit3A_1421 = arith.constant 4095 : i32
        %max3A_1422 = vector.broadcast %jit3A_1420 : i32 to vector<16xi32>
        %max3A_1423 = arith.maxsi %max3A_1422, %add3A_1419 : vector<16xi32>
        %min3A_1424 = vector.broadcast %jit3A_1421 : i32 to vector<16xi32>
        %min3A_1425 = arith.minsi %min3A_1424, %max3A_1423 : vector<16xi32>
        %add3A_1426 = arith.constant 192 : i32
        %add3A_1427 = vector.broadcast %add3A_1426 : i32 to vector<16xi32>
        %add3A_1428 = arith.addi %iota3A, %add3A_1427 : vector<16xi32>
        %jit3A_1429 = arith.constant 4 : i32
        %div3A_1430 = vector.broadcast %jit3A_1429 : i32 to vector<16xi32>
        %div3A_1431 = arith.divsi %add3A_1428, %div3A_1430 : vector<16xi32>
        %sign3A_1432 = arith.constant 0 : i32
        %sign3A_1433 = vector.broadcast %sign3A_1432 : i32 to vector<16xi32>
        %sign3A_1434 = arith.cmpi sgt, %add3A_1428, %sign3A_1433 : vector<16xi32>
        %sign3A_1435 = arith.extui %sign3A_1434 : vector<16xi1> to vector<16xi32>
        %sign3A_1436 = arith.constant 0 : i32
        %sign3A_1437 = vector.broadcast %sign3A_1436 : i32 to vector<16xi32>
        %sign3A_1438 = arith.cmpi slt, %add3A_1428, %sign3A_1437 : vector<16xi32>
        %sign3A_1439 = arith.extui %sign3A_1438 : vector<16xi1> to vector<16xi32>
        %sign3A_1440 = arith.subi %sign3A_1435, %sign3A_1439 : vector<16xi32>
        %sign3A_1441 = arith.constant 0 : i32
        %sign3A_1442 = arith.cmpi sgt, %jit3A_1429, %sign3A_1441 : i32
        %sign3A_1443 = arith.extui %sign3A_1442 : i1 to i32
        %sign3A_1444 = arith.constant 0 : i32
        %sign3A_1445 = arith.cmpi slt, %jit3A_1429, %sign3A_1444 : i32
        %sign3A_1446 = arith.extui %sign3A_1445 : i1 to i32
        %sign3A_1447 = arith.subi %sign3A_1443, %sign3A_1446 : i32
        %ne3A_1448 = vector.broadcast %sign3A_1447 : i32 to vector<16xi32>
        %ne3A_1449 = arith.cmpi ne, %sign3A_1440, %ne3A_1448 : vector<16xi32>
        %rem3A_1450 = vector.broadcast %jit3A_1429 : i32 to vector<16xi32>
        %rem3A_1451 = arith.remsi %add3A_1428, %rem3A_1450 : vector<16xi32>
        %ne3A_1452 = arith.constant 0 : i32
        %ne3A_1453 = vector.broadcast %ne3A_1452 : i32 to vector<16xi32>
        %ne3A_1454 = arith.cmpi ne, %rem3A_1451, %ne3A_1453 : vector<16xi32>
        %and3A_1455 = arith.andi %ne3A_1449, %ne3A_1454 : vector<16xi1>
        %sub3A_1456 = arith.constant 1 : i32
        %sub3A_1457 = vector.broadcast %sub3A_1456 : i32 to vector<16xi32>
        %sub3A_1458 = arith.subi %div3A_1431, %sub3A_1457 : vector<16xi32>
        %select_n3A_1459 = arith.select %and3A_1455, %sub3A_1458, %div3A_1431 : vector<16xi1>, vector<16xi32>
        %mul3A_1460 = arith.constant 4 : i32
        %mul3A_1461 = vector.broadcast %mul3A_1460 : i32 to vector<16xi32>
        %mul3A_1462 = arith.muli %select_n3A_1459, %mul3A_1461 : vector<16xi32>
        %sub3A_1463 = arith.subi %add3A_1428, %mul3A_1462 : vector<16xi32>
        %jit3A_1464 = arith.constant 7 : i32
        %div3A_1465 = vector.broadcast %jit3A_1464 : i32 to vector<16xi32>
        %div3A_1466 = arith.divsi %select_n3A_1459, %div3A_1465 : vector<16xi32>
        %sign3A_1467 = arith.constant 0 : i32
        %sign3A_1468 = vector.broadcast %sign3A_1467 : i32 to vector<16xi32>
        %sign3A_1469 = arith.cmpi sgt, %select_n3A_1459, %sign3A_1468 : vector<16xi32>
        %sign3A_1470 = arith.extui %sign3A_1469 : vector<16xi1> to vector<16xi32>
        %sign3A_1471 = arith.constant 0 : i32
        %sign3A_1472 = vector.broadcast %sign3A_1471 : i32 to vector<16xi32>
        %sign3A_1473 = arith.cmpi slt, %select_n3A_1459, %sign3A_1472 : vector<16xi32>
        %sign3A_1474 = arith.extui %sign3A_1473 : vector<16xi1> to vector<16xi32>
        %sign3A_1475 = arith.subi %sign3A_1470, %sign3A_1474 : vector<16xi32>
        %sign3A_1476 = arith.constant 0 : i32
        %sign3A_1477 = arith.cmpi sgt, %jit3A_1464, %sign3A_1476 : i32
        %sign3A_1478 = arith.extui %sign3A_1477 : i1 to i32
        %sign3A_1479 = arith.constant 0 : i32
        %sign3A_1480 = arith.cmpi slt, %jit3A_1464, %sign3A_1479 : i32
        %sign3A_1481 = arith.extui %sign3A_1480 : i1 to i32
        %sign3A_1482 = arith.subi %sign3A_1478, %sign3A_1481 : i32
        %ne3A_1483 = vector.broadcast %sign3A_1482 : i32 to vector<16xi32>
        %ne3A_1484 = arith.cmpi ne, %sign3A_1475, %ne3A_1483 : vector<16xi32>
        %rem3A_1485 = vector.broadcast %jit3A_1464 : i32 to vector<16xi32>
        %rem3A_1486 = arith.remsi %select_n3A_1459, %rem3A_1485 : vector<16xi32>
        %ne3A_1487 = arith.constant 0 : i32
        %ne3A_1488 = vector.broadcast %ne3A_1487 : i32 to vector<16xi32>
        %ne3A_1489 = arith.cmpi ne, %rem3A_1486, %ne3A_1488 : vector<16xi32>
        %and3A_1490 = arith.andi %ne3A_1484, %ne3A_1489 : vector<16xi1>
        %sub3A_1491 = arith.constant 1 : i32
        %sub3A_1492 = vector.broadcast %sub3A_1491 : i32 to vector<16xi32>
        %sub3A_1493 = arith.subi %div3A_1466, %sub3A_1492 : vector<16xi32>
        %select_n3A_1494 = arith.select %and3A_1490, %sub3A_1493, %div3A_1466 : vector<16xi1>, vector<16xi32>
        %mul3A_1495 = arith.constant 7 : i32
        %mul3A_1496 = vector.broadcast %mul3A_1495 : i32 to vector<16xi32>
        %mul3A_1497 = arith.muli %select_n3A_1494, %mul3A_1496 : vector<16xi32>
        %sub3A_1498 = arith.subi %select_n3A_1459, %mul3A_1497 : vector<16xi32>
        %ge3A_1499 = arith.constant 2 : i32
        %ge3A_1500 = vector.broadcast %ge3A_1499 : i32 to vector<16xi32>
        %ge3A_1501 = arith.cmpi sge, %sub3A_1463, %ge3A_1500 : vector<16xi32>
        %broadcast_in_dim3A_1502 = vector.shape_cast %select_n3A_1494 : vector<16xi32> to vector<16x1xi32>
        %gather3A_1503 = vector.shape_cast %broadcast_in_dim3A_1502 : vector<16x1xi32> to vector<16xi32>
        %gather3A_1504 = tpu.dynamic_gather %min3A_98[%gather3A_1503] in [0] : vector<16xi32>, vector<16xi32> -> vector<16xi32>
        %broadcast_in_dim3A_1505 = vector.shape_cast %select_n3A_1494 : vector<16xi32> to vector<16x1xi32>
        %gather3A_1506 = vector.shape_cast %broadcast_in_dim3A_1505 : vector<16x1xi32> to vector<16xi32>
        %gather3A_1507 = tpu.dynamic_gather %min3A_83[%gather3A_1506] in [0] : vector<16xi32>, vector<16xi32> -> vector<16xi32>
        %select_n3A_1508 = arith.select %ge3A_1501, %gather3A_1504, %gather3A_1507 : vector<16xi1>, vector<16xi32>
        %and3A_1509 = arith.constant 1 : i32
        %and3A_1510 = vector.broadcast %and3A_1509 : i32 to vector<16xi32>
        %and3A_1511 = arith.andi %sub3A_1463, %and3A_1510 : vector<16xi32>
        %eq3A_1512 = arith.constant 1 : i32
        %eq3A_1513 = vector.broadcast %eq3A_1512 : i32 to vector<16xi32>
        %eq3A_1514 = arith.cmpi eq, %and3A_1511, %eq3A_1513 : vector<16xi32>
        %broadcast_in_dim3A_1515 = vector.shape_cast %sub3A_1498 : vector<16xi32> to vector<16x1xi32>
        %gather3A_1516 = vector.shape_cast %broadcast_in_dim3A_1515 : vector<16x1xi32> to vector<16xi32>
        %gather3A_1517 = tpu.dynamic_gather %min3A_107[%gather3A_1516] in [0] : vector<16xi32>, vector<16xi32> -> vector<16xi32>
        %broadcast_in_dim3A_1518 = vector.shape_cast %sub3A_1498 : vector<16xi32> to vector<16x1xi32>
        %gather3A_1519 = vector.shape_cast %broadcast_in_dim3A_1518 : vector<16x1xi32> to vector<16xi32>
        %gather3A_1520 = tpu.dynamic_gather %min3A_89[%gather3A_1519] in [0] : vector<16xi32>, vector<16xi32> -> vector<16xi32>
        %select_n3A_1521 = arith.select %eq3A_1514, %gather3A_1517, %gather3A_1520 : vector<16xi1>, vector<16xi32>
        %mul3A_1522 = arith.constant 1024 : i32
        %mul3A_1523 = arith.muli %select_n3A, %mul3A_1522 : i32
        %mul3A_1524 = arith.constant 32 : i32
        %mul3A_1525 = vector.broadcast %mul3A_1524 : i32 to vector<16xi32>
        %mul3A_1526 = arith.muli %select_n3A_1508, %mul3A_1525 : vector<16xi32>
        %add3A_1527 = vector.broadcast %mul3A_1523 : i32 to vector<16xi32>
        %add3A_1528 = arith.addi %add3A_1527, %mul3A_1526 : vector<16xi32>
        %add3A_1529 = arith.addi %add3A_1528, %select_n3A_1521 : vector<16xi32>
        %jit3A_1530 = arith.constant 0 : i32
        %jit3A_1531 = arith.constant 4095 : i32
        %max3A_1532 = vector.broadcast %jit3A_1530 : i32 to vector<16xi32>
        %max3A_1533 = arith.maxsi %max3A_1532, %add3A_1529 : vector<16xi32>
        %min3A_1534 = vector.broadcast %jit3A_1531 : i32 to vector<16xi32>
        %min3A_1535 = arith.minsi %min3A_1534, %max3A_1533 : vector<16xi32>
        %sub3A_1536 = arith.constant 1.000000e+00 : f32
        %sub3A_1537 = vector.broadcast %sub3A_1536 : f32 to vector<16xf32>
        %sub3A_1538 = arith.subf %sub3A_1537, %sub3A_77 : vector<16xf32>
        %sub3A_1539 = arith.constant 1.000000e+00 : f32
        %sub3A_1540 = vector.broadcast %sub3A_1539 : f32 to vector<16xf32>
        %sub3A_1541 = arith.subf %sub3A_1540, %sub3A_79 : vector<16xf32>
        %add3A_1542 = arith.constant 0 : i32
        %add3A_1543 = vector.broadcast %add3A_1542 : i32 to vector<16xi32>
        %add3A_1544 = arith.addi %iota3A, %add3A_1543 : vector<16xi32>
        %jit3A_1545 = arith.constant 7 : i32
        %div3A_1546 = vector.broadcast %jit3A_1545 : i32 to vector<16xi32>
        %div3A_1547 = arith.divsi %add3A_1544, %div3A_1546 : vector<16xi32>
        %sign3A_1548 = arith.constant 0 : i32
        %sign3A_1549 = vector.broadcast %sign3A_1548 : i32 to vector<16xi32>
        %sign3A_1550 = arith.cmpi sgt, %add3A_1544, %sign3A_1549 : vector<16xi32>
        %sign3A_1551 = arith.extui %sign3A_1550 : vector<16xi1> to vector<16xi32>
        %sign3A_1552 = arith.constant 0 : i32
        %sign3A_1553 = vector.broadcast %sign3A_1552 : i32 to vector<16xi32>
        %sign3A_1554 = arith.cmpi slt, %add3A_1544, %sign3A_1553 : vector<16xi32>
        %sign3A_1555 = arith.extui %sign3A_1554 : vector<16xi1> to vector<16xi32>
        %sign3A_1556 = arith.subi %sign3A_1551, %sign3A_1555 : vector<16xi32>
        %sign3A_1557 = arith.constant 0 : i32
        %sign3A_1558 = arith.cmpi sgt, %jit3A_1545, %sign3A_1557 : i32
        %sign3A_1559 = arith.extui %sign3A_1558 : i1 to i32
        %sign3A_1560 = arith.constant 0 : i32
        %sign3A_1561 = arith.cmpi slt, %jit3A_1545, %sign3A_1560 : i32
        %sign3A_1562 = arith.extui %sign3A_1561 : i1 to i32
        %sign3A_1563 = arith.subi %sign3A_1559, %sign3A_1562 : i32
        %ne3A_1564 = vector.broadcast %sign3A_1563 : i32 to vector<16xi32>
        %ne3A_1565 = arith.cmpi ne, %sign3A_1556, %ne3A_1564 : vector<16xi32>
        %rem3A_1566 = vector.broadcast %jit3A_1545 : i32 to vector<16xi32>
        %rem3A_1567 = arith.remsi %add3A_1544, %rem3A_1566 : vector<16xi32>
        %ne3A_1568 = arith.constant 0 : i32
        %ne3A_1569 = vector.broadcast %ne3A_1568 : i32 to vector<16xi32>
        %ne3A_1570 = arith.cmpi ne, %rem3A_1567, %ne3A_1569 : vector<16xi32>
        %and3A_1571 = arith.andi %ne3A_1565, %ne3A_1570 : vector<16xi1>
        %sub3A_1572 = arith.constant 1 : i32
        %sub3A_1573 = vector.broadcast %sub3A_1572 : i32 to vector<16xi32>
        %sub3A_1574 = arith.subi %div3A_1547, %sub3A_1573 : vector<16xi32>
        %select_n3A_1575 = arith.select %and3A_1571, %sub3A_1574, %div3A_1547 : vector<16xi1>, vector<16xi32>
        %mul3A_1576 = arith.constant 7 : i32
        %mul3A_1577 = vector.broadcast %mul3A_1576 : i32 to vector<16xi32>
        %mul3A_1578 = arith.muli %select_n3A_1575, %mul3A_1577 : vector<16xi32>
        %sub3A_1579 = arith.subi %add3A_1544, %mul3A_1578 : vector<16xi32>
        %broadcast_in_dim3A_1580 = vector.shape_cast %select_n3A_1575 : vector<16xi32> to vector<16x1xi32>
        %gather3A_1581 = vector.shape_cast %broadcast_in_dim3A_1580 : vector<16x1xi32> to vector<16xi32>
        %gather3A_1582 = tpu.dynamic_gather %sub3A_1538[%gather3A_1581] in [0] : vector<16xf32>, vector<16xi32> -> vector<16xf32>
        %broadcast_in_dim3A_1583 = vector.shape_cast %select_n3A_1575 : vector<16xi32> to vector<16x1xi32>
        %gather3A_1584 = vector.shape_cast %broadcast_in_dim3A_1583 : vector<16x1xi32> to vector<16xi32>
        %gather3A_1585 = tpu.dynamic_gather %sub3A_77[%gather3A_1584] in [0] : vector<16xf32>, vector<16xi32> -> vector<16xf32>
        %broadcast_in_dim3A_1586 = vector.shape_cast %sub3A_1579 : vector<16xi32> to vector<16x1xi32>
        %gather3A_1587 = vector.shape_cast %broadcast_in_dim3A_1586 : vector<16x1xi32> to vector<16xi32>
        %gather3A_1588 = tpu.dynamic_gather %sub3A_1541[%gather3A_1587] in [0] : vector<16xf32>, vector<16xi32> -> vector<16xf32>
        %broadcast_in_dim3A_1589 = vector.shape_cast %sub3A_1579 : vector<16xi32> to vector<16x1xi32>
        %gather3A_1590 = vector.shape_cast %broadcast_in_dim3A_1589 : vector<16x1xi32> to vector<16xi32>
        %gather3A_1591 = tpu.dynamic_gather %sub3A_79[%gather3A_1590] in [0] : vector<16xf32>, vector<16xi32> -> vector<16xf32>
        %mul3A_1592 = arith.mulf %gather3A_1582, %gather3A_1588 : vector<16xf32>
        %swap3A = arith.constant 0 : index
        %swap3A_1593 = tpu.vector_load %arg6[%swap3A] {strides = array<i32>} : memref<256xf32, #tpu.memory_space<vmem>>, vector<16xf32>,
        tpu.vector_store %arg6[%swap3A], %mul3A_1592 {strides = array<i32>} : memref<256xf32, #tpu.memory_space<vmem>>, vector<16xf32>,
        %mul3A_1594 = arith.mulf %gather3A_1582, %gather3A_1591 : vector<16xf32>
        %swap3A_1595 = arith.constant 64 : index
        %swap3A_1596 = tpu.vector_load %arg6[%swap3A_1595] {strides = array<i32>} : memref<256xf32, #tpu.memory_space<vmem>>, vector<16xf32>,
        tpu.vector_store %arg6[%swap3A_1595], %mul3A_1594 {strides = array<i32>} : memref<256xf32, #tpu.memory_space<vmem>>, vector<16xf32>,
        %mul3A_1597 = arith.mulf %gather3A_1585, %gather3A_1588 : vector<16xf32>
        %swap3A_1598 = arith.constant 128 : index
        %swap3A_1599 = tpu.vector_load %arg6[%swap3A_1598] {strides = array<i32>} : memref<256xf32, #tpu.memory_space<vmem>>, vector<16xf32>,
        tpu.vector_store %arg6[%swap3A_1598], %mul3A_1597 {strides = array<i32>} : memref<256xf32, #tpu.memory_space<vmem>>, vector<16xf32>,
        %mul3A_1600 = arith.mulf %gather3A_1585, %gather3A_1591 : vector<16xf32>
        %swap3A_1601 = arith.constant 192 : index
        %swap3A_1602 = tpu.vector_load %arg6[%swap3A_1601] {strides = array<i32>} : memref<256xf32, #tpu.memory_space<vmem>>, vector<16xf32>,
        tpu.vector_store %arg6[%swap3A_1601], %mul3A_1600 {strides = array<i32>} : memref<256xf32, #tpu.memory_space<vmem>>, vector<16xf32>,
        %add3A_1603 = arith.constant 16 : i32
        %add3A_1604 = vector.broadcast %add3A_1603 : i32 to vector<16xi32>
        %add3A_1605 = arith.addi %iota3A, %add3A_1604 : vector<16xi32>
        %jit3A_1606 = arith.constant 7 : i32
        %div3A_1607 = vector.broadcast %jit3A_1606 : i32 to vector<16xi32>
        %div3A_1608 = arith.divsi %add3A_1605, %div3A_1607 : vector<16xi32>
        %sign3A_1609 = arith.constant 0 : i32
        %sign3A_1610 = vector.broadcast %sign3A_1609 : i32 to vector<16xi32>
        %sign3A_1611 = arith.cmpi sgt, %add3A_1605, %sign3A_1610 : vector<16xi32>
        %sign3A_1612 = arith.extui %sign3A_1611 : vector<16xi1> to vector<16xi32>
        %sign3A_1613 = arith.constant 0 : i32
        %sign3A_1614 = vector.broadcast %sign3A_1613 : i32 to vector<16xi32>
        %sign3A_1615 = arith.cmpi slt, %add3A_1605, %sign3A_1614 : vector<16xi32>
        %sign3A_1616 = arith.extui %sign3A_1615 : vector<16xi1> to vector<16xi32>
        %sign3A_1617 = arith.subi %sign3A_1612, %sign3A_1616 : vector<16xi32>
        %sign3A_1618 = arith.constant 0 : i32
        %sign3A_1619 = arith.cmpi sgt, %jit3A_1606, %sign3A_1618 : i32
        %sign3A_1620 = arith.extui %sign3A_1619 : i1 to i32
        %sign3A_1621 = arith.constant 0 : i32
        %sign3A_1622 = arith.cmpi slt, %jit3A_1606, %sign3A_1621 : i32
        %sign3A_1623 = arith.extui %sign3A_1622 : i1 to i32
        %sign3A_1624 = arith.subi %sign3A_1620, %sign3A_1623 : i32
        %ne3A_1625 = vector.broadcast %sign3A_1624 : i32 to vector<16xi32>
        %ne3A_1626 = arith.cmpi ne, %sign3A_1617, %ne3A_1625 : vector<16xi32>
        %rem3A_1627 = vector.broadcast %jit3A_1606 : i32 to vector<16xi32>
        %rem3A_1628 = arith.remsi %add3A_1605, %rem3A_1627 : vector<16xi32>
        %ne3A_1629 = arith.constant 0 : i32
        %ne3A_1630 = vector.broadcast %ne3A_1629 : i32 to vector<16xi32>
        %ne3A_1631 = arith.cmpi ne, %rem3A_1628, %ne3A_1630 : vector<16xi32>
        %and3A_1632 = arith.andi %ne3A_1626, %ne3A_1631 : vector<16xi1>
        %sub3A_1633 = arith.constant 1 : i32
        %sub3A_1634 = vector.broadcast %sub3A_1633 : i32 to vector<16xi32>
        %sub3A_1635 = arith.subi %div3A_1608, %sub3A_1634 : vector<16xi32>
        %select_n3A_1636 = arith.select %and3A_1632, %sub3A_1635, %div3A_1608 : vector<16xi1>, vector<16xi32>
        %mul3A_1637 = arith.constant 7 : i32
        %mul3A_1638 = vector.broadcast %mul3A_1637 : i32 to vector<16xi32>
        %mul3A_1639 = arith.muli %select_n3A_1636, %mul3A_1638 : vector<16xi32>
        %sub3A_1640 = arith.subi %add3A_1605, %mul3A_1639 : vector<16xi32>
        %broadcast_in_dim3A_1641 = vector.shape_cast %select_n3A_1636 : vector<16xi32> to vector<16x1xi32>
        %gather3A_1642 = vector.shape_cast %broadcast_in_dim3A_1641 : vector<16x1xi32> to vector<16xi32>
        %gather3A_1643 = tpu.dynamic_gather %sub3A_1538[%gather3A_1642] in [0] : vector<16xf32>, vector<16xi32> -> vector<16xf32>
        %broadcast_in_dim3A_1644 = vector.shape_cast %select_n3A_1636 : vector<16xi32> to vector<16x1xi32>
        %gather3A_1645 = vector.shape_cast %broadcast_in_dim3A_1644 : vector<16x1xi32> to vector<16xi32>
        %gather3A_1646 = tpu.dynamic_gather %sub3A_77[%gather3A_1645] in [0] : vector<16xf32>, vector<16xi32> -> vector<16xf32>
        %broadcast_in_dim3A_1647 = vector.shape_cast %sub3A_1640 : vector<16xi32> to vector<16x1xi32>
        %gather3A_1648 = vector.shape_cast %broadcast_in_dim3A_1647 : vector<16x1xi32> to vector<16xi32>
        %gather3A_1649 = tpu.dynamic_gather %sub3A_1541[%gather3A_1648] in [0] : vector<16xf32>, vector<16xi32> -> vector<16xf32>
        %broadcast_in_dim3A_1650 = vector.shape_cast %sub3A_1640 : vector<16xi32> to vector<16x1xi32>
        %gather3A_1651 = vector.shape_cast %broadcast_in_dim3A_1650 : vector<16x1xi32> to vector<16xi32>
        %gather3A_1652 = tpu.dynamic_gather %sub3A_79[%gather3A_1651] in [0] : vector<16xf32>, vector<16xi32> -> vector<16xf32>
        %mul3A_1653 = arith.mulf %gather3A_1643, %gather3A_1649 : vector<16xf32>
        %swap3A_1654 = arith.constant 16 : index
        %swap3A_1655 = tpu.vector_load %arg6[%swap3A_1654] {strides = array<i32>} : memref<256xf32, #tpu.memory_space<vmem>>, vector<16xf32>,
        tpu.vector_store %arg6[%swap3A_1654], %mul3A_1653 {strides = array<i32>} : memref<256xf32, #tpu.memory_space<vmem>>, vector<16xf32>,
        %mul3A_1656 = arith.mulf %gather3A_1643, %gather3A_1652 : vector<16xf32>
        %swap3A_1657 = arith.constant 80 : index
        %swap3A_1658 = tpu.vector_load %arg6[%swap3A_1657] {strides = array<i32>} : memref<256xf32, #tpu.memory_space<vmem>>, vector<16xf32>,
        tpu.vector_store %arg6[%swap3A_1657], %mul3A_1656 {strides = array<i32>} : memref<256xf32, #tpu.memory_space<vmem>>, vector<16xf32>,
        %mul3A_1659 = arith.mulf %gather3A_1646, %gather3A_1649 : vector<16xf32>
        %swap3A_1660 = arith.constant 144 : index
        %swap3A_1661 = tpu.vector_load %arg6[%swap3A_1660] {strides = array<i32>} : memref<256xf32, #tpu.memory_space<vmem>>, vector<16xf32>,
        tpu.vector_store %arg6[%swap3A_1660], %mul3A_1659 {strides = array<i32>} : memref<256xf32, #tpu.memory_space<vmem>>, vector<16xf32>,
        %mul3A_1662 = arith.mulf %gather3A_1646, %gather3A_1652 : vector<16xf32>
        %swap3A_1663 = arith.constant 208 : index
        %swap3A_1664 = tpu.vector_load %arg6[%swap3A_1663] {strides = array<i32>} : memref<256xf32, #tpu.memory_space<vmem>>, vector<16xf32>,
        tpu.vector_store %arg6[%swap3A_1663], %mul3A_1662 {strides = array<i32>} : memref<256xf32, #tpu.memory_space<vmem>>, vector<16xf32>,
        %add3A_1665 = arith.constant 32 : i32
        %add3A_1666 = vector.broadcast %add3A_1665 : i32 to vector<16xi32>
        %add3A_1667 = arith.addi %iota3A, %add3A_1666 : vector<16xi32>
        %jit3A_1668 = arith.constant 7 : i32
        %div3A_1669 = vector.broadcast %jit3A_1668 : i32 to vector<16xi32>
        %div3A_1670 = arith.divsi %add3A_1667, %div3A_1669 : vector<16xi32>
        %sign3A_1671 = arith.constant 0 : i32
        %sign3A_1672 = vector.broadcast %sign3A_1671 : i32 to vector<16xi32>
        %sign3A_1673 = arith.cmpi sgt, %add3A_1667, %sign3A_1672 : vector<16xi32>
        %sign3A_1674 = arith.extui %sign3A_1673 : vector<16xi1> to vector<16xi32>
        %sign3A_1675 = arith.constant 0 : i32
        %sign3A_1676 = vector.broadcast %sign3A_1675 : i32 to vector<16xi32>
        %sign3A_1677 = arith.cmpi slt, %add3A_1667, %sign3A_1676 : vector<16xi32>
        %sign3A_1678 = arith.extui %sign3A_1677 : vector<16xi1> to vector<16xi32>
        %sign3A_1679 = arith.subi %sign3A_1674, %sign3A_1678 : vector<16xi32>
        %sign3A_1680 = arith.constant 0 : i32
        %sign3A_1681 = arith.cmpi sgt, %jit3A_1668, %sign3A_1680 : i32
        %sign3A_1682 = arith.extui %sign3A_1681 : i1 to i32
        %sign3A_1683 = arith.constant 0 : i32
        %sign3A_1684 = arith.cmpi slt, %jit3A_1668, %sign3A_1683 : i32
        %sign3A_1685 = arith.extui %sign3A_1684 : i1 to i32
        %sign3A_1686 = arith.subi %sign3A_1682, %sign3A_1685 : i32
        %ne3A_1687 = vector.broadcast %sign3A_1686 : i32 to vector<16xi32>
        %ne3A_1688 = arith.cmpi ne, %sign3A_1679, %ne3A_1687 : vector<16xi32>
        %rem3A_1689 = vector.broadcast %jit3A_1668 : i32 to vector<16xi32>
        %rem3A_1690 = arith.remsi %add3A_1667, %rem3A_1689 : vector<16xi32>
        %ne3A_1691 = arith.constant 0 : i32
        %ne3A_1692 = vector.broadcast %ne3A_1691 : i32 to vector<16xi32>
        %ne3A_1693 = arith.cmpi ne, %rem3A_1690, %ne3A_1692 : vector<16xi32>
        %and3A_1694 = arith.andi %ne3A_1688, %ne3A_1693 : vector<16xi1>
        %sub3A_1695 = arith.constant 1 : i32
        %sub3A_1696 = vector.broadcast %sub3A_1695 : i32 to vector<16xi32>
        %sub3A_1697 = arith.subi %div3A_1670, %sub3A_1696 : vector<16xi32>
        %select_n3A_1698 = arith.select %and3A_1694, %sub3A_1697, %div3A_1670 : vector<16xi1>, vector<16xi32>
        %mul3A_1699 = arith.constant 7 : i32
        %mul3A_1700 = vector.broadcast %mul3A_1699 : i32 to vector<16xi32>
        %mul3A_1701 = arith.muli %select_n3A_1698, %mul3A_1700 : vector<16xi32>
        %sub3A_1702 = arith.subi %add3A_1667, %mul3A_1701 : vector<16xi32>
        %broadcast_in_dim3A_1703 = vector.shape_cast %select_n3A_1698 : vector<16xi32> to vector<16x1xi32>
        %gather3A_1704 = vector.shape_cast %broadcast_in_dim3A_1703 : vector<16x1xi32> to vector<16xi32>
        %gather3A_1705 = tpu.dynamic_gather %sub3A_1538[%gather3A_1704] in [0] : vector<16xf32>, vector<16xi32> -> vector<16xf32>
        %broadcast_in_dim3A_1706 = vector.shape_cast %select_n3A_1698 : vector<16xi32> to vector<16x1xi32>
        %gather3A_1707 = vector.shape_cast %broadcast_in_dim3A_1706 : vector<16x1xi32> to vector<16xi32>
        %gather3A_1708 = tpu.dynamic_gather %sub3A_77[%gather3A_1707] in [0] : vector<16xf32>, vector<16xi32> -> vector<16xf32>
        %broadcast_in_dim3A_1709 = vector.shape_cast %sub3A_1702 : vector<16xi32> to vector<16x1xi32>
        %gather3A_1710 = vector.shape_cast %broadcast_in_dim3A_1709 : vector<16x1xi32> to vector<16xi32>
        %gather3A_1711 = tpu.dynamic_gather %sub3A_1541[%gather3A_1710] in [0] : vector<16xf32>, vector<16xi32> -> vector<16xf32>
        %broadcast_in_dim3A_1712 = vector.shape_cast %sub3A_1702 : vector<16xi32> to vector<16x1xi32>
        %gather3A_1713 = vector.shape_cast %broadcast_in_dim3A_1712 : vector<16x1xi32> to vector<16xi32>
        %gather3A_1714 = tpu.dynamic_gather %sub3A_79[%gather3A_1713] in [0] : vector<16xf32>, vector<16xi32> -> vector<16xf32>
        %mul3A_1715 = arith.mulf %gather3A_1705, %gather3A_1711 : vector<16xf32>
        %swap3A_1716 = arith.constant 32 : index
        %swap3A_1717 = tpu.vector_load %arg6[%swap3A_1716] {strides = array<i32>} : memref<256xf32, #tpu.memory_space<vmem>>, vector<16xf32>,
        tpu.vector_store %arg6[%swap3A_1716], %mul3A_1715 {strides = array<i32>} : memref<256xf32, #tpu.memory_space<vmem>>, vector<16xf32>,
        %mul3A_1718 = arith.mulf %gather3A_1705, %gather3A_1714 : vector<16xf32>
        %swap3A_1719 = arith.constant 96 : index
        %swap3A_1720 = tpu.vector_load %arg6[%swap3A_1719] {strides = array<i32>} : memref<256xf32, #tpu.memory_space<vmem>>, vector<16xf32>,
        tpu.vector_store %arg6[%swap3A_1719], %mul3A_1718 {strides = array<i32>} : memref<256xf32, #tpu.memory_space<vmem>>, vector<16xf32>,
        %mul3A_1721 = arith.mulf %gather3A_1708, %gather3A_1711 : vector<16xf32>
        %swap3A_1722 = arith.constant 160 : index
        %swap3A_1723 = tpu.vector_load %arg6[%swap3A_1722] {strides = array<i32>} : memref<256xf32, #tpu.memory_space<vmem>>, vector<16xf32>,
        tpu.vector_store %arg6[%swap3A_1722], %mul3A_1721 {strides = array<i32>} : memref<256xf32, #tpu.memory_space<vmem>>, vector<16xf32>,
        %mul3A_1724 = arith.mulf %gather3A_1708, %gather3A_1714 : vector<16xf32>
        %swap3A_1725 = arith.constant 224 : index
        %swap3A_1726 = tpu.vector_load %arg6[%swap3A_1725] {strides = array<i32>} : memref<256xf32, #tpu.memory_space<vmem>>, vector<16xf32>,
        tpu.vector_store %arg6[%swap3A_1725], %mul3A_1724 {strides = array<i32>} : memref<256xf32, #tpu.memory_space<vmem>>, vector<16xf32>,
        %add3A_1727 = arith.constant 48 : i32
        %add3A_1728 = vector.broadcast %add3A_1727 : i32 to vector<16xi32>
        %add3A_1729 = arith.addi %iota3A, %add3A_1728 : vector<16xi32>
        %jit3A_1730 = arith.constant 7 : i32
        %div3A_1731 = vector.broadcast %jit3A_1730 : i32 to vector<16xi32>
        %div3A_1732 = arith.divsi %add3A_1729, %div3A_1731 : vector<16xi32>
        %sign3A_1733 = arith.constant 0 : i32
        %sign3A_1734 = vector.broadcast %sign3A_1733 : i32 to vector<16xi32>
        %sign3A_1735 = arith.cmpi sgt, %add3A_1729, %sign3A_1734 : vector<16xi32>
        %sign3A_1736 = arith.extui %sign3A_1735 : vector<16xi1> to vector<16xi32>
        %sign3A_1737 = arith.constant 0 : i32
        %sign3A_1738 = vector.broadcast %sign3A_1737 : i32 to vector<16xi32>
        %sign3A_1739 = arith.cmpi slt, %add3A_1729, %sign3A_1738 : vector<16xi32>
        %sign3A_1740 = arith.extui %sign3A_1739 : vector<16xi1> to vector<16xi32>
        %sign3A_1741 = arith.subi %sign3A_1736, %sign3A_1740 : vector<16xi32>
        %sign3A_1742 = arith.constant 0 : i32
        %sign3A_1743 = arith.cmpi sgt, %jit3A_1730, %sign3A_1742 : i32
        %sign3A_1744 = arith.extui %sign3A_1743 : i1 to i32
        %sign3A_1745 = arith.constant 0 : i32
        %sign3A_1746 = arith.cmpi slt, %jit3A_1730, %sign3A_1745 : i32
        %sign3A_1747 = arith.extui %sign3A_1746 : i1 to i32
        %sign3A_1748 = arith.subi %sign3A_1744, %sign3A_1747 : i32
        %ne3A_1749 = vector.broadcast %sign3A_1748 : i32 to vector<16xi32>
        %ne3A_1750 = arith.cmpi ne, %sign3A_1741, %ne3A_1749 : vector<16xi32>
        %rem3A_1751 = vector.broadcast %jit3A_1730 : i32 to vector<16xi32>
        %rem3A_1752 = arith.remsi %add3A_1729, %rem3A_1751 : vector<16xi32>
        %ne3A_1753 = arith.constant 0 : i32
        %ne3A_1754 = vector.broadcast %ne3A_1753 : i32 to vector<16xi32>
        %ne3A_1755 = arith.cmpi ne, %rem3A_1752, %ne3A_1754 : vector<16xi32>
        %and3A_1756 = arith.andi %ne3A_1750, %ne3A_1755 : vector<16xi1>
        %sub3A_1757 = arith.constant 1 : i32
        %sub3A_1758 = vector.broadcast %sub3A_1757 : i32 to vector<16xi32>
        %sub3A_1759 = arith.subi %div3A_1732, %sub3A_1758 : vector<16xi32>
        %select_n3A_1760 = arith.select %and3A_1756, %sub3A_1759, %div3A_1732 : vector<16xi1>, vector<16xi32>
        %mul3A_1761 = arith.constant 7 : i32
        %mul3A_1762 = vector.broadcast %mul3A_1761 : i32 to vector<16xi32>
        %mul3A_1763 = arith.muli %select_n3A_1760, %mul3A_1762 : vector<16xi32>
        %sub3A_1764 = arith.subi %add3A_1729, %mul3A_1763 : vector<16xi32>
        %broadcast_in_dim3A_1765 = vector.shape_cast %select_n3A_1760 : vector<16xi32> to vector<16x1xi32>
        %gather3A_1766 = vector.shape_cast %broadcast_in_dim3A_1765 : vector<16x1xi32> to vector<16xi32>
        %gather3A_1767 = tpu.dynamic_gather %sub3A_1538[%gather3A_1766] in [0] : vector<16xf32>, vector<16xi32> -> vector<16xf32>
        %broadcast_in_dim3A_1768 = vector.shape_cast %select_n3A_1760 : vector<16xi32> to vector<16x1xi32>
        %gather3A_1769 = vector.shape_cast %broadcast_in_dim3A_1768 : vector<16x1xi32> to vector<16xi32>
        %gather3A_1770 = tpu.dynamic_gather %sub3A_77[%gather3A_1769] in [0] : vector<16xf32>, vector<16xi32> -> vector<16xf32>
        %broadcast_in_dim3A_1771 = vector.shape_cast %sub3A_1764 : vector<16xi32> to vector<16x1xi32>
        %gather3A_1772 = vector.shape_cast %broadcast_in_dim3A_1771 : vector<16x1xi32> to vector<16xi32>
        %gather3A_1773 = tpu.dynamic_gather %sub3A_1541[%gather3A_1772] in [0] : vector<16xf32>, vector<16xi32> -> vector<16xf32>
        %broadcast_in_dim3A_1774 = vector.shape_cast %sub3A_1764 : vector<16xi32> to vector<16x1xi32>
        %gather3A_1775 = vector.shape_cast %broadcast_in_dim3A_1774 : vector<16x1xi32> to vector<16xi32>
        %gather3A_1776 = tpu.dynamic_gather %sub3A_79[%gather3A_1775] in [0] : vector<16xf32>, vector<16xi32> -> vector<16xf32>
        %mul3A_1777 = arith.mulf %gather3A_1767, %gather3A_1773 : vector<16xf32>
        %swap3A_1778 = arith.constant 48 : index
        %swap3A_1779 = tpu.vector_load %arg6[%swap3A_1778] {strides = array<i32>} : memref<256xf32, #tpu.memory_space<vmem>>, vector<16xf32>,
        tpu.vector_store %arg6[%swap3A_1778], %mul3A_1777 {strides = array<i32>} : memref<256xf32, #tpu.memory_space<vmem>>, vector<16xf32>,
        %mul3A_1780 = arith.mulf %gather3A_1767, %gather3A_1776 : vector<16xf32>
        %swap3A_1781 = arith.constant 112 : index
        %swap3A_1782 = tpu.vector_load %arg6[%swap3A_1781] {strides = array<i32>} : memref<256xf32, #tpu.memory_space<vmem>>, vector<16xf32>,
        tpu.vector_store %arg6[%swap3A_1781], %mul3A_1780 {strides = array<i32>} : memref<256xf32, #tpu.memory_space<vmem>>, vector<16xf32>,
        %mul3A_1783 = arith.mulf %gather3A_1770, %gather3A_1773 : vector<16xf32>
        %swap3A_1784 = arith.constant 176 : index
        %swap3A_1785 = tpu.vector_load %arg6[%swap3A_1784] {strides = array<i32>} : memref<256xf32, #tpu.memory_space<vmem>>, vector<16xf32>,
        tpu.vector_store %arg6[%swap3A_1784], %mul3A_1783 {strides = array<i32>} : memref<256xf32, #tpu.memory_space<vmem>>, vector<16xf32>,
        %mul3A_1786 = arith.mulf %gather3A_1770, %gather3A_1776 : vector<16xf32>
        %swap3A_1787 = arith.constant 240 : index
        %swap3A_1788 = tpu.vector_load %arg6[%swap3A_1787] {strides = array<i32>} : memref<256xf32, #tpu.memory_space<vmem>>, vector<16xf32>,
        tpu.vector_store %arg6[%swap3A_1787], %mul3A_1786 {strides = array<i32>} : memref<256xf32, #tpu.memory_space<vmem>>, vector<16xf32>,
        %dma_start3A = arith.constant 0 : i32
        %dma_start3A_1789 = arith.constant 0 : i32
        %dma_start3A_1790 = tpu.memref_slice %arg7[%dma_start3A, %dma_start3A_1789] : memref<96x512xf32, #tpu.memory_space<vmem>> -> memref<16x512xf32, #tpu.memory_space<vmem>>
        %dma_start3A_1791 = arith.constant 0 : i32
        %dma_start3A_1792 = arith.constant 0 : i32
        %dma_start3A_1793 = tpu.memref_slice %arg2[%dma_start3A_1791, %dma_start3A_1792] : memref<4096x512xf32, #tpu.memory_space<hbm>> -> memref<4096x512xf32, #tpu.memory_space<hbm>>
        tpu.enqueue_indirect_dma source(%dma_start3A_1793 : memref<4096x512xf32, #tpu.memory_space<hbm>>) target(%dma_start3A_1790 : memref<16x512xf32, #tpu.memory_space<vmem>>) offsets(%min3A_215 : vector<16xi32>) semaphore(%arg10 : memref<!tpu.dma_semaphore, #tpu.memory_space<semaphore_mem>>)
        %dma_start3A_1794 = arith.constant 16 : i32
        %dma_start3A_1795 = arith.constant 0 : i32
        %dma_start3A_1796 = tpu.memref_slice %arg7[%dma_start3A_1794, %dma_start3A_1795] : memref<96x512xf32, #tpu.memory_space<vmem>> -> memref<16x512xf32, #tpu.memory_space<vmem>>
        %dma_start3A_1797 = arith.constant 0 : i32
        %dma_start3A_1798 = arith.constant 0 : i32
        %dma_start3A_1799 = tpu.memref_slice %arg2[%dma_start3A_1797, %dma_start3A_1798] : memref<4096x512xf32, #tpu.memory_space<hbm>> -> memref<4096x512xf32, #tpu.memory_space<hbm>>
        tpu.enqueue_indirect_dma source(%dma_start3A_1799 : memref<4096x512xf32, #tpu.memory_space<hbm>>) target(%dma_start3A_1796 : memref<16x512xf32, #tpu.memory_space<vmem>>) offsets(%min3A_325 : vector<16xi32>) semaphore(%arg10 : memref<!tpu.dma_semaphore, #tpu.memory_space<semaphore_mem>>)
        %dma_start3A_1800 = arith.constant 32 : i32
        %dma_start3A_1801 = arith.constant 0 : i32
        %dma_start3A_1802 = tpu.memref_slice %arg7[%dma_start3A_1800, %dma_start3A_1801] : memref<96x512xf32, #tpu.memory_space<vmem>> -> memref<16x512xf32, #tpu.memory_space<vmem>>
        %dma_start3A_1803 = arith.constant 0 : i32
        %dma_start3A_1804 = arith.constant 0 : i32
        %dma_start3A_1805 = tpu.memref_slice %arg2[%dma_start3A_1803, %dma_start3A_1804] : memref<4096x512xf32, #tpu.memory_space<hbm>> -> memref<4096x512xf32, #tpu.memory_space<hbm>>
        tpu.enqueue_indirect_dma source(%dma_start3A_1805 : memref<4096x512xf32, #tpu.memory_space<hbm>>) target(%dma_start3A_1802 : memref<16x512xf32, #tpu.memory_space<vmem>>) offsets(%min3A_435 : vector<16xi32>) semaphore(%arg10 : memref<!tpu.dma_semaphore, #tpu.memory_space<semaphore_mem>>)
        %dma_start3A_1806 = arith.constant 48 : i32
        %dma_start3A_1807 = arith.constant 0 : i32
        %dma_start3A_1808 = tpu.memref_slice %arg7[%dma_start3A_1806, %dma_start3A_1807] : memref<96x512xf32, #tpu.memory_space<vmem>> -> memref<16x512xf32, #tpu.memory_space<vmem>>
        %dma_start3A_1809 = arith.constant 0 : i32
        %dma_start3A_1810 = arith.constant 0 : i32
        %dma_start3A_1811 = tpu.memref_slice %arg2[%dma_start3A_1809, %dma_start3A_1810] : memref<4096x512xf32, #tpu.memory_space<hbm>> -> memref<4096x512xf32, #tpu.memory_space<hbm>>
        tpu.enqueue_indirect_dma source(%dma_start3A_1811 : memref<4096x512xf32, #tpu.memory_space<hbm>>) target(%dma_start3A_1808 : memref<16x512xf32, #tpu.memory_space<vmem>>) offsets(%min3A_545 : vector<16xi32>) semaphore(%arg10 : memref<!tpu.dma_semaphore, #tpu.memory_space<semaphore_mem>>)
        %dma_start3A_1812 = arith.constant 64 : i32
        %dma_start3A_1813 = arith.constant 0 : i32
        %dma_start3A_1814 = tpu.memref_slice %arg7[%dma_start3A_1812, %dma_start3A_1813] : memref<96x512xf32, #tpu.memory_space<vmem>> -> memref<16x512xf32, #tpu.memory_space<vmem>>
        %dma_start3A_1815 = arith.constant 0 : i32
        %dma_start3A_1816 = arith.constant 0 : i32
        %dma_start3A_1817 = tpu.memref_slice %arg2[%dma_start3A_1815, %dma_start3A_1816] : memref<4096x512xf32, #tpu.memory_space<hbm>> -> memref<4096x512xf32, #tpu.memory_space<hbm>>
        tpu.enqueue_indirect_dma source(%dma_start3A_1817 : memref<4096x512xf32, #tpu.memory_space<hbm>>) target(%dma_start3A_1814 : memref<16x512xf32, #tpu.memory_space<vmem>>) offsets(%min3A_655 : vector<16xi32>) semaphore(%arg10 : memref<!tpu.dma_semaphore, #tpu.memory_space<semaphore_mem>>)
        %dma_start3A_1818 = arith.constant 80 : i32
        %dma_start3A_1819 = arith.constant 0 : i32
        %dma_start3A_1820 = tpu.memref_slice %arg7[%dma_start3A_1818, %dma_start3A_1819] : memref<96x512xf32, #tpu.memory_space<vmem>> -> memref<16x512xf32, #tpu.memory_space<vmem>>
        %dma_start3A_1821 = arith.constant 0 : i32
        %dma_start3A_1822 = arith.constant 0 : i32
        %dma_start3A_1823 = tpu.memref_slice %arg2[%dma_start3A_1821, %dma_start3A_1822] : memref<4096x512xf32, #tpu.memory_space<hbm>> -> memref<4096x512xf32, #tpu.memory_space<hbm>>
        tpu.enqueue_indirect_dma source(%dma_start3A_1823 : memref<4096x512xf32, #tpu.memory_space<hbm>>) target(%dma_start3A_1820 : memref<16x512xf32, #tpu.memory_space<vmem>>) offsets(%min3A_765 : vector<16xi32>) semaphore(%arg10 : memref<!tpu.dma_semaphore, #tpu.memory_space<semaphore_mem>>)
        %dma_start3A_1824 = arith.constant 0 : i32
        %dma_start3A_1825 = arith.constant 0 : i32
        %dma_start3A_1826 = tpu.memref_slice %arg8[%dma_start3A_1824, %dma_start3A_1825] : memref<112x512xf32, #tpu.memory_space<vmem>> -> memref<16x512xf32, #tpu.memory_space<vmem>>
        %dma_start3A_1827 = arith.constant 0 : i32
        %dma_start3A_1828 = arith.constant 0 : i32
        %dma_start3A_1829 = tpu.memref_slice %arg2[%dma_start3A_1827, %dma_start3A_1828] : memref<4096x512xf32, #tpu.memory_space<hbm>> -> memref<4096x512xf32, #tpu.memory_space<hbm>>
        tpu.enqueue_indirect_dma source(%dma_start3A_1829 : memref<4096x512xf32, #tpu.memory_space<hbm>>) target(%dma_start3A_1826 : memref<16x512xf32, #tpu.memory_space<vmem>>) offsets(%min3A_875 : vector<16xi32>) semaphore(%arg11 : memref<!tpu.dma_semaphore, #tpu.memory_space<semaphore_mem>>)
        %dma_start3A_1830 = arith.constant 16 : i32
        %dma_start3A_1831 = arith.constant 0 : i32
        %dma_start3A_1832 = tpu.memref_slice %arg8[%dma_start3A_1830, %dma_start3A_1831] : memref<112x512xf32, #tpu.memory_space<vmem>> -> memref<16x512xf32, #tpu.memory_space<vmem>>
        %dma_start3A_1833 = arith.constant 0 : i32
        %dma_start3A_1834 = arith.constant 0 : i32
        %dma_start3A_1835 = tpu.memref_slice %arg2[%dma_start3A_1833, %dma_start3A_1834] : memref<4096x512xf32, #tpu.memory_space<hbm>> -> memref<4096x512xf32, #tpu.memory_space<hbm>>
        tpu.enqueue_indirect_dma source(%dma_start3A_1835 : memref<4096x512xf32, #tpu.memory_space<hbm>>) target(%dma_start3A_1832 : memref<16x512xf32, #tpu.memory_space<vmem>>) offsets(%min3A_985 : vector<16xi32>) semaphore(%arg11 : memref<!tpu.dma_semaphore, #tpu.memory_space<semaphore_mem>>)
        %dma_start3A_1836 = arith.constant 32 : i32
        %dma_start3A_1837 = arith.constant 0 : i32
        %dma_start3A_1838 = tpu.memref_slice %arg8[%dma_start3A_1836, %dma_start3A_1837] : memref<112x512xf32, #tpu.memory_space<vmem>> -> memref<16x512xf32, #tpu.memory_space<vmem>>
        %dma_start3A_1839 = arith.constant 0 : i32
        %dma_start3A_1840 = arith.constant 0 : i32
        %dma_start3A_1841 = tpu.memref_slice %arg2[%dma_start3A_1839, %dma_start3A_1840] : memref<4096x512xf32, #tpu.memory_space<hbm>> -> memref<4096x512xf32, #tpu.memory_space<hbm>>
        tpu.enqueue_indirect_dma source(%dma_start3A_1841 : memref<4096x512xf32, #tpu.memory_space<hbm>>) target(%dma_start3A_1838 : memref<16x512xf32, #tpu.memory_space<vmem>>) offsets(%min3A_1095 : vector<16xi32>) semaphore(%arg11 : memref<!tpu.dma_semaphore, #tpu.memory_space<semaphore_mem>>)
        %dma_start3A_1842 = arith.constant 48 : i32
        %dma_start3A_1843 = arith.constant 0 : i32
        %dma_start3A_1844 = tpu.memref_slice %arg8[%dma_start3A_1842, %dma_start3A_1843] : memref<112x512xf32, #tpu.memory_space<vmem>> -> memref<16x512xf32, #tpu.memory_space<vmem>>
        %dma_start3A_1845 = arith.constant 0 : i32
        %dma_start3A_1846 = arith.constant 0 : i32
        %dma_start3A_1847 = tpu.memref_slice %arg2[%dma_start3A_1845, %dma_start3A_1846] : memref<4096x512xf32, #tpu.memory_space<hbm>> -> memref<4096x512xf32, #tpu.memory_space<hbm>>
        tpu.enqueue_indirect_dma source(%dma_start3A_1847 : memref<4096x512xf32, #tpu.memory_space<hbm>>) target(%dma_start3A_1844 : memref<16x512xf32, #tpu.memory_space<vmem>>) offsets(%min3A_1205 : vector<16xi32>) semaphore(%arg11 : memref<!tpu.dma_semaphore, #tpu.memory_space<semaphore_mem>>)
        %dma_start3A_1848 = arith.constant 64 : i32
        %dma_start3A_1849 = arith.constant 0 : i32
        %dma_start3A_1850 = tpu.memref_slice %arg8[%dma_start3A_1848, %dma_start3A_1849] : memref<112x512xf32, #tpu.memory_space<vmem>> -> memref<16x512xf32, #tpu.memory_space<vmem>>
        %dma_start3A_1851 = arith.constant 0 : i32
        %dma_start3A_1852 = arith.constant 0 : i32
        %dma_start3A_1853 = tpu.memref_slice %arg2[%dma_start3A_1851, %dma_start3A_1852] : memref<4096x512xf32, #tpu.memory_space<hbm>> -> memref<4096x512xf32, #tpu.memory_space<hbm>>
        tpu.enqueue_indirect_dma source(%dma_start3A_1853 : memref<4096x512xf32, #tpu.memory_space<hbm>>) target(%dma_start3A_1850 : memref<16x512xf32, #tpu.memory_space<vmem>>) offsets(%min3A_1315 : vector<16xi32>) semaphore(%arg11 : memref<!tpu.dma_semaphore, #tpu.memory_space<semaphore_mem>>)
        %dma_start3A_1854 = arith.constant 80 : i32
        %dma_start3A_1855 = arith.constant 0 : i32
        %dma_start3A_1856 = tpu.memref_slice %arg8[%dma_start3A_1854, %dma_start3A_1855] : memref<112x512xf32, #tpu.memory_space<vmem>> -> memref<16x512xf32, #tpu.memory_space<vmem>>
        %dma_start3A_1857 = arith.constant 0 : i32
        %dma_start3A_1858 = arith.constant 0 : i32
        %dma_start3A_1859 = tpu.memref_slice %arg2[%dma_start3A_1857, %dma_start3A_1858] : memref<4096x512xf32, #tpu.memory_space<hbm>> -> memref<4096x512xf32, #tpu.memory_space<hbm>>
        tpu.enqueue_indirect_dma source(%dma_start3A_1859 : memref<4096x512xf32, #tpu.memory_space<hbm>>) target(%dma_start3A_1856 : memref<16x512xf32, #tpu.memory_space<vmem>>) offsets(%min3A_1425 : vector<16xi32>) semaphore(%arg11 : memref<!tpu.dma_semaphore, #tpu.memory_space<semaphore_mem>>)
        %dma_start3A_1860 = arith.constant 96 : i32
        %dma_start3A_1861 = arith.constant 0 : i32
        %dma_start3A_1862 = tpu.memref_slice %arg8[%dma_start3A_1860, %dma_start3A_1861] : memref<112x512xf32, #tpu.memory_space<vmem>> -> memref<16x512xf32, #tpu.memory_space<vmem>>
        %dma_start3A_1863 = arith.constant 0 : i32
        %dma_start3A_1864 = arith.constant 0 : i32
        %dma_start3A_1865 = tpu.memref_slice %arg2[%dma_start3A_1863, %dma_start3A_1864] : memref<4096x512xf32, #tpu.memory_space<hbm>> -> memref<4096x512xf32, #tpu.memory_space<hbm>>
        tpu.enqueue_indirect_dma source(%dma_start3A_1865 : memref<4096x512xf32, #tpu.memory_space<hbm>>) target(%dma_start3A_1862 : memref<16x512xf32, #tpu.memory_space<vmem>>) offsets(%min3A_1535 : vector<16xi32>) semaphore(%arg11 : memref<!tpu.dma_semaphore, #tpu.memory_space<semaphore_mem>>)
        %dma_wait3A = arith.constant 0 : i32
        %dma_wait3A_1866 = arith.constant 0 : i32
        %dma_wait3A_1867 = tpu.memref_slice %arg7[%dma_wait3A, %dma_wait3A_1866] : memref<96x512xf32, #tpu.memory_space<vmem>> -> memref<16x512xf32, #tpu.memory_space<vmem>>
        %dma_wait3A_1868 = arith.constant 0 : i32
        %dma_wait3A_1869 = arith.constant 0 : i32
        %dma_wait3A_1870 = tpu.memref_slice %arg2[%dma_wait3A_1868, %dma_wait3A_1869] : memref<4096x512xf32, #tpu.memory_space<hbm>> -> memref<4096x512xf32, #tpu.memory_space<hbm>>
        tpu.wait_indirect_dma semaphore(%arg10 : memref<!tpu.dma_semaphore, #tpu.memory_space<semaphore_mem>>) src(%dma_wait3A_1870 : memref<4096x512xf32, #tpu.memory_space<hbm>>) dst(%dma_wait3A_1867 : memref<16x512xf32, #tpu.memory_space<vmem>>)
        %dma_wait3A_1871 = arith.constant 16 : i32
        %dma_wait3A_1872 = arith.constant 0 : i32
        %dma_wait3A_1873 = tpu.memref_slice %arg7[%dma_wait3A_1871, %dma_wait3A_1872] : memref<96x512xf32, #tpu.memory_space<vmem>> -> memref<16x512xf32, #tpu.memory_space<vmem>>
        %dma_wait3A_1874 = arith.constant 0 : i32
        %dma_wait3A_1875 = arith.constant 0 : i32
        %dma_wait3A_1876 = tpu.memref_slice %arg2[%dma_wait3A_1874, %dma_wait3A_1875] : memref<4096x512xf32, #tpu.memory_space<hbm>> -> memref<4096x512xf32, #tpu.memory_space<hbm>>
        tpu.wait_indirect_dma semaphore(%arg10 : memref<!tpu.dma_semaphore, #tpu.memory_space<semaphore_mem>>) src(%dma_wait3A_1876 : memref<4096x512xf32, #tpu.memory_space<hbm>>) dst(%dma_wait3A_1873 : memref<16x512xf32, #tpu.memory_space<vmem>>)
        %dma_wait3A_1877 = arith.constant 32 : i32
        %dma_wait3A_1878 = arith.constant 0 : i32
        %dma_wait3A_1879 = tpu.memref_slice %arg7[%dma_wait3A_1877, %dma_wait3A_1878] : memref<96x512xf32, #tpu.memory_space<vmem>> -> memref<16x512xf32, #tpu.memory_space<vmem>>
        %dma_wait3A_1880 = arith.constant 0 : i32
        %dma_wait3A_1881 = arith.constant 0 : i32
        %dma_wait3A_1882 = tpu.memref_slice %arg2[%dma_wait3A_1880, %dma_wait3A_1881] : memref<4096x512xf32, #tpu.memory_space<hbm>> -> memref<4096x512xf32, #tpu.memory_space<hbm>>
        tpu.wait_indirect_dma semaphore(%arg10 : memref<!tpu.dma_semaphore, #tpu.memory_space<semaphore_mem>>) src(%dma_wait3A_1882 : memref<4096x512xf32, #tpu.memory_space<hbm>>) dst(%dma_wait3A_1879 : memref<16x512xf32, #tpu.memory_space<vmem>>)
        %dma_wait3A_1883 = arith.constant 48 : i32
        %dma_wait3A_1884 = arith.constant 0 : i32
        %dma_wait3A_1885 = tpu.memref_slice %arg7[%dma_wait3A_1883, %dma_wait3A_1884] : memref<96x512xf32, #tpu.memory_space<vmem>> -> memref<16x512xf32, #tpu.memory_space<vmem>>
        %dma_wait3A_1886 = arith.constant 0 : i32
        %dma_wait3A_1887 = arith.constant 0 : i32
        %dma_wait3A_1888 = tpu.memref_slice %arg2[%dma_wait3A_1886, %dma_wait3A_1887] : memref<4096x512xf32, #tpu.memory_space<hbm>> -> memref<4096x512xf32, #tpu.memory_space<hbm>>
        tpu.wait_indirect_dma semaphore(%arg10 : memref<!tpu.dma_semaphore, #tpu.memory_space<semaphore_mem>>) src(%dma_wait3A_1888 : memref<4096x512xf32, #tpu.memory_space<hbm>>) dst(%dma_wait3A_1885 : memref<16x512xf32, #tpu.memory_space<vmem>>)
        %dma_wait3A_1889 = arith.constant 64 : i32
        %dma_wait3A_1890 = arith.constant 0 : i32
        %dma_wait3A_1891 = tpu.memref_slice %arg7[%dma_wait3A_1889, %dma_wait3A_1890] : memref<96x512xf32, #tpu.memory_space<vmem>> -> memref<16x512xf32, #tpu.memory_space<vmem>>
        %dma_wait3A_1892 = arith.constant 0 : i32
        %dma_wait3A_1893 = arith.constant 0 : i32
        %dma_wait3A_1894 = tpu.memref_slice %arg2[%dma_wait3A_1892, %dma_wait3A_1893] : memref<4096x512xf32, #tpu.memory_space<hbm>> -> memref<4096x512xf32, #tpu.memory_space<hbm>>
        tpu.wait_indirect_dma semaphore(%arg10 : memref<!tpu.dma_semaphore, #tpu.memory_space<semaphore_mem>>) src(%dma_wait3A_1894 : memref<4096x512xf32, #tpu.memory_space<hbm>>) dst(%dma_wait3A_1891 : memref<16x512xf32, #tpu.memory_space<vmem>>)
        %dma_wait3A_1895 = arith.constant 80 : i32
        %dma_wait3A_1896 = arith.constant 0 : i32
        %dma_wait3A_1897 = tpu.memref_slice %arg7[%dma_wait3A_1895, %dma_wait3A_1896] : memref<96x512xf32, #tpu.memory_space<vmem>> -> memref<16x512xf32, #tpu.memory_space<vmem>>
        %dma_wait3A_1898 = arith.constant 0 : i32
        %dma_wait3A_1899 = arith.constant 0 : i32
        %dma_wait3A_1900 = tpu.memref_slice %arg2[%dma_wait3A_1898, %dma_wait3A_1899] : memref<4096x512xf32, #tpu.memory_space<hbm>> -> memref<4096x512xf32, #tpu.memory_space<hbm>>
        tpu.wait_indirect_dma semaphore(%arg10 : memref<!tpu.dma_semaphore, #tpu.memory_space<semaphore_mem>>) src(%dma_wait3A_1900 : memref<4096x512xf32, #tpu.memory_space<hbm>>) dst(%dma_wait3A_1897 : memref<16x512xf32, #tpu.memory_space<vmem>>)
        %scan3A_1901 = arith.constant 0 : i32
        %scan3A_1902 = arith.constant 0 : i32
        %scan3A_1903 = arith.constant 24 : i32
        %scan3A_1904 = arith.addi %scan3A_1902, %scan3A_1903 : i32
        %scan3A_1905 = arith.constant 1 : i32
        scf.for %scan3A_2011 = %scan3A_1902 to %scan3A_1904 step %scan3A_1905  : i32 {
          %broadcast_in_dim3A_2012 = vector.broadcast %scan3A_2011 : i32 to vector<16xi32>
          %gather3A_2013 = tpu.vector_load_idx %arg6[%broadcast_in_dim3A_2012] : memref<256xf32, #tpu.memory_space<vmem>>[vector<16xi32>], vector<16xf32>,
          %add3A_2014 = arith.constant 64 : i32
          %add3A_2015 = arith.addi %scan3A_2011, %add3A_2014 : i32
          %broadcast_in_dim3A_2016 = vector.broadcast %add3A_2015 : i32 to vector<16xi32>
          %gather3A_2017 = tpu.vector_load_idx %arg6[%broadcast_in_dim3A_2016] : memref<256xf32, #tpu.memory_space<vmem>>[vector<16xi32>], vector<16xf32>,
          %add3A_2018 = arith.constant 128 : i32
          %add3A_2019 = arith.addi %scan3A_2011, %add3A_2018 : i32
          %broadcast_in_dim3A_2020 = vector.broadcast %add3A_2019 : i32 to vector<16xi32>
          %gather3A_2021 = tpu.vector_load_idx %arg6[%broadcast_in_dim3A_2020] : memref<256xf32, #tpu.memory_space<vmem>>[vector<16xi32>], vector<16xf32>,
          %add3A_2022 = arith.constant 192 : i32
          %add3A_2023 = arith.addi %scan3A_2011, %add3A_2022 : i32
          %broadcast_in_dim3A_2024 = vector.broadcast %add3A_2023 : i32 to vector<16xi32>
          %gather3A_2025 = tpu.vector_load_idx %arg6[%broadcast_in_dim3A_2024] : memref<256xf32, #tpu.memory_space<vmem>>[vector<16xi32>], vector<16xf32>,
          %sub3A_2026 = arith.constant 0 : i32
          %sub3A_2027 = arith.subi %scan3A_2011, %sub3A_2026 : i32
          %mul3A_2028 = arith.constant 4 : i32
          %mul3A_2029 = arith.muli %sub3A_2027, %mul3A_2028 : i32
          %get3A = arith.index_cast %mul3A_2029 : i32 to index
          %get3A_2030 = arith.constant 0 : index
          %get3A_2031 = tpu.vector_load %arg7[%get3A, %get3A_2030] {strides = array<i32>} : memref<96x512xf32, #tpu.memory_space<vmem>>, vector<16xf32>,
          %mul3A_2032 = arith.mulf %gather3A_2013, %get3A_2031 : vector<16xf32>
          %add3A_2033 = arith.constant 1 : i32
          %add3A_2034 = arith.addi %mul3A_2029, %add3A_2033 : i32
          %get3A_2035 = arith.index_cast %add3A_2034 : i32 to index
          %get3A_2036 = arith.constant 0 : index
          %get3A_2037 = tpu.vector_load %arg7[%get3A_2035, %get3A_2036] {strides = array<i32>} : memref<96x512xf32, #tpu.memory_space<vmem>>, vector<16xf32>,
          %mul3A_2038 = arith.mulf %gather3A_2017, %get3A_2037 : vector<16xf32>
          %add3A_2039 = arith.addf %mul3A_2032, %mul3A_2038 : vector<16xf32>
          %add3A_2040 = arith.constant 2 : i32
          %add3A_2041 = arith.addi %mul3A_2029, %add3A_2040 : i32
          %get3A_2042 = arith.index_cast %add3A_2041 : i32 to index
          %get3A_2043 = arith.constant 0 : index
          %get3A_2044 = tpu.vector_load %arg7[%get3A_2042, %get3A_2043] {strides = array<i32>} : memref<96x512xf32, #tpu.memory_space<vmem>>, vector<16xf32>,
          %mul3A_2045 = arith.mulf %gather3A_2021, %get3A_2044 : vector<16xf32>
          %add3A_2046 = arith.addf %add3A_2039, %mul3A_2045 : vector<16xf32>
          %add3A_2047 = arith.constant 3 : i32
          %add3A_2048 = arith.addi %mul3A_2029, %add3A_2047 : i32
          %get3A_2049 = arith.index_cast %add3A_2048 : i32 to index
          %get3A_2050 = arith.constant 0 : index
          %get3A_2051 = tpu.vector_load %arg7[%get3A_2049, %get3A_2050] {strides = array<i32>} : memref<96x512xf32, #tpu.memory_space<vmem>>, vector<16xf32>,
          %mul3A_2052 = arith.mulf %gather3A_2025, %get3A_2051 : vector<16xf32>
          %add3A_2053 = arith.addf %add3A_2046, %mul3A_2052 : vector<16xf32>
          %sub3A_2054 = arith.constant 0 : i32
          %sub3A_2055 = arith.subi %scan3A_2011, %sub3A_2054 : i32
          %swap3A_2056 = arith.index_cast %sub3A_2055 : i32 to index
          %swap3A_2057 = arith.constant 0 : index
          %swap3A_2058 = tpu.vector_load %arg9[%swap3A_2056, %swap3A_2057] {strides = array<i32>} : memref<25x512xf32, #tpu.memory_space<vmem>>, vector<16xf32>,
          tpu.vector_store %arg9[%swap3A_2056, %swap3A_2057], %add3A_2053 {strides = array<i32>} : memref<25x512xf32, #tpu.memory_space<vmem>>, vector<16xf32>,
          %get3A_2059 = arith.index_cast %mul3A_2029 : i32 to index
          %get3A_2060 = arith.constant 16 : index
          %get3A_2061 = tpu.vector_load %arg7[%get3A_2059, %get3A_2060] {strides = array<i32>} : memref<96x512xf32, #tpu.memory_space<vmem>>, vector<16xf32>,
          %mul3A_2062 = arith.mulf %gather3A_2013, %get3A_2061 : vector<16xf32>
          %add3A_2063 = arith.constant 1 : i32
          %add3A_2064 = arith.addi %mul3A_2029, %add3A_2063 : i32
          %get3A_2065 = arith.index_cast %add3A_2064 : i32 to index
          %get3A_2066 = arith.constant 16 : index
          %get3A_2067 = tpu.vector_load %arg7[%get3A_2065, %get3A_2066] {strides = array<i32>} : memref<96x512xf32, #tpu.memory_space<vmem>>, vector<16xf32>,
          %mul3A_2068 = arith.mulf %gather3A_2017, %get3A_2067 : vector<16xf32>
          %add3A_2069 = arith.addf %mul3A_2062, %mul3A_2068 : vector<16xf32>
          %add3A_2070 = arith.constant 2 : i32
          %add3A_2071 = arith.addi %mul3A_2029, %add3A_2070 : i32
          %get3A_2072 = arith.index_cast %add3A_2071 : i32 to index
          %get3A_2073 = arith.constant 16 : index
          %get3A_2074 = tpu.vector_load %arg7[%get3A_2072, %get3A_2073] {strides = array<i32>} : memref<96x512xf32, #tpu.memory_space<vmem>>, vector<16xf32>,
          %mul3A_2075 = arith.mulf %gather3A_2021, %get3A_2074 : vector<16xf32>
          %add3A_2076 = arith.addf %add3A_2069, %mul3A_2075 : vector<16xf32>
          %add3A_2077 = arith.constant 3 : i32
          %add3A_2078 = arith.addi %mul3A_2029, %add3A_2077 : i32
          %get3A_2079 = arith.index_cast %add3A_2078 : i32 to index
          %get3A_2080 = arith.constant 16 : index
          %get3A_2081 = tpu.vector_load %arg7[%get3A_2079, %get3A_2080] {strides = array<i32>} : memref<96x512xf32, #tpu.memory_space<vmem>>, vector<16xf32>,
          %mul3A_2082 = arith.mulf %gather3A_2025, %get3A_2081 : vector<16xf32>
          %add3A_2083 = arith.addf %add3A_2076, %mul3A_2082 : vector<16xf32>
          %sub3A_2084 = arith.constant 0 : i32
          %sub3A_2085 = arith.subi %scan3A_2011, %sub3A_2084 : i32
          %swap3A_2086 = arith.index_cast %sub3A_2085 : i32 to index
          %swap3A_2087 = arith.constant 16 : index
          %swap3A_2088 = tpu.vector_load %arg9[%swap3A_2086, %swap3A_2087] {strides = array<i32>} : memref<25x512xf32, #tpu.memory_space<vmem>>, vector<16xf32>,
          tpu.vector_store %arg9[%swap3A_2086, %swap3A_2087], %add3A_2083 {strides = array<i32>} : memref<25x512xf32, #tpu.memory_space<vmem>>, vector<16xf32>,
          %get3A_2089 = arith.index_cast %mul3A_2029 : i32 to index
          %get3A_2090 = arith.constant 32 : index
          %get3A_2091 = tpu.vector_load %arg7[%get3A_2089, %get3A_2090] {strides = array<i32>} : memref<96x512xf32, #tpu.memory_space<vmem>>, vector<16xf32>,
          %mul3A_2092 = arith.mulf %gather3A_2013, %get3A_2091 : vector<16xf32>
          %add3A_2093 = arith.constant 1 : i32
          %add3A_2094 = arith.addi %mul3A_2029, %add3A_2093 : i32
          %get3A_2095 = arith.index_cast %add3A_2094 : i32 to index
          %get3A_2096 = arith.constant 32 : index
          %get3A_2097 = tpu.vector_load %arg7[%get3A_2095, %get3A_2096] {strides = array<i32>} : memref<96x512xf32, #tpu.memory_space<vmem>>, vector<16xf32>,
          %mul3A_2098 = arith.mulf %gather3A_2017, %get3A_2097 : vector<16xf32>
          %add3A_2099 = arith.addf %mul3A_2092, %mul3A_2098 : vector<16xf32>
          %add3A_2100 = arith.constant 2 : i32
          %add3A_2101 = arith.addi %mul3A_2029, %add3A_2100 : i32
          %get3A_2102 = arith.index_cast %add3A_2101 : i32 to index
          %get3A_2103 = arith.constant 32 : index
          %get3A_2104 = tpu.vector_load %arg7[%get3A_2102, %get3A_2103] {strides = array<i32>} : memref<96x512xf32, #tpu.memory_space<vmem>>, vector<16xf32>,
          %mul3A_2105 = arith.mulf %gather3A_2021, %get3A_2104 : vector<16xf32>
          %add3A_2106 = arith.addf %add3A_2099, %mul3A_2105 : vector<16xf32>
          %add3A_2107 = arith.constant 3 : i32
          %add3A_2108 = arith.addi %mul3A_2029, %add3A_2107 : i32
          %get3A_2109 = arith.index_cast %add3A_2108 : i32 to index
          %get3A_2110 = arith.constant 32 : index
          %get3A_2111 = tpu.vector_load %arg7[%get3A_2109, %get3A_2110] {strides = array<i32>} : memref<96x512xf32, #tpu.memory_space<vmem>>, vector<16xf32>,
          %mul3A_2112 = arith.mulf %gather3A_2025, %get3A_2111 : vector<16xf32>
          %add3A_2113 = arith.addf %add3A_2106, %mul3A_2112 : vector<16xf32>
          %sub3A_2114 = arith.constant 0 : i32
          %sub3A_2115 = arith.subi %scan3A_2011, %sub3A_2114 : i32
          %swap3A_2116 = arith.index_cast %sub3A_2115 : i32 to index
          %swap3A_2117 = arith.constant 32 : index
          %swap3A_2118 = tpu.vector_load %arg9[%swap3A_2116, %swap3A_2117] {strides = array<i32>} : memref<25x512xf32, #tpu.memory_space<vmem>>, vector<16xf32>,
          tpu.vector_store %arg9[%swap3A_2116, %swap3A_2117], %add3A_2113 {strides = array<i32>} : memref<25x512xf32, #tpu.memory_space<vmem>>, vector<16xf32>,
          %get3A_2119 = arith.index_cast %mul3A_2029 : i32 to index
          %get3A_2120 = arith.constant 48 : index
          %get3A_2121 = tpu.vector_load %arg7[%get3A_2119, %get3A_2120] {strides = array<i32>} : memref<96x512xf32, #tpu.memory_space<vmem>>, vector<16xf32>,
          %mul3A_2122 = arith.mulf %gather3A_2013, %get3A_2121 : vector<16xf32>
          %add3A_2123 = arith.constant 1 : i32
          %add3A_2124 = arith.addi %mul3A_2029, %add3A_2123 : i32
          %get3A_2125 = arith.index_cast %add3A_2124 : i32 to index
          %get3A_2126 = arith.constant 48 : index
          %get3A_2127 = tpu.vector_load %arg7[%get3A_2125, %get3A_2126] {strides = array<i32>} : memref<96x512xf32, #tpu.memory_space<vmem>>, vector<16xf32>,
          %mul3A_2128 = arith.mulf %gather3A_2017, %get3A_2127 : vector<16xf32>
          %add3A_2129 = arith.addf %mul3A_2122, %mul3A_2128 : vector<16xf32>
          %add3A_2130 = arith.constant 2 : i32
          %add3A_2131 = arith.addi %mul3A_2029, %add3A_2130 : i32
          %get3A_2132 = arith.index_cast %add3A_2131 : i32 to index
          %get3A_2133 = arith.constant 48 : index
          %get3A_2134 = tpu.vector_load %arg7[%get3A_2132, %get3A_2133] {strides = array<i32>} : memref<96x512xf32, #tpu.memory_space<vmem>>, vector<16xf32>,
          %mul3A_2135 = arith.mulf %gather3A_2021, %get3A_2134 : vector<16xf32>
          %add3A_2136 = arith.addf %add3A_2129, %mul3A_2135 : vector<16xf32>
          %add3A_2137 = arith.constant 3 : i32
          %add3A_2138 = arith.addi %mul3A_2029, %add3A_2137 : i32
          %get3A_2139 = arith.index_cast %add3A_2138 : i32 to index
          %get3A_2140 = arith.constant 48 : index
          %get3A_2141 = tpu.vector_load %arg7[%get3A_2139, %get3A_2140] {strides = array<i32>} : memref<96x512xf32, #tpu.memory_space<vmem>>, vector<16xf32>,
          %mul3A_2142 = arith.mulf %gather3A_2025, %get3A_2141 : vector<16xf32>
          %add3A_2143 = arith.addf %add3A_2136, %mul3A_2142 : vector<16xf32>
          %sub3A_2144 = arith.constant 0 : i32
          %sub3A_2145 = arith.subi %scan3A_2011, %sub3A_2144 : i32
          %swap3A_2146 = arith.index_cast %sub3A_2145 : i32 to index
          %swap3A_2147 = arith.constant 48 : index
          %swap3A_2148 = tpu.vector_load %arg9[%swap3A_2146, %swap3A_2147] {strides = array<i32>} : memref<25x512xf32, #tpu.memory_space<vmem>>, vector<16xf32>,
          tpu.vector_store %arg9[%swap3A_2146, %swap3A_2147], %add3A_2143 {strides = array<i32>} : memref<25x512xf32, #tpu.memory_space<vmem>>, vector<16xf32>,
          %get3A_2149 = arith.index_cast %mul3A_2029 : i32 to index
          %get3A_2150 = arith.constant 64 : index
          %get3A_2151 = tpu.vector_load %arg7[%get3A_2149, %get3A_2150] {strides = array<i32>} : memref<96x512xf32, #tpu.memory_space<vmem>>, vector<16xf32>,
          %mul3A_2152 = arith.mulf %gather3A_2013, %get3A_2151 : vector<16xf32>
          %add3A_2153 = arith.constant 1 : i32
          %add3A_2154 = arith.addi %mul3A_2029, %add3A_2153 : i32
          %get3A_2155 = arith.index_cast %add3A_2154 : i32 to index
          %get3A_2156 = arith.constant 64 : index
          %get3A_2157 = tpu.vector_load %arg7[%get3A_2155, %get3A_2156] {strides = array<i32>} : memref<96x512xf32, #tpu.memory_space<vmem>>, vector<16xf32>,
          %mul3A_2158 = arith.mulf %gather3A_2017, %get3A_2157 : vector<16xf32>
          %add3A_2159 = arith.addf %mul3A_2152, %mul3A_2158 : vector<16xf32>
          %add3A_2160 = arith.constant 2 : i32
          %add3A_2161 = arith.addi %mul3A_2029, %add3A_2160 : i32
          %get3A_2162 = arith.index_cast %add3A_2161 : i32 to index
          %get3A_2163 = arith.constant 64 : index
          %get3A_2164 = tpu.vector_load %arg7[%get3A_2162, %get3A_2163] {strides = array<i32>} : memref<96x512xf32, #tpu.memory_space<vmem>>, vector<16xf32>,
          %mul3A_2165 = arith.mulf %gather3A_2021, %get3A_2164 : vector<16xf32>
          %add3A_2166 = arith.addf %add3A_2159, %mul3A_2165 : vector<16xf32>
          %add3A_2167 = arith.constant 3 : i32
          %add3A_2168 = arith.addi %mul3A_2029, %add3A_2167 : i32
          %get3A_2169 = arith.index_cast %add3A_2168 : i32 to index
          %get3A_2170 = arith.constant 64 : index
          %get3A_2171 = tpu.vector_load %arg7[%get3A_2169, %get3A_2170] {strides = array<i32>} : memref<96x512xf32, #tpu.memory_space<vmem>>, vector<16xf32>,
          %mul3A_2172 = arith.mulf %gather3A_2025, %get3A_2171 : vector<16xf32>
          %add3A_2173 = arith.addf %add3A_2166, %mul3A_2172 : vector<16xf32>
          %sub3A_2174 = arith.constant 0 : i32
          %sub3A_2175 = arith.subi %scan3A_2011, %sub3A_2174 : i32
          %swap3A_2176 = arith.index_cast %sub3A_2175 : i32 to index
          %swap3A_2177 = arith.constant 64 : index
          %swap3A_2178 = tpu.vector_load %arg9[%swap3A_2176, %swap3A_2177] {strides = array<i32>} : memref<25x512xf32, #tpu.memory_space<vmem>>, vector<16xf32>,
          tpu.vector_store %arg9[%swap3A_2176, %swap3A_2177], %add3A_2173 {strides = array<i32>} : memref<25x512xf32, #tpu.memory_space<vmem>>, vector<16xf32>,
          %get3A_2179 = arith.index_cast %mul3A_2029 : i32 to index
          %get3A_2180 = arith.constant 80 : index
          %get3A_2181 = tpu.vector_load %arg7[%get3A_2179, %get3A_2180] {strides = array<i32>} : memref<96x512xf32, #tpu.memory_space<vmem>>, vector<16xf32>,
          %mul3A_2182 = arith.mulf %gather3A_2013, %get3A_2181 : vector<16xf32>
          %add3A_2183 = arith.constant 1 : i32
          %add3A_2184 = arith.addi %mul3A_2029, %add3A_2183 : i32
          %get3A_2185 = arith.index_cast %add3A_2184 : i32 to index
          %get3A_2186 = arith.constant 80 : index
          %get3A_2187 = tpu.vector_load %arg7[%get3A_2185, %get3A_2186] {strides = array<i32>} : memref<96x512xf32, #tpu.memory_space<vmem>>, vector<16xf32>,
          %mul3A_2188 = arith.mulf %gather3A_2017, %get3A_2187 : vector<16xf32>
          %add3A_2189 = arith.addf %mul3A_2182, %mul3A_2188 : vector<16xf32>
          %add3A_2190 = arith.constant 2 : i32
          %add3A_2191 = arith.addi %mul3A_2029, %add3A_2190 : i32
          %get3A_2192 = arith.index_cast %add3A_2191 : i32 to index
          %get3A_2193 = arith.constant 80 : index
          %get3A_2194 = tpu.vector_load %arg7[%get3A_2192, %get3A_2193] {strides = array<i32>} : memref<96x512xf32, #tpu.memory_space<vmem>>, vector<16xf32>,
          %mul3A_2195 = arith.mulf %gather3A_2021, %get3A_2194 : vector<16xf32>
          %add3A_2196 = arith.addf %add3A_2189, %mul3A_2195 : vector<16xf32>
          %add3A_2197 = arith.constant 3 : i32
          %add3A_2198 = arith.addi %mul3A_2029, %add3A_2197 : i32
          %get3A_2199 = arith.index_cast %add3A_2198 : i32 to index
          %get3A_2200 = arith.constant 80 : index
          %get3A_2201 = tpu.vector_load %arg7[%get3A_2199, %get3A_2200] {strides = array<i32>} : memref<96x512xf32, #tpu.memory_space<vmem>>, vector<16xf32>,
          %mul3A_2202 = arith.mulf %gather3A_2025, %get3A_2201 : vector<16xf32>
          %add3A_2203 = arith.addf %add3A_2196, %mul3A_2202 : vector<16xf32>
          %sub3A_2204 = arith.constant 0 : i32
          %sub3A_2205 = arith.subi %scan3A_2011, %sub3A_2204 : i32
          %swap3A_2206 = arith.index_cast %sub3A_2205 : i32 to index
          %swap3A_2207 = arith.constant 80 : index
          %swap3A_2208 = tpu.vector_load %arg9[%swap3A_2206, %swap3A_2207] {strides = array<i32>} : memref<25x512xf32, #tpu.memory_space<vmem>>, vector<16xf32>,
          tpu.vector_store %arg9[%swap3A_2206, %swap3A_2207], %add3A_2203 {strides = array<i32>} : memref<25x512xf32, #tpu.memory_space<vmem>>, vector<16xf32>,
          %get3A_2209 = arith.index_cast %mul3A_2029 : i32 to index
          %get3A_2210 = arith.constant 96 : index
          %get3A_2211 = tpu.vector_load %arg7[%get3A_2209, %get3A_2210] {strides = array<i32>} : memref<96x512xf32, #tpu.memory_space<vmem>>, vector<16xf32>,
          %mul3A_2212 = arith.mulf %gather3A_2013, %get3A_2211 : vector<16xf32>
          %add3A_2213 = arith.constant 1 : i32
          %add3A_2214 = arith.addi %mul3A_2029, %add3A_2213 : i32
          %get3A_2215 = arith.index_cast %add3A_2214 : i32 to index
          %get3A_2216 = arith.constant 96 : index
          %get3A_2217 = tpu.vector_load %arg7[%get3A_2215, %get3A_2216] {strides = array<i32>} : memref<96x512xf32, #tpu.memory_space<vmem>>, vector<16xf32>,
          %mul3A_2218 = arith.mulf %gather3A_2017, %get3A_2217 : vector<16xf32>
          %add3A_2219 = arith.addf %mul3A_2212, %mul3A_2218 : vector<16xf32>
          %add3A_2220 = arith.constant 2 : i32
          %add3A_2221 = arith.addi %mul3A_2029, %add3A_2220 : i32
          %get3A_2222 = arith.index_cast %add3A_2221 : i32 to index
          %get3A_2223 = arith.constant 96 : index
          %get3A_2224 = tpu.vector_load %arg7[%get3A_2222, %get3A_2223] {strides = array<i32>} : memref<96x512xf32, #tpu.memory_space<vmem>>, vector<16xf32>,
          %mul3A_2225 = arith.mulf %gather3A_2021, %get3A_2224 : vector<16xf32>
          %add3A_2226 = arith.addf %add3A_2219, %mul3A_2225 : vector<16xf32>
          %add3A_2227 = arith.constant 3 : i32
          %add3A_2228 = arith.addi %mul3A_2029, %add3A_2227 : i32
          %get3A_2229 = arith.index_cast %add3A_2228 : i32 to index
          %get3A_2230 = arith.constant 96 : index
          %get3A_2231 = tpu.vector_load %arg7[%get3A_2229, %get3A_2230] {strides = array<i32>} : memref<96x512xf32, #tpu.memory_space<vmem>>, vector<16xf32>,
          %mul3A_2232 = arith.mulf %gather3A_2025, %get3A_2231 : vector<16xf32>
          %add3A_2233 = arith.addf %add3A_2226, %mul3A_2232 : vector<16xf32>
          %sub3A_2234 = arith.constant 0 : i32
          %sub3A_2235 = arith.subi %scan3A_2011, %sub3A_2234 : i32
          %swap3A_2236 = arith.index_cast %sub3A_2235 : i32 to index
          %swap3A_2237 = arith.constant 96 : index
          %swap3A_2238 = tpu.vector_load %arg9[%swap3A_2236, %swap3A_2237] {strides = array<i32>} : memref<25x512xf32, #tpu.memory_space<vmem>>, vector<16xf32>,
          tpu.vector_store %arg9[%swap3A_2236, %swap3A_2237], %add3A_2233 {strides = array<i32>} : memref<25x512xf32, #tpu.memory_space<vmem>>, vector<16xf32>,
          %get3A_2239 = arith.index_cast %mul3A_2029 : i32 to index
          %get3A_2240 = arith.constant 112 : index
          %get3A_2241 = tpu.vector_load %arg7[%get3A_2239, %get3A_2240] {strides = array<i32>} : memref<96x512xf32, #tpu.memory_space<vmem>>, vector<16xf32>,
          %mul3A_2242 = arith.mulf %gather3A_2013, %get3A_2241 : vector<16xf32>
          %add3A_2243 = arith.constant 1 : i32
          %add3A_2244 = arith.addi %mul3A_2029, %add3A_2243 : i32
          %get3A_2245 = arith.index_cast %add3A_2244 : i32 to index
          %get3A_2246 = arith.constant 112 : index
          %get3A_2247 = tpu.vector_load %arg7[%get3A_2245, %get3A_2246] {strides = array<i32>} : memref<96x512xf32, #tpu.memory_space<vmem>>, vector<16xf32>,
          %mul3A_2248 = arith.mulf %gather3A_2017, %get3A_2247 : vector<16xf32>
          %add3A_2249 = arith.addf %mul3A_2242, %mul3A_2248 : vector<16xf32>
          %add3A_2250 = arith.constant 2 : i32
          %add3A_2251 = arith.addi %mul3A_2029, %add3A_2250 : i32
          %get3A_2252 = arith.index_cast %add3A_2251 : i32 to index
          %get3A_2253 = arith.constant 112 : index
          %get3A_2254 = tpu.vector_load %arg7[%get3A_2252, %get3A_2253] {strides = array<i32>} : memref<96x512xf32, #tpu.memory_space<vmem>>, vector<16xf32>,
          %mul3A_2255 = arith.mulf %gather3A_2021, %get3A_2254 : vector<16xf32>
          %add3A_2256 = arith.addf %add3A_2249, %mul3A_2255 : vector<16xf32>
          %add3A_2257 = arith.constant 3 : i32
          %add3A_2258 = arith.addi %mul3A_2029, %add3A_2257 : i32
          %get3A_2259 = arith.index_cast %add3A_2258 : i32 to index
          %get3A_2260 = arith.constant 112 : index
          %get3A_2261 = tpu.vector_load %arg7[%get3A_2259, %get3A_2260] {strides = array<i32>} : memref<96x512xf32, #tpu.memory_space<vmem>>, vector<16xf32>,
          %mul3A_2262 = arith.mulf %gather3A_2025, %get3A_2261 : vector<16xf32>
          %add3A_2263 = arith.addf %add3A_2256, %mul3A_2262 : vector<16xf32>
          %sub3A_2264 = arith.constant 0 : i32
          %sub3A_2265 = arith.subi %scan3A_2011, %sub3A_2264 : i32
          %swap3A_2266 = arith.index_cast %sub3A_2265 : i32 to index
          %swap3A_2267 = arith.constant 112 : index
          %swap3A_2268 = tpu.vector_load %arg9[%swap3A_2266, %swap3A_2267] {strides = array<i32>} : memref<25x512xf32, #tpu.memory_space<vmem>>, vector<16xf32>,
          tpu.vector_store %arg9[%swap3A_2266, %swap3A_2267], %add3A_2263 {strides = array<i32>} : memref<25x512xf32, #tpu.memory_space<vmem>>, vector<16xf32>,
          %get3A_2269 = arith.index_cast %mul3A_2029 : i32 to index
          %get3A_2270 = arith.constant 128 : index
          %get3A_2271 = tpu.vector_load %arg7[%get3A_2269, %get3A_2270] {strides = array<i32>} : memref<96x512xf32, #tpu.memory_space<vmem>>, vector<16xf32>,
          %mul3A_2272 = arith.mulf %gather3A_2013, %get3A_2271 : vector<16xf32>
          %add3A_2273 = arith.constant 1 : i32
          %add3A_2274 = arith.addi %mul3A_2029, %add3A_2273 : i32
          %get3A_2275 = arith.index_cast %add3A_2274 : i32 to index
          %get3A_2276 = arith.constant 128 : index
          %get3A_2277 = tpu.vector_load %arg7[%get3A_2275, %get3A_2276] {strides = array<i32>} : memref<96x512xf32, #tpu.memory_space<vmem>>, vector<16xf32>,
          %mul3A_2278 = arith.mulf %gather3A_2017, %get3A_2277 : vector<16xf32>
          %add3A_2279 = arith.addf %mul3A_2272, %mul3A_2278 : vector<16xf32>
          %add3A_2280 = arith.constant 2 : i32
          %add3A_2281 = arith.addi %mul3A_2029, %add3A_2280 : i32
          %get3A_2282 = arith.index_cast %add3A_2281 : i32 to index
          %get3A_2283 = arith.constant 128 : index
          %get3A_2284 = tpu.vector_load %arg7[%get3A_2282, %get3A_2283] {strides = array<i32>} : memref<96x512xf32, #tpu.memory_space<vmem>>, vector<16xf32>,
          %mul3A_2285 = arith.mulf %gather3A_2021, %get3A_2284 : vector<16xf32>
          %add3A_2286 = arith.addf %add3A_2279, %mul3A_2285 : vector<16xf32>
          %add3A_2287 = arith.constant 3 : i32
          %add3A_2288 = arith.addi %mul3A_2029, %add3A_2287 : i32
          %get3A_2289 = arith.index_cast %add3A_2288 : i32 to index
          %get3A_2290 = arith.constant 128 : index
          %get3A_2291 = tpu.vector_load %arg7[%get3A_2289, %get3A_2290] {strides = array<i32>} : memref<96x512xf32, #tpu.memory_space<vmem>>, vector<16xf32>,
          %mul3A_2292 = arith.mulf %gather3A_2025, %get3A_2291 : vector<16xf32>
          %add3A_2293 = arith.addf %add3A_2286, %mul3A_2292 : vector<16xf32>
          %sub3A_2294 = arith.constant 0 : i32
          %sub3A_2295 = arith.subi %scan3A_2011, %sub3A_2294 : i32
          %swap3A_2296 = arith.index_cast %sub3A_2295 : i32 to index
          %swap3A_2297 = arith.constant 128 : index
          %swap3A_2298 = tpu.vector_load %arg9[%swap3A_2296, %swap3A_2297] {strides = array<i32>} : memref<25x512xf32, #tpu.memory_space<vmem>>, vector<16xf32>,
          tpu.vector_store %arg9[%swap3A_2296, %swap3A_2297], %add3A_2293 {strides = array<i32>} : memref<25x512xf32, #tpu.memory_space<vmem>>, vector<16xf32>,
          %get3A_2299 = arith.index_cast %mul3A_2029 : i32 to index
          %get3A_2300 = arith.constant 144 : index
          %get3A_2301 = tpu.vector_load %arg7[%get3A_2299, %get3A_2300] {strides = array<i32>} : memref<96x512xf32, #tpu.memory_space<vmem>>, vector<16xf32>,
          %mul3A_2302 = arith.mulf %gather3A_2013, %get3A_2301 : vector<16xf32>
          %add3A_2303 = arith.constant 1 : i32
          %add3A_2304 = arith.addi %mul3A_2029, %add3A_2303 : i32
          %get3A_2305 = arith.index_cast %add3A_2304 : i32 to index
          %get3A_2306 = arith.constant 144 : index
          %get3A_2307 = tpu.vector_load %arg7[%get3A_2305, %get3A_2306] {strides = array<i32>} : memref<96x512xf32, #tpu.memory_space<vmem>>, vector<16xf32>,
          %mul3A_2308 = arith.mulf %gather3A_2017, %get3A_2307 : vector<16xf32>
          %add3A_2309 = arith.addf %mul3A_2302, %mul3A_2308 : vector<16xf32>
          %add3A_2310 = arith.constant 2 : i32
          %add3A_2311 = arith.addi %mul3A_2029, %add3A_2310 : i32
          %get3A_2312 = arith.index_cast %add3A_2311 : i32 to index
          %get3A_2313 = arith.constant 144 : index
          %get3A_2314 = tpu.vector_load %arg7[%get3A_2312, %get3A_2313] {strides = array<i32>} : memref<96x512xf32, #tpu.memory_space<vmem>>, vector<16xf32>,
          %mul3A_2315 = arith.mulf %gather3A_2021, %get3A_2314 : vector<16xf32>
          %add3A_2316 = arith.addf %add3A_2309, %mul3A_2315 : vector<16xf32>
          %add3A_2317 = arith.constant 3 : i32
          %add3A_2318 = arith.addi %mul3A_2029, %add3A_2317 : i32
          %get3A_2319 = arith.index_cast %add3A_2318 : i32 to index
          %get3A_2320 = arith.constant 144 : index
          %get3A_2321 = tpu.vector_load %arg7[%get3A_2319, %get3A_2320] {strides = array<i32>} : memref<96x512xf32, #tpu.memory_space<vmem>>, vector<16xf32>,
          %mul3A_2322 = arith.mulf %gather3A_2025, %get3A_2321 : vector<16xf32>
          %add3A_2323 = arith.addf %add3A_2316, %mul3A_2322 : vector<16xf32>
          %sub3A_2324 = arith.constant 0 : i32
          %sub3A_2325 = arith.subi %scan3A_2011, %sub3A_2324 : i32
          %swap3A_2326 = arith.index_cast %sub3A_2325 : i32 to index
          %swap3A_2327 = arith.constant 144 : index
          %swap3A_2328 = tpu.vector_load %arg9[%swap3A_2326, %swap3A_2327] {strides = array<i32>} : memref<25x512xf32, #tpu.memory_space<vmem>>, vector<16xf32>,
          tpu.vector_store %arg9[%swap3A_2326, %swap3A_2327], %add3A_2323 {strides = array<i32>} : memref<25x512xf32, #tpu.memory_space<vmem>>, vector<16xf32>,
          %get3A_2329 = arith.index_cast %mul3A_2029 : i32 to index
          %get3A_2330 = arith.constant 160 : index
          %get3A_2331 = tpu.vector_load %arg7[%get3A_2329, %get3A_2330] {strides = array<i32>} : memref<96x512xf32, #tpu.memory_space<vmem>>, vector<16xf32>,
          %mul3A_2332 = arith.mulf %gather3A_2013, %get3A_2331 : vector<16xf32>
          %add3A_2333 = arith.constant 1 : i32
          %add3A_2334 = arith.addi %mul3A_2029, %add3A_2333 : i32
          %get3A_2335 = arith.index_cast %add3A_2334 : i32 to index
          %get3A_2336 = arith.constant 160 : index
          %get3A_2337 = tpu.vector_load %arg7[%get3A_2335, %get3A_2336] {strides = array<i32>} : memref<96x512xf32, #tpu.memory_space<vmem>>, vector<16xf32>,
          %mul3A_2338 = arith.mulf %gather3A_2017, %get3A_2337 : vector<16xf32>
          %add3A_2339 = arith.addf %mul3A_2332, %mul3A_2338 : vector<16xf32>
          %add3A_2340 = arith.constant 2 : i32
          %add3A_2341 = arith.addi %mul3A_2029, %add3A_2340 : i32
          %get3A_2342 = arith.index_cast %add3A_2341 : i32 to index
          %get3A_2343 = arith.constant 160 : index
          %get3A_2344 = tpu.vector_load %arg7[%get3A_2342, %get3A_2343] {strides = array<i32>} : memref<96x512xf32, #tpu.memory_space<vmem>>, vector<16xf32>,
          %mul3A_2345 = arith.mulf %gather3A_2021, %get3A_2344 : vector<16xf32>
          %add3A_2346 = arith.addf %add3A_2339, %mul3A_2345 : vector<16xf32>
          %add3A_2347 = arith.constant 3 : i32
          %add3A_2348 = arith.addi %mul3A_2029, %add3A_2347 : i32
          %get3A_2349 = arith.index_cast %add3A_2348 : i32 to index
          %get3A_2350 = arith.constant 160 : index
          %get3A_2351 = tpu.vector_load %arg7[%get3A_2349, %get3A_2350] {strides = array<i32>} : memref<96x512xf32, #tpu.memory_space<vmem>>, vector<16xf32>,
          %mul3A_2352 = arith.mulf %gather3A_2025, %get3A_2351 : vector<16xf32>
          %add3A_2353 = arith.addf %add3A_2346, %mul3A_2352 : vector<16xf32>
          %sub3A_2354 = arith.constant 0 : i32
          %sub3A_2355 = arith.subi %scan3A_2011, %sub3A_2354 : i32
          %swap3A_2356 = arith.index_cast %sub3A_2355 : i32 to index
          %swap3A_2357 = arith.constant 160 : index
          %swap3A_2358 = tpu.vector_load %arg9[%swap3A_2356, %swap3A_2357] {strides = array<i32>} : memref<25x512xf32, #tpu.memory_space<vmem>>, vector<16xf32>,
          tpu.vector_store %arg9[%swap3A_2356, %swap3A_2357], %add3A_2353 {strides = array<i32>} : memref<25x512xf32, #tpu.memory_space<vmem>>, vector<16xf32>,
          %get3A_2359 = arith.index_cast %mul3A_2029 : i32 to index
          %get3A_2360 = arith.constant 176 : index
          %get3A_2361 = tpu.vector_load %arg7[%get3A_2359, %get3A_2360] {strides = array<i32>} : memref<96x512xf32, #tpu.memory_space<vmem>>, vector<16xf32>,
          %mul3A_2362 = arith.mulf %gather3A_2013, %get3A_2361 : vector<16xf32>
          %add3A_2363 = arith.constant 1 : i32
          %add3A_2364 = arith.addi %mul3A_2029, %add3A_2363 : i32
          %get3A_2365 = arith.index_cast %add3A_2364 : i32 to index
          %get3A_2366 = arith.constant 176 : index
          %get3A_2367 = tpu.vector_load %arg7[%get3A_2365, %get3A_2366] {strides = array<i32>} : memref<96x512xf32, #tpu.memory_space<vmem>>, vector<16xf32>,
          %mul3A_2368 = arith.mulf %gather3A_2017, %get3A_2367 : vector<16xf32>
          %add3A_2369 = arith.addf %mul3A_2362, %mul3A_2368 : vector<16xf32>
          %add3A_2370 = arith.constant 2 : i32
          %add3A_2371 = arith.addi %mul3A_2029, %add3A_2370 : i32
          %get3A_2372 = arith.index_cast %add3A_2371 : i32 to index
          %get3A_2373 = arith.constant 176 : index
          %get3A_2374 = tpu.vector_load %arg7[%get3A_2372, %get3A_2373] {strides = array<i32>} : memref<96x512xf32, #tpu.memory_space<vmem>>, vector<16xf32>,
          %mul3A_2375 = arith.mulf %gather3A_2021, %get3A_2374 : vector<16xf32>
          %add3A_2376 = arith.addf %add3A_2369, %mul3A_2375 : vector<16xf32>
          %add3A_2377 = arith.constant 3 : i32
          %add3A_2378 = arith.addi %mul3A_2029, %add3A_2377 : i32
          %get3A_2379 = arith.index_cast %add3A_2378 : i32 to index
          %get3A_2380 = arith.constant 176 : index
          %get3A_2381 = tpu.vector_load %arg7[%get3A_2379, %get3A_2380] {strides = array<i32>} : memref<96x512xf32, #tpu.memory_space<vmem>>, vector<16xf32>,
          %mul3A_2382 = arith.mulf %gather3A_2025, %get3A_2381 : vector<16xf32>
          %add3A_2383 = arith.addf %add3A_2376, %mul3A_2382 : vector<16xf32>
          %sub3A_2384 = arith.constant 0 : i32
          %sub3A_2385 = arith.subi %scan3A_2011, %sub3A_2384 : i32
          %swap3A_2386 = arith.index_cast %sub3A_2385 : i32 to index
          %swap3A_2387 = arith.constant 176 : index
          %swap3A_2388 = tpu.vector_load %arg9[%swap3A_2386, %swap3A_2387] {strides = array<i32>} : memref<25x512xf32, #tpu.memory_space<vmem>>, vector<16xf32>,
          tpu.vector_store %arg9[%swap3A_2386, %swap3A_2387], %add3A_2383 {strides = array<i32>} : memref<25x512xf32, #tpu.memory_space<vmem>>, vector<16xf32>,
          %get3A_2389 = arith.index_cast %mul3A_2029 : i32 to index
          %get3A_2390 = arith.constant 192 : index
          %get3A_2391 = tpu.vector_load %arg7[%get3A_2389, %get3A_2390] {strides = array<i32>} : memref<96x512xf32, #tpu.memory_space<vmem>>, vector<16xf32>,
          %mul3A_2392 = arith.mulf %gather3A_2013, %get3A_2391 : vector<16xf32>
          %add3A_2393 = arith.constant 1 : i32
          %add3A_2394 = arith.addi %mul3A_2029, %add3A_2393 : i32
          %get3A_2395 = arith.index_cast %add3A_2394 : i32 to index
          %get3A_2396 = arith.constant 192 : index
          %get3A_2397 = tpu.vector_load %arg7[%get3A_2395, %get3A_2396] {strides = array<i32>} : memref<96x512xf32, #tpu.memory_space<vmem>>, vector<16xf32>,
          %mul3A_2398 = arith.mulf %gather3A_2017, %get3A_2397 : vector<16xf32>
          %add3A_2399 = arith.addf %mul3A_2392, %mul3A_2398 : vector<16xf32>
          %add3A_2400 = arith.constant 2 : i32
          %add3A_2401 = arith.addi %mul3A_2029, %add3A_2400 : i32
          %get3A_2402 = arith.index_cast %add3A_2401 : i32 to index
          %get3A_2403 = arith.constant 192 : index
          %get3A_2404 = tpu.vector_load %arg7[%get3A_2402, %get3A_2403] {strides = array<i32>} : memref<96x512xf32, #tpu.memory_space<vmem>>, vector<16xf32>,
          %mul3A_2405 = arith.mulf %gather3A_2021, %get3A_2404 : vector<16xf32>
          %add3A_2406 = arith.addf %add3A_2399, %mul3A_2405 : vector<16xf32>
          %add3A_2407 = arith.constant 3 : i32
          %add3A_2408 = arith.addi %mul3A_2029, %add3A_2407 : i32
          %get3A_2409 = arith.index_cast %add3A_2408 : i32 to index
          %get3A_2410 = arith.constant 192 : index
          %get3A_2411 = tpu.vector_load %arg7[%get3A_2409, %get3A_2410] {strides = array<i32>} : memref<96x512xf32, #tpu.memory_space<vmem>>, vector<16xf32>,
          %mul3A_2412 = arith.mulf %gather3A_2025, %get3A_2411 : vector<16xf32>
          %add3A_2413 = arith.addf %add3A_2406, %mul3A_2412 : vector<16xf32>
          %sub3A_2414 = arith.constant 0 : i32
          %sub3A_2415 = arith.subi %scan3A_2011, %sub3A_2414 : i32
          %swap3A_2416 = arith.index_cast %sub3A_2415 : i32 to index
          %swap3A_2417 = arith.constant 192 : index
          %swap3A_2418 = tpu.vector_load %arg9[%swap3A_2416, %swap3A_2417] {strides = array<i32>} : memref<25x512xf32, #tpu.memory_space<vmem>>, vector<16xf32>,
          tpu.vector_store %arg9[%swap3A_2416, %swap3A_2417], %add3A_2413 {strides = array<i32>} : memref<25x512xf32, #tpu.memory_space<vmem>>, vector<16xf32>,
          %get3A_2419 = arith.index_cast %mul3A_2029 : i32 to index
          %get3A_2420 = arith.constant 208 : index
          %get3A_2421 = tpu.vector_load %arg7[%get3A_2419, %get3A_2420] {strides = array<i32>} : memref<96x512xf32, #tpu.memory_space<vmem>>, vector<16xf32>,
          %mul3A_2422 = arith.mulf %gather3A_2013, %get3A_2421 : vector<16xf32>
          %add3A_2423 = arith.constant 1 : i32
          %add3A_2424 = arith.addi %mul3A_2029, %add3A_2423 : i32
          %get3A_2425 = arith.index_cast %add3A_2424 : i32 to index
          %get3A_2426 = arith.constant 208 : index
          %get3A_2427 = tpu.vector_load %arg7[%get3A_2425, %get3A_2426] {strides = array<i32>} : memref<96x512xf32, #tpu.memory_space<vmem>>, vector<16xf32>,
          %mul3A_2428 = arith.mulf %gather3A_2017, %get3A_2427 : vector<16xf32>
          %add3A_2429 = arith.addf %mul3A_2422, %mul3A_2428 : vector<16xf32>
          %add3A_2430 = arith.constant 2 : i32
          %add3A_2431 = arith.addi %mul3A_2029, %add3A_2430 : i32
          %get3A_2432 = arith.index_cast %add3A_2431 : i32 to index
          %get3A_2433 = arith.constant 208 : index
          %get3A_2434 = tpu.vector_load %arg7[%get3A_2432, %get3A_2433] {strides = array<i32>} : memref<96x512xf32, #tpu.memory_space<vmem>>, vector<16xf32>,
          %mul3A_2435 = arith.mulf %gather3A_2021, %get3A_2434 : vector<16xf32>
          %add3A_2436 = arith.addf %add3A_2429, %mul3A_2435 : vector<16xf32>
          %add3A_2437 = arith.constant 3 : i32
          %add3A_2438 = arith.addi %mul3A_2029, %add3A_2437 : i32
          %get3A_2439 = arith.index_cast %add3A_2438 : i32 to index
          %get3A_2440 = arith.constant 208 : index
          %get3A_2441 = tpu.vector_load %arg7[%get3A_2439, %get3A_2440] {strides = array<i32>} : memref<96x512xf32, #tpu.memory_space<vmem>>, vector<16xf32>,
          %mul3A_2442 = arith.mulf %gather3A_2025, %get3A_2441 : vector<16xf32>
          %add3A_2443 = arith.addf %add3A_2436, %mul3A_2442 : vector<16xf32>
          %sub3A_2444 = arith.constant 0 : i32
          %sub3A_2445 = arith.subi %scan3A_2011, %sub3A_2444 : i32
          %swap3A_2446 = arith.index_cast %sub3A_2445 : i32 to index
          %swap3A_2447 = arith.constant 208 : index
          %swap3A_2448 = tpu.vector_load %arg9[%swap3A_2446, %swap3A_2447] {strides = array<i32>} : memref<25x512xf32, #tpu.memory_space<vmem>>, vector<16xf32>,
          tpu.vector_store %arg9[%swap3A_2446, %swap3A_2447], %add3A_2443 {strides = array<i32>} : memref<25x512xf32, #tpu.memory_space<vmem>>, vector<16xf32>,
          %get3A_2449 = arith.index_cast %mul3A_2029 : i32 to index
          %get3A_2450 = arith.constant 224 : index
          %get3A_2451 = tpu.vector_load %arg7[%get3A_2449, %get3A_2450] {strides = array<i32>} : memref<96x512xf32, #tpu.memory_space<vmem>>, vector<16xf32>,
          %mul3A_2452 = arith.mulf %gather3A_2013, %get3A_2451 : vector<16xf32>
          %add3A_2453 = arith.constant 1 : i32
          %add3A_2454 = arith.addi %mul3A_2029, %add3A_2453 : i32
          %get3A_2455 = arith.index_cast %add3A_2454 : i32 to index
          %get3A_2456 = arith.constant 224 : index
          %get3A_2457 = tpu.vector_load %arg7[%get3A_2455, %get3A_2456] {strides = array<i32>} : memref<96x512xf32, #tpu.memory_space<vmem>>, vector<16xf32>,
          %mul3A_2458 = arith.mulf %gather3A_2017, %get3A_2457 : vector<16xf32>
          %add3A_2459 = arith.addf %mul3A_2452, %mul3A_2458 : vector<16xf32>
          %add3A_2460 = arith.constant 2 : i32
          %add3A_2461 = arith.addi %mul3A_2029, %add3A_2460 : i32
          %get3A_2462 = arith.index_cast %add3A_2461 : i32 to index
          %get3A_2463 = arith.constant 224 : index
          %get3A_2464 = tpu.vector_load %arg7[%get3A_2462, %get3A_2463] {strides = array<i32>} : memref<96x512xf32, #tpu.memory_space<vmem>>, vector<16xf32>,
          %mul3A_2465 = arith.mulf %gather3A_2021, %get3A_2464 : vector<16xf32>
          %add3A_2466 = arith.addf %add3A_2459, %mul3A_2465 : vector<16xf32>
          %add3A_2467 = arith.constant 3 : i32
          %add3A_2468 = arith.addi %mul3A_2029, %add3A_2467 : i32
          %get3A_2469 = arith.index_cast %add3A_2468 : i32 to index
          %get3A_2470 = arith.constant 224 : index
          %get3A_2471 = tpu.vector_load %arg7[%get3A_2469, %get3A_2470] {strides = array<i32>} : memref<96x512xf32, #tpu.memory_space<vmem>>, vector<16xf32>,
          %mul3A_2472 = arith.mulf %gather3A_2025, %get3A_2471 : vector<16xf32>
          %add3A_2473 = arith.addf %add3A_2466, %mul3A_2472 : vector<16xf32>
          %sub3A_2474 = arith.constant 0 : i32
          %sub3A_2475 = arith.subi %scan3A_2011, %sub3A_2474 : i32
          %swap3A_2476 = arith.index_cast %sub3A_2475 : i32 to index
          %swap3A_2477 = arith.constant 224 : index
          %swap3A_2478 = tpu.vector_load %arg9[%swap3A_2476, %swap3A_2477] {strides = array<i32>} : memref<25x512xf32, #tpu.memory_space<vmem>>, vector<16xf32>,
          tpu.vector_store %arg9[%swap3A_2476, %swap3A_2477], %add3A_2473 {strides = array<i32>} : memref<25x512xf32, #tpu.memory_space<vmem>>, vector<16xf32>,
          %get3A_2479 = arith.index_cast %mul3A_2029 : i32 to index
          %get3A_2480 = arith.constant 240 : index
          %get3A_2481 = tpu.vector_load %arg7[%get3A_2479, %get3A_2480] {strides = array<i32>} : memref<96x512xf32, #tpu.memory_space<vmem>>, vector<16xf32>,
          %mul3A_2482 = arith.mulf %gather3A_2013, %get3A_2481 : vector<16xf32>
          %add3A_2483 = arith.constant 1 : i32
          %add3A_2484 = arith.addi %mul3A_2029, %add3A_2483 : i32
          %get3A_2485 = arith.index_cast %add3A_2484 : i32 to index
          %get3A_2486 = arith.constant 240 : index
          %get3A_2487 = tpu.vector_load %arg7[%get3A_2485, %get3A_2486] {strides = array<i32>} : memref<96x512xf32, #tpu.memory_space<vmem>>, vector<16xf32>,
          %mul3A_2488 = arith.mulf %gather3A_2017, %get3A_2487 : vector<16xf32>
          %add3A_2489 = arith.addf %mul3A_2482, %mul3A_2488 : vector<16xf32>
          %add3A_2490 = arith.constant 2 : i32
          %add3A_2491 = arith.addi %mul3A_2029, %add3A_2490 : i32
          %get3A_2492 = arith.index_cast %add3A_2491 : i32 to index
          %get3A_2493 = arith.constant 240 : index
          %get3A_2494 = tpu.vector_load %arg7[%get3A_2492, %get3A_2493] {strides = array<i32>} : memref<96x512xf32, #tpu.memory_space<vmem>>, vector<16xf32>,
          %mul3A_2495 = arith.mulf %gather3A_2021, %get3A_2494 : vector<16xf32>
          %add3A_2496 = arith.addf %add3A_2489, %mul3A_2495 : vector<16xf32>
          %add3A_2497 = arith.constant 3 : i32
          %add3A_2498 = arith.addi %mul3A_2029, %add3A_2497 : i32
          %get3A_2499 = arith.index_cast %add3A_2498 : i32 to index
          %get3A_2500 = arith.constant 240 : index
          %get3A_2501 = tpu.vector_load %arg7[%get3A_2499, %get3A_2500] {strides = array<i32>} : memref<96x512xf32, #tpu.memory_space<vmem>>, vector<16xf32>,
          %mul3A_2502 = arith.mulf %gather3A_2025, %get3A_2501 : vector<16xf32>
          %add3A_2503 = arith.addf %add3A_2496, %mul3A_2502 : vector<16xf32>
          %sub3A_2504 = arith.constant 0 : i32
          %sub3A_2505 = arith.subi %scan3A_2011, %sub3A_2504 : i32
          %swap3A_2506 = arith.index_cast %sub3A_2505 : i32 to index
          %swap3A_2507 = arith.constant 240 : index
          %swap3A_2508 = tpu.vector_load %arg9[%swap3A_2506, %swap3A_2507] {strides = array<i32>} : memref<25x512xf32, #tpu.memory_space<vmem>>, vector<16xf32>,
          tpu.vector_store %arg9[%swap3A_2506, %swap3A_2507], %add3A_2503 {strides = array<i32>} : memref<25x512xf32, #tpu.memory_space<vmem>>, vector<16xf32>,
          %get3A_2509 = arith.index_cast %mul3A_2029 : i32 to index
          %get3A_2510 = arith.constant 256 : index
          %get3A_2511 = tpu.vector_load %arg7[%get3A_2509, %get3A_2510] {strides = array<i32>} : memref<96x512xf32, #tpu.memory_space<vmem>>, vector<16xf32>,
          %mul3A_2512 = arith.mulf %gather3A_2013, %get3A_2511 : vector<16xf32>
          %add3A_2513 = arith.constant 1 : i32
          %add3A_2514 = arith.addi %mul3A_2029, %add3A_2513 : i32
          %get3A_2515 = arith.index_cast %add3A_2514 : i32 to index
          %get3A_2516 = arith.constant 256 : index
          %get3A_2517 = tpu.vector_load %arg7[%get3A_2515, %get3A_2516] {strides = array<i32>} : memref<96x512xf32, #tpu.memory_space<vmem>>, vector<16xf32>,
          %mul3A_2518 = arith.mulf %gather3A_2017, %get3A_2517 : vector<16xf32>
          %add3A_2519 = arith.addf %mul3A_2512, %mul3A_2518 : vector<16xf32>
          %add3A_2520 = arith.constant 2 : i32
          %add3A_2521 = arith.addi %mul3A_2029, %add3A_2520 : i32
          %get3A_2522 = arith.index_cast %add3A_2521 : i32 to index
          %get3A_2523 = arith.constant 256 : index
          %get3A_2524 = tpu.vector_load %arg7[%get3A_2522, %get3A_2523] {strides = array<i32>} : memref<96x512xf32, #tpu.memory_space<vmem>>, vector<16xf32>,
          %mul3A_2525 = arith.mulf %gather3A_2021, %get3A_2524 : vector<16xf32>
          %add3A_2526 = arith.addf %add3A_2519, %mul3A_2525 : vector<16xf32>
          %add3A_2527 = arith.constant 3 : i32
          %add3A_2528 = arith.addi %mul3A_2029, %add3A_2527 : i32
          %get3A_2529 = arith.index_cast %add3A_2528 : i32 to index
          %get3A_2530 = arith.constant 256 : index
          %get3A_2531 = tpu.vector_load %arg7[%get3A_2529, %get3A_2530] {strides = array<i32>} : memref<96x512xf32, #tpu.memory_space<vmem>>, vector<16xf32>,
          %mul3A_2532 = arith.mulf %gather3A_2025, %get3A_2531 : vector<16xf32>
          %add3A_2533 = arith.addf %add3A_2526, %mul3A_2532 : vector<16xf32>
          %sub3A_2534 = arith.constant 0 : i32
          %sub3A_2535 = arith.subi %scan3A_2011, %sub3A_2534 : i32
          %swap3A_2536 = arith.index_cast %sub3A_2535 : i32 to index
          %swap3A_2537 = arith.constant 256 : index
          %swap3A_2538 = tpu.vector_load %arg9[%swap3A_2536, %swap3A_2537] {strides = array<i32>} : memref<25x512xf32, #tpu.memory_space<vmem>>, vector<16xf32>,
          tpu.vector_store %arg9[%swap3A_2536, %swap3A_2537], %add3A_2533 {strides = array<i32>} : memref<25x512xf32, #tpu.memory_space<vmem>>, vector<16xf32>,
          %get3A_2539 = arith.index_cast %mul3A_2029 : i32 to index
          %get3A_2540 = arith.constant 272 : index
          %get3A_2541 = tpu.vector_load %arg7[%get3A_2539, %get3A_2540] {strides = array<i32>} : memref<96x512xf32, #tpu.memory_space<vmem>>, vector<16xf32>,
          %mul3A_2542 = arith.mulf %gather3A_2013, %get3A_2541 : vector<16xf32>
          %add3A_2543 = arith.constant 1 : i32
          %add3A_2544 = arith.addi %mul3A_2029, %add3A_2543 : i32
          %get3A_2545 = arith.index_cast %add3A_2544 : i32 to index
          %get3A_2546 = arith.constant 272 : index
          %get3A_2547 = tpu.vector_load %arg7[%get3A_2545, %get3A_2546] {strides = array<i32>} : memref<96x512xf32, #tpu.memory_space<vmem>>, vector<16xf32>,
          %mul3A_2548 = arith.mulf %gather3A_2017, %get3A_2547 : vector<16xf32>
          %add3A_2549 = arith.addf %mul3A_2542, %mul3A_2548 : vector<16xf32>
          %add3A_2550 = arith.constant 2 : i32
          %add3A_2551 = arith.addi %mul3A_2029, %add3A_2550 : i32
          %get3A_2552 = arith.index_cast %add3A_2551 : i32 to index
          %get3A_2553 = arith.constant 272 : index
          %get3A_2554 = tpu.vector_load %arg7[%get3A_2552, %get3A_2553] {strides = array<i32>} : memref<96x512xf32, #tpu.memory_space<vmem>>, vector<16xf32>,
          %mul3A_2555 = arith.mulf %gather3A_2021, %get3A_2554 : vector<16xf32>
          %add3A_2556 = arith.addf %add3A_2549, %mul3A_2555 : vector<16xf32>
          %add3A_2557 = arith.constant 3 : i32
          %add3A_2558 = arith.addi %mul3A_2029, %add3A_2557 : i32
          %get3A_2559 = arith.index_cast %add3A_2558 : i32 to index
          %get3A_2560 = arith.constant 272 : index
          %get3A_2561 = tpu.vector_load %arg7[%get3A_2559, %get3A_2560] {strides = array<i32>} : memref<96x512xf32, #tpu.memory_space<vmem>>, vector<16xf32>,
          %mul3A_2562 = arith.mulf %gather3A_2025, %get3A_2561 : vector<16xf32>
          %add3A_2563 = arith.addf %add3A_2556, %mul3A_2562 : vector<16xf32>
          %sub3A_2564 = arith.constant 0 : i32
          %sub3A_2565 = arith.subi %scan3A_2011, %sub3A_2564 : i32
          %swap3A_2566 = arith.index_cast %sub3A_2565 : i32 to index
          %swap3A_2567 = arith.constant 272 : index
          %swap3A_2568 = tpu.vector_load %arg9[%swap3A_2566, %swap3A_2567] {strides = array<i32>} : memref<25x512xf32, #tpu.memory_space<vmem>>, vector<16xf32>,
          tpu.vector_store %arg9[%swap3A_2566, %swap3A_2567], %add3A_2563 {strides = array<i32>} : memref<25x512xf32, #tpu.memory_space<vmem>>, vector<16xf32>,
          %get3A_2569 = arith.index_cast %mul3A_2029 : i32 to index
          %get3A_2570 = arith.constant 288 : index
          %get3A_2571 = tpu.vector_load %arg7[%get3A_2569, %get3A_2570] {strides = array<i32>} : memref<96x512xf32, #tpu.memory_space<vmem>>, vector<16xf32>,
          %mul3A_2572 = arith.mulf %gather3A_2013, %get3A_2571 : vector<16xf32>
          %add3A_2573 = arith.constant 1 : i32
          %add3A_2574 = arith.addi %mul3A_2029, %add3A_2573 : i32
          %get3A_2575 = arith.index_cast %add3A_2574 : i32 to index
          %get3A_2576 = arith.constant 288 : index
          %get3A_2577 = tpu.vector_load %arg7[%get3A_2575, %get3A_2576] {strides = array<i32>} : memref<96x512xf32, #tpu.memory_space<vmem>>, vector<16xf32>,
          %mul3A_2578 = arith.mulf %gather3A_2017, %get3A_2577 : vector<16xf32>
          %add3A_2579 = arith.addf %mul3A_2572, %mul3A_2578 : vector<16xf32>
          %add3A_2580 = arith.constant 2 : i32
          %add3A_2581 = arith.addi %mul3A_2029, %add3A_2580 : i32
          %get3A_2582 = arith.index_cast %add3A_2581 : i32 to index
          %get3A_2583 = arith.constant 288 : index
          %get3A_2584 = tpu.vector_load %arg7[%get3A_2582, %get3A_2583] {strides = array<i32>} : memref<96x512xf32, #tpu.memory_space<vmem>>, vector<16xf32>,
          %mul3A_2585 = arith.mulf %gather3A_2021, %get3A_2584 : vector<16xf32>
          %add3A_2586 = arith.addf %add3A_2579, %mul3A_2585 : vector<16xf32>
          %add3A_2587 = arith.constant 3 : i32
          %add3A_2588 = arith.addi %mul3A_2029, %add3A_2587 : i32
          %get3A_2589 = arith.index_cast %add3A_2588 : i32 to index
          %get3A_2590 = arith.constant 288 : index
          %get3A_2591 = tpu.vector_load %arg7[%get3A_2589, %get3A_2590] {strides = array<i32>} : memref<96x512xf32, #tpu.memory_space<vmem>>, vector<16xf32>,
          %mul3A_2592 = arith.mulf %gather3A_2025, %get3A_2591 : vector<16xf32>
          %add3A_2593 = arith.addf %add3A_2586, %mul3A_2592 : vector<16xf32>
          %sub3A_2594 = arith.constant 0 : i32
          %sub3A_2595 = arith.subi %scan3A_2011, %sub3A_2594 : i32
          %swap3A_2596 = arith.index_cast %sub3A_2595 : i32 to index
          %swap3A_2597 = arith.constant 288 : index
          %swap3A_2598 = tpu.vector_load %arg9[%swap3A_2596, %swap3A_2597] {strides = array<i32>} : memref<25x512xf32, #tpu.memory_space<vmem>>, vector<16xf32>,
          tpu.vector_store %arg9[%swap3A_2596, %swap3A_2597], %add3A_2593 {strides = array<i32>} : memref<25x512xf32, #tpu.memory_space<vmem>>, vector<16xf32>,
          %get3A_2599 = arith.index_cast %mul3A_2029 : i32 to index
          %get3A_2600 = arith.constant 304 : index
          %get3A_2601 = tpu.vector_load %arg7[%get3A_2599, %get3A_2600] {strides = array<i32>} : memref<96x512xf32, #tpu.memory_space<vmem>>, vector<16xf32>,
          %mul3A_2602 = arith.mulf %gather3A_2013, %get3A_2601 : vector<16xf32>
          %add3A_2603 = arith.constant 1 : i32
          %add3A_2604 = arith.addi %mul3A_2029, %add3A_2603 : i32
          %get3A_2605 = arith.index_cast %add3A_2604 : i32 to index
          %get3A_2606 = arith.constant 304 : index
          %get3A_2607 = tpu.vector_load %arg7[%get3A_2605, %get3A_2606] {strides = array<i32>} : memref<96x512xf32, #tpu.memory_space<vmem>>, vector<16xf32>,
          %mul3A_2608 = arith.mulf %gather3A_2017, %get3A_2607 : vector<16xf32>
          %add3A_2609 = arith.addf %mul3A_2602, %mul3A_2608 : vector<16xf32>
          %add3A_2610 = arith.constant 2 : i32
          %add3A_2611 = arith.addi %mul3A_2029, %add3A_2610 : i32
          %get3A_2612 = arith.index_cast %add3A_2611 : i32 to index
          %get3A_2613 = arith.constant 304 : index
          %get3A_2614 = tpu.vector_load %arg7[%get3A_2612, %get3A_2613] {strides = array<i32>} : memref<96x512xf32, #tpu.memory_space<vmem>>, vector<16xf32>,
          %mul3A_2615 = arith.mulf %gather3A_2021, %get3A_2614 : vector<16xf32>
          %add3A_2616 = arith.addf %add3A_2609, %mul3A_2615 : vector<16xf32>
          %add3A_2617 = arith.constant 3 : i32
          %add3A_2618 = arith.addi %mul3A_2029, %add3A_2617 : i32
          %get3A_2619 = arith.index_cast %add3A_2618 : i32 to index
          %get3A_2620 = arith.constant 304 : index
          %get3A_2621 = tpu.vector_load %arg7[%get3A_2619, %get3A_2620] {strides = array<i32>} : memref<96x512xf32, #tpu.memory_space<vmem>>, vector<16xf32>,
          %mul3A_2622 = arith.mulf %gather3A_2025, %get3A_2621 : vector<16xf32>
          %add3A_2623 = arith.addf %add3A_2616, %mul3A_2622 : vector<16xf32>
          %sub3A_2624 = arith.constant 0 : i32
          %sub3A_2625 = arith.subi %scan3A_2011, %sub3A_2624 : i32
          %swap3A_2626 = arith.index_cast %sub3A_2625 : i32 to index
          %swap3A_2627 = arith.constant 304 : index
          %swap3A_2628 = tpu.vector_load %arg9[%swap3A_2626, %swap3A_2627] {strides = array<i32>} : memref<25x512xf32, #tpu.memory_space<vmem>>, vector<16xf32>,
          tpu.vector_store %arg9[%swap3A_2626, %swap3A_2627], %add3A_2623 {strides = array<i32>} : memref<25x512xf32, #tpu.memory_space<vmem>>, vector<16xf32>,
          %get3A_2629 = arith.index_cast %mul3A_2029 : i32 to index
          %get3A_2630 = arith.constant 320 : index
          %get3A_2631 = tpu.vector_load %arg7[%get3A_2629, %get3A_2630] {strides = array<i32>} : memref<96x512xf32, #tpu.memory_space<vmem>>, vector<16xf32>,
          %mul3A_2632 = arith.mulf %gather3A_2013, %get3A_2631 : vector<16xf32>
          %add3A_2633 = arith.constant 1 : i32
          %add3A_2634 = arith.addi %mul3A_2029, %add3A_2633 : i32
          %get3A_2635 = arith.index_cast %add3A_2634 : i32 to index
          %get3A_2636 = arith.constant 320 : index
          %get3A_2637 = tpu.vector_load %arg7[%get3A_2635, %get3A_2636] {strides = array<i32>} : memref<96x512xf32, #tpu.memory_space<vmem>>, vector<16xf32>,
          %mul3A_2638 = arith.mulf %gather3A_2017, %get3A_2637 : vector<16xf32>
          %add3A_2639 = arith.addf %mul3A_2632, %mul3A_2638 : vector<16xf32>
          %add3A_2640 = arith.constant 2 : i32
          %add3A_2641 = arith.addi %mul3A_2029, %add3A_2640 : i32
          %get3A_2642 = arith.index_cast %add3A_2641 : i32 to index
          %get3A_2643 = arith.constant 320 : index
          %get3A_2644 = tpu.vector_load %arg7[%get3A_2642, %get3A_2643] {strides = array<i32>} : memref<96x512xf32, #tpu.memory_space<vmem>>, vector<16xf32>,
          %mul3A_2645 = arith.mulf %gather3A_2021, %get3A_2644 : vector<16xf32>
          %add3A_2646 = arith.addf %add3A_2639, %mul3A_2645 : vector<16xf32>
          %add3A_2647 = arith.constant 3 : i32
          %add3A_2648 = arith.addi %mul3A_2029, %add3A_2647 : i32
          %get3A_2649 = arith.index_cast %add3A_2648 : i32 to index
          %get3A_2650 = arith.constant 320 : index
          %get3A_2651 = tpu.vector_load %arg7[%get3A_2649, %get3A_2650] {strides = array<i32>} : memref<96x512xf32, #tpu.memory_space<vmem>>, vector<16xf32>,
          %mul3A_2652 = arith.mulf %gather3A_2025, %get3A_2651 : vector<16xf32>
          %add3A_2653 = arith.addf %add3A_2646, %mul3A_2652 : vector<16xf32>
          %sub3A_2654 = arith.constant 0 : i32
          %sub3A_2655 = arith.subi %scan3A_2011, %sub3A_2654 : i32
          %swap3A_2656 = arith.index_cast %sub3A_2655 : i32 to index
          %swap3A_2657 = arith.constant 320 : index
          %swap3A_2658 = tpu.vector_load %arg9[%swap3A_2656, %swap3A_2657] {strides = array<i32>} : memref<25x512xf32, #tpu.memory_space<vmem>>, vector<16xf32>,
          tpu.vector_store %arg9[%swap3A_2656, %swap3A_2657], %add3A_2653 {strides = array<i32>} : memref<25x512xf32, #tpu.memory_space<vmem>>, vector<16xf32>,
          %get3A_2659 = arith.index_cast %mul3A_2029 : i32 to index
          %get3A_2660 = arith.constant 336 : index
          %get3A_2661 = tpu.vector_load %arg7[%get3A_2659, %get3A_2660] {strides = array<i32>} : memref<96x512xf32, #tpu.memory_space<vmem>>, vector<16xf32>,
          %mul3A_2662 = arith.mulf %gather3A_2013, %get3A_2661 : vector<16xf32>
          %add3A_2663 = arith.constant 1 : i32
          %add3A_2664 = arith.addi %mul3A_2029, %add3A_2663 : i32
          %get3A_2665 = arith.index_cast %add3A_2664 : i32 to index
          %get3A_2666 = arith.constant 336 : index
          %get3A_2667 = tpu.vector_load %arg7[%get3A_2665, %get3A_2666] {strides = array<i32>} : memref<96x512xf32, #tpu.memory_space<vmem>>, vector<16xf32>,
          %mul3A_2668 = arith.mulf %gather3A_2017, %get3A_2667 : vector<16xf32>
          %add3A_2669 = arith.addf %mul3A_2662, %mul3A_2668 : vector<16xf32>
          %add3A_2670 = arith.constant 2 : i32
          %add3A_2671 = arith.addi %mul3A_2029, %add3A_2670 : i32
          %get3A_2672 = arith.index_cast %add3A_2671 : i32 to index
          %get3A_2673 = arith.constant 336 : index
          %get3A_2674 = tpu.vector_load %arg7[%get3A_2672, %get3A_2673] {strides = array<i32>} : memref<96x512xf32, #tpu.memory_space<vmem>>, vector<16xf32>,
          %mul3A_2675 = arith.mulf %gather3A_2021, %get3A_2674 : vector<16xf32>
          %add3A_2676 = arith.addf %add3A_2669, %mul3A_2675 : vector<16xf32>
          %add3A_2677 = arith.constant 3 : i32
          %add3A_2678 = arith.addi %mul3A_2029, %add3A_2677 : i32
          %get3A_2679 = arith.index_cast %add3A_2678 : i32 to index
          %get3A_2680 = arith.constant 336 : index
          %get3A_2681 = tpu.vector_load %arg7[%get3A_2679, %get3A_2680] {strides = array<i32>} : memref<96x512xf32, #tpu.memory_space<vmem>>, vector<16xf32>,
          %mul3A_2682 = arith.mulf %gather3A_2025, %get3A_2681 : vector<16xf32>
          %add3A_2683 = arith.addf %add3A_2676, %mul3A_2682 : vector<16xf32>
          %sub3A_2684 = arith.constant 0 : i32
          %sub3A_2685 = arith.subi %scan3A_2011, %sub3A_2684 : i32
          %swap3A_2686 = arith.index_cast %sub3A_2685 : i32 to index
          %swap3A_2687 = arith.constant 336 : index
          %swap3A_2688 = tpu.vector_load %arg9[%swap3A_2686, %swap3A_2687] {strides = array<i32>} : memref<25x512xf32, #tpu.memory_space<vmem>>, vector<16xf32>,
          tpu.vector_store %arg9[%swap3A_2686, %swap3A_2687], %add3A_2683 {strides = array<i32>} : memref<25x512xf32, #tpu.memory_space<vmem>>, vector<16xf32>,
          %get3A_2689 = arith.index_cast %mul3A_2029 : i32 to index
          %get3A_2690 = arith.constant 352 : index
          %get3A_2691 = tpu.vector_load %arg7[%get3A_2689, %get3A_2690] {strides = array<i32>} : memref<96x512xf32, #tpu.memory_space<vmem>>, vector<16xf32>,
          %mul3A_2692 = arith.mulf %gather3A_2013, %get3A_2691 : vector<16xf32>
          %add3A_2693 = arith.constant 1 : i32
          %add3A_2694 = arith.addi %mul3A_2029, %add3A_2693 : i32
          %get3A_2695 = arith.index_cast %add3A_2694 : i32 to index
          %get3A_2696 = arith.constant 352 : index
          %get3A_2697 = tpu.vector_load %arg7[%get3A_2695, %get3A_2696] {strides = array<i32>} : memref<96x512xf32, #tpu.memory_space<vmem>>, vector<16xf32>,
          %mul3A_2698 = arith.mulf %gather3A_2017, %get3A_2697 : vector<16xf32>
          %add3A_2699 = arith.addf %mul3A_2692, %mul3A_2698 : vector<16xf32>
          %add3A_2700 = arith.constant 2 : i32
          %add3A_2701 = arith.addi %mul3A_2029, %add3A_2700 : i32
          %get3A_2702 = arith.index_cast %add3A_2701 : i32 to index
          %get3A_2703 = arith.constant 352 : index
          %get3A_2704 = tpu.vector_load %arg7[%get3A_2702, %get3A_2703] {strides = array<i32>} : memref<96x512xf32, #tpu.memory_space<vmem>>, vector<16xf32>,
          %mul3A_2705 = arith.mulf %gather3A_2021, %get3A_2704 : vector<16xf32>
          %add3A_2706 = arith.addf %add3A_2699, %mul3A_2705 : vector<16xf32>
          %add3A_2707 = arith.constant 3 : i32
          %add3A_2708 = arith.addi %mul3A_2029, %add3A_2707 : i32
          %get3A_2709 = arith.index_cast %add3A_2708 : i32 to index
          %get3A_2710 = arith.constant 352 : index
          %get3A_2711 = tpu.vector_load %arg7[%get3A_2709, %get3A_2710] {strides = array<i32>} : memref<96x512xf32, #tpu.memory_space<vmem>>, vector<16xf32>,
          %mul3A_2712 = arith.mulf %gather3A_2025, %get3A_2711 : vector<16xf32>
          %add3A_2713 = arith.addf %add3A_2706, %mul3A_2712 : vector<16xf32>
          %sub3A_2714 = arith.constant 0 : i32
          %sub3A_2715 = arith.subi %scan3A_2011, %sub3A_2714 : i32
          %swap3A_2716 = arith.index_cast %sub3A_2715 : i32 to index
          %swap3A_2717 = arith.constant 352 : index
          %swap3A_2718 = tpu.vector_load %arg9[%swap3A_2716, %swap3A_2717] {strides = array<i32>} : memref<25x512xf32, #tpu.memory_space<vmem>>, vector<16xf32>,
          tpu.vector_store %arg9[%swap3A_2716, %swap3A_2717], %add3A_2713 {strides = array<i32>} : memref<25x512xf32, #tpu.memory_space<vmem>>, vector<16xf32>,
          %get3A_2719 = arith.index_cast %mul3A_2029 : i32 to index
          %get3A_2720 = arith.constant 368 : index
          %get3A_2721 = tpu.vector_load %arg7[%get3A_2719, %get3A_2720] {strides = array<i32>} : memref<96x512xf32, #tpu.memory_space<vmem>>, vector<16xf32>,
          %mul3A_2722 = arith.mulf %gather3A_2013, %get3A_2721 : vector<16xf32>
          %add3A_2723 = arith.constant 1 : i32
          %add3A_2724 = arith.addi %mul3A_2029, %add3A_2723 : i32
          %get3A_2725 = arith.index_cast %add3A_2724 : i32 to index
          %get3A_2726 = arith.constant 368 : index
          %get3A_2727 = tpu.vector_load %arg7[%get3A_2725, %get3A_2726] {strides = array<i32>} : memref<96x512xf32, #tpu.memory_space<vmem>>, vector<16xf32>,
          %mul3A_2728 = arith.mulf %gather3A_2017, %get3A_2727 : vector<16xf32>
          %add3A_2729 = arith.addf %mul3A_2722, %mul3A_2728 : vector<16xf32>
          %add3A_2730 = arith.constant 2 : i32
          %add3A_2731 = arith.addi %mul3A_2029, %add3A_2730 : i32
          %get3A_2732 = arith.index_cast %add3A_2731 : i32 to index
          %get3A_2733 = arith.constant 368 : index
          %get3A_2734 = tpu.vector_load %arg7[%get3A_2732, %get3A_2733] {strides = array<i32>} : memref<96x512xf32, #tpu.memory_space<vmem>>, vector<16xf32>,
          %mul3A_2735 = arith.mulf %gather3A_2021, %get3A_2734 : vector<16xf32>
          %add3A_2736 = arith.addf %add3A_2729, %mul3A_2735 : vector<16xf32>
          %add3A_2737 = arith.constant 3 : i32
          %add3A_2738 = arith.addi %mul3A_2029, %add3A_2737 : i32
          %get3A_2739 = arith.index_cast %add3A_2738 : i32 to index
          %get3A_2740 = arith.constant 368 : index
          %get3A_2741 = tpu.vector_load %arg7[%get3A_2739, %get3A_2740] {strides = array<i32>} : memref<96x512xf32, #tpu.memory_space<vmem>>, vector<16xf32>,
          %mul3A_2742 = arith.mulf %gather3A_2025, %get3A_2741 : vector<16xf32>
          %add3A_2743 = arith.addf %add3A_2736, %mul3A_2742 : vector<16xf32>
          %sub3A_2744 = arith.constant 0 : i32
          %sub3A_2745 = arith.subi %scan3A_2011, %sub3A_2744 : i32
          %swap3A_2746 = arith.index_cast %sub3A_2745 : i32 to index
          %swap3A_2747 = arith.constant 368 : index
          %swap3A_2748 = tpu.vector_load %arg9[%swap3A_2746, %swap3A_2747] {strides = array<i32>} : memref<25x512xf32, #tpu.memory_space<vmem>>, vector<16xf32>,
          tpu.vector_store %arg9[%swap3A_2746, %swap3A_2747], %add3A_2743 {strides = array<i32>} : memref<25x512xf32, #tpu.memory_space<vmem>>, vector<16xf32>,
          %get3A_2749 = arith.index_cast %mul3A_2029 : i32 to index
          %get3A_2750 = arith.constant 384 : index
          %get3A_2751 = tpu.vector_load %arg7[%get3A_2749, %get3A_2750] {strides = array<i32>} : memref<96x512xf32, #tpu.memory_space<vmem>>, vector<16xf32>,
          %mul3A_2752 = arith.mulf %gather3A_2013, %get3A_2751 : vector<16xf32>
          %add3A_2753 = arith.constant 1 : i32
          %add3A_2754 = arith.addi %mul3A_2029, %add3A_2753 : i32
          %get3A_2755 = arith.index_cast %add3A_2754 : i32 to index
          %get3A_2756 = arith.constant 384 : index
          %get3A_2757 = tpu.vector_load %arg7[%get3A_2755, %get3A_2756] {strides = array<i32>} : memref<96x512xf32, #tpu.memory_space<vmem>>, vector<16xf32>,
          %mul3A_2758 = arith.mulf %gather3A_2017, %get3A_2757 : vector<16xf32>
          %add3A_2759 = arith.addf %mul3A_2752, %mul3A_2758 : vector<16xf32>
          %add3A_2760 = arith.constant 2 : i32
          %add3A_2761 = arith.addi %mul3A_2029, %add3A_2760 : i32
          %get3A_2762 = arith.index_cast %add3A_2761 : i32 to index
          %get3A_2763 = arith.constant 384 : index
          %get3A_2764 = tpu.vector_load %arg7[%get3A_2762, %get3A_2763] {strides = array<i32>} : memref<96x512xf32, #tpu.memory_space<vmem>>, vector<16xf32>,
          %mul3A_2765 = arith.mulf %gather3A_2021, %get3A_2764 : vector<16xf32>
          %add3A_2766 = arith.addf %add3A_2759, %mul3A_2765 : vector<16xf32>
          %add3A_2767 = arith.constant 3 : i32
          %add3A_2768 = arith.addi %mul3A_2029, %add3A_2767 : i32
          %get3A_2769 = arith.index_cast %add3A_2768 : i32 to index
          %get3A_2770 = arith.constant 384 : index
          %get3A_2771 = tpu.vector_load %arg7[%get3A_2769, %get3A_2770] {strides = array<i32>} : memref<96x512xf32, #tpu.memory_space<vmem>>, vector<16xf32>,
          %mul3A_2772 = arith.mulf %gather3A_2025, %get3A_2771 : vector<16xf32>
          %add3A_2773 = arith.addf %add3A_2766, %mul3A_2772 : vector<16xf32>
          %sub3A_2774 = arith.constant 0 : i32
          %sub3A_2775 = arith.subi %scan3A_2011, %sub3A_2774 : i32
          %swap3A_2776 = arith.index_cast %sub3A_2775 : i32 to index
          %swap3A_2777 = arith.constant 384 : index
          %swap3A_2778 = tpu.vector_load %arg9[%swap3A_2776, %swap3A_2777] {strides = array<i32>} : memref<25x512xf32, #tpu.memory_space<vmem>>, vector<16xf32>,
          tpu.vector_store %arg9[%swap3A_2776, %swap3A_2777], %add3A_2773 {strides = array<i32>} : memref<25x512xf32, #tpu.memory_space<vmem>>, vector<16xf32>,
          %get3A_2779 = arith.index_cast %mul3A_2029 : i32 to index
          %get3A_2780 = arith.constant 400 : index
          %get3A_2781 = tpu.vector_load %arg7[%get3A_2779, %get3A_2780] {strides = array<i32>} : memref<96x512xf32, #tpu.memory_space<vmem>>, vector<16xf32>,
          %mul3A_2782 = arith.mulf %gather3A_2013, %get3A_2781 : vector<16xf32>
          %add3A_2783 = arith.constant 1 : i32
          %add3A_2784 = arith.addi %mul3A_2029, %add3A_2783 : i32
          %get3A_2785 = arith.index_cast %add3A_2784 : i32 to index
          %get3A_2786 = arith.constant 400 : index
          %get3A_2787 = tpu.vector_load %arg7[%get3A_2785, %get3A_2786] {strides = array<i32>} : memref<96x512xf32, #tpu.memory_space<vmem>>, vector<16xf32>,
          %mul3A_2788 = arith.mulf %gather3A_2017, %get3A_2787 : vector<16xf32>
          %add3A_2789 = arith.addf %mul3A_2782, %mul3A_2788 : vector<16xf32>
          %add3A_2790 = arith.constant 2 : i32
          %add3A_2791 = arith.addi %mul3A_2029, %add3A_2790 : i32
          %get3A_2792 = arith.index_cast %add3A_2791 : i32 to index
          %get3A_2793 = arith.constant 400 : index
          %get3A_2794 = tpu.vector_load %arg7[%get3A_2792, %get3A_2793] {strides = array<i32>} : memref<96x512xf32, #tpu.memory_space<vmem>>, vector<16xf32>,
          %mul3A_2795 = arith.mulf %gather3A_2021, %get3A_2794 : vector<16xf32>
          %add3A_2796 = arith.addf %add3A_2789, %mul3A_2795 : vector<16xf32>
          %add3A_2797 = arith.constant 3 : i32
          %add3A_2798 = arith.addi %mul3A_2029, %add3A_2797 : i32
          %get3A_2799 = arith.index_cast %add3A_2798 : i32 to index
          %get3A_2800 = arith.constant 400 : index
          %get3A_2801 = tpu.vector_load %arg7[%get3A_2799, %get3A_2800] {strides = array<i32>} : memref<96x512xf32, #tpu.memory_space<vmem>>, vector<16xf32>,
          %mul3A_2802 = arith.mulf %gather3A_2025, %get3A_2801 : vector<16xf32>
          %add3A_2803 = arith.addf %add3A_2796, %mul3A_2802 : vector<16xf32>
          %sub3A_2804 = arith.constant 0 : i32
          %sub3A_2805 = arith.subi %scan3A_2011, %sub3A_2804 : i32
          %swap3A_2806 = arith.index_cast %sub3A_2805 : i32 to index
          %swap3A_2807 = arith.constant 400 : index
          %swap3A_2808 = tpu.vector_load %arg9[%swap3A_2806, %swap3A_2807] {strides = array<i32>} : memref<25x512xf32, #tpu.memory_space<vmem>>, vector<16xf32>,
          tpu.vector_store %arg9[%swap3A_2806, %swap3A_2807], %add3A_2803 {strides = array<i32>} : memref<25x512xf32, #tpu.memory_space<vmem>>, vector<16xf32>,
          %get3A_2809 = arith.index_cast %mul3A_2029 : i32 to index
          %get3A_2810 = arith.constant 416 : index
          %get3A_2811 = tpu.vector_load %arg7[%get3A_2809, %get3A_2810] {strides = array<i32>} : memref<96x512xf32, #tpu.memory_space<vmem>>, vector<16xf32>,
          %mul3A_2812 = arith.mulf %gather3A_2013, %get3A_2811 : vector<16xf32>
          %add3A_2813 = arith.constant 1 : i32
          %add3A_2814 = arith.addi %mul3A_2029, %add3A_2813 : i32
          %get3A_2815 = arith.index_cast %add3A_2814 : i32 to index
          %get3A_2816 = arith.constant 416 : index
          %get3A_2817 = tpu.vector_load %arg7[%get3A_2815, %get3A_2816] {strides = array<i32>} : memref<96x512xf32, #tpu.memory_space<vmem>>, vector<16xf32>,
          %mul3A_2818 = arith.mulf %gather3A_2017, %get3A_2817 : vector<16xf32>
          %add3A_2819 = arith.addf %mul3A_2812, %mul3A_2818 : vector<16xf32>
          %add3A_2820 = arith.constant 2 : i32
          %add3A_2821 = arith.addi %mul3A_2029, %add3A_2820 : i32
          %get3A_2822 = arith.index_cast %add3A_2821 : i32 to index
          %get3A_2823 = arith.constant 416 : index
          %get3A_2824 = tpu.vector_load %arg7[%get3A_2822, %get3A_2823] {strides = array<i32>} : memref<96x512xf32, #tpu.memory_space<vmem>>, vector<16xf32>,
          %mul3A_2825 = arith.mulf %gather3A_2021, %get3A_2824 : vector<16xf32>
          %add3A_2826 = arith.addf %add3A_2819, %mul3A_2825 : vector<16xf32>
          %add3A_2827 = arith.constant 3 : i32
          %add3A_2828 = arith.addi %mul3A_2029, %add3A_2827 : i32
          %get3A_2829 = arith.index_cast %add3A_2828 : i32 to index
          %get3A_2830 = arith.constant 416 : index
          %get3A_2831 = tpu.vector_load %arg7[%get3A_2829, %get3A_2830] {strides = array<i32>} : memref<96x512xf32, #tpu.memory_space<vmem>>, vector<16xf32>,
          %mul3A_2832 = arith.mulf %gather3A_2025, %get3A_2831 : vector<16xf32>
          %add3A_2833 = arith.addf %add3A_2826, %mul3A_2832 : vector<16xf32>
          %sub3A_2834 = arith.constant 0 : i32
          %sub3A_2835 = arith.subi %scan3A_2011, %sub3A_2834 : i32
          %swap3A_2836 = arith.index_cast %sub3A_2835 : i32 to index
          %swap3A_2837 = arith.constant 416 : index
          %swap3A_2838 = tpu.vector_load %arg9[%swap3A_2836, %swap3A_2837] {strides = array<i32>} : memref<25x512xf32, #tpu.memory_space<vmem>>, vector<16xf32>,
          tpu.vector_store %arg9[%swap3A_2836, %swap3A_2837], %add3A_2833 {strides = array<i32>} : memref<25x512xf32, #tpu.memory_space<vmem>>, vector<16xf32>,
          %get3A_2839 = arith.index_cast %mul3A_2029 : i32 to index
          %get3A_2840 = arith.constant 432 : index
          %get3A_2841 = tpu.vector_load %arg7[%get3A_2839, %get3A_2840] {strides = array<i32>} : memref<96x512xf32, #tpu.memory_space<vmem>>, vector<16xf32>,
          %mul3A_2842 = arith.mulf %gather3A_2013, %get3A_2841 : vector<16xf32>
          %add3A_2843 = arith.constant 1 : i32
          %add3A_2844 = arith.addi %mul3A_2029, %add3A_2843 : i32
          %get3A_2845 = arith.index_cast %add3A_2844 : i32 to index
          %get3A_2846 = arith.constant 432 : index
          %get3A_2847 = tpu.vector_load %arg7[%get3A_2845, %get3A_2846] {strides = array<i32>} : memref<96x512xf32, #tpu.memory_space<vmem>>, vector<16xf32>,
          %mul3A_2848 = arith.mulf %gather3A_2017, %get3A_2847 : vector<16xf32>
          %add3A_2849 = arith.addf %mul3A_2842, %mul3A_2848 : vector<16xf32>
          %add3A_2850 = arith.constant 2 : i32
          %add3A_2851 = arith.addi %mul3A_2029, %add3A_2850 : i32
          %get3A_2852 = arith.index_cast %add3A_2851 : i32 to index
          %get3A_2853 = arith.constant 432 : index
          %get3A_2854 = tpu.vector_load %arg7[%get3A_2852, %get3A_2853] {strides = array<i32>} : memref<96x512xf32, #tpu.memory_space<vmem>>, vector<16xf32>,
          %mul3A_2855 = arith.mulf %gather3A_2021, %get3A_2854 : vector<16xf32>
          %add3A_2856 = arith.addf %add3A_2849, %mul3A_2855 : vector<16xf32>
          %add3A_2857 = arith.constant 3 : i32
          %add3A_2858 = arith.addi %mul3A_2029, %add3A_2857 : i32
          %get3A_2859 = arith.index_cast %add3A_2858 : i32 to index
          %get3A_2860 = arith.constant 432 : index
          %get3A_2861 = tpu.vector_load %arg7[%get3A_2859, %get3A_2860] {strides = array<i32>} : memref<96x512xf32, #tpu.memory_space<vmem>>, vector<16xf32>,
          %mul3A_2862 = arith.mulf %gather3A_2025, %get3A_2861 : vector<16xf32>
          %add3A_2863 = arith.addf %add3A_2856, %mul3A_2862 : vector<16xf32>
          %sub3A_2864 = arith.constant 0 : i32
          %sub3A_2865 = arith.subi %scan3A_2011, %sub3A_2864 : i32
          %swap3A_2866 = arith.index_cast %sub3A_2865 : i32 to index
          %swap3A_2867 = arith.constant 432 : index
          %swap3A_2868 = tpu.vector_load %arg9[%swap3A_2866, %swap3A_2867] {strides = array<i32>} : memref<25x512xf32, #tpu.memory_space<vmem>>, vector<16xf32>,
          tpu.vector_store %arg9[%swap3A_2866, %swap3A_2867], %add3A_2863 {strides = array<i32>} : memref<25x512xf32, #tpu.memory_space<vmem>>, vector<16xf32>,
          %get3A_2869 = arith.index_cast %mul3A_2029 : i32 to index
          %get3A_2870 = arith.constant 448 : index
          %get3A_2871 = tpu.vector_load %arg7[%get3A_2869, %get3A_2870] {strides = array<i32>} : memref<96x512xf32, #tpu.memory_space<vmem>>, vector<16xf32>,
          %mul3A_2872 = arith.mulf %gather3A_2013, %get3A_2871 : vector<16xf32>
          %add3A_2873 = arith.constant 1 : i32
          %add3A_2874 = arith.addi %mul3A_2029, %add3A_2873 : i32
          %get3A_2875 = arith.index_cast %add3A_2874 : i32 to index
          %get3A_2876 = arith.constant 448 : index
          %get3A_2877 = tpu.vector_load %arg7[%get3A_2875, %get3A_2876] {strides = array<i32>} : memref<96x512xf32, #tpu.memory_space<vmem>>, vector<16xf32>,
          %mul3A_2878 = arith.mulf %gather3A_2017, %get3A_2877 : vector<16xf32>
          %add3A_2879 = arith.addf %mul3A_2872, %mul3A_2878 : vector<16xf32>
          %add3A_2880 = arith.constant 2 : i32
          %add3A_2881 = arith.addi %mul3A_2029, %add3A_2880 : i32
          %get3A_2882 = arith.index_cast %add3A_2881 : i32 to index
          %get3A_2883 = arith.constant 448 : index
          %get3A_2884 = tpu.vector_load %arg7[%get3A_2882, %get3A_2883] {strides = array<i32>} : memref<96x512xf32, #tpu.memory_space<vmem>>, vector<16xf32>,
          %mul3A_2885 = arith.mulf %gather3A_2021, %get3A_2884 : vector<16xf32>
          %add3A_2886 = arith.addf %add3A_2879, %mul3A_2885 : vector<16xf32>
          %add3A_2887 = arith.constant 3 : i32
          %add3A_2888 = arith.addi %mul3A_2029, %add3A_2887 : i32
          %get3A_2889 = arith.index_cast %add3A_2888 : i32 to index
          %get3A_2890 = arith.constant 448 : index
          %get3A_2891 = tpu.vector_load %arg7[%get3A_2889, %get3A_2890] {strides = array<i32>} : memref<96x512xf32, #tpu.memory_space<vmem>>, vector<16xf32>,
          %mul3A_2892 = arith.mulf %gather3A_2025, %get3A_2891 : vector<16xf32>
          %add3A_2893 = arith.addf %add3A_2886, %mul3A_2892 : vector<16xf32>
          %sub3A_2894 = arith.constant 0 : i32
          %sub3A_2895 = arith.subi %scan3A_2011, %sub3A_2894 : i32
          %swap3A_2896 = arith.index_cast %sub3A_2895 : i32 to index
          %swap3A_2897 = arith.constant 448 : index
          %swap3A_2898 = tpu.vector_load %arg9[%swap3A_2896, %swap3A_2897] {strides = array<i32>} : memref<25x512xf32, #tpu.memory_space<vmem>>, vector<16xf32>,
          tpu.vector_store %arg9[%swap3A_2896, %swap3A_2897], %add3A_2893 {strides = array<i32>} : memref<25x512xf32, #tpu.memory_space<vmem>>, vector<16xf32>,
          %get3A_2899 = arith.index_cast %mul3A_2029 : i32 to index
          %get3A_2900 = arith.constant 464 : index
          %get3A_2901 = tpu.vector_load %arg7[%get3A_2899, %get3A_2900] {strides = array<i32>} : memref<96x512xf32, #tpu.memory_space<vmem>>, vector<16xf32>,
          %mul3A_2902 = arith.mulf %gather3A_2013, %get3A_2901 : vector<16xf32>
          %add3A_2903 = arith.constant 1 : i32
          %add3A_2904 = arith.addi %mul3A_2029, %add3A_2903 : i32
          %get3A_2905 = arith.index_cast %add3A_2904 : i32 to index
          %get3A_2906 = arith.constant 464 : index
          %get3A_2907 = tpu.vector_load %arg7[%get3A_2905, %get3A_2906] {strides = array<i32>} : memref<96x512xf32, #tpu.memory_space<vmem>>, vector<16xf32>,
          %mul3A_2908 = arith.mulf %gather3A_2017, %get3A_2907 : vector<16xf32>
          %add3A_2909 = arith.addf %mul3A_2902, %mul3A_2908 : vector<16xf32>
          %add3A_2910 = arith.constant 2 : i32
          %add3A_2911 = arith.addi %mul3A_2029, %add3A_2910 : i32
          %get3A_2912 = arith.index_cast %add3A_2911 : i32 to index
          %get3A_2913 = arith.constant 464 : index
          %get3A_2914 = tpu.vector_load %arg7[%get3A_2912, %get3A_2913] {strides = array<i32>} : memref<96x512xf32, #tpu.memory_space<vmem>>, vector<16xf32>,
          %mul3A_2915 = arith.mulf %gather3A_2021, %get3A_2914 : vector<16xf32>
          %add3A_2916 = arith.addf %add3A_2909, %mul3A_2915 : vector<16xf32>
          %add3A_2917 = arith.constant 3 : i32
          %add3A_2918 = arith.addi %mul3A_2029, %add3A_2917 : i32
          %get3A_2919 = arith.index_cast %add3A_2918 : i32 to index
          %get3A_2920 = arith.constant 464 : index
          %get3A_2921 = tpu.vector_load %arg7[%get3A_2919, %get3A_2920] {strides = array<i32>} : memref<96x512xf32, #tpu.memory_space<vmem>>, vector<16xf32>,
          %mul3A_2922 = arith.mulf %gather3A_2025, %get3A_2921 : vector<16xf32>
          %add3A_2923 = arith.addf %add3A_2916, %mul3A_2922 : vector<16xf32>
          %sub3A_2924 = arith.constant 0 : i32
          %sub3A_2925 = arith.subi %scan3A_2011, %sub3A_2924 : i32
          %swap3A_2926 = arith.index_cast %sub3A_2925 : i32 to index
          %swap3A_2927 = arith.constant 464 : index
          %swap3A_2928 = tpu.vector_load %arg9[%swap3A_2926, %swap3A_2927] {strides = array<i32>} : memref<25x512xf32, #tpu.memory_space<vmem>>, vector<16xf32>,
          tpu.vector_store %arg9[%swap3A_2926, %swap3A_2927], %add3A_2923 {strides = array<i32>} : memref<25x512xf32, #tpu.memory_space<vmem>>, vector<16xf32>,
          %get3A_2929 = arith.index_cast %mul3A_2029 : i32 to index
          %get3A_2930 = arith.constant 480 : index
          %get3A_2931 = tpu.vector_load %arg7[%get3A_2929, %get3A_2930] {strides = array<i32>} : memref<96x512xf32, #tpu.memory_space<vmem>>, vector<16xf32>,
          %mul3A_2932 = arith.mulf %gather3A_2013, %get3A_2931 : vector<16xf32>
          %add3A_2933 = arith.constant 1 : i32
          %add3A_2934 = arith.addi %mul3A_2029, %add3A_2933 : i32
          %get3A_2935 = arith.index_cast %add3A_2934 : i32 to index
          %get3A_2936 = arith.constant 480 : index
          %get3A_2937 = tpu.vector_load %arg7[%get3A_2935, %get3A_2936] {strides = array<i32>} : memref<96x512xf32, #tpu.memory_space<vmem>>, vector<16xf32>,
          %mul3A_2938 = arith.mulf %gather3A_2017, %get3A_2937 : vector<16xf32>
          %add3A_2939 = arith.addf %mul3A_2932, %mul3A_2938 : vector<16xf32>
          %add3A_2940 = arith.constant 2 : i32
          %add3A_2941 = arith.addi %mul3A_2029, %add3A_2940 : i32
          %get3A_2942 = arith.index_cast %add3A_2941 : i32 to index
          %get3A_2943 = arith.constant 480 : index
          %get3A_2944 = tpu.vector_load %arg7[%get3A_2942, %get3A_2943] {strides = array<i32>} : memref<96x512xf32, #tpu.memory_space<vmem>>, vector<16xf32>,
          %mul3A_2945 = arith.mulf %gather3A_2021, %get3A_2944 : vector<16xf32>
          %add3A_2946 = arith.addf %add3A_2939, %mul3A_2945 : vector<16xf32>
          %add3A_2947 = arith.constant 3 : i32
          %add3A_2948 = arith.addi %mul3A_2029, %add3A_2947 : i32
          %get3A_2949 = arith.index_cast %add3A_2948 : i32 to index
          %get3A_2950 = arith.constant 480 : index
          %get3A_2951 = tpu.vector_load %arg7[%get3A_2949, %get3A_2950] {strides = array<i32>} : memref<96x512xf32, #tpu.memory_space<vmem>>, vector<16xf32>,
          %mul3A_2952 = arith.mulf %gather3A_2025, %get3A_2951 : vector<16xf32>
          %add3A_2953 = arith.addf %add3A_2946, %mul3A_2952 : vector<16xf32>
          %sub3A_2954 = arith.constant 0 : i32
          %sub3A_2955 = arith.subi %scan3A_2011, %sub3A_2954 : i32
          %swap3A_2956 = arith.index_cast %sub3A_2955 : i32 to index
          %swap3A_2957 = arith.constant 480 : index
          %swap3A_2958 = tpu.vector_load %arg9[%swap3A_2956, %swap3A_2957] {strides = array<i32>} : memref<25x512xf32, #tpu.memory_space<vmem>>, vector<16xf32>,
          tpu.vector_store %arg9[%swap3A_2956, %swap3A_2957], %add3A_2953 {strides = array<i32>} : memref<25x512xf32, #tpu.memory_space<vmem>>, vector<16xf32>,
          %get3A_2959 = arith.index_cast %mul3A_2029 : i32 to index
          %get3A_2960 = arith.constant 496 : index
          %get3A_2961 = tpu.vector_load %arg7[%get3A_2959, %get3A_2960] {strides = array<i32>} : memref<96x512xf32, #tpu.memory_space<vmem>>, vector<16xf32>,
          %mul3A_2962 = arith.mulf %gather3A_2013, %get3A_2961 : vector<16xf32>
          %add3A_2963 = arith.constant 1 : i32
          %add3A_2964 = arith.addi %mul3A_2029, %add3A_2963 : i32
          %get3A_2965 = arith.index_cast %add3A_2964 : i32 to index
          %get3A_2966 = arith.constant 496 : index
          %get3A_2967 = tpu.vector_load %arg7[%get3A_2965, %get3A_2966] {strides = array<i32>} : memref<96x512xf32, #tpu.memory_space<vmem>>, vector<16xf32>,
          %mul3A_2968 = arith.mulf %gather3A_2017, %get3A_2967 : vector<16xf32>
          %add3A_2969 = arith.addf %mul3A_2962, %mul3A_2968 : vector<16xf32>
          %add3A_2970 = arith.constant 2 : i32
          %add3A_2971 = arith.addi %mul3A_2029, %add3A_2970 : i32
          %get3A_2972 = arith.index_cast %add3A_2971 : i32 to index
          %get3A_2973 = arith.constant 496 : index
          %get3A_2974 = tpu.vector_load %arg7[%get3A_2972, %get3A_2973] {strides = array<i32>} : memref<96x512xf32, #tpu.memory_space<vmem>>, vector<16xf32>,
          %mul3A_2975 = arith.mulf %gather3A_2021, %get3A_2974 : vector<16xf32>
          %add3A_2976 = arith.addf %add3A_2969, %mul3A_2975 : vector<16xf32>
          %add3A_2977 = arith.constant 3 : i32
          %add3A_2978 = arith.addi %mul3A_2029, %add3A_2977 : i32
          %get3A_2979 = arith.index_cast %add3A_2978 : i32 to index
          %get3A_2980 = arith.constant 496 : index
          %get3A_2981 = tpu.vector_load %arg7[%get3A_2979, %get3A_2980] {strides = array<i32>} : memref<96x512xf32, #tpu.memory_space<vmem>>, vector<16xf32>,
          %mul3A_2982 = arith.mulf %gather3A_2025, %get3A_2981 : vector<16xf32>
          %add3A_2983 = arith.addf %add3A_2976, %mul3A_2982 : vector<16xf32>
          %sub3A_2984 = arith.constant 0 : i32
          %sub3A_2985 = arith.subi %scan3A_2011, %sub3A_2984 : i32
          %swap3A_2986 = arith.index_cast %sub3A_2985 : i32 to index
          %swap3A_2987 = arith.constant 496 : index
          %swap3A_2988 = tpu.vector_load %arg9[%swap3A_2986, %swap3A_2987] {strides = array<i32>} : memref<25x512xf32, #tpu.memory_space<vmem>>, vector<16xf32>,
          tpu.vector_store %arg9[%swap3A_2986, %swap3A_2987], %add3A_2983 {strides = array<i32>} : memref<25x512xf32, #tpu.memory_space<vmem>>, vector<16xf32>,
        }
        %scan3A_1906 = arith.constant 24 : i32
        %dma_start3A_1907 = arith.constant 0 : i32
        %dma_start3A_1908 = arith.constant 0 : i32
        %dma_start3A_1909 = tpu.memref_slice %arg9[%dma_start3A_1907, %dma_start3A_1908] : memref<25x512xf32, #tpu.memory_space<vmem>> -> memref<24x512xf32, #tpu.memory_space<vmem>>
        %dma_start3A_1910 = arith.constant 0 : i32
        %dma_start3A_1911 = arith.constant 0 : i32
        %dma_start3A_1912 = tpu.memref_slice %arg4[%add3A_14, %dma_start3A_1910, %dma_start3A_1911] : memref<240x49x512xf32, #tpu.memory_space<hbm>> -> memref<1x24x512xf32, #tpu.memory_space<hbm>>
        %dma_start3A_1913 = tpu.memref_squeeze %dma_start3A_1912 : memref<1x24x512xf32, #tpu.memory_space<hbm>> -> memref<24x512xf32, #tpu.memory_space<hbm>>
        %dma_start3A_1914 = arith.constant 0 : i32
        %dma_start3A_1915 = arith.constant 0 : i32
        %dma_start3A_1916 = tpu.memref_slice %arg4[%add3A_14, %dma_start3A_1914, %dma_start3A_1915] : memref<240x49x512xf32, #tpu.memory_space<hbm>> -> memref<1x24x512xf32, #tpu.memory_space<hbm>>
        %dma_start3A_1917 = tpu.memref_squeeze %dma_start3A_1916 : memref<1x24x512xf32, #tpu.memory_space<hbm>> -> memref<24x512xf32, #tpu.memory_space<hbm>>
        %dma_start3A_1918 = arith.constant 0 : i32
        %dma_start3A_1919 = arith.constant 0 : i32
        %dma_start3A_1920 = tpu.memref_slice %arg9[%dma_start3A_1918, %dma_start3A_1919] : memref<25x512xf32, #tpu.memory_space<vmem>> -> memref<24x512xf32, #tpu.memory_space<vmem>>
        tpu.enqueue_dma source(%dma_start3A_1920 : memref<24x512xf32, #tpu.memory_space<vmem>>) target(%dma_start3A_1917 : memref<24x512xf32, #tpu.memory_space<hbm>>) target_semaphore(%arg12 : memref<!tpu.dma_semaphore, #tpu.memory_space<semaphore_mem>>)
        %dma_wait3A_1921 = arith.constant 0 : i32
        %dma_wait3A_1922 = arith.constant 0 : i32
        %dma_wait3A_1923 = tpu.memref_slice %arg9[%dma_wait3A_1921, %dma_wait3A_1922] : memref<25x512xf32, #tpu.memory_space<vmem>> -> memref<24x512xf32, #tpu.memory_space<vmem>>
        %dma_wait3A_1924 = arith.constant 0 : i32
        %dma_wait3A_1925 = arith.constant 0 : i32
        %dma_wait3A_1926 = tpu.memref_slice %arg4[%add3A_14, %dma_wait3A_1924, %dma_wait3A_1925] : memref<240x49x512xf32, #tpu.memory_space<hbm>> -> memref<1x24x512xf32, #tpu.memory_space<hbm>>
        %dma_wait3A_1927 = tpu.memref_squeeze %dma_wait3A_1926 : memref<1x24x512xf32, #tpu.memory_space<hbm>> -> memref<24x512xf32, #tpu.memory_space<hbm>>
        %dma_wait3A_1928 = arith.constant 0 : i32
        %dma_wait3A_1929 = arith.constant 0 : i32
        %dma_wait3A_1930 = tpu.memref_slice %arg4[%add3A_14, %dma_wait3A_1928, %dma_wait3A_1929] : memref<240x49x512xf32, #tpu.memory_space<hbm>> -> memref<1x24x512xf32, #tpu.memory_space<hbm>>
        %dma_wait3A_1931 = tpu.memref_squeeze %dma_wait3A_1930 : memref<1x24x512xf32, #tpu.memory_space<hbm>> -> memref<24x512xf32, #tpu.memory_space<hbm>>
        %dma_wait3A_1932 = arith.constant 0 : i32
        %dma_wait3A_1933 = arith.constant 0 : i32
        %dma_wait3A_1934 = tpu.memref_slice %arg9[%dma_wait3A_1932, %dma_wait3A_1933] : memref<25x512xf32, #tpu.memory_space<vmem>> -> memref<24x512xf32, #tpu.memory_space<vmem>>
        tpu.wait_dma2 semaphore(%arg12 : memref<!tpu.dma_semaphore, #tpu.memory_space<semaphore_mem>>) src(%dma_wait3A_1934 : memref<24x512xf32, #tpu.memory_space<vmem>>) dst(%dma_wait3A_1931 : memref<24x512xf32, #tpu.memory_space<hbm>>)
        %dma_wait3A_1935 = arith.constant 0 : i32
        %dma_wait3A_1936 = arith.constant 0 : i32
        %dma_wait3A_1937 = tpu.memref_slice %arg8[%dma_wait3A_1935, %dma_wait3A_1936] : memref<112x512xf32, #tpu.memory_space<vmem>> -> memref<16x512xf32, #tpu.memory_space<vmem>>
        %dma_wait3A_1938 = arith.constant 0 : i32
        %dma_wait3A_1939 = arith.constant 0 : i32
        %dma_wait3A_1940 = tpu.memref_slice %arg2[%dma_wait3A_1938, %dma_wait3A_1939] : memref<4096x512xf32, #tpu.memory_space<hbm>> -> memref<4096x512xf32, #tpu.memory_space<hbm>>
        tpu.wait_indirect_dma semaphore(%arg11 : memref<!tpu.dma_semaphore, #tpu.memory_space<semaphore_mem>>) src(%dma_wait3A_1940 : memref<4096x512xf32, #tpu.memory_space<hbm>>) dst(%dma_wait3A_1937 : memref<16x512xf32, #tpu.memory_space<vmem>>)
        %dma_wait3A_1941 = arith.constant 16 : i32
        %dma_wait3A_1942 = arith.constant 0 : i32
        %dma_wait3A_1943 = tpu.memref_slice %arg8[%dma_wait3A_1941, %dma_wait3A_1942] : memref<112x512xf32, #tpu.memory_space<vmem>> -> memref<16x512xf32, #tpu.memory_space<vmem>>
        %dma_wait3A_1944 = arith.constant 0 : i32
        %dma_wait3A_1945 = arith.constant 0 : i32
        %dma_wait3A_1946 = tpu.memref_slice %arg2[%dma_wait3A_1944, %dma_wait3A_1945] : memref<4096x512xf32, #tpu.memory_space<hbm>> -> memref<4096x512xf32, #tpu.memory_space<hbm>>
        tpu.wait_indirect_dma semaphore(%arg11 : memref<!tpu.dma_semaphore, #tpu.memory_space<semaphore_mem>>) src(%dma_wait3A_1946 : memref<4096x512xf32, #tpu.memory_space<hbm>>) dst(%dma_wait3A_1943 : memref<16x512xf32, #tpu.memory_space<vmem>>)
        %dma_wait3A_1947 = arith.constant 32 : i32
        %dma_wait3A_1948 = arith.constant 0 : i32
        %dma_wait3A_1949 = tpu.memref_slice %arg8[%dma_wait3A_1947, %dma_wait3A_1948] : memref<112x512xf32, #tpu.memory_space<vmem>> -> memref<16x512xf32, #tpu.memory_space<vmem>>
        %dma_wait3A_1950 = arith.constant 0 : i32
        %dma_wait3A_1951 = arith.constant 0 : i32
        %dma_wait3A_1952 = tpu.memref_slice %arg2[%dma_wait3A_1950, %dma_wait3A_1951] : memref<4096x512xf32, #tpu.memory_space<hbm>> -> memref<4096x512xf32, #tpu.memory_space<hbm>>
        tpu.wait_indirect_dma semaphore(%arg11 : memref<!tpu.dma_semaphore, #tpu.memory_space<semaphore_mem>>) src(%dma_wait3A_1952 : memref<4096x512xf32, #tpu.memory_space<hbm>>) dst(%dma_wait3A_1949 : memref<16x512xf32, #tpu.memory_space<vmem>>)
        %dma_wait3A_1953 = arith.constant 48 : i32
        %dma_wait3A_1954 = arith.constant 0 : i32
        %dma_wait3A_1955 = tpu.memref_slice %arg8[%dma_wait3A_1953, %dma_wait3A_1954] : memref<112x512xf32, #tpu.memory_space<vmem>> -> memref<16x512xf32, #tpu.memory_space<vmem>>
        %dma_wait3A_1956 = arith.constant 0 : i32
        %dma_wait3A_1957 = arith.constant 0 : i32
        %dma_wait3A_1958 = tpu.memref_slice %arg2[%dma_wait3A_1956, %dma_wait3A_1957] : memref<4096x512xf32, #tpu.memory_space<hbm>> -> memref<4096x512xf32, #tpu.memory_space<hbm>>
        tpu.wait_indirect_dma semaphore(%arg11 : memref<!tpu.dma_semaphore, #tpu.memory_space<semaphore_mem>>) src(%dma_wait3A_1958 : memref<4096x512xf32, #tpu.memory_space<hbm>>) dst(%dma_wait3A_1955 : memref<16x512xf32, #tpu.memory_space<vmem>>)
        %dma_wait3A_1959 = arith.constant 64 : i32
        %dma_wait3A_1960 = arith.constant 0 : i32
        %dma_wait3A_1961 = tpu.memref_slice %arg8[%dma_wait3A_1959, %dma_wait3A_1960] : memref<112x512xf32, #tpu.memory_space<vmem>> -> memref<16x512xf32, #tpu.memory_space<vmem>>
        %dma_wait3A_1962 = arith.constant 0 : i32
        %dma_wait3A_1963 = arith.constant 0 : i32
        %dma_wait3A_1964 = tpu.memref_slice %arg2[%dma_wait3A_1962, %dma_wait3A_1963] : memref<4096x512xf32, #tpu.memory_space<hbm>> -> memref<4096x512xf32, #tpu.memory_space<hbm>>
        tpu.wait_indirect_dma semaphore(%arg11 : memref<!tpu.dma_semaphore, #tpu.memory_space<semaphore_mem>>) src(%dma_wait3A_1964 : memref<4096x512xf32, #tpu.memory_space<hbm>>) dst(%dma_wait3A_1961 : memref<16x512xf32, #tpu.memory_space<vmem>>)
        %dma_wait3A_1965 = arith.constant 80 : i32
        %dma_wait3A_1966 = arith.constant 0 : i32
        %dma_wait3A_1967 = tpu.memref_slice %arg8[%dma_wait3A_1965, %dma_wait3A_1966] : memref<112x512xf32, #tpu.memory_space<vmem>> -> memref<16x512xf32, #tpu.memory_space<vmem>>
        %dma_wait3A_1968 = arith.constant 0 : i32
        %dma_wait3A_1969 = arith.constant 0 : i32
        %dma_wait3A_1970 = tpu.memref_slice %arg2[%dma_wait3A_1968, %dma_wait3A_1969] : memref<4096x512xf32, #tpu.memory_space<hbm>> -> memref<4096x512xf32, #tpu.memory_space<hbm>>
        tpu.wait_indirect_dma semaphore(%arg11 : memref<!tpu.dma_semaphore, #tpu.memory_space<semaphore_mem>>) src(%dma_wait3A_1970 : memref<4096x512xf32, #tpu.memory_space<hbm>>) dst(%dma_wait3A_1967 : memref<16x512xf32, #tpu.memory_space<vmem>>)
        %dma_wait3A_1971 = arith.constant 96 : i32
        %dma_wait3A_1972 = arith.constant 0 : i32
        %dma_wait3A_1973 = tpu.memref_slice %arg8[%dma_wait3A_1971, %dma_wait3A_1972] : memref<112x512xf32, #tpu.memory_space<vmem>> -> memref<16x512xf32, #tpu.memory_space<vmem>>
        %dma_wait3A_1974 = arith.constant 0 : i32
        %dma_wait3A_1975 = arith.constant 0 : i32
        %dma_wait3A_1976 = tpu.memref_slice %arg2[%dma_wait3A_1974, %dma_wait3A_1975] : memref<4096x512xf32, #tpu.memory_space<hbm>> -> memref<4096x512xf32, #tpu.memory_space<hbm>>
        tpu.wait_indirect_dma semaphore(%arg11 : memref<!tpu.dma_semaphore, #tpu.memory_space<semaphore_mem>>) src(%dma_wait3A_1976 : memref<4096x512xf32, #tpu.memory_space<hbm>>) dst(%dma_wait3A_1973 : memref<16x512xf32, #tpu.memory_space<vmem>>)
        %scan3A_1977 = arith.constant 0 : i32
        %scan3A_1978 = arith.constant 24 : i32
        %scan3A_1979 = arith.constant 25 : i32
        %scan3A_1980 = arith.addi %scan3A_1978, %scan3A_1979 : i32
        %scan3A_1981 = arith.constant 1 : i32
        scf.for %scan3A_2011 = %scan3A_1978 to %scan3A_1980 step %scan3A_1981  : i32 {
          %broadcast_in_dim3A_2012 = vector.broadcast %scan3A_2011 : i32 to vector<16xi32>
          %gather3A_2013 = tpu.vector_load_idx %arg6[%broadcast_in_dim3A_2012] : memref<256xf32, #tpu.memory_space<vmem>>[vector<16xi32>], vector<16xf32>,
          %add3A_2014 = arith.constant 64 : i32
          %add3A_2015 = arith.addi %scan3A_2011, %add3A_2014 : i32
          %broadcast_in_dim3A_2016 = vector.broadcast %add3A_2015 : i32 to vector<16xi32>
          %gather3A_2017 = tpu.vector_load_idx %arg6[%broadcast_in_dim3A_2016] : memref<256xf32, #tpu.memory_space<vmem>>[vector<16xi32>], vector<16xf32>,
          %add3A_2018 = arith.constant 128 : i32
          %add3A_2019 = arith.addi %scan3A_2011, %add3A_2018 : i32
          %broadcast_in_dim3A_2020 = vector.broadcast %add3A_2019 : i32 to vector<16xi32>
          %gather3A_2021 = tpu.vector_load_idx %arg6[%broadcast_in_dim3A_2020] : memref<256xf32, #tpu.memory_space<vmem>>[vector<16xi32>], vector<16xf32>,
          %add3A_2022 = arith.constant 192 : i32
          %add3A_2023 = arith.addi %scan3A_2011, %add3A_2022 : i32
          %broadcast_in_dim3A_2024 = vector.broadcast %add3A_2023 : i32 to vector<16xi32>
          %gather3A_2025 = tpu.vector_load_idx %arg6[%broadcast_in_dim3A_2024] : memref<256xf32, #tpu.memory_space<vmem>>[vector<16xi32>], vector<16xf32>,
          %sub3A_2026 = arith.constant 24 : i32
          %sub3A_2027 = arith.subi %scan3A_2011, %sub3A_2026 : i32
          %mul3A_2028 = arith.constant 4 : i32
          %mul3A_2029 = arith.muli %sub3A_2027, %mul3A_2028 : i32
          %get3A = arith.index_cast %mul3A_2029 : i32 to index
          %get3A_2030 = arith.constant 0 : index
          %get3A_2031 = tpu.vector_load %arg8[%get3A, %get3A_2030] {strides = array<i32>} : memref<112x512xf32, #tpu.memory_space<vmem>>, vector<16xf32>,
          %mul3A_2032 = arith.mulf %gather3A_2013, %get3A_2031 : vector<16xf32>
          %add3A_2033 = arith.constant 1 : i32
          %add3A_2034 = arith.addi %mul3A_2029, %add3A_2033 : i32
          %get3A_2035 = arith.index_cast %add3A_2034 : i32 to index
          %get3A_2036 = arith.constant 0 : index
          %get3A_2037 = tpu.vector_load %arg8[%get3A_2035, %get3A_2036] {strides = array<i32>} : memref<112x512xf32, #tpu.memory_space<vmem>>, vector<16xf32>,
          %mul3A_2038 = arith.mulf %gather3A_2017, %get3A_2037 : vector<16xf32>
          %add3A_2039 = arith.addf %mul3A_2032, %mul3A_2038 : vector<16xf32>
          %add3A_2040 = arith.constant 2 : i32
          %add3A_2041 = arith.addi %mul3A_2029, %add3A_2040 : i32
          %get3A_2042 = arith.index_cast %add3A_2041 : i32 to index
          %get3A_2043 = arith.constant 0 : index
          %get3A_2044 = tpu.vector_load %arg8[%get3A_2042, %get3A_2043] {strides = array<i32>} : memref<112x512xf32, #tpu.memory_space<vmem>>, vector<16xf32>,
          %mul3A_2045 = arith.mulf %gather3A_2021, %get3A_2044 : vector<16xf32>
          %add3A_2046 = arith.addf %add3A_2039, %mul3A_2045 : vector<16xf32>
          %add3A_2047 = arith.constant 3 : i32
          %add3A_2048 = arith.addi %mul3A_2029, %add3A_2047 : i32
          %get3A_2049 = arith.index_cast %add3A_2048 : i32 to index
          %get3A_2050 = arith.constant 0 : index
          %get3A_2051 = tpu.vector_load %arg8[%get3A_2049, %get3A_2050] {strides = array<i32>} : memref<112x512xf32, #tpu.memory_space<vmem>>, vector<16xf32>,
          %mul3A_2052 = arith.mulf %gather3A_2025, %get3A_2051 : vector<16xf32>
          %add3A_2053 = arith.addf %add3A_2046, %mul3A_2052 : vector<16xf32>
          %sub3A_2054 = arith.constant 24 : i32
          %sub3A_2055 = arith.subi %scan3A_2011, %sub3A_2054 : i32
          %swap3A_2056 = arith.index_cast %sub3A_2055 : i32 to index
          %swap3A_2057 = arith.constant 0 : index
          %swap3A_2058 = tpu.vector_load %arg9[%swap3A_2056, %swap3A_2057] {strides = array<i32>} : memref<25x512xf32, #tpu.memory_space<vmem>>, vector<16xf32>,
          tpu.vector_store %arg9[%swap3A_2056, %swap3A_2057], %add3A_2053 {strides = array<i32>} : memref<25x512xf32, #tpu.memory_space<vmem>>, vector<16xf32>,
          %get3A_2059 = arith.index_cast %mul3A_2029 : i32 to index
          %get3A_2060 = arith.constant 16 : index
          %get3A_2061 = tpu.vector_load %arg8[%get3A_2059, %get3A_2060] {strides = array<i32>} : memref<112x512xf32, #tpu.memory_space<vmem>>, vector<16xf32>,
          %mul3A_2062 = arith.mulf %gather3A_2013, %get3A_2061 : vector<16xf32>
          %add3A_2063 = arith.constant 1 : i32
          %add3A_2064 = arith.addi %mul3A_2029, %add3A_2063 : i32
          %get3A_2065 = arith.index_cast %add3A_2064 : i32 to index
          %get3A_2066 = arith.constant 16 : index
          %get3A_2067 = tpu.vector_load %arg8[%get3A_2065, %get3A_2066] {strides = array<i32>} : memref<112x512xf32, #tpu.memory_space<vmem>>, vector<16xf32>,
          %mul3A_2068 = arith.mulf %gather3A_2017, %get3A_2067 : vector<16xf32>
          %add3A_2069 = arith.addf %mul3A_2062, %mul3A_2068 : vector<16xf32>
          %add3A_2070 = arith.constant 2 : i32
          %add3A_2071 = arith.addi %mul3A_2029, %add3A_2070 : i32
          %get3A_2072 = arith.index_cast %add3A_2071 : i32 to index
          %get3A_2073 = arith.constant 16 : index
          %get3A_2074 = tpu.vector_load %arg8[%get3A_2072, %get3A_2073] {strides = array<i32>} : memref<112x512xf32, #tpu.memory_space<vmem>>, vector<16xf32>,
          %mul3A_2075 = arith.mulf %gather3A_2021, %get3A_2074 : vector<16xf32>
          %add3A_2076 = arith.addf %add3A_2069, %mul3A_2075 : vector<16xf32>
          %add3A_2077 = arith.constant 3 : i32
          %add3A_2078 = arith.addi %mul3A_2029, %add3A_2077 : i32
          %get3A_2079 = arith.index_cast %add3A_2078 : i32 to index
          %get3A_2080 = arith.constant 16 : index
          %get3A_2081 = tpu.vector_load %arg8[%get3A_2079, %get3A_2080] {strides = array<i32>} : memref<112x512xf32, #tpu.memory_space<vmem>>, vector<16xf32>,
          %mul3A_2082 = arith.mulf %gather3A_2025, %get3A_2081 : vector<16xf32>
          %add3A_2083 = arith.addf %add3A_2076, %mul3A_2082 : vector<16xf32>
          %sub3A_2084 = arith.constant 24 : i32
          %sub3A_2085 = arith.subi %scan3A_2011, %sub3A_2084 : i32
          %swap3A_2086 = arith.index_cast %sub3A_2085 : i32 to index
          %swap3A_2087 = arith.constant 16 : index
          %swap3A_2088 = tpu.vector_load %arg9[%swap3A_2086, %swap3A_2087] {strides = array<i32>} : memref<25x512xf32, #tpu.memory_space<vmem>>, vector<16xf32>,
          tpu.vector_store %arg9[%swap3A_2086, %swap3A_2087], %add3A_2083 {strides = array<i32>} : memref<25x512xf32, #tpu.memory_space<vmem>>, vector<16xf32>,
          %get3A_2089 = arith.index_cast %mul3A_2029 : i32 to index
          %get3A_2090 = arith.constant 32 : index
          %get3A_2091 = tpu.vector_load %arg8[%get3A_2089, %get3A_2090] {strides = array<i32>} : memref<112x512xf32, #tpu.memory_space<vmem>>, vector<16xf32>,
          %mul3A_2092 = arith.mulf %gather3A_2013, %get3A_2091 : vector<16xf32>
          %add3A_2093 = arith.constant 1 : i32
          %add3A_2094 = arith.addi %mul3A_2029, %add3A_2093 : i32
          %get3A_2095 = arith.index_cast %add3A_2094 : i32 to index
          %get3A_2096 = arith.constant 32 : index
          %get3A_2097 = tpu.vector_load %arg8[%get3A_2095, %get3A_2096] {strides = array<i32>} : memref<112x512xf32, #tpu.memory_space<vmem>>, vector<16xf32>,
          %mul3A_2098 = arith.mulf %gather3A_2017, %get3A_2097 : vector<16xf32>
          %add3A_2099 = arith.addf %mul3A_2092, %mul3A_2098 : vector<16xf32>
          %add3A_2100 = arith.constant 2 : i32
          %add3A_2101 = arith.addi %mul3A_2029, %add3A_2100 : i32
          %get3A_2102 = arith.index_cast %add3A_2101 : i32 to index
          %get3A_2103 = arith.constant 32 : index
          %get3A_2104 = tpu.vector_load %arg8[%get3A_2102, %get3A_2103] {strides = array<i32>} : memref<112x512xf32, #tpu.memory_space<vmem>>, vector<16xf32>,
          %mul3A_2105 = arith.mulf %gather3A_2021, %get3A_2104 : vector<16xf32>
          %add3A_2106 = arith.addf %add3A_2099, %mul3A_2105 : vector<16xf32>
          %add3A_2107 = arith.constant 3 : i32
          %add3A_2108 = arith.addi %mul3A_2029, %add3A_2107 : i32
          %get3A_2109 = arith.index_cast %add3A_2108 : i32 to index
          %get3A_2110 = arith.constant 32 : index
          %get3A_2111 = tpu.vector_load %arg8[%get3A_2109, %get3A_2110] {strides = array<i32>} : memref<112x512xf32, #tpu.memory_space<vmem>>, vector<16xf32>,
          %mul3A_2112 = arith.mulf %gather3A_2025, %get3A_2111 : vector<16xf32>
          %add3A_2113 = arith.addf %add3A_2106, %mul3A_2112 : vector<16xf32>
          %sub3A_2114 = arith.constant 24 : i32
          %sub3A_2115 = arith.subi %scan3A_2011, %sub3A_2114 : i32
          %swap3A_2116 = arith.index_cast %sub3A_2115 : i32 to index
          %swap3A_2117 = arith.constant 32 : index
          %swap3A_2118 = tpu.vector_load %arg9[%swap3A_2116, %swap3A_2117] {strides = array<i32>} : memref<25x512xf32, #tpu.memory_space<vmem>>, vector<16xf32>,
          tpu.vector_store %arg9[%swap3A_2116, %swap3A_2117], %add3A_2113 {strides = array<i32>} : memref<25x512xf32, #tpu.memory_space<vmem>>, vector<16xf32>,
          %get3A_2119 = arith.index_cast %mul3A_2029 : i32 to index
          %get3A_2120 = arith.constant 48 : index
          %get3A_2121 = tpu.vector_load %arg8[%get3A_2119, %get3A_2120] {strides = array<i32>} : memref<112x512xf32, #tpu.memory_space<vmem>>, vector<16xf32>,
          %mul3A_2122 = arith.mulf %gather3A_2013, %get3A_2121 : vector<16xf32>
          %add3A_2123 = arith.constant 1 : i32
          %add3A_2124 = arith.addi %mul3A_2029, %add3A_2123 : i32
          %get3A_2125 = arith.index_cast %add3A_2124 : i32 to index
          %get3A_2126 = arith.constant 48 : index
          %get3A_2127 = tpu.vector_load %arg8[%get3A_2125, %get3A_2126] {strides = array<i32>} : memref<112x512xf32, #tpu.memory_space<vmem>>, vector<16xf32>,
          %mul3A_2128 = arith.mulf %gather3A_2017, %get3A_2127 : vector<16xf32>
          %add3A_2129 = arith.addf %mul3A_2122, %mul3A_2128 : vector<16xf32>
          %add3A_2130 = arith.constant 2 : i32
          %add3A_2131 = arith.addi %mul3A_2029, %add3A_2130 : i32
          %get3A_2132 = arith.index_cast %add3A_2131 : i32 to index
          %get3A_2133 = arith.constant 48 : index
          %get3A_2134 = tpu.vector_load %arg8[%get3A_2132, %get3A_2133] {strides = array<i32>} : memref<112x512xf32, #tpu.memory_space<vmem>>, vector<16xf32>,
          %mul3A_2135 = arith.mulf %gather3A_2021, %get3A_2134 : vector<16xf32>
          %add3A_2136 = arith.addf %add3A_2129, %mul3A_2135 : vector<16xf32>
          %add3A_2137 = arith.constant 3 : i32
          %add3A_2138 = arith.addi %mul3A_2029, %add3A_2137 : i32
          %get3A_2139 = arith.index_cast %add3A_2138 : i32 to index
          %get3A_2140 = arith.constant 48 : index
          %get3A_2141 = tpu.vector_load %arg8[%get3A_2139, %get3A_2140] {strides = array<i32>} : memref<112x512xf32, #tpu.memory_space<vmem>>, vector<16xf32>,
          %mul3A_2142 = arith.mulf %gather3A_2025, %get3A_2141 : vector<16xf32>
          %add3A_2143 = arith.addf %add3A_2136, %mul3A_2142 : vector<16xf32>
          %sub3A_2144 = arith.constant 24 : i32
          %sub3A_2145 = arith.subi %scan3A_2011, %sub3A_2144 : i32
          %swap3A_2146 = arith.index_cast %sub3A_2145 : i32 to index
          %swap3A_2147 = arith.constant 48 : index
          %swap3A_2148 = tpu.vector_load %arg9[%swap3A_2146, %swap3A_2147] {strides = array<i32>} : memref<25x512xf32, #tpu.memory_space<vmem>>, vector<16xf32>,
          tpu.vector_store %arg9[%swap3A_2146, %swap3A_2147], %add3A_2143 {strides = array<i32>} : memref<25x512xf32, #tpu.memory_space<vmem>>, vector<16xf32>,
          %get3A_2149 = arith.index_cast %mul3A_2029 : i32 to index
          %get3A_2150 = arith.constant 64 : index
          %get3A_2151 = tpu.vector_load %arg8[%get3A_2149, %get3A_2150] {strides = array<i32>} : memref<112x512xf32, #tpu.memory_space<vmem>>, vector<16xf32>,
          %mul3A_2152 = arith.mulf %gather3A_2013, %get3A_2151 : vector<16xf32>
          %add3A_2153 = arith.constant 1 : i32
          %add3A_2154 = arith.addi %mul3A_2029, %add3A_2153 : i32
          %get3A_2155 = arith.index_cast %add3A_2154 : i32 to index
          %get3A_2156 = arith.constant 64 : index
          %get3A_2157 = tpu.vector_load %arg8[%get3A_2155, %get3A_2156] {strides = array<i32>} : memref<112x512xf32, #tpu.memory_space<vmem>>, vector<16xf32>,
          %mul3A_2158 = arith.mulf %gather3A_2017, %get3A_2157 : vector<16xf32>
          %add3A_2159 = arith.addf %mul3A_2152, %mul3A_2158 : vector<16xf32>
          %add3A_2160 = arith.constant 2 : i32
          %add3A_2161 = arith.addi %mul3A_2029, %add3A_2160 : i32
          %get3A_2162 = arith.index_cast %add3A_2161 : i32 to index
          %get3A_2163 = arith.constant 64 : index
          %get3A_2164 = tpu.vector_load %arg8[%get3A_2162, %get3A_2163] {strides = array<i32>} : memref<112x512xf32, #tpu.memory_space<vmem>>, vector<16xf32>,
          %mul3A_2165 = arith.mulf %gather3A_2021, %get3A_2164 : vector<16xf32>
          %add3A_2166 = arith.addf %add3A_2159, %mul3A_2165 : vector<16xf32>
          %add3A_2167 = arith.constant 3 : i32
          %add3A_2168 = arith.addi %mul3A_2029, %add3A_2167 : i32
          %get3A_2169 = arith.index_cast %add3A_2168 : i32 to index
          %get3A_2170 = arith.constant 64 : index
          %get3A_2171 = tpu.vector_load %arg8[%get3A_2169, %get3A_2170] {strides = array<i32>} : memref<112x512xf32, #tpu.memory_space<vmem>>, vector<16xf32>,
          %mul3A_2172 = arith.mulf %gather3A_2025, %get3A_2171 : vector<16xf32>
          %add3A_2173 = arith.addf %add3A_2166, %mul3A_2172 : vector<16xf32>
          %sub3A_2174 = arith.constant 24 : i32
          %sub3A_2175 = arith.subi %scan3A_2011, %sub3A_2174 : i32
          %swap3A_2176 = arith.index_cast %sub3A_2175 : i32 to index
          %swap3A_2177 = arith.constant 64 : index
          %swap3A_2178 = tpu.vector_load %arg9[%swap3A_2176, %swap3A_2177] {strides = array<i32>} : memref<25x512xf32, #tpu.memory_space<vmem>>, vector<16xf32>,
          tpu.vector_store %arg9[%swap3A_2176, %swap3A_2177], %add3A_2173 {strides = array<i32>} : memref<25x512xf32, #tpu.memory_space<vmem>>, vector<16xf32>,
          %get3A_2179 = arith.index_cast %mul3A_2029 : i32 to index
          %get3A_2180 = arith.constant 80 : index
          %get3A_2181 = tpu.vector_load %arg8[%get3A_2179, %get3A_2180] {strides = array<i32>} : memref<112x512xf32, #tpu.memory_space<vmem>>, vector<16xf32>,
          %mul3A_2182 = arith.mulf %gather3A_2013, %get3A_2181 : vector<16xf32>
          %add3A_2183 = arith.constant 1 : i32
          %add3A_2184 = arith.addi %mul3A_2029, %add3A_2183 : i32
          %get3A_2185 = arith.index_cast %add3A_2184 : i32 to index
          %get3A_2186 = arith.constant 80 : index
          %get3A_2187 = tpu.vector_load %arg8[%get3A_2185, %get3A_2186] {strides = array<i32>} : memref<112x512xf32, #tpu.memory_space<vmem>>, vector<16xf32>,
          %mul3A_2188 = arith.mulf %gather3A_2017, %get3A_2187 : vector<16xf32>
          %add3A_2189 = arith.addf %mul3A_2182, %mul3A_2188 : vector<16xf32>
          %add3A_2190 = arith.constant 2 : i32
          %add3A_2191 = arith.addi %mul3A_2029, %add3A_2190 : i32
          %get3A_2192 = arith.index_cast %add3A_2191 : i32 to index
          %get3A_2193 = arith.constant 80 : index
          %get3A_2194 = tpu.vector_load %arg8[%get3A_2192, %get3A_2193] {strides = array<i32>} : memref<112x512xf32, #tpu.memory_space<vmem>>, vector<16xf32>,
          %mul3A_2195 = arith.mulf %gather3A_2021, %get3A_2194 : vector<16xf32>
          %add3A_2196 = arith.addf %add3A_2189, %mul3A_2195 : vector<16xf32>
          %add3A_2197 = arith.constant 3 : i32
          %add3A_2198 = arith.addi %mul3A_2029, %add3A_2197 : i32
          %get3A_2199 = arith.index_cast %add3A_2198 : i32 to index
          %get3A_2200 = arith.constant 80 : index
          %get3A_2201 = tpu.vector_load %arg8[%get3A_2199, %get3A_2200] {strides = array<i32>} : memref<112x512xf32, #tpu.memory_space<vmem>>, vector<16xf32>,
          %mul3A_2202 = arith.mulf %gather3A_2025, %get3A_2201 : vector<16xf32>
          %add3A_2203 = arith.addf %add3A_2196, %mul3A_2202 : vector<16xf32>
          %sub3A_2204 = arith.constant 24 : i32
          %sub3A_2205 = arith.subi %scan3A_2011, %sub3A_2204 : i32
          %swap3A_2206 = arith.index_cast %sub3A_2205 : i32 to index
          %swap3A_2207 = arith.constant 80 : index
          %swap3A_2208 = tpu.vector_load %arg9[%swap3A_2206, %swap3A_2207] {strides = array<i32>} : memref<25x512xf32, #tpu.memory_space<vmem>>, vector<16xf32>,
          tpu.vector_store %arg9[%swap3A_2206, %swap3A_2207], %add3A_2203 {strides = array<i32>} : memref<25x512xf32, #tpu.memory_space<vmem>>, vector<16xf32>,
          %get3A_2209 = arith.index_cast %mul3A_2029 : i32 to index
          %get3A_2210 = arith.constant 96 : index
          %get3A_2211 = tpu.vector_load %arg8[%get3A_2209, %get3A_2210] {strides = array<i32>} : memref<112x512xf32, #tpu.memory_space<vmem>>, vector<16xf32>,
          %mul3A_2212 = arith.mulf %gather3A_2013, %get3A_2211 : vector<16xf32>
          %add3A_2213 = arith.constant 1 : i32
          %add3A_2214 = arith.addi %mul3A_2029, %add3A_2213 : i32
          %get3A_2215 = arith.index_cast %add3A_2214 : i32 to index
          %get3A_2216 = arith.constant 96 : index
          %get3A_2217 = tpu.vector_load %arg8[%get3A_2215, %get3A_2216] {strides = array<i32>} : memref<112x512xf32, #tpu.memory_space<vmem>>, vector<16xf32>,
          %mul3A_2218 = arith.mulf %gather3A_2017, %get3A_2217 : vector<16xf32>
          %add3A_2219 = arith.addf %mul3A_2212, %mul3A_2218 : vector<16xf32>
          %add3A_2220 = arith.constant 2 : i32
          %add3A_2221 = arith.addi %mul3A_2029, %add3A_2220 : i32
          %get3A_2222 = arith.index_cast %add3A_2221 : i32 to index
          %get3A_2223 = arith.constant 96 : index
          %get3A_2224 = tpu.vector_load %arg8[%get3A_2222, %get3A_2223] {strides = array<i32>} : memref<112x512xf32, #tpu.memory_space<vmem>>, vector<16xf32>,
          %mul3A_2225 = arith.mulf %gather3A_2021, %get3A_2224 : vector<16xf32>
          %add3A_2226 = arith.addf %add3A_2219, %mul3A_2225 : vector<16xf32>
          %add3A_2227 = arith.constant 3 : i32
          %add3A_2228 = arith.addi %mul3A_2029, %add3A_2227 : i32
          %get3A_2229 = arith.index_cast %add3A_2228 : i32 to index
          %get3A_2230 = arith.constant 96 : index
          %get3A_2231 = tpu.vector_load %arg8[%get3A_2229, %get3A_2230] {strides = array<i32>} : memref<112x512xf32, #tpu.memory_space<vmem>>, vector<16xf32>,
          %mul3A_2232 = arith.mulf %gather3A_2025, %get3A_2231 : vector<16xf32>
          %add3A_2233 = arith.addf %add3A_2226, %mul3A_2232 : vector<16xf32>
          %sub3A_2234 = arith.constant 24 : i32
          %sub3A_2235 = arith.subi %scan3A_2011, %sub3A_2234 : i32
          %swap3A_2236 = arith.index_cast %sub3A_2235 : i32 to index
          %swap3A_2237 = arith.constant 96 : index
          %swap3A_2238 = tpu.vector_load %arg9[%swap3A_2236, %swap3A_2237] {strides = array<i32>} : memref<25x512xf32, #tpu.memory_space<vmem>>, vector<16xf32>,
          tpu.vector_store %arg9[%swap3A_2236, %swap3A_2237], %add3A_2233 {strides = array<i32>} : memref<25x512xf32, #tpu.memory_space<vmem>>, vector<16xf32>,
          %get3A_2239 = arith.index_cast %mul3A_2029 : i32 to index
          %get3A_2240 = arith.constant 112 : index
          %get3A_2241 = tpu.vector_load %arg8[%get3A_2239, %get3A_2240] {strides = array<i32>} : memref<112x512xf32, #tpu.memory_space<vmem>>, vector<16xf32>,
          %mul3A_2242 = arith.mulf %gather3A_2013, %get3A_2241 : vector<16xf32>
          %add3A_2243 = arith.constant 1 : i32
          %add3A_2244 = arith.addi %mul3A_2029, %add3A_2243 : i32
          %get3A_2245 = arith.index_cast %add3A_2244 : i32 to index
          %get3A_2246 = arith.constant 112 : index
          %get3A_2247 = tpu.vector_load %arg8[%get3A_2245, %get3A_2246] {strides = array<i32>} : memref<112x512xf32, #tpu.memory_space<vmem>>, vector<16xf32>,
          %mul3A_2248 = arith.mulf %gather3A_2017, %get3A_2247 : vector<16xf32>
          %add3A_2249 = arith.addf %mul3A_2242, %mul3A_2248 : vector<16xf32>
          %add3A_2250 = arith.constant 2 : i32
          %add3A_2251 = arith.addi %mul3A_2029, %add3A_2250 : i32
          %get3A_2252 = arith.index_cast %add3A_2251 : i32 to index
          %get3A_2253 = arith.constant 112 : index
          %get3A_2254 = tpu.vector_load %arg8[%get3A_2252, %get3A_2253] {strides = array<i32>} : memref<112x512xf32, #tpu.memory_space<vmem>>, vector<16xf32>,
          %mul3A_2255 = arith.mulf %gather3A_2021, %get3A_2254 : vector<16xf32>
          %add3A_2256 = arith.addf %add3A_2249, %mul3A_2255 : vector<16xf32>
          %add3A_2257 = arith.constant 3 : i32
          %add3A_2258 = arith.addi %mul3A_2029, %add3A_2257 : i32
          %get3A_2259 = arith.index_cast %add3A_2258 : i32 to index
          %get3A_2260 = arith.constant 112 : index
          %get3A_2261 = tpu.vector_load %arg8[%get3A_2259, %get3A_2260] {strides = array<i32>} : memref<112x512xf32, #tpu.memory_space<vmem>>, vector<16xf32>,
          %mul3A_2262 = arith.mulf %gather3A_2025, %get3A_2261 : vector<16xf32>
          %add3A_2263 = arith.addf %add3A_2256, %mul3A_2262 : vector<16xf32>
          %sub3A_2264 = arith.constant 24 : i32
          %sub3A_2265 = arith.subi %scan3A_2011, %sub3A_2264 : i32
          %swap3A_2266 = arith.index_cast %sub3A_2265 : i32 to index
          %swap3A_2267 = arith.constant 112 : index
          %swap3A_2268 = tpu.vector_load %arg9[%swap3A_2266, %swap3A_2267] {strides = array<i32>} : memref<25x512xf32, #tpu.memory_space<vmem>>, vector<16xf32>,
          tpu.vector_store %arg9[%swap3A_2266, %swap3A_2267], %add3A_2263 {strides = array<i32>} : memref<25x512xf32, #tpu.memory_space<vmem>>, vector<16xf32>,
          %get3A_2269 = arith.index_cast %mul3A_2029 : i32 to index
          %get3A_2270 = arith.constant 128 : index
          %get3A_2271 = tpu.vector_load %arg8[%get3A_2269, %get3A_2270] {strides = array<i32>} : memref<112x512xf32, #tpu.memory_space<vmem>>, vector<16xf32>,
          %mul3A_2272 = arith.mulf %gather3A_2013, %get3A_2271 : vector<16xf32>
          %add3A_2273 = arith.constant 1 : i32
          %add3A_2274 = arith.addi %mul3A_2029, %add3A_2273 : i32
          %get3A_2275 = arith.index_cast %add3A_2274 : i32 to index
          %get3A_2276 = arith.constant 128 : index
          %get3A_2277 = tpu.vector_load %arg8[%get3A_2275, %get3A_2276] {strides = array<i32>} : memref<112x512xf32, #tpu.memory_space<vmem>>, vector<16xf32>,
          %mul3A_2278 = arith.mulf %gather3A_2017, %get3A_2277 : vector<16xf32>
          %add3A_2279 = arith.addf %mul3A_2272, %mul3A_2278 : vector<16xf32>
          %add3A_2280 = arith.constant 2 : i32
          %add3A_2281 = arith.addi %mul3A_2029, %add3A_2280 : i32
          %get3A_2282 = arith.index_cast %add3A_2281 : i32 to index
          %get3A_2283 = arith.constant 128 : index
          %get3A_2284 = tpu.vector_load %arg8[%get3A_2282, %get3A_2283] {strides = array<i32>} : memref<112x512xf32, #tpu.memory_space<vmem>>, vector<16xf32>,
          %mul3A_2285 = arith.mulf %gather3A_2021, %get3A_2284 : vector<16xf32>
          %add3A_2286 = arith.addf %add3A_2279, %mul3A_2285 : vector<16xf32>
          %add3A_2287 = arith.constant 3 : i32
          %add3A_2288 = arith.addi %mul3A_2029, %add3A_2287 : i32
          %get3A_2289 = arith.index_cast %add3A_2288 : i32 to index
          %get3A_2290 = arith.constant 128 : index
          %get3A_2291 = tpu.vector_load %arg8[%get3A_2289, %get3A_2290] {strides = array<i32>} : memref<112x512xf32, #tpu.memory_space<vmem>>, vector<16xf32>,
          %mul3A_2292 = arith.mulf %gather3A_2025, %get3A_2291 : vector<16xf32>
          %add3A_2293 = arith.addf %add3A_2286, %mul3A_2292 : vector<16xf32>
          %sub3A_2294 = arith.constant 24 : i32
          %sub3A_2295 = arith.subi %scan3A_2011, %sub3A_2294 : i32
          %swap3A_2296 = arith.index_cast %sub3A_2295 : i32 to index
          %swap3A_2297 = arith.constant 128 : index
          %swap3A_2298 = tpu.vector_load %arg9[%swap3A_2296, %swap3A_2297] {strides = array<i32>} : memref<25x512xf32, #tpu.memory_space<vmem>>, vector<16xf32>,
          tpu.vector_store %arg9[%swap3A_2296, %swap3A_2297], %add3A_2293 {strides = array<i32>} : memref<25x512xf32, #tpu.memory_space<vmem>>, vector<16xf32>,
          %get3A_2299 = arith.index_cast %mul3A_2029 : i32 to index
          %get3A_2300 = arith.constant 144 : index
          %get3A_2301 = tpu.vector_load %arg8[%get3A_2299, %get3A_2300] {strides = array<i32>} : memref<112x512xf32, #tpu.memory_space<vmem>>, vector<16xf32>,
          %mul3A_2302 = arith.mulf %gather3A_2013, %get3A_2301 : vector<16xf32>
          %add3A_2303 = arith.constant 1 : i32
          %add3A_2304 = arith.addi %mul3A_2029, %add3A_2303 : i32
          %get3A_2305 = arith.index_cast %add3A_2304 : i32 to index
          %get3A_2306 = arith.constant 144 : index
          %get3A_2307 = tpu.vector_load %arg8[%get3A_2305, %get3A_2306] {strides = array<i32>} : memref<112x512xf32, #tpu.memory_space<vmem>>, vector<16xf32>,
          %mul3A_2308 = arith.mulf %gather3A_2017, %get3A_2307 : vector<16xf32>
          %add3A_2309 = arith.addf %mul3A_2302, %mul3A_2308 : vector<16xf32>
          %add3A_2310 = arith.constant 2 : i32
          %add3A_2311 = arith.addi %mul3A_2029, %add3A_2310 : i32
          %get3A_2312 = arith.index_cast %add3A_2311 : i32 to index
          %get3A_2313 = arith.constant 144 : index
          %get3A_2314 = tpu.vector_load %arg8[%get3A_2312, %get3A_2313] {strides = array<i32>} : memref<112x512xf32, #tpu.memory_space<vmem>>, vector<16xf32>,
          %mul3A_2315 = arith.mulf %gather3A_2021, %get3A_2314 : vector<16xf32>
          %add3A_2316 = arith.addf %add3A_2309, %mul3A_2315 : vector<16xf32>
          %add3A_2317 = arith.constant 3 : i32
          %add3A_2318 = arith.addi %mul3A_2029, %add3A_2317 : i32
          %get3A_2319 = arith.index_cast %add3A_2318 : i32 to index
          %get3A_2320 = arith.constant 144 : index
          %get3A_2321 = tpu.vector_load %arg8[%get3A_2319, %get3A_2320] {strides = array<i32>} : memref<112x512xf32, #tpu.memory_space<vmem>>, vector<16xf32>,
          %mul3A_2322 = arith.mulf %gather3A_2025, %get3A_2321 : vector<16xf32>
          %add3A_2323 = arith.addf %add3A_2316, %mul3A_2322 : vector<16xf32>
          %sub3A_2324 = arith.constant 24 : i32
          %sub3A_2325 = arith.subi %scan3A_2011, %sub3A_2324 : i32
          %swap3A_2326 = arith.index_cast %sub3A_2325 : i32 to index
          %swap3A_2327 = arith.constant 144 : index
          %swap3A_2328 = tpu.vector_load %arg9[%swap3A_2326, %swap3A_2327] {strides = array<i32>} : memref<25x512xf32, #tpu.memory_space<vmem>>, vector<16xf32>,
          tpu.vector_store %arg9[%swap3A_2326, %swap3A_2327], %add3A_2323 {strides = array<i32>} : memref<25x512xf32, #tpu.memory_space<vmem>>, vector<16xf32>,
          %get3A_2329 = arith.index_cast %mul3A_2029 : i32 to index
          %get3A_2330 = arith.constant 160 : index
          %get3A_2331 = tpu.vector_load %arg8[%get3A_2329, %get3A_2330] {strides = array<i32>} : memref<112x512xf32, #tpu.memory_space<vmem>>, vector<16xf32>,
          %mul3A_2332 = arith.mulf %gather3A_2013, %get3A_2331 : vector<16xf32>
          %add3A_2333 = arith.constant 1 : i32
          %add3A_2334 = arith.addi %mul3A_2029, %add3A_2333 : i32
          %get3A_2335 = arith.index_cast %add3A_2334 : i32 to index
          %get3A_2336 = arith.constant 160 : index
          %get3A_2337 = tpu.vector_load %arg8[%get3A_2335, %get3A_2336] {strides = array<i32>} : memref<112x512xf32, #tpu.memory_space<vmem>>, vector<16xf32>,
          %mul3A_2338 = arith.mulf %gather3A_2017, %get3A_2337 : vector<16xf32>
          %add3A_2339 = arith.addf %mul3A_2332, %mul3A_2338 : vector<16xf32>
          %add3A_2340 = arith.constant 2 : i32
          %add3A_2341 = arith.addi %mul3A_2029, %add3A_2340 : i32
          %get3A_2342 = arith.index_cast %add3A_2341 : i32 to index
          %get3A_2343 = arith.constant 160 : index
          %get3A_2344 = tpu.vector_load %arg8[%get3A_2342, %get3A_2343] {strides = array<i32>} : memref<112x512xf32, #tpu.memory_space<vmem>>, vector<16xf32>,
          %mul3A_2345 = arith.mulf %gather3A_2021, %get3A_2344 : vector<16xf32>
          %add3A_2346 = arith.addf %add3A_2339, %mul3A_2345 : vector<16xf32>
          %add3A_2347 = arith.constant 3 : i32
          %add3A_2348 = arith.addi %mul3A_2029, %add3A_2347 : i32
          %get3A_2349 = arith.index_cast %add3A_2348 : i32 to index
          %get3A_2350 = arith.constant 160 : index
          %get3A_2351 = tpu.vector_load %arg8[%get3A_2349, %get3A_2350] {strides = array<i32>} : memref<112x512xf32, #tpu.memory_space<vmem>>, vector<16xf32>,
          %mul3A_2352 = arith.mulf %gather3A_2025, %get3A_2351 : vector<16xf32>
          %add3A_2353 = arith.addf %add3A_2346, %mul3A_2352 : vector<16xf32>
          %sub3A_2354 = arith.constant 24 : i32
          %sub3A_2355 = arith.subi %scan3A_2011, %sub3A_2354 : i32
          %swap3A_2356 = arith.index_cast %sub3A_2355 : i32 to index
          %swap3A_2357 = arith.constant 160 : index
          %swap3A_2358 = tpu.vector_load %arg9[%swap3A_2356, %swap3A_2357] {strides = array<i32>} : memref<25x512xf32, #tpu.memory_space<vmem>>, vector<16xf32>,
          tpu.vector_store %arg9[%swap3A_2356, %swap3A_2357], %add3A_2353 {strides = array<i32>} : memref<25x512xf32, #tpu.memory_space<vmem>>, vector<16xf32>,
          %get3A_2359 = arith.index_cast %mul3A_2029 : i32 to index
          %get3A_2360 = arith.constant 176 : index
          %get3A_2361 = tpu.vector_load %arg8[%get3A_2359, %get3A_2360] {strides = array<i32>} : memref<112x512xf32, #tpu.memory_space<vmem>>, vector<16xf32>,
          %mul3A_2362 = arith.mulf %gather3A_2013, %get3A_2361 : vector<16xf32>
          %add3A_2363 = arith.constant 1 : i32
          %add3A_2364 = arith.addi %mul3A_2029, %add3A_2363 : i32
          %get3A_2365 = arith.index_cast %add3A_2364 : i32 to index
          %get3A_2366 = arith.constant 176 : index
          %get3A_2367 = tpu.vector_load %arg8[%get3A_2365, %get3A_2366] {strides = array<i32>} : memref<112x512xf32, #tpu.memory_space<vmem>>, vector<16xf32>,
          %mul3A_2368 = arith.mulf %gather3A_2017, %get3A_2367 : vector<16xf32>
          %add3A_2369 = arith.addf %mul3A_2362, %mul3A_2368 : vector<16xf32>
          %add3A_2370 = arith.constant 2 : i32
          %add3A_2371 = arith.addi %mul3A_2029, %add3A_2370 : i32
          %get3A_2372 = arith.index_cast %add3A_2371 : i32 to index
          %get3A_2373 = arith.constant 176 : index
          %get3A_2374 = tpu.vector_load %arg8[%get3A_2372, %get3A_2373] {strides = array<i32>} : memref<112x512xf32, #tpu.memory_space<vmem>>, vector<16xf32>,
          %mul3A_2375 = arith.mulf %gather3A_2021, %get3A_2374 : vector<16xf32>
          %add3A_2376 = arith.addf %add3A_2369, %mul3A_2375 : vector<16xf32>
          %add3A_2377 = arith.constant 3 : i32
          %add3A_2378 = arith.addi %mul3A_2029, %add3A_2377 : i32
          %get3A_2379 = arith.index_cast %add3A_2378 : i32 to index
          %get3A_2380 = arith.constant 176 : index
          %get3A_2381 = tpu.vector_load %arg8[%get3A_2379, %get3A_2380] {strides = array<i32>} : memref<112x512xf32, #tpu.memory_space<vmem>>, vector<16xf32>,
          %mul3A_2382 = arith.mulf %gather3A_2025, %get3A_2381 : vector<16xf32>
          %add3A_2383 = arith.addf %add3A_2376, %mul3A_2382 : vector<16xf32>
          %sub3A_2384 = arith.constant 24 : i32
          %sub3A_2385 = arith.subi %scan3A_2011, %sub3A_2384 : i32
          %swap3A_2386 = arith.index_cast %sub3A_2385 : i32 to index
          %swap3A_2387 = arith.constant 176 : index
          %swap3A_2388 = tpu.vector_load %arg9[%swap3A_2386, %swap3A_2387] {strides = array<i32>} : memref<25x512xf32, #tpu.memory_space<vmem>>, vector<16xf32>,
          tpu.vector_store %arg9[%swap3A_2386, %swap3A_2387], %add3A_2383 {strides = array<i32>} : memref<25x512xf32, #tpu.memory_space<vmem>>, vector<16xf32>,
          %get3A_2389 = arith.index_cast %mul3A_2029 : i32 to index
          %get3A_2390 = arith.constant 192 : index
          %get3A_2391 = tpu.vector_load %arg8[%get3A_2389, %get3A_2390] {strides = array<i32>} : memref<112x512xf32, #tpu.memory_space<vmem>>, vector<16xf32>,
          %mul3A_2392 = arith.mulf %gather3A_2013, %get3A_2391 : vector<16xf32>
          %add3A_2393 = arith.constant 1 : i32
          %add3A_2394 = arith.addi %mul3A_2029, %add3A_2393 : i32
          %get3A_2395 = arith.index_cast %add3A_2394 : i32 to index
          %get3A_2396 = arith.constant 192 : index
          %get3A_2397 = tpu.vector_load %arg8[%get3A_2395, %get3A_2396] {strides = array<i32>} : memref<112x512xf32, #tpu.memory_space<vmem>>, vector<16xf32>,
          %mul3A_2398 = arith.mulf %gather3A_2017, %get3A_2397 : vector<16xf32>
          %add3A_2399 = arith.addf %mul3A_2392, %mul3A_2398 : vector<16xf32>
          %add3A_2400 = arith.constant 2 : i32
          %add3A_2401 = arith.addi %mul3A_2029, %add3A_2400 : i32
          %get3A_2402 = arith.index_cast %add3A_2401 : i32 to index
          %get3A_2403 = arith.constant 192 : index
          %get3A_2404 = tpu.vector_load %arg8[%get3A_2402, %get3A_2403] {strides = array<i32>} : memref<112x512xf32, #tpu.memory_space<vmem>>, vector<16xf32>,
          %mul3A_2405 = arith.mulf %gather3A_2021, %get3A_2404 : vector<16xf32>
          %add3A_2406 = arith.addf %add3A_2399, %mul3A_2405 : vector<16xf32>
          %add3A_2407 = arith.constant 3 : i32
          %add3A_2408 = arith.addi %mul3A_2029, %add3A_2407 : i32
          %get3A_2409 = arith.index_cast %add3A_2408 : i32 to index
          %get3A_2410 = arith.constant 192 : index
          %get3A_2411 = tpu.vector_load %arg8[%get3A_2409, %get3A_2410] {strides = array<i32>} : memref<112x512xf32, #tpu.memory_space<vmem>>, vector<16xf32>,
          %mul3A_2412 = arith.mulf %gather3A_2025, %get3A_2411 : vector<16xf32>
          %add3A_2413 = arith.addf %add3A_2406, %mul3A_2412 : vector<16xf32>
          %sub3A_2414 = arith.constant 24 : i32
          %sub3A_2415 = arith.subi %scan3A_2011, %sub3A_2414 : i32
          %swap3A_2416 = arith.index_cast %sub3A_2415 : i32 to index
          %swap3A_2417 = arith.constant 192 : index
          %swap3A_2418 = tpu.vector_load %arg9[%swap3A_2416, %swap3A_2417] {strides = array<i32>} : memref<25x512xf32, #tpu.memory_space<vmem>>, vector<16xf32>,
          tpu.vector_store %arg9[%swap3A_2416, %swap3A_2417], %add3A_2413 {strides = array<i32>} : memref<25x512xf32, #tpu.memory_space<vmem>>, vector<16xf32>,
          %get3A_2419 = arith.index_cast %mul3A_2029 : i32 to index
          %get3A_2420 = arith.constant 208 : index
          %get3A_2421 = tpu.vector_load %arg8[%get3A_2419, %get3A_2420] {strides = array<i32>} : memref<112x512xf32, #tpu.memory_space<vmem>>, vector<16xf32>,
          %mul3A_2422 = arith.mulf %gather3A_2013, %get3A_2421 : vector<16xf32>
          %add3A_2423 = arith.constant 1 : i32
          %add3A_2424 = arith.addi %mul3A_2029, %add3A_2423 : i32
          %get3A_2425 = arith.index_cast %add3A_2424 : i32 to index
          %get3A_2426 = arith.constant 208 : index
          %get3A_2427 = tpu.vector_load %arg8[%get3A_2425, %get3A_2426] {strides = array<i32>} : memref<112x512xf32, #tpu.memory_space<vmem>>, vector<16xf32>,
          %mul3A_2428 = arith.mulf %gather3A_2017, %get3A_2427 : vector<16xf32>
          %add3A_2429 = arith.addf %mul3A_2422, %mul3A_2428 : vector<16xf32>
          %add3A_2430 = arith.constant 2 : i32
          %add3A_2431 = arith.addi %mul3A_2029, %add3A_2430 : i32
          %get3A_2432 = arith.index_cast %add3A_2431 : i32 to index
          %get3A_2433 = arith.constant 208 : index
          %get3A_2434 = tpu.vector_load %arg8[%get3A_2432, %get3A_2433] {strides = array<i32>} : memref<112x512xf32, #tpu.memory_space<vmem>>, vector<16xf32>,
          %mul3A_2435 = arith.mulf %gather3A_2021, %get3A_2434 : vector<16xf32>
          %add3A_2436 = arith.addf %add3A_2429, %mul3A_2435 : vector<16xf32>
          %add3A_2437 = arith.constant 3 : i32
          %add3A_2438 = arith.addi %mul3A_2029, %add3A_2437 : i32
          %get3A_2439 = arith.index_cast %add3A_2438 : i32 to index
          %get3A_2440 = arith.constant 208 : index
          %get3A_2441 = tpu.vector_load %arg8[%get3A_2439, %get3A_2440] {strides = array<i32>} : memref<112x512xf32, #tpu.memory_space<vmem>>, vector<16xf32>,
          %mul3A_2442 = arith.mulf %gather3A_2025, %get3A_2441 : vector<16xf32>
          %add3A_2443 = arith.addf %add3A_2436, %mul3A_2442 : vector<16xf32>
          %sub3A_2444 = arith.constant 24 : i32
          %sub3A_2445 = arith.subi %scan3A_2011, %sub3A_2444 : i32
          %swap3A_2446 = arith.index_cast %sub3A_2445 : i32 to index
          %swap3A_2447 = arith.constant 208 : index
          %swap3A_2448 = tpu.vector_load %arg9[%swap3A_2446, %swap3A_2447] {strides = array<i32>} : memref<25x512xf32, #tpu.memory_space<vmem>>, vector<16xf32>,
          tpu.vector_store %arg9[%swap3A_2446, %swap3A_2447], %add3A_2443 {strides = array<i32>} : memref<25x512xf32, #tpu.memory_space<vmem>>, vector<16xf32>,
          %get3A_2449 = arith.index_cast %mul3A_2029 : i32 to index
          %get3A_2450 = arith.constant 224 : index
          %get3A_2451 = tpu.vector_load %arg8[%get3A_2449, %get3A_2450] {strides = array<i32>} : memref<112x512xf32, #tpu.memory_space<vmem>>, vector<16xf32>,
          %mul3A_2452 = arith.mulf %gather3A_2013, %get3A_2451 : vector<16xf32>
          %add3A_2453 = arith.constant 1 : i32
          %add3A_2454 = arith.addi %mul3A_2029, %add3A_2453 : i32
          %get3A_2455 = arith.index_cast %add3A_2454 : i32 to index
          %get3A_2456 = arith.constant 224 : index
          %get3A_2457 = tpu.vector_load %arg8[%get3A_2455, %get3A_2456] {strides = array<i32>} : memref<112x512xf32, #tpu.memory_space<vmem>>, vector<16xf32>,
          %mul3A_2458 = arith.mulf %gather3A_2017, %get3A_2457 : vector<16xf32>
          %add3A_2459 = arith.addf %mul3A_2452, %mul3A_2458 : vector<16xf32>
          %add3A_2460 = arith.constant 2 : i32
          %add3A_2461 = arith.addi %mul3A_2029, %add3A_2460 : i32
          %get3A_2462 = arith.index_cast %add3A_2461 : i32 to index
          %get3A_2463 = arith.constant 224 : index
          %get3A_2464 = tpu.vector_load %arg8[%get3A_2462, %get3A_2463] {strides = array<i32>} : memref<112x512xf32, #tpu.memory_space<vmem>>, vector<16xf32>,
          %mul3A_2465 = arith.mulf %gather3A_2021, %get3A_2464 : vector<16xf32>
          %add3A_2466 = arith.addf %add3A_2459, %mul3A_2465 : vector<16xf32>
          %add3A_2467 = arith.constant 3 : i32
          %add3A_2468 = arith.addi %mul3A_2029, %add3A_2467 : i32
          %get3A_2469 = arith.index_cast %add3A_2468 : i32 to index
          %get3A_2470 = arith.constant 224 : index
          %get3A_2471 = tpu.vector_load %arg8[%get3A_2469, %get3A_2470] {strides = array<i32>} : memref<112x512xf32, #tpu.memory_space<vmem>>, vector<16xf32>,
          %mul3A_2472 = arith.mulf %gather3A_2025, %get3A_2471 : vector<16xf32>
          %add3A_2473 = arith.addf %add3A_2466, %mul3A_2472 : vector<16xf32>
          %sub3A_2474 = arith.constant 24 : i32
          %sub3A_2475 = arith.subi %scan3A_2011, %sub3A_2474 : i32
          %swap3A_2476 = arith.index_cast %sub3A_2475 : i32 to index
          %swap3A_2477 = arith.constant 224 : index
          %swap3A_2478 = tpu.vector_load %arg9[%swap3A_2476, %swap3A_2477] {strides = array<i32>} : memref<25x512xf32, #tpu.memory_space<vmem>>, vector<16xf32>,
          tpu.vector_store %arg9[%swap3A_2476, %swap3A_2477], %add3A_2473 {strides = array<i32>} : memref<25x512xf32, #tpu.memory_space<vmem>>, vector<16xf32>,
          %get3A_2479 = arith.index_cast %mul3A_2029 : i32 to index
          %get3A_2480 = arith.constant 240 : index
          %get3A_2481 = tpu.vector_load %arg8[%get3A_2479, %get3A_2480] {strides = array<i32>} : memref<112x512xf32, #tpu.memory_space<vmem>>, vector<16xf32>,
          %mul3A_2482 = arith.mulf %gather3A_2013, %get3A_2481 : vector<16xf32>
          %add3A_2483 = arith.constant 1 : i32
          %add3A_2484 = arith.addi %mul3A_2029, %add3A_2483 : i32
          %get3A_2485 = arith.index_cast %add3A_2484 : i32 to index
          %get3A_2486 = arith.constant 240 : index
          %get3A_2487 = tpu.vector_load %arg8[%get3A_2485, %get3A_2486] {strides = array<i32>} : memref<112x512xf32, #tpu.memory_space<vmem>>, vector<16xf32>,
          %mul3A_2488 = arith.mulf %gather3A_2017, %get3A_2487 : vector<16xf32>
          %add3A_2489 = arith.addf %mul3A_2482, %mul3A_2488 : vector<16xf32>
          %add3A_2490 = arith.constant 2 : i32
          %add3A_2491 = arith.addi %mul3A_2029, %add3A_2490 : i32
          %get3A_2492 = arith.index_cast %add3A_2491 : i32 to index
          %get3A_2493 = arith.constant 240 : index
          %get3A_2494 = tpu.vector_load %arg8[%get3A_2492, %get3A_2493] {strides = array<i32>} : memref<112x512xf32, #tpu.memory_space<vmem>>, vector<16xf32>,
          %mul3A_2495 = arith.mulf %gather3A_2021, %get3A_2494 : vector<16xf32>
          %add3A_2496 = arith.addf %add3A_2489, %mul3A_2495 : vector<16xf32>
          %add3A_2497 = arith.constant 3 : i32
          %add3A_2498 = arith.addi %mul3A_2029, %add3A_2497 : i32
          %get3A_2499 = arith.index_cast %add3A_2498 : i32 to index
          %get3A_2500 = arith.constant 240 : index
          %get3A_2501 = tpu.vector_load %arg8[%get3A_2499, %get3A_2500] {strides = array<i32>} : memref<112x512xf32, #tpu.memory_space<vmem>>, vector<16xf32>,
          %mul3A_2502 = arith.mulf %gather3A_2025, %get3A_2501 : vector<16xf32>
          %add3A_2503 = arith.addf %add3A_2496, %mul3A_2502 : vector<16xf32>
          %sub3A_2504 = arith.constant 24 : i32
          %sub3A_2505 = arith.subi %scan3A_2011, %sub3A_2504 : i32
          %swap3A_2506 = arith.index_cast %sub3A_2505 : i32 to index
          %swap3A_2507 = arith.constant 240 : index
          %swap3A_2508 = tpu.vector_load %arg9[%swap3A_2506, %swap3A_2507] {strides = array<i32>} : memref<25x512xf32, #tpu.memory_space<vmem>>, vector<16xf32>,
          tpu.vector_store %arg9[%swap3A_2506, %swap3A_2507], %add3A_2503 {strides = array<i32>} : memref<25x512xf32, #tpu.memory_space<vmem>>, vector<16xf32>,
          %get3A_2509 = arith.index_cast %mul3A_2029 : i32 to index
          %get3A_2510 = arith.constant 256 : index
          %get3A_2511 = tpu.vector_load %arg8[%get3A_2509, %get3A_2510] {strides = array<i32>} : memref<112x512xf32, #tpu.memory_space<vmem>>, vector<16xf32>,
          %mul3A_2512 = arith.mulf %gather3A_2013, %get3A_2511 : vector<16xf32>
          %add3A_2513 = arith.constant 1 : i32
          %add3A_2514 = arith.addi %mul3A_2029, %add3A_2513 : i32
          %get3A_2515 = arith.index_cast %add3A_2514 : i32 to index
          %get3A_2516 = arith.constant 256 : index
          %get3A_2517 = tpu.vector_load %arg8[%get3A_2515, %get3A_2516] {strides = array<i32>} : memref<112x512xf32, #tpu.memory_space<vmem>>, vector<16xf32>,
          %mul3A_2518 = arith.mulf %gather3A_2017, %get3A_2517 : vector<16xf32>
          %add3A_2519 = arith.addf %mul3A_2512, %mul3A_2518 : vector<16xf32>
          %add3A_2520 = arith.constant 2 : i32
          %add3A_2521 = arith.addi %mul3A_2029, %add3A_2520 : i32
          %get3A_2522 = arith.index_cast %add3A_2521 : i32 to index
          %get3A_2523 = arith.constant 256 : index
          %get3A_2524 = tpu.vector_load %arg8[%get3A_2522, %get3A_2523] {strides = array<i32>} : memref<112x512xf32, #tpu.memory_space<vmem>>, vector<16xf32>,
          %mul3A_2525 = arith.mulf %gather3A_2021, %get3A_2524 : vector<16xf32>
          %add3A_2526 = arith.addf %add3A_2519, %mul3A_2525 : vector<16xf32>
          %add3A_2527 = arith.constant 3 : i32
          %add3A_2528 = arith.addi %mul3A_2029, %add3A_2527 : i32
          %get3A_2529 = arith.index_cast %add3A_2528 : i32 to index
          %get3A_2530 = arith.constant 256 : index
          %get3A_2531 = tpu.vector_load %arg8[%get3A_2529, %get3A_2530] {strides = array<i32>} : memref<112x512xf32, #tpu.memory_space<vmem>>, vector<16xf32>,
          %mul3A_2532 = arith.mulf %gather3A_2025, %get3A_2531 : vector<16xf32>
          %add3A_2533 = arith.addf %add3A_2526, %mul3A_2532 : vector<16xf32>
          %sub3A_2534 = arith.constant 24 : i32
          %sub3A_2535 = arith.subi %scan3A_2011, %sub3A_2534 : i32
          %swap3A_2536 = arith.index_cast %sub3A_2535 : i32 to index
          %swap3A_2537 = arith.constant 256 : index
          %swap3A_2538 = tpu.vector_load %arg9[%swap3A_2536, %swap3A_2537] {strides = array<i32>} : memref<25x512xf32, #tpu.memory_space<vmem>>, vector<16xf32>,
          tpu.vector_store %arg9[%swap3A_2536, %swap3A_2537], %add3A_2533 {strides = array<i32>} : memref<25x512xf32, #tpu.memory_space<vmem>>, vector<16xf32>,
          %get3A_2539 = arith.index_cast %mul3A_2029 : i32 to index
          %get3A_2540 = arith.constant 272 : index
          %get3A_2541 = tpu.vector_load %arg8[%get3A_2539, %get3A_2540] {strides = array<i32>} : memref<112x512xf32, #tpu.memory_space<vmem>>, vector<16xf32>,
          %mul3A_2542 = arith.mulf %gather3A_2013, %get3A_2541 : vector<16xf32>
          %add3A_2543 = arith.constant 1 : i32
          %add3A_2544 = arith.addi %mul3A_2029, %add3A_2543 : i32
          %get3A_2545 = arith.index_cast %add3A_2544 : i32 to index
          %get3A_2546 = arith.constant 272 : index
          %get3A_2547 = tpu.vector_load %arg8[%get3A_2545, %get3A_2546] {strides = array<i32>} : memref<112x512xf32, #tpu.memory_space<vmem>>, vector<16xf32>,
          %mul3A_2548 = arith.mulf %gather3A_2017, %get3A_2547 : vector<16xf32>
          %add3A_2549 = arith.addf %mul3A_2542, %mul3A_2548 : vector<16xf32>
          %add3A_2550 = arith.constant 2 : i32
          %add3A_2551 = arith.addi %mul3A_2029, %add3A_2550 : i32
          %get3A_2552 = arith.index_cast %add3A_2551 : i32 to index
          %get3A_2553 = arith.constant 272 : index
          %get3A_2554 = tpu.vector_load %arg8[%get3A_2552, %get3A_2553] {strides = array<i32>} : memref<112x512xf32, #tpu.memory_space<vmem>>, vector<16xf32>,
          %mul3A_2555 = arith.mulf %gather3A_2021, %get3A_2554 : vector<16xf32>
          %add3A_2556 = arith.addf %add3A_2549, %mul3A_2555 : vector<16xf32>
          %add3A_2557 = arith.constant 3 : i32
          %add3A_2558 = arith.addi %mul3A_2029, %add3A_2557 : i32
          %get3A_2559 = arith.index_cast %add3A_2558 : i32 to index
          %get3A_2560 = arith.constant 272 : index
          %get3A_2561 = tpu.vector_load %arg8[%get3A_2559, %get3A_2560] {strides = array<i32>} : memref<112x512xf32, #tpu.memory_space<vmem>>, vector<16xf32>,
          %mul3A_2562 = arith.mulf %gather3A_2025, %get3A_2561 : vector<16xf32>
          %add3A_2563 = arith.addf %add3A_2556, %mul3A_2562 : vector<16xf32>
          %sub3A_2564 = arith.constant 24 : i32
          %sub3A_2565 = arith.subi %scan3A_2011, %sub3A_2564 : i32
          %swap3A_2566 = arith.index_cast %sub3A_2565 : i32 to index
          %swap3A_2567 = arith.constant 272 : index
          %swap3A_2568 = tpu.vector_load %arg9[%swap3A_2566, %swap3A_2567] {strides = array<i32>} : memref<25x512xf32, #tpu.memory_space<vmem>>, vector<16xf32>,
          tpu.vector_store %arg9[%swap3A_2566, %swap3A_2567], %add3A_2563 {strides = array<i32>} : memref<25x512xf32, #tpu.memory_space<vmem>>, vector<16xf32>,
          %get3A_2569 = arith.index_cast %mul3A_2029 : i32 to index
          %get3A_2570 = arith.constant 288 : index
          %get3A_2571 = tpu.vector_load %arg8[%get3A_2569, %get3A_2570] {strides = array<i32>} : memref<112x512xf32, #tpu.memory_space<vmem>>, vector<16xf32>,
          %mul3A_2572 = arith.mulf %gather3A_2013, %get3A_2571 : vector<16xf32>
          %add3A_2573 = arith.constant 1 : i32
          %add3A_2574 = arith.addi %mul3A_2029, %add3A_2573 : i32
          %get3A_2575 = arith.index_cast %add3A_2574 : i32 to index
          %get3A_2576 = arith.constant 288 : index
          %get3A_2577 = tpu.vector_load %arg8[%get3A_2575, %get3A_2576] {strides = array<i32>} : memref<112x512xf32, #tpu.memory_space<vmem>>, vector<16xf32>,
          %mul3A_2578 = arith.mulf %gather3A_2017, %get3A_2577 : vector<16xf32>
          %add3A_2579 = arith.addf %mul3A_2572, %mul3A_2578 : vector<16xf32>
          %add3A_2580 = arith.constant 2 : i32
          %add3A_2581 = arith.addi %mul3A_2029, %add3A_2580 : i32
          %get3A_2582 = arith.index_cast %add3A_2581 : i32 to index
          %get3A_2583 = arith.constant 288 : index
          %get3A_2584 = tpu.vector_load %arg8[%get3A_2582, %get3A_2583] {strides = array<i32>} : memref<112x512xf32, #tpu.memory_space<vmem>>, vector<16xf32>,
          %mul3A_2585 = arith.mulf %gather3A_2021, %get3A_2584 : vector<16xf32>
          %add3A_2586 = arith.addf %add3A_2579, %mul3A_2585 : vector<16xf32>
          %add3A_2587 = arith.constant 3 : i32
          %add3A_2588 = arith.addi %mul3A_2029, %add3A_2587 : i32
          %get3A_2589 = arith.index_cast %add3A_2588 : i32 to index
          %get3A_2590 = arith.constant 288 : index
          %get3A_2591 = tpu.vector_load %arg8[%get3A_2589, %get3A_2590] {strides = array<i32>} : memref<112x512xf32, #tpu.memory_space<vmem>>, vector<16xf32>,
          %mul3A_2592 = arith.mulf %gather3A_2025, %get3A_2591 : vector<16xf32>
          %add3A_2593 = arith.addf %add3A_2586, %mul3A_2592 : vector<16xf32>
          %sub3A_2594 = arith.constant 24 : i32
          %sub3A_2595 = arith.subi %scan3A_2011, %sub3A_2594 : i32
          %swap3A_2596 = arith.index_cast %sub3A_2595 : i32 to index
          %swap3A_2597 = arith.constant 288 : index
          %swap3A_2598 = tpu.vector_load %arg9[%swap3A_2596, %swap3A_2597] {strides = array<i32>} : memref<25x512xf32, #tpu.memory_space<vmem>>, vector<16xf32>,
          tpu.vector_store %arg9[%swap3A_2596, %swap3A_2597], %add3A_2593 {strides = array<i32>} : memref<25x512xf32, #tpu.memory_space<vmem>>, vector<16xf32>,
          %get3A_2599 = arith.index_cast %mul3A_2029 : i32 to index
          %get3A_2600 = arith.constant 304 : index
          %get3A_2601 = tpu.vector_load %arg8[%get3A_2599, %get3A_2600] {strides = array<i32>} : memref<112x512xf32, #tpu.memory_space<vmem>>, vector<16xf32>,
          %mul3A_2602 = arith.mulf %gather3A_2013, %get3A_2601 : vector<16xf32>
          %add3A_2603 = arith.constant 1 : i32
          %add3A_2604 = arith.addi %mul3A_2029, %add3A_2603 : i32
          %get3A_2605 = arith.index_cast %add3A_2604 : i32 to index
          %get3A_2606 = arith.constant 304 : index
          %get3A_2607 = tpu.vector_load %arg8[%get3A_2605, %get3A_2606] {strides = array<i32>} : memref<112x512xf32, #tpu.memory_space<vmem>>, vector<16xf32>,
          %mul3A_2608 = arith.mulf %gather3A_2017, %get3A_2607 : vector<16xf32>
          %add3A_2609 = arith.addf %mul3A_2602, %mul3A_2608 : vector<16xf32>
          %add3A_2610 = arith.constant 2 : i32
          %add3A_2611 = arith.addi %mul3A_2029, %add3A_2610 : i32
          %get3A_2612 = arith.index_cast %add3A_2611 : i32 to index
          %get3A_2613 = arith.constant 304 : index
          %get3A_2614 = tpu.vector_load %arg8[%get3A_2612, %get3A_2613] {strides = array<i32>} : memref<112x512xf32, #tpu.memory_space<vmem>>, vector<16xf32>,
          %mul3A_2615 = arith.mulf %gather3A_2021, %get3A_2614 : vector<16xf32>
          %add3A_2616 = arith.addf %add3A_2609, %mul3A_2615 : vector<16xf32>
          %add3A_2617 = arith.constant 3 : i32
          %add3A_2618 = arith.addi %mul3A_2029, %add3A_2617 : i32
          %get3A_2619 = arith.index_cast %add3A_2618 : i32 to index
          %get3A_2620 = arith.constant 304 : index
          %get3A_2621 = tpu.vector_load %arg8[%get3A_2619, %get3A_2620] {strides = array<i32>} : memref<112x512xf32, #tpu.memory_space<vmem>>, vector<16xf32>,
          %mul3A_2622 = arith.mulf %gather3A_2025, %get3A_2621 : vector<16xf32>
          %add3A_2623 = arith.addf %add3A_2616, %mul3A_2622 : vector<16xf32>
          %sub3A_2624 = arith.constant 24 : i32
          %sub3A_2625 = arith.subi %scan3A_2011, %sub3A_2624 : i32
          %swap3A_2626 = arith.index_cast %sub3A_2625 : i32 to index
          %swap3A_2627 = arith.constant 304 : index
          %swap3A_2628 = tpu.vector_load %arg9[%swap3A_2626, %swap3A_2627] {strides = array<i32>} : memref<25x512xf32, #tpu.memory_space<vmem>>, vector<16xf32>,
          tpu.vector_store %arg9[%swap3A_2626, %swap3A_2627], %add3A_2623 {strides = array<i32>} : memref<25x512xf32, #tpu.memory_space<vmem>>, vector<16xf32>,
          %get3A_2629 = arith.index_cast %mul3A_2029 : i32 to index
          %get3A_2630 = arith.constant 320 : index
          %get3A_2631 = tpu.vector_load %arg8[%get3A_2629, %get3A_2630] {strides = array<i32>} : memref<112x512xf32, #tpu.memory_space<vmem>>, vector<16xf32>,
          %mul3A_2632 = arith.mulf %gather3A_2013, %get3A_2631 : vector<16xf32>
          %add3A_2633 = arith.constant 1 : i32
          %add3A_2634 = arith.addi %mul3A_2029, %add3A_2633 : i32
          %get3A_2635 = arith.index_cast %add3A_2634 : i32 to index
          %get3A_2636 = arith.constant 320 : index
          %get3A_2637 = tpu.vector_load %arg8[%get3A_2635, %get3A_2636] {strides = array<i32>} : memref<112x512xf32, #tpu.memory_space<vmem>>, vector<16xf32>,
          %mul3A_2638 = arith.mulf %gather3A_2017, %get3A_2637 : vector<16xf32>
          %add3A_2639 = arith.addf %mul3A_2632, %mul3A_2638 : vector<16xf32>
          %add3A_2640 = arith.constant 2 : i32
          %add3A_2641 = arith.addi %mul3A_2029, %add3A_2640 : i32
          %get3A_2642 = arith.index_cast %add3A_2641 : i32 to index
          %get3A_2643 = arith.constant 320 : index
          %get3A_2644 = tpu.vector_load %arg8[%get3A_2642, %get3A_2643] {strides = array<i32>} : memref<112x512xf32, #tpu.memory_space<vmem>>, vector<16xf32>,
          %mul3A_2645 = arith.mulf %gather3A_2021, %get3A_2644 : vector<16xf32>
          %add3A_2646 = arith.addf %add3A_2639, %mul3A_2645 : vector<16xf32>
          %add3A_2647 = arith.constant 3 : i32
          %add3A_2648 = arith.addi %mul3A_2029, %add3A_2647 : i32
          %get3A_2649 = arith.index_cast %add3A_2648 : i32 to index
          %get3A_2650 = arith.constant 320 : index
          %get3A_2651 = tpu.vector_load %arg8[%get3A_2649, %get3A_2650] {strides = array<i32>} : memref<112x512xf32, #tpu.memory_space<vmem>>, vector<16xf32>,
          %mul3A_2652 = arith.mulf %gather3A_2025, %get3A_2651 : vector<16xf32>
          %add3A_2653 = arith.addf %add3A_2646, %mul3A_2652 : vector<16xf32>
          %sub3A_2654 = arith.constant 24 : i32
          %sub3A_2655 = arith.subi %scan3A_2011, %sub3A_2654 : i32
          %swap3A_2656 = arith.index_cast %sub3A_2655 : i32 to index
          %swap3A_2657 = arith.constant 320 : index
          %swap3A_2658 = tpu.vector_load %arg9[%swap3A_2656, %swap3A_2657] {strides = array<i32>} : memref<25x512xf32, #tpu.memory_space<vmem>>, vector<16xf32>,
          tpu.vector_store %arg9[%swap3A_2656, %swap3A_2657], %add3A_2653 {strides = array<i32>} : memref<25x512xf32, #tpu.memory_space<vmem>>, vector<16xf32>,
          %get3A_2659 = arith.index_cast %mul3A_2029 : i32 to index
          %get3A_2660 = arith.constant 336 : index
          %get3A_2661 = tpu.vector_load %arg8[%get3A_2659, %get3A_2660] {strides = array<i32>} : memref<112x512xf32, #tpu.memory_space<vmem>>, vector<16xf32>,
          %mul3A_2662 = arith.mulf %gather3A_2013, %get3A_2661 : vector<16xf32>
          %add3A_2663 = arith.constant 1 : i32
          %add3A_2664 = arith.addi %mul3A_2029, %add3A_2663 : i32
          %get3A_2665 = arith.index_cast %add3A_2664 : i32 to index
          %get3A_2666 = arith.constant 336 : index
          %get3A_2667 = tpu.vector_load %arg8[%get3A_2665, %get3A_2666] {strides = array<i32>} : memref<112x512xf32, #tpu.memory_space<vmem>>, vector<16xf32>,
          %mul3A_2668 = arith.mulf %gather3A_2017, %get3A_2667 : vector<16xf32>
          %add3A_2669 = arith.addf %mul3A_2662, %mul3A_2668 : vector<16xf32>
          %add3A_2670 = arith.constant 2 : i32
          %add3A_2671 = arith.addi %mul3A_2029, %add3A_2670 : i32
          %get3A_2672 = arith.index_cast %add3A_2671 : i32 to index
          %get3A_2673 = arith.constant 336 : index
          %get3A_2674 = tpu.vector_load %arg8[%get3A_2672, %get3A_2673] {strides = array<i32>} : memref<112x512xf32, #tpu.memory_space<vmem>>, vector<16xf32>,
          %mul3A_2675 = arith.mulf %gather3A_2021, %get3A_2674 : vector<16xf32>
          %add3A_2676 = arith.addf %add3A_2669, %mul3A_2675 : vector<16xf32>
          %add3A_2677 = arith.constant 3 : i32
          %add3A_2678 = arith.addi %mul3A_2029, %add3A_2677 : i32
          %get3A_2679 = arith.index_cast %add3A_2678 : i32 to index
          %get3A_2680 = arith.constant 336 : index
          %get3A_2681 = tpu.vector_load %arg8[%get3A_2679, %get3A_2680] {strides = array<i32>} : memref<112x512xf32, #tpu.memory_space<vmem>>, vector<16xf32>,
          %mul3A_2682 = arith.mulf %gather3A_2025, %get3A_2681 : vector<16xf32>
          %add3A_2683 = arith.addf %add3A_2676, %mul3A_2682 : vector<16xf32>
          %sub3A_2684 = arith.constant 24 : i32
          %sub3A_2685 = arith.subi %scan3A_2011, %sub3A_2684 : i32
          %swap3A_2686 = arith.index_cast %sub3A_2685 : i32 to index
          %swap3A_2687 = arith.constant 336 : index
          %swap3A_2688 = tpu.vector_load %arg9[%swap3A_2686, %swap3A_2687] {strides = array<i32>} : memref<25x512xf32, #tpu.memory_space<vmem>>, vector<16xf32>,
          tpu.vector_store %arg9[%swap3A_2686, %swap3A_2687], %add3A_2683 {strides = array<i32>} : memref<25x512xf32, #tpu.memory_space<vmem>>, vector<16xf32>,
          %get3A_2689 = arith.index_cast %mul3A_2029 : i32 to index
          %get3A_2690 = arith.constant 352 : index
          %get3A_2691 = tpu.vector_load %arg8[%get3A_2689, %get3A_2690] {strides = array<i32>} : memref<112x512xf32, #tpu.memory_space<vmem>>, vector<16xf32>,
          %mul3A_2692 = arith.mulf %gather3A_2013, %get3A_2691 : vector<16xf32>
          %add3A_2693 = arith.constant 1 : i32
          %add3A_2694 = arith.addi %mul3A_2029, %add3A_2693 : i32
          %get3A_2695 = arith.index_cast %add3A_2694 : i32 to index
          %get3A_2696 = arith.constant 352 : index
          %get3A_2697 = tpu.vector_load %arg8[%get3A_2695, %get3A_2696] {strides = array<i32>} : memref<112x512xf32, #tpu.memory_space<vmem>>, vector<16xf32>,
          %mul3A_2698 = arith.mulf %gather3A_2017, %get3A_2697 : vector<16xf32>
          %add3A_2699 = arith.addf %mul3A_2692, %mul3A_2698 : vector<16xf32>
          %add3A_2700 = arith.constant 2 : i32
          %add3A_2701 = arith.addi %mul3A_2029, %add3A_2700 : i32
          %get3A_2702 = arith.index_cast %add3A_2701 : i32 to index
          %get3A_2703 = arith.constant 352 : index
          %get3A_2704 = tpu.vector_load %arg8[%get3A_2702, %get3A_2703] {strides = array<i32>} : memref<112x512xf32, #tpu.memory_space<vmem>>, vector<16xf32>,
          %mul3A_2705 = arith.mulf %gather3A_2021, %get3A_2704 : vector<16xf32>
          %add3A_2706 = arith.addf %add3A_2699, %mul3A_2705 : vector<16xf32>
          %add3A_2707 = arith.constant 3 : i32
          %add3A_2708 = arith.addi %mul3A_2029, %add3A_2707 : i32
          %get3A_2709 = arith.index_cast %add3A_2708 : i32 to index
          %get3A_2710 = arith.constant 352 : index
          %get3A_2711 = tpu.vector_load %arg8[%get3A_2709, %get3A_2710] {strides = array<i32>} : memref<112x512xf32, #tpu.memory_space<vmem>>, vector<16xf32>,
          %mul3A_2712 = arith.mulf %gather3A_2025, %get3A_2711 : vector<16xf32>
          %add3A_2713 = arith.addf %add3A_2706, %mul3A_2712 : vector<16xf32>
          %sub3A_2714 = arith.constant 24 : i32
          %sub3A_2715 = arith.subi %scan3A_2011, %sub3A_2714 : i32
          %swap3A_2716 = arith.index_cast %sub3A_2715 : i32 to index
          %swap3A_2717 = arith.constant 352 : index
          %swap3A_2718 = tpu.vector_load %arg9[%swap3A_2716, %swap3A_2717] {strides = array<i32>} : memref<25x512xf32, #tpu.memory_space<vmem>>, vector<16xf32>,
          tpu.vector_store %arg9[%swap3A_2716, %swap3A_2717], %add3A_2713 {strides = array<i32>} : memref<25x512xf32, #tpu.memory_space<vmem>>, vector<16xf32>,
          %get3A_2719 = arith.index_cast %mul3A_2029 : i32 to index
          %get3A_2720 = arith.constant 368 : index
          %get3A_2721 = tpu.vector_load %arg8[%get3A_2719, %get3A_2720] {strides = array<i32>} : memref<112x512xf32, #tpu.memory_space<vmem>>, vector<16xf32>,
          %mul3A_2722 = arith.mulf %gather3A_2013, %get3A_2721 : vector<16xf32>
          %add3A_2723 = arith.constant 1 : i32
          %add3A_2724 = arith.addi %mul3A_2029, %add3A_2723 : i32
          %get3A_2725 = arith.index_cast %add3A_2724 : i32 to index
          %get3A_2726 = arith.constant 368 : index
          %get3A_2727 = tpu.vector_load %arg8[%get3A_2725, %get3A_2726] {strides = array<i32>} : memref<112x512xf32, #tpu.memory_space<vmem>>, vector<16xf32>,
          %mul3A_2728 = arith.mulf %gather3A_2017, %get3A_2727 : vector<16xf32>
          %add3A_2729 = arith.addf %mul3A_2722, %mul3A_2728 : vector<16xf32>
          %add3A_2730 = arith.constant 2 : i32
          %add3A_2731 = arith.addi %mul3A_2029, %add3A_2730 : i32
          %get3A_2732 = arith.index_cast %add3A_2731 : i32 to index
          %get3A_2733 = arith.constant 368 : index
          %get3A_2734 = tpu.vector_load %arg8[%get3A_2732, %get3A_2733] {strides = array<i32>} : memref<112x512xf32, #tpu.memory_space<vmem>>, vector<16xf32>,
          %mul3A_2735 = arith.mulf %gather3A_2021, %get3A_2734 : vector<16xf32>
          %add3A_2736 = arith.addf %add3A_2729, %mul3A_2735 : vector<16xf32>
          %add3A_2737 = arith.constant 3 : i32
          %add3A_2738 = arith.addi %mul3A_2029, %add3A_2737 : i32
          %get3A_2739 = arith.index_cast %add3A_2738 : i32 to index
          %get3A_2740 = arith.constant 368 : index
          %get3A_2741 = tpu.vector_load %arg8[%get3A_2739, %get3A_2740] {strides = array<i32>} : memref<112x512xf32, #tpu.memory_space<vmem>>, vector<16xf32>,
          %mul3A_2742 = arith.mulf %gather3A_2025, %get3A_2741 : vector<16xf32>
          %add3A_2743 = arith.addf %add3A_2736, %mul3A_2742 : vector<16xf32>
          %sub3A_2744 = arith.constant 24 : i32
          %sub3A_2745 = arith.subi %scan3A_2011, %sub3A_2744 : i32
          %swap3A_2746 = arith.index_cast %sub3A_2745 : i32 to index
          %swap3A_2747 = arith.constant 368 : index
          %swap3A_2748 = tpu.vector_load %arg9[%swap3A_2746, %swap3A_2747] {strides = array<i32>} : memref<25x512xf32, #tpu.memory_space<vmem>>, vector<16xf32>,
          tpu.vector_store %arg9[%swap3A_2746, %swap3A_2747], %add3A_2743 {strides = array<i32>} : memref<25x512xf32, #tpu.memory_space<vmem>>, vector<16xf32>,
          %get3A_2749 = arith.index_cast %mul3A_2029 : i32 to index
          %get3A_2750 = arith.constant 384 : index
          %get3A_2751 = tpu.vector_load %arg8[%get3A_2749, %get3A_2750] {strides = array<i32>} : memref<112x512xf32, #tpu.memory_space<vmem>>, vector<16xf32>,
          %mul3A_2752 = arith.mulf %gather3A_2013, %get3A_2751 : vector<16xf32>
          %add3A_2753 = arith.constant 1 : i32
          %add3A_2754 = arith.addi %mul3A_2029, %add3A_2753 : i32
          %get3A_2755 = arith.index_cast %add3A_2754 : i32 to index
          %get3A_2756 = arith.constant 384 : index
          %get3A_2757 = tpu.vector_load %arg8[%get3A_2755, %get3A_2756] {strides = array<i32>} : memref<112x512xf32, #tpu.memory_space<vmem>>, vector<16xf32>,
          %mul3A_2758 = arith.mulf %gather3A_2017, %get3A_2757 : vector<16xf32>
          %add3A_2759 = arith.addf %mul3A_2752, %mul3A_2758 : vector<16xf32>
          %add3A_2760 = arith.constant 2 : i32
          %add3A_2761 = arith.addi %mul3A_2029, %add3A_2760 : i32
          %get3A_2762 = arith.index_cast %add3A_2761 : i32 to index
          %get3A_2763 = arith.constant 384 : index
          %get3A_2764 = tpu.vector_load %arg8[%get3A_2762, %get3A_2763] {strides = array<i32>} : memref<112x512xf32, #tpu.memory_space<vmem>>, vector<16xf32>,
          %mul3A_2765 = arith.mulf %gather3A_2021, %get3A_2764 : vector<16xf32>
          %add3A_2766 = arith.addf %add3A_2759, %mul3A_2765 : vector<16xf32>
          %add3A_2767 = arith.constant 3 : i32
          %add3A_2768 = arith.addi %mul3A_2029, %add3A_2767 : i32
          %get3A_2769 = arith.index_cast %add3A_2768 : i32 to index
          %get3A_2770 = arith.constant 384 : index
          %get3A_2771 = tpu.vector_load %arg8[%get3A_2769, %get3A_2770] {strides = array<i32>} : memref<112x512xf32, #tpu.memory_space<vmem>>, vector<16xf32>,
          %mul3A_2772 = arith.mulf %gather3A_2025, %get3A_2771 : vector<16xf32>
          %add3A_2773 = arith.addf %add3A_2766, %mul3A_2772 : vector<16xf32>
          %sub3A_2774 = arith.constant 24 : i32
          %sub3A_2775 = arith.subi %scan3A_2011, %sub3A_2774 : i32
          %swap3A_2776 = arith.index_cast %sub3A_2775 : i32 to index
          %swap3A_2777 = arith.constant 384 : index
          %swap3A_2778 = tpu.vector_load %arg9[%swap3A_2776, %swap3A_2777] {strides = array<i32>} : memref<25x512xf32, #tpu.memory_space<vmem>>, vector<16xf32>,
          tpu.vector_store %arg9[%swap3A_2776, %swap3A_2777], %add3A_2773 {strides = array<i32>} : memref<25x512xf32, #tpu.memory_space<vmem>>, vector<16xf32>,
          %get3A_2779 = arith.index_cast %mul3A_2029 : i32 to index
          %get3A_2780 = arith.constant 400 : index
          %get3A_2781 = tpu.vector_load %arg8[%get3A_2779, %get3A_2780] {strides = array<i32>} : memref<112x512xf32, #tpu.memory_space<vmem>>, vector<16xf32>,
          %mul3A_2782 = arith.mulf %gather3A_2013, %get3A_2781 : vector<16xf32>
          %add3A_2783 = arith.constant 1 : i32
          %add3A_2784 = arith.addi %mul3A_2029, %add3A_2783 : i32
          %get3A_2785 = arith.index_cast %add3A_2784 : i32 to index
          %get3A_2786 = arith.constant 400 : index
          %get3A_2787 = tpu.vector_load %arg8[%get3A_2785, %get3A_2786] {strides = array<i32>} : memref<112x512xf32, #tpu.memory_space<vmem>>, vector<16xf32>,
          %mul3A_2788 = arith.mulf %gather3A_2017, %get3A_2787 : vector<16xf32>
          %add3A_2789 = arith.addf %mul3A_2782, %mul3A_2788 : vector<16xf32>
          %add3A_2790 = arith.constant 2 : i32
          %add3A_2791 = arith.addi %mul3A_2029, %add3A_2790 : i32
          %get3A_2792 = arith.index_cast %add3A_2791 : i32 to index
          %get3A_2793 = arith.constant 400 : index
          %get3A_2794 = tpu.vector_load %arg8[%get3A_2792, %get3A_2793] {strides = array<i32>} : memref<112x512xf32, #tpu.memory_space<vmem>>, vector<16xf32>,
          %mul3A_2795 = arith.mulf %gather3A_2021, %get3A_2794 : vector<16xf32>
          %add3A_2796 = arith.addf %add3A_2789, %mul3A_2795 : vector<16xf32>
          %add3A_2797 = arith.constant 3 : i32
          %add3A_2798 = arith.addi %mul3A_2029, %add3A_2797 : i32
          %get3A_2799 = arith.index_cast %add3A_2798 : i32 to index
          %get3A_2800 = arith.constant 400 : index
          %get3A_2801 = tpu.vector_load %arg8[%get3A_2799, %get3A_2800] {strides = array<i32>} : memref<112x512xf32, #tpu.memory_space<vmem>>, vector<16xf32>,
          %mul3A_2802 = arith.mulf %gather3A_2025, %get3A_2801 : vector<16xf32>
          %add3A_2803 = arith.addf %add3A_2796, %mul3A_2802 : vector<16xf32>
          %sub3A_2804 = arith.constant 24 : i32
          %sub3A_2805 = arith.subi %scan3A_2011, %sub3A_2804 : i32
          %swap3A_2806 = arith.index_cast %sub3A_2805 : i32 to index
          %swap3A_2807 = arith.constant 400 : index
          %swap3A_2808 = tpu.vector_load %arg9[%swap3A_2806, %swap3A_2807] {strides = array<i32>} : memref<25x512xf32, #tpu.memory_space<vmem>>, vector<16xf32>,
          tpu.vector_store %arg9[%swap3A_2806, %swap3A_2807], %add3A_2803 {strides = array<i32>} : memref<25x512xf32, #tpu.memory_space<vmem>>, vector<16xf32>,
          %get3A_2809 = arith.index_cast %mul3A_2029 : i32 to index
          %get3A_2810 = arith.constant 416 : index
          %get3A_2811 = tpu.vector_load %arg8[%get3A_2809, %get3A_2810] {strides = array<i32>} : memref<112x512xf32, #tpu.memory_space<vmem>>, vector<16xf32>,
          %mul3A_2812 = arith.mulf %gather3A_2013, %get3A_2811 : vector<16xf32>
          %add3A_2813 = arith.constant 1 : i32
          %add3A_2814 = arith.addi %mul3A_2029, %add3A_2813 : i32
          %get3A_2815 = arith.index_cast %add3A_2814 : i32 to index
          %get3A_2816 = arith.constant 416 : index
          %get3A_2817 = tpu.vector_load %arg8[%get3A_2815, %get3A_2816] {strides = array<i32>} : memref<112x512xf32, #tpu.memory_space<vmem>>, vector<16xf32>,
          %mul3A_2818 = arith.mulf %gather3A_2017, %get3A_2817 : vector<16xf32>
          %add3A_2819 = arith.addf %mul3A_2812, %mul3A_2818 : vector<16xf32>
          %add3A_2820 = arith.constant 2 : i32
          %add3A_2821 = arith.addi %mul3A_2029, %add3A_2820 : i32
          %get3A_2822 = arith.index_cast %add3A_2821 : i32 to index
          %get3A_2823 = arith.constant 416 : index
          %get3A_2824 = tpu.vector_load %arg8[%get3A_2822, %get3A_2823] {strides = array<i32>} : memref<112x512xf32, #tpu.memory_space<vmem>>, vector<16xf32>,
          %mul3A_2825 = arith.mulf %gather3A_2021, %get3A_2824 : vector<16xf32>
          %add3A_2826 = arith.addf %add3A_2819, %mul3A_2825 : vector<16xf32>
          %add3A_2827 = arith.constant 3 : i32
          %add3A_2828 = arith.addi %mul3A_2029, %add3A_2827 : i32
          %get3A_2829 = arith.index_cast %add3A_2828 : i32 to index
          %get3A_2830 = arith.constant 416 : index
          %get3A_2831 = tpu.vector_load %arg8[%get3A_2829, %get3A_2830] {strides = array<i32>} : memref<112x512xf32, #tpu.memory_space<vmem>>, vector<16xf32>,
          %mul3A_2832 = arith.mulf %gather3A_2025, %get3A_2831 : vector<16xf32>
          %add3A_2833 = arith.addf %add3A_2826, %mul3A_2832 : vector<16xf32>
          %sub3A_2834 = arith.constant 24 : i32
          %sub3A_2835 = arith.subi %scan3A_2011, %sub3A_2834 : i32
          %swap3A_2836 = arith.index_cast %sub3A_2835 : i32 to index
          %swap3A_2837 = arith.constant 416 : index
          %swap3A_2838 = tpu.vector_load %arg9[%swap3A_2836, %swap3A_2837] {strides = array<i32>} : memref<25x512xf32, #tpu.memory_space<vmem>>, vector<16xf32>,
          tpu.vector_store %arg9[%swap3A_2836, %swap3A_2837], %add3A_2833 {strides = array<i32>} : memref<25x512xf32, #tpu.memory_space<vmem>>, vector<16xf32>,
          %get3A_2839 = arith.index_cast %mul3A_2029 : i32 to index
          %get3A_2840 = arith.constant 432 : index
          %get3A_2841 = tpu.vector_load %arg8[%get3A_2839, %get3A_2840] {strides = array<i32>} : memref<112x512xf32, #tpu.memory_space<vmem>>, vector<16xf32>,
          %mul3A_2842 = arith.mulf %gather3A_2013, %get3A_2841 : vector<16xf32>
          %add3A_2843 = arith.constant 1 : i32
          %add3A_2844 = arith.addi %mul3A_2029, %add3A_2843 : i32
          %get3A_2845 = arith.index_cast %add3A_2844 : i32 to index
          %get3A_2846 = arith.constant 432 : index
          %get3A_2847 = tpu.vector_load %arg8[%get3A_2845, %get3A_2846] {strides = array<i32>} : memref<112x512xf32, #tpu.memory_space<vmem>>, vector<16xf32>,
          %mul3A_2848 = arith.mulf %gather3A_2017, %get3A_2847 : vector<16xf32>
          %add3A_2849 = arith.addf %mul3A_2842, %mul3A_2848 : vector<16xf32>
          %add3A_2850 = arith.constant 2 : i32
          %add3A_2851 = arith.addi %mul3A_2029, %add3A_2850 : i32
          %get3A_2852 = arith.index_cast %add3A_2851 : i32 to index
          %get3A_2853 = arith.constant 432 : index
          %get3A_2854 = tpu.vector_load %arg8[%get3A_2852, %get3A_2853] {strides = array<i32>} : memref<112x512xf32, #tpu.memory_space<vmem>>, vector<16xf32>,
          %mul3A_2855 = arith.mulf %gather3A_2021, %get3A_2854 : vector<16xf32>
          %add3A_2856 = arith.addf %add3A_2849, %mul3A_2855 : vector<16xf32>
          %add3A_2857 = arith.constant 3 : i32
          %add3A_2858 = arith.addi %mul3A_2029, %add3A_2857 : i32
          %get3A_2859 = arith.index_cast %add3A_2858 : i32 to index
          %get3A_2860 = arith.constant 432 : index
          %get3A_2861 = tpu.vector_load %arg8[%get3A_2859, %get3A_2860] {strides = array<i32>} : memref<112x512xf32, #tpu.memory_space<vmem>>, vector<16xf32>,
          %mul3A_2862 = arith.mulf %gather3A_2025, %get3A_2861 : vector<16xf32>
          %add3A_2863 = arith.addf %add3A_2856, %mul3A_2862 : vector<16xf32>
          %sub3A_2864 = arith.constant 24 : i32
          %sub3A_2865 = arith.subi %scan3A_2011, %sub3A_2864 : i32
          %swap3A_2866 = arith.index_cast %sub3A_2865 : i32 to index
          %swap3A_2867 = arith.constant 432 : index
          %swap3A_2868 = tpu.vector_load %arg9[%swap3A_2866, %swap3A_2867] {strides = array<i32>} : memref<25x512xf32, #tpu.memory_space<vmem>>, vector<16xf32>,
          tpu.vector_store %arg9[%swap3A_2866, %swap3A_2867], %add3A_2863 {strides = array<i32>} : memref<25x512xf32, #tpu.memory_space<vmem>>, vector<16xf32>,
          %get3A_2869 = arith.index_cast %mul3A_2029 : i32 to index
          %get3A_2870 = arith.constant 448 : index
          %get3A_2871 = tpu.vector_load %arg8[%get3A_2869, %get3A_2870] {strides = array<i32>} : memref<112x512xf32, #tpu.memory_space<vmem>>, vector<16xf32>,
          %mul3A_2872 = arith.mulf %gather3A_2013, %get3A_2871 : vector<16xf32>
          %add3A_2873 = arith.constant 1 : i32
          %add3A_2874 = arith.addi %mul3A_2029, %add3A_2873 : i32
          %get3A_2875 = arith.index_cast %add3A_2874 : i32 to index
          %get3A_2876 = arith.constant 448 : index
          %get3A_2877 = tpu.vector_load %arg8[%get3A_2875, %get3A_2876] {strides = array<i32>} : memref<112x512xf32, #tpu.memory_space<vmem>>, vector<16xf32>,
          %mul3A_2878 = arith.mulf %gather3A_2017, %get3A_2877 : vector<16xf32>
          %add3A_2879 = arith.addf %mul3A_2872, %mul3A_2878 : vector<16xf32>
          %add3A_2880 = arith.constant 2 : i32
          %add3A_2881 = arith.addi %mul3A_2029, %add3A_2880 : i32
          %get3A_2882 = arith.index_cast %add3A_2881 : i32 to index
          %get3A_2883 = arith.constant 448 : index
          %get3A_2884 = tpu.vector_load %arg8[%get3A_2882, %get3A_2883] {strides = array<i32>} : memref<112x512xf32, #tpu.memory_space<vmem>>, vector<16xf32>,
          %mul3A_2885 = arith.mulf %gather3A_2021, %get3A_2884 : vector<16xf32>
          %add3A_2886 = arith.addf %add3A_2879, %mul3A_2885 : vector<16xf32>
          %add3A_2887 = arith.constant 3 : i32
          %add3A_2888 = arith.addi %mul3A_2029, %add3A_2887 : i32
          %get3A_2889 = arith.index_cast %add3A_2888 : i32 to index
          %get3A_2890 = arith.constant 448 : index
          %get3A_2891 = tpu.vector_load %arg8[%get3A_2889, %get3A_2890] {strides = array<i32>} : memref<112x512xf32, #tpu.memory_space<vmem>>, vector<16xf32>,
          %mul3A_2892 = arith.mulf %gather3A_2025, %get3A_2891 : vector<16xf32>
          %add3A_2893 = arith.addf %add3A_2886, %mul3A_2892 : vector<16xf32>
          %sub3A_2894 = arith.constant 24 : i32
          %sub3A_2895 = arith.subi %scan3A_2011, %sub3A_2894 : i32
          %swap3A_2896 = arith.index_cast %sub3A_2895 : i32 to index
          %swap3A_2897 = arith.constant 448 : index
          %swap3A_2898 = tpu.vector_load %arg9[%swap3A_2896, %swap3A_2897] {strides = array<i32>} : memref<25x512xf32, #tpu.memory_space<vmem>>, vector<16xf32>,
          tpu.vector_store %arg9[%swap3A_2896, %swap3A_2897], %add3A_2893 {strides = array<i32>} : memref<25x512xf32, #tpu.memory_space<vmem>>, vector<16xf32>,
          %get3A_2899 = arith.index_cast %mul3A_2029 : i32 to index
          %get3A_2900 = arith.constant 464 : index
          %get3A_2901 = tpu.vector_load %arg8[%get3A_2899, %get3A_2900] {strides = array<i32>} : memref<112x512xf32, #tpu.memory_space<vmem>>, vector<16xf32>,
          %mul3A_2902 = arith.mulf %gather3A_2013, %get3A_2901 : vector<16xf32>
          %add3A_2903 = arith.constant 1 : i32
          %add3A_2904 = arith.addi %mul3A_2029, %add3A_2903 : i32
          %get3A_2905 = arith.index_cast %add3A_2904 : i32 to index
          %get3A_2906 = arith.constant 464 : index
          %get3A_2907 = tpu.vector_load %arg8[%get3A_2905, %get3A_2906] {strides = array<i32>} : memref<112x512xf32, #tpu.memory_space<vmem>>, vector<16xf32>,
          %mul3A_2908 = arith.mulf %gather3A_2017, %get3A_2907 : vector<16xf32>
          %add3A_2909 = arith.addf %mul3A_2902, %mul3A_2908 : vector<16xf32>
          %add3A_2910 = arith.constant 2 : i32
          %add3A_2911 = arith.addi %mul3A_2029, %add3A_2910 : i32
          %get3A_2912 = arith.index_cast %add3A_2911 : i32 to index
          %get3A_2913 = arith.constant 464 : index
          %get3A_2914 = tpu.vector_load %arg8[%get3A_2912, %get3A_2913] {strides = array<i32>} : memref<112x512xf32, #tpu.memory_space<vmem>>, vector<16xf32>,
          %mul3A_2915 = arith.mulf %gather3A_2021, %get3A_2914 : vector<16xf32>
          %add3A_2916 = arith.addf %add3A_2909, %mul3A_2915 : vector<16xf32>
          %add3A_2917 = arith.constant 3 : i32
          %add3A_2918 = arith.addi %mul3A_2029, %add3A_2917 : i32
          %get3A_2919 = arith.index_cast %add3A_2918 : i32 to index
          %get3A_2920 = arith.constant 464 : index
          %get3A_2921 = tpu.vector_load %arg8[%get3A_2919, %get3A_2920] {strides = array<i32>} : memref<112x512xf32, #tpu.memory_space<vmem>>, vector<16xf32>,
          %mul3A_2922 = arith.mulf %gather3A_2025, %get3A_2921 : vector<16xf32>
          %add3A_2923 = arith.addf %add3A_2916, %mul3A_2922 : vector<16xf32>
          %sub3A_2924 = arith.constant 24 : i32
          %sub3A_2925 = arith.subi %scan3A_2011, %sub3A_2924 : i32
          %swap3A_2926 = arith.index_cast %sub3A_2925 : i32 to index
          %swap3A_2927 = arith.constant 464 : index
          %swap3A_2928 = tpu.vector_load %arg9[%swap3A_2926, %swap3A_2927] {strides = array<i32>} : memref<25x512xf32, #tpu.memory_space<vmem>>, vector<16xf32>,
          tpu.vector_store %arg9[%swap3A_2926, %swap3A_2927], %add3A_2923 {strides = array<i32>} : memref<25x512xf32, #tpu.memory_space<vmem>>, vector<16xf32>,
          %get3A_2929 = arith.index_cast %mul3A_2029 : i32 to index
          %get3A_2930 = arith.constant 480 : index
          %get3A_2931 = tpu.vector_load %arg8[%get3A_2929, %get3A_2930] {strides = array<i32>} : memref<112x512xf32, #tpu.memory_space<vmem>>, vector<16xf32>,
          %mul3A_2932 = arith.mulf %gather3A_2013, %get3A_2931 : vector<16xf32>
          %add3A_2933 = arith.constant 1 : i32
          %add3A_2934 = arith.addi %mul3A_2029, %add3A_2933 : i32
          %get3A_2935 = arith.index_cast %add3A_2934 : i32 to index
          %get3A_2936 = arith.constant 480 : index
          %get3A_2937 = tpu.vector_load %arg8[%get3A_2935, %get3A_2936] {strides = array<i32>} : memref<112x512xf32, #tpu.memory_space<vmem>>, vector<16xf32>,
          %mul3A_2938 = arith.mulf %gather3A_2017, %get3A_2937 : vector<16xf32>
          %add3A_2939 = arith.addf %mul3A_2932, %mul3A_2938 : vector<16xf32>
          %add3A_2940 = arith.constant 2 : i32
          %add3A_2941 = arith.addi %mul3A_2029, %add3A_2940 : i32
          %get3A_2942 = arith.index_cast %add3A_2941 : i32 to index
          %get3A_2943 = arith.constant 480 : index
          %get3A_2944 = tpu.vector_load %arg8[%get3A_2942, %get3A_2943] {strides = array<i32>} : memref<112x512xf32, #tpu.memory_space<vmem>>, vector<16xf32>,
          %mul3A_2945 = arith.mulf %gather3A_2021, %get3A_2944 : vector<16xf32>
          %add3A_2946 = arith.addf %add3A_2939, %mul3A_2945 : vector<16xf32>
          %add3A_2947 = arith.constant 3 : i32
          %add3A_2948 = arith.addi %mul3A_2029, %add3A_2947 : i32
          %get3A_2949 = arith.index_cast %add3A_2948 : i32 to index
          %get3A_2950 = arith.constant 480 : index
          %get3A_2951 = tpu.vector_load %arg8[%get3A_2949, %get3A_2950] {strides = array<i32>} : memref<112x512xf32, #tpu.memory_space<vmem>>, vector<16xf32>,
          %mul3A_2952 = arith.mulf %gather3A_2025, %get3A_2951 : vector<16xf32>
          %add3A_2953 = arith.addf %add3A_2946, %mul3A_2952 : vector<16xf32>
          %sub3A_2954 = arith.constant 24 : i32
          %sub3A_2955 = arith.subi %scan3A_2011, %sub3A_2954 : i32
          %swap3A_2956 = arith.index_cast %sub3A_2955 : i32 to index
          %swap3A_2957 = arith.constant 480 : index
          %swap3A_2958 = tpu.vector_load %arg9[%swap3A_2956, %swap3A_2957] {strides = array<i32>} : memref<25x512xf32, #tpu.memory_space<vmem>>, vector<16xf32>,
          tpu.vector_store %arg9[%swap3A_2956, %swap3A_2957], %add3A_2953 {strides = array<i32>} : memref<25x512xf32, #tpu.memory_space<vmem>>, vector<16xf32>,
          %get3A_2959 = arith.index_cast %mul3A_2029 : i32 to index
          %get3A_2960 = arith.constant 496 : index
          %get3A_2961 = tpu.vector_load %arg8[%get3A_2959, %get3A_2960] {strides = array<i32>} : memref<112x512xf32, #tpu.memory_space<vmem>>, vector<16xf32>,
          %mul3A_2962 = arith.mulf %gather3A_2013, %get3A_2961 : vector<16xf32>
          %add3A_2963 = arith.constant 1 : i32
          %add3A_2964 = arith.addi %mul3A_2029, %add3A_2963 : i32
          %get3A_2965 = arith.index_cast %add3A_2964 : i32 to index
          %get3A_2966 = arith.constant 496 : index
          %get3A_2967 = tpu.vector_load %arg8[%get3A_2965, %get3A_2966] {strides = array<i32>} : memref<112x512xf32, #tpu.memory_space<vmem>>, vector<16xf32>,
          %mul3A_2968 = arith.mulf %gather3A_2017, %get3A_2967 : vector<16xf32>
          %add3A_2969 = arith.addf %mul3A_2962, %mul3A_2968 : vector<16xf32>
          %add3A_2970 = arith.constant 2 : i32
          %add3A_2971 = arith.addi %mul3A_2029, %add3A_2970 : i32
          %get3A_2972 = arith.index_cast %add3A_2971 : i32 to index
          %get3A_2973 = arith.constant 496 : index
          %get3A_2974 = tpu.vector_load %arg8[%get3A_2972, %get3A_2973] {strides = array<i32>} : memref<112x512xf32, #tpu.memory_space<vmem>>, vector<16xf32>,
          %mul3A_2975 = arith.mulf %gather3A_2021, %get3A_2974 : vector<16xf32>
          %add3A_2976 = arith.addf %add3A_2969, %mul3A_2975 : vector<16xf32>
          %add3A_2977 = arith.constant 3 : i32
          %add3A_2978 = arith.addi %mul3A_2029, %add3A_2977 : i32
          %get3A_2979 = arith.index_cast %add3A_2978 : i32 to index
          %get3A_2980 = arith.constant 496 : index
          %get3A_2981 = tpu.vector_load %arg8[%get3A_2979, %get3A_2980] {strides = array<i32>} : memref<112x512xf32, #tpu.memory_space<vmem>>, vector<16xf32>,
          %mul3A_2982 = arith.mulf %gather3A_2025, %get3A_2981 : vector<16xf32>
          %add3A_2983 = arith.addf %add3A_2976, %mul3A_2982 : vector<16xf32>
          %sub3A_2984 = arith.constant 24 : i32
          %sub3A_2985 = arith.subi %scan3A_2011, %sub3A_2984 : i32
          %swap3A_2986 = arith.index_cast %sub3A_2985 : i32 to index
          %swap3A_2987 = arith.constant 496 : index
          %swap3A_2988 = tpu.vector_load %arg9[%swap3A_2986, %swap3A_2987] {strides = array<i32>} : memref<25x512xf32, #tpu.memory_space<vmem>>, vector<16xf32>,
          tpu.vector_store %arg9[%swap3A_2986, %swap3A_2987], %add3A_2983 {strides = array<i32>} : memref<25x512xf32, #tpu.memory_space<vmem>>, vector<16xf32>,
        }
        %scan3A_1982 = arith.constant 25 : i32
        %dma_start3A_1983 = arith.constant 0 : i32
        %dma_start3A_1984 = arith.constant 0 : i32
        %dma_start3A_1985 = tpu.memref_slice %arg9[%dma_start3A_1983, %dma_start3A_1984] : memref<25x512xf32, #tpu.memory_space<vmem>> -> memref<25x512xf32, #tpu.memory_space<vmem>>
        %dma_start3A_1986 = arith.constant 24 : i32
        %dma_start3A_1987 = arith.constant 0 : i32
        %dma_start3A_1988 = tpu.memref_slice %arg4[%add3A_14, %dma_start3A_1986, %dma_start3A_1987] : memref<240x49x512xf32, #tpu.memory_space<hbm>> -> memref<1x25x512xf32, #tpu.memory_space<hbm>>
        %dma_start3A_1989 = tpu.memref_squeeze %dma_start3A_1988 : memref<1x25x512xf32, #tpu.memory_space<hbm>> -> memref<25x512xf32, #tpu.memory_space<hbm>>
        %dma_start3A_1990 = arith.constant 24 : i32
        %dma_start3A_1991 = arith.constant 0 : i32
        %dma_start3A_1992 = tpu.memref_slice %arg4[%add3A_14, %dma_start3A_1990, %dma_start3A_1991] : memref<240x49x512xf32, #tpu.memory_space<hbm>> -> memref<1x25x512xf32, #tpu.memory_space<hbm>>
        %dma_start3A_1993 = tpu.memref_squeeze %dma_start3A_1992 : memref<1x25x512xf32, #tpu.memory_space<hbm>> -> memref<25x512xf32, #tpu.memory_space<hbm>>
        %dma_start3A_1994 = arith.constant 0 : i32
        %dma_start3A_1995 = arith.constant 0 : i32
        %dma_start3A_1996 = tpu.memref_slice %arg9[%dma_start3A_1994, %dma_start3A_1995] : memref<25x512xf32, #tpu.memory_space<vmem>> -> memref<25x512xf32, #tpu.memory_space<vmem>>
        tpu.enqueue_dma source(%dma_start3A_1996 : memref<25x512xf32, #tpu.memory_space<vmem>>) target(%dma_start3A_1993 : memref<25x512xf32, #tpu.memory_space<hbm>>) target_semaphore(%arg12 : memref<!tpu.dma_semaphore, #tpu.memory_space<semaphore_mem>>)
        %dma_wait3A_1997 = arith.constant 0 : i32
        %dma_wait3A_1998 = arith.constant 0 : i32
        %dma_wait3A_1999 = tpu.memref_slice %arg9[%dma_wait3A_1997, %dma_wait3A_1998] : memref<25x512xf32, #tpu.memory_space<vmem>> -> memref<25x512xf32, #tpu.memory_space<vmem>>
        %dma_wait3A_2000 = arith.constant 24 : i32
        %dma_wait3A_2001 = arith.constant 0 : i32
        %dma_wait3A_2002 = tpu.memref_slice %arg4[%add3A_14, %dma_wait3A_2000, %dma_wait3A_2001] : memref<240x49x512xf32, #tpu.memory_space<hbm>> -> memref<1x25x512xf32, #tpu.memory_space<hbm>>
        %dma_wait3A_2003 = tpu.memref_squeeze %dma_wait3A_2002 : memref<1x25x512xf32, #tpu.memory_space<hbm>> -> memref<25x512xf32, #tpu.memory_space<hbm>>
        %dma_wait3A_2004 = arith.constant 24 : i32
        %dma_wait3A_2005 = arith.constant 0 : i32
        %dma_wait3A_2006 = tpu.memref_slice %arg4[%add3A_14, %dma_wait3A_2004, %dma_wait3A_2005] : memref<240x49x512xf32, #tpu.memory_space<hbm>> -> memref<1x25x512xf32, #tpu.memory_space<hbm>>
        %dma_wait3A_2007 = tpu.memref_squeeze %dma_wait3A_2006 : memref<1x25x512xf32, #tpu.memory_space<hbm>> -> memref<25x512xf32, #tpu.memory_space<hbm>>
        %dma_wait3A_2008 = arith.constant 0 : i32
        %dma_wait3A_2009 = arith.constant 0 : i32
        %dma_wait3A_2010 = tpu.memref_slice %arg9[%dma_wait3A_2008, %dma_wait3A_2009] : memref<25x512xf32, #tpu.memory_space<vmem>> -> memref<25x512xf32, #tpu.memory_space<vmem>>
        tpu.wait_dma2 semaphore(%arg12 : memref<!tpu.dma_semaphore, #tpu.memory_space<semaphore_mem>>) src(%dma_wait3A_2010 : memref<25x512xf32, #tpu.memory_space<vmem>>) dst(%dma_wait3A_2007 : memref<25x512xf32, #tpu.memory_space<hbm>>)
      } else {
      }
    }
    %scan3A_12 = arith.constant 8 : i32
    return
  }
}

module attributes {stable_mosaic.version = 14 : i64} {
  func.func @_roi_pool_tc2_kernel(%arg0: i32, %arg1: i32, %arg2: memref<960x4xf32, #tpu.memory_space<vmem>>, %arg3: memref<1x1024x512xbf16, #tpu.memory_space<vmem>>, %arg4: memref<1470x210xbf16, #tpu.memory_space<vmem>>, %arg5: memref<1470x210xbf16, #tpu.memory_space<vmem>>, %arg6: memref<32x1024xbf16, #tpu.memory_space<vmem>>, %arg7: memref<32x1024xbf16, #tpu.memory_space<vmem>>, %arg8: memref<1x1x1470x512xf32, #tpu.memory_space<vmem>>) attributes {dimension_semantics = [#tpu.dimension_semantics<arbitrary>, #tpu.dimension_semantics<arbitrary>], iteration_bounds = array<i64: 4, 8>, scalar_prefetch = 0 : i64, scratch_operands = 0 : i64, tpu.core_type = #tpu.core_type<tc>, window_params = [{pipeline_mode = #tpu.pipeline_mode<synchronous>, transform_indices = @transform_0, window_bounds = array<i64: 960, 4>}, {transform_indices = @transform_1, window_bounds = array<i64: 1, 1024, 512>}, {pipeline_mode = #tpu.pipeline_mode<synchronous>, transform_indices = @transform_2, window_bounds = array<i64: 1470, 210>}, {pipeline_mode = #tpu.pipeline_mode<synchronous>, transform_indices = @transform_3, window_bounds = array<i64: 1470, 210>}, {pipeline_mode = #tpu.pipeline_mode<synchronous>, transform_indices = @transform_4, window_bounds = array<i64: 32, 1024>}, {pipeline_mode = #tpu.pipeline_mode<synchronous>, transform_indices = @transform_5, window_bounds = array<i64: 32, 1024>}, {transform_indices = @transform_6, window_bounds = array<i64: 1, 1, 1470, 512>}]} {
    %mul3A = arith.constant 8 : i32
    %mul3A_0 = arith.muli %arg0, %mul3A : i32
    %add3A = arith.addi %mul3A_0, %arg1 : i32
    %mul3A_1 = arith.constant 30 : i32
    %mul3A_2 = arith.muli %add3A, %mul3A_1 : i32
    %get3A = arith.index_cast %mul3A_2 : i32 to index
    %get3A_3 = arith.constant 0 : index
    %get3A_4 = vector.load %arg2[%get3A, %get3A_3] : memref<960x4xf32, #tpu.memory_space<vmem>>, vector<30x4xf32>
    %iota3A = tpu.iota {dimensions = array<i32: 1>} : vector<1x7xi32>
    %convert_element_type3A = arith.sitofp %iota3A : vector<1x7xi32> to vector<1x7xf32>
    %div3A = arith.constant 6.000000e+00 : f32
    %div3A_5 = vector.broadcast %div3A : f32 to vector<1x7xf32>
    %div3A_6 = arith.divf %convert_element_type3A, %div3A_5 : vector<1x7xf32>
    %slice3A = vector.extract_strided_slice %get3A_4 {offsets = [0, 0], sizes = [30, 1], strides = [1, 1]} : vector<30x4xf32> to vector<30x1xf32>
    %slice3A_7 = vector.extract_strided_slice %get3A_4 {offsets = [0, 2], sizes = [30, 1], strides = [1, 1]} : vector<30x4xf32> to vector<30x1xf32>
    %mul3A_8 = arith.constant 3.100000e+01 : f32
    %mul3A_9 = vector.broadcast %mul3A_8 : f32 to vector<30x1xf32>
    %mul3A_10 = arith.mulf %slice3A, %mul3A_9 : vector<30x1xf32>
    %sub3A = arith.subf %slice3A_7, %slice3A : vector<30x1xf32>
    %mul3A_11 = arith.constant 3.100000e+01 : f32
    %mul3A_12 = vector.broadcast %mul3A_11 : f32 to vector<30x1xf32>
    %mul3A_13 = arith.mulf %sub3A, %mul3A_12 : vector<30x1xf32>
    %mul3A_14 = vector.broadcast %div3A_6 : vector<1x7xf32> to vector<30x7xf32>
    %mul3A_15 = vector.broadcast %mul3A_13 : vector<30x1xf32> to vector<30x7xf32>
    %mul3A_16 = arith.mulf %mul3A_14, %mul3A_15 : vector<30x7xf32>
    %add3A_17 = vector.broadcast %mul3A_10 : vector<30x1xf32> to vector<30x7xf32>
    %add3A_18 = arith.addf %add3A_17, %mul3A_16 : vector<30x7xf32>
    %floor3A = math.floor %add3A_18 : vector<30x7xf32>
    %sub3A_19 = arith.subf %add3A_18, %floor3A : vector<30x7xf32>
    %convert_element_type3A_20 = arith.fptosi %floor3A : vector<30x7xf32> to vector<30x7xi32>
    %jit3A = arith.constant 0 : i32
    %jit3A_21 = arith.constant 31 : i32
    %max3A = vector.broadcast %jit3A : i32 to vector<30x7xi32>
    %max3A_22 = arith.maxsi %max3A, %convert_element_type3A_20 : vector<30x7xi32>
    %min3A = vector.broadcast %jit3A_21 : i32 to vector<30x7xi32>
    %min3A_23 = arith.minsi %min3A, %max3A_22 : vector<30x7xi32>
    %add3A_24 = arith.constant 1 : i32
    %add3A_25 = vector.broadcast %add3A_24 : i32 to vector<30x7xi32>
    %add3A_26 = arith.addi %convert_element_type3A_20, %add3A_25 : vector<30x7xi32>
    %jit3A_27 = arith.constant 0 : i32
    %jit3A_28 = arith.constant 31 : i32
    %max3A_29 = vector.broadcast %jit3A_27 : i32 to vector<30x7xi32>
    %max3A_30 = arith.maxsi %max3A_29, %add3A_26 : vector<30x7xi32>
    %min3A_31 = vector.broadcast %jit3A_28 : i32 to vector<30x7xi32>
    %min3A_32 = arith.minsi %min3A_31, %max3A_30 : vector<30x7xi32>
    %ge3A = arith.constant 0.000000e+00 : f32
    %ge3A_33 = vector.broadcast %ge3A : f32 to vector<30x7xf32>
    %ge3A_34 = arith.cmpf oge, %add3A_18, %ge3A_33 : vector<30x7xf32>
    %le3A = arith.constant 3.100000e+01 : f32
    %le3A_35 = vector.broadcast %le3A : f32 to vector<30x7xf32>
    %le3A_36 = arith.cmpf ole, %add3A_18, %le3A_35 : vector<30x7xf32>
    %and3A = arith.andi %ge3A_34, %le3A_36 : vector<30x7xi1>
    %sub3A_37 = arith.constant 1.000000e+00 : f32
    %sub3A_38 = vector.broadcast %sub3A_37 : f32 to vector<30x7xf32>
    %sub3A_39 = arith.subf %sub3A_38, %sub3A_19 : vector<30x7xf32>
    %jit3A_40 = arith.constant 0.000000e+00 : f32
    %broadcast_in_dim3A = vector.broadcast %jit3A_40 : f32 to vector<30x7xf32>
    %select_n3A = arith.select %and3A, %sub3A_39, %broadcast_in_dim3A : vector<30x7xi1>, vector<30x7xf32>
    %jit3A_41 = arith.constant 0.000000e+00 : f32
    %broadcast_in_dim3A_42 = vector.broadcast %jit3A_41 : f32 to vector<30x7xf32>
    %select_n3A_43 = arith.select %and3A, %sub3A_19, %broadcast_in_dim3A_42 : vector<30x7xi1>, vector<30x7xf32>
    %iota3A_44 = tpu.iota {dimensions = array<i32: 2>} : vector<30x7x32xi32>
    %broadcast_in_dim3A_45 = vector.shape_cast %min3A_23 : vector<30x7xi32> to vector<30x7x1xi32>
    %eq3A = vector.broadcast %broadcast_in_dim3A_45 : vector<30x7x1xi32> to vector<30x7x32xi32>
    %eq3A_46 = arith.cmpi eq, %iota3A_44, %eq3A : vector<30x7x32xi32>
    %broadcast_in_dim3A_47 = vector.shape_cast %select_n3A : vector<30x7xf32> to vector<30x7x1xf32>
    %jit3A_48 = arith.constant 0.000000e+00 : f32
    %broadcast_in_dim3A_49 = vector.shape_cast %broadcast_in_dim3A_47 : vector<30x7x1xf32> to vector<30x7x1xf32>
    %broadcast_in_dim3A_50 = vector.broadcast %broadcast_in_dim3A_49 : vector<30x7x1xf32> to vector<30x7x32xf32>
    %broadcast_in_dim3A_51 = vector.broadcast %jit3A_48 : f32 to vector<30x7x32xf32>
    %select_n3A_52 = arith.select %eq3A_46, %broadcast_in_dim3A_50, %broadcast_in_dim3A_51 : vector<30x7x32xi1>, vector<30x7x32xf32>
    %broadcast_in_dim3A_53 = vector.shape_cast %min3A_32 : vector<30x7xi32> to vector<30x7x1xi32>
    %eq3A_54 = vector.broadcast %broadcast_in_dim3A_53 : vector<30x7x1xi32> to vector<30x7x32xi32>
    %eq3A_55 = arith.cmpi eq, %iota3A_44, %eq3A_54 : vector<30x7x32xi32>
    %broadcast_in_dim3A_56 = vector.shape_cast %select_n3A_43 : vector<30x7xf32> to vector<30x7x1xf32>
    %jit3A_57 = arith.constant 0.000000e+00 : f32
    %broadcast_in_dim3A_58 = vector.shape_cast %broadcast_in_dim3A_56 : vector<30x7x1xf32> to vector<30x7x1xf32>
    %broadcast_in_dim3A_59 = vector.broadcast %broadcast_in_dim3A_58 : vector<30x7x1xf32> to vector<30x7x32xf32>
    %broadcast_in_dim3A_60 = vector.broadcast %jit3A_57 : f32 to vector<30x7x32xf32>
    %select_n3A_61 = arith.select %eq3A_55, %broadcast_in_dim3A_59, %broadcast_in_dim3A_60 : vector<30x7x32xi1>, vector<30x7x32xf32>
    %add3A_62 = arith.addf %select_n3A_52, %select_n3A_61 : vector<30x7x32xf32>
    %reshape3A = vector.shape_cast %add3A_62 : vector<30x7x32xf32> to vector<210x32xf32>
    %slice3A_63 = vector.extract_strided_slice %get3A_4 {offsets = [0, 1], sizes = [30, 1], strides = [1, 1]} : vector<30x4xf32> to vector<30x1xf32>
    %slice3A_64 = vector.extract_strided_slice %get3A_4 {offsets = [0, 3], sizes = [30, 1], strides = [1, 1]} : vector<30x4xf32> to vector<30x1xf32>
    %mul3A_65 = arith.constant 3.100000e+01 : f32
    %mul3A_66 = vector.broadcast %mul3A_65 : f32 to vector<30x1xf32>
    %mul3A_67 = arith.mulf %slice3A_63, %mul3A_66 : vector<30x1xf32>
    %sub3A_68 = arith.subf %slice3A_64, %slice3A_63 : vector<30x1xf32>
    %mul3A_69 = arith.constant 3.100000e+01 : f32
    %mul3A_70 = vector.broadcast %mul3A_69 : f32 to vector<30x1xf32>
    %mul3A_71 = arith.mulf %sub3A_68, %mul3A_70 : vector<30x1xf32>
    %mul3A_72 = vector.broadcast %div3A_6 : vector<1x7xf32> to vector<30x7xf32>
    %mul3A_73 = vector.broadcast %mul3A_71 : vector<30x1xf32> to vector<30x7xf32>
    %mul3A_74 = arith.mulf %mul3A_72, %mul3A_73 : vector<30x7xf32>
    %add3A_75 = vector.broadcast %mul3A_67 : vector<30x1xf32> to vector<30x7xf32>
    %add3A_76 = arith.addf %add3A_75, %mul3A_74 : vector<30x7xf32>
    %floor3A_77 = math.floor %add3A_76 : vector<30x7xf32>
    %sub3A_78 = arith.subf %add3A_76, %floor3A_77 : vector<30x7xf32>
    %convert_element_type3A_79 = arith.fptosi %floor3A_77 : vector<30x7xf32> to vector<30x7xi32>
    %jit3A_80 = arith.constant 0 : i32
    %jit3A_81 = arith.constant 31 : i32
    %max3A_82 = vector.broadcast %jit3A_80 : i32 to vector<30x7xi32>
    %max3A_83 = arith.maxsi %max3A_82, %convert_element_type3A_79 : vector<30x7xi32>
    %min3A_84 = vector.broadcast %jit3A_81 : i32 to vector<30x7xi32>
    %min3A_85 = arith.minsi %min3A_84, %max3A_83 : vector<30x7xi32>
    %add3A_86 = arith.constant 1 : i32
    %add3A_87 = vector.broadcast %add3A_86 : i32 to vector<30x7xi32>
    %add3A_88 = arith.addi %convert_element_type3A_79, %add3A_87 : vector<30x7xi32>
    %jit3A_89 = arith.constant 0 : i32
    %jit3A_90 = arith.constant 31 : i32
    %max3A_91 = vector.broadcast %jit3A_89 : i32 to vector<30x7xi32>
    %max3A_92 = arith.maxsi %max3A_91, %add3A_88 : vector<30x7xi32>
    %min3A_93 = vector.broadcast %jit3A_90 : i32 to vector<30x7xi32>
    %min3A_94 = arith.minsi %min3A_93, %max3A_92 : vector<30x7xi32>
    %ge3A_95 = arith.constant 0.000000e+00 : f32
    %ge3A_96 = vector.broadcast %ge3A_95 : f32 to vector<30x7xf32>
    %ge3A_97 = arith.cmpf oge, %add3A_76, %ge3A_96 : vector<30x7xf32>
    %le3A_98 = arith.constant 3.100000e+01 : f32
    %le3A_99 = vector.broadcast %le3A_98 : f32 to vector<30x7xf32>
    %le3A_100 = arith.cmpf ole, %add3A_76, %le3A_99 : vector<30x7xf32>
    %and3A_101 = arith.andi %ge3A_97, %le3A_100 : vector<30x7xi1>
    %sub3A_102 = arith.constant 1.000000e+00 : f32
    %sub3A_103 = vector.broadcast %sub3A_102 : f32 to vector<30x7xf32>
    %sub3A_104 = arith.subf %sub3A_103, %sub3A_78 : vector<30x7xf32>
    %jit3A_105 = arith.constant 0.000000e+00 : f32
    %broadcast_in_dim3A_106 = vector.broadcast %jit3A_105 : f32 to vector<30x7xf32>
    %select_n3A_107 = arith.select %and3A_101, %sub3A_104, %broadcast_in_dim3A_106 : vector<30x7xi1>, vector<30x7xf32>
    %jit3A_108 = arith.constant 0.000000e+00 : f32
    %broadcast_in_dim3A_109 = vector.broadcast %jit3A_108 : f32 to vector<30x7xf32>
    %select_n3A_110 = arith.select %and3A_101, %sub3A_78, %broadcast_in_dim3A_109 : vector<30x7xi1>, vector<30x7xf32>
    %iota3A_111 = tpu.iota {dimensions = array<i32: 2>} : vector<30x7x32xi32>
    %broadcast_in_dim3A_112 = vector.shape_cast %min3A_85 : vector<30x7xi32> to vector<30x7x1xi32>
    %eq3A_113 = vector.broadcast %broadcast_in_dim3A_112 : vector<30x7x1xi32> to vector<30x7x32xi32>
    %eq3A_114 = arith.cmpi eq, %iota3A_111, %eq3A_113 : vector<30x7x32xi32>
    %broadcast_in_dim3A_115 = vector.shape_cast %select_n3A_107 : vector<30x7xf32> to vector<30x7x1xf32>
    %jit3A_116 = arith.constant 0.000000e+00 : f32
    %broadcast_in_dim3A_117 = vector.shape_cast %broadcast_in_dim3A_115 : vector<30x7x1xf32> to vector<30x7x1xf32>
    %broadcast_in_dim3A_118 = vector.broadcast %broadcast_in_dim3A_117 : vector<30x7x1xf32> to vector<30x7x32xf32>
    %broadcast_in_dim3A_119 = vector.broadcast %jit3A_116 : f32 to vector<30x7x32xf32>
    %select_n3A_120 = arith.select %eq3A_114, %broadcast_in_dim3A_118, %broadcast_in_dim3A_119 : vector<30x7x32xi1>, vector<30x7x32xf32>
    %broadcast_in_dim3A_121 = vector.shape_cast %min3A_94 : vector<30x7xi32> to vector<30x7x1xi32>
    %eq3A_122 = vector.broadcast %broadcast_in_dim3A_121 : vector<30x7x1xi32> to vector<30x7x32xi32>
    %eq3A_123 = arith.cmpi eq, %iota3A_111, %eq3A_122 : vector<30x7x32xi32>
    %broadcast_in_dim3A_124 = vector.shape_cast %select_n3A_110 : vector<30x7xf32> to vector<30x7x1xf32>
    %jit3A_125 = arith.constant 0.000000e+00 : f32
    %broadcast_in_dim3A_126 = vector.shape_cast %broadcast_in_dim3A_124 : vector<30x7x1xf32> to vector<30x7x1xf32>
    %broadcast_in_dim3A_127 = vector.broadcast %broadcast_in_dim3A_126 : vector<30x7x1xf32> to vector<30x7x32xf32>
    %broadcast_in_dim3A_128 = vector.broadcast %jit3A_125 : f32 to vector<30x7x32xf32>
    %select_n3A_129 = arith.select %eq3A_123, %broadcast_in_dim3A_127, %broadcast_in_dim3A_128 : vector<30x7x32xi1>, vector<30x7x32xf32>
    %add3A_130 = arith.addf %select_n3A_120, %select_n3A_129 : vector<30x7x32xf32>
    %reshape3A_131 = vector.shape_cast %add3A_130 : vector<30x7x32xf32> to vector<210x32xf32>
    %convert_element_type3A_132 = arith.truncf %reshape3A : vector<210x32xf32> to vector<210x32xbf16>
    %get3A_133 = arith.constant 0 : index
    %get3A_134 = arith.constant 0 : index
    %get3A_135 = vector.load %arg6[%get3A_133, %get3A_134] : memref<32x1024xbf16, #tpu.memory_space<vmem>>, vector<32x1024xbf16>
    %dot_general3A = arith.constant dense<0.000000e+00> : vector<210x1024xf32>
    %dot_general3A_136 = tpu.matmul %convert_element_type3A_132, %get3A_135, %dot_general3A {dimension_numbers = #tpu.dot_dimension_numbers<[1], [0], [0], [1], [0, 0, 1, 1], [], []>, transpose_lhs_hint = false} : vector<210x32xbf16>, vector<32x1024xbf16>, vector<210x1024xf32> -> vector<210x1024xf32>
    %get3A_137 = arith.constant 0 : index
    %get3A_138 = arith.constant 0 : index
    %get3A_139 = vector.load %arg4[%get3A_137, %get3A_138] : memref<1470x210xbf16, #tpu.memory_space<vmem>>, vector<1470x210xbf16>
    %convert_element_type3A_140 = arith.truncf %dot_general3A_136 : vector<210x1024xf32> to vector<210x1024xbf16>
    %dot_general3A_141 = arith.constant dense<0.000000e+00> : vector<1470x1024xf32>
    %dot_general3A_142 = tpu.matmul %get3A_139, %convert_element_type3A_140, %dot_general3A_141 {dimension_numbers = #tpu.dot_dimension_numbers<[1], [0], [0], [1], [0, 0, 1, 1], [], []>, transpose_lhs_hint = false} : vector<1470x210xbf16>, vector<210x1024xbf16>, vector<1470x1024xf32> -> vector<1470x1024xf32>
    %convert_element_type3A_143 = arith.truncf %reshape3A_131 : vector<210x32xf32> to vector<210x32xbf16>
    %get3A_144 = arith.constant 0 : index
    %get3A_145 = arith.constant 0 : index
    %get3A_146 = vector.load %arg7[%get3A_144, %get3A_145] : memref<32x1024xbf16, #tpu.memory_space<vmem>>, vector<32x1024xbf16>
    %dot_general3A_147 = arith.constant dense<0.000000e+00> : vector<210x1024xf32>
    %dot_general3A_148 = tpu.matmul %convert_element_type3A_143, %get3A_146, %dot_general3A_147 {dimension_numbers = #tpu.dot_dimension_numbers<[1], [0], [0], [1], [0, 0, 1, 1], [], []>, transpose_lhs_hint = false} : vector<210x32xbf16>, vector<32x1024xbf16>, vector<210x1024xf32> -> vector<210x1024xf32>
    %get3A_149 = arith.constant 0 : index
    %get3A_150 = arith.constant 0 : index
    %get3A_151 = vector.load %arg5[%get3A_149, %get3A_150] : memref<1470x210xbf16, #tpu.memory_space<vmem>>, vector<1470x210xbf16>
    %convert_element_type3A_152 = arith.truncf %dot_general3A_148 : vector<210x1024xf32> to vector<210x1024xbf16>
    %dot_general3A_153 = arith.constant dense<0.000000e+00> : vector<1470x1024xf32>
    %dot_general3A_154 = tpu.matmul %get3A_151, %convert_element_type3A_152, %dot_general3A_153 {dimension_numbers = #tpu.dot_dimension_numbers<[1], [0], [0], [1], [0, 0, 1, 1], [], []>, transpose_lhs_hint = false} : vector<1470x210xbf16>, vector<210x1024xbf16>, vector<1470x1024xf32> -> vector<1470x1024xf32>
    %mul3A_155 = arith.mulf %dot_general3A_142, %dot_general3A_154 : vector<1470x1024xf32>
    %convert_element_type3A_156 = arith.truncf %mul3A_155 : vector<1470x1024xf32> to vector<1470x1024xbf16>
    %get3A_157 = arith.constant 0 : index
    %get3A_158 = arith.constant 0 : index
    %get3A_159 = arith.constant 0 : index
    %get3A_160 = vector.load %arg3[%get3A_157, %get3A_158, %get3A_159] : memref<1x1024x512xbf16, #tpu.memory_space<vmem>>, vector<1x1024x512xbf16>
    %get3A_161 = vector.shape_cast %get3A_160 : vector<1x1024x512xbf16> to vector<1024x512xbf16>
    %dot_general3A_162 = arith.constant dense<0.000000e+00> : vector<1470x512xf32>
    %dot_general3A_163 = tpu.matmul %convert_element_type3A_156, %get3A_161, %dot_general3A_162 {dimension_numbers = #tpu.dot_dimension_numbers<[1], [0], [0], [1], [0, 0, 1, 1], [], []>, transpose_lhs_hint = false} : vector<1470x1024xbf16>, vector<1024x512xbf16>, vector<1470x512xf32> -> vector<1470x512xf32>
    %swap3A = arith.constant 0 : index
    %swap3A_164 = arith.constant 0 : index
    %swap3A_165 = arith.constant 0 : index
    %swap3A_166 = arith.constant 0 : index
    %swap3A_167 = vector.load %arg8[%swap3A, %swap3A_164, %swap3A_165, %swap3A_166] : memref<1x1x1470x512xf32, #tpu.memory_space<vmem>>, vector<1x1x1470x512xf32>
    %swap3A_168 = vector.shape_cast %swap3A_167 : vector<1x1x1470x512xf32> to vector<1470x512xf32>
    %swap3A_169 = vector.shape_cast %dot_general3A_163 : vector<1470x512xf32> to vector<1x1x1470x512xf32>
    tpu.vector_store %arg8[%swap3A, %swap3A_164, %swap3A_165, %swap3A_166], %swap3A_169 {strides = array<i32>} : memref<1x1x1470x512xf32, #tpu.memory_space<vmem>>, vector<1x1x1470x512xf32>,
    return
  }
  func.func @transform_0(%arg0: i32, %arg1: i32) -> (i32, i32) {
    %c0_i32 = arith.constant 0 : i32
    %c0_i32_0 = arith.constant 0 : i32
    %c0_i32_1 = arith.constant 0 : i32
    return %c0_i32, %c0_i32_0 : i32, i32
  }
  func.func @transform_1(%arg0: i32, %arg1: i32) -> (i32, i32, i32) {
    %c0_i32 = arith.constant 0 : i32
    %c0_i32_0 = arith.constant 0 : i32
    %c0_i32_1 = arith.constant 0 : i32
    return %arg0, %c0_i32, %c0_i32_0 : i32, i32, i32
  }
  func.func @transform_2(%arg0: i32, %arg1: i32) -> (i32, i32) {
    %c0_i32 = arith.constant 0 : i32
    %c0_i32_0 = arith.constant 0 : i32
    %c0_i32_1 = arith.constant 0 : i32
    return %c0_i32, %c0_i32_0 : i32, i32
  }
  func.func @transform_3(%arg0: i32, %arg1: i32) -> (i32, i32) {
    %c0_i32 = arith.constant 0 : i32
    %c0_i32_0 = arith.constant 0 : i32
    %c0_i32_1 = arith.constant 0 : i32
    return %c0_i32, %c0_i32_0 : i32, i32
  }
  func.func @transform_4(%arg0: i32, %arg1: i32) -> (i32, i32) {
    %c0_i32 = arith.constant 0 : i32
    %c0_i32_0 = arith.constant 0 : i32
    %c0_i32_1 = arith.constant 0 : i32
    return %c0_i32, %c0_i32_0 : i32, i32
  }
  func.func @transform_5(%arg0: i32, %arg1: i32) -> (i32, i32) {
    %c0_i32 = arith.constant 0 : i32
    %c0_i32_0 = arith.constant 0 : i32
    %c0_i32_1 = arith.constant 0 : i32
    return %c0_i32, %c0_i32_0 : i32, i32
  }
  func.func @transform_6(%arg0: i32, %arg1: i32) -> (i32, i32, i32, i32) {
    %c0_i32 = arith.constant 0 : i32
    %c0_i32_0 = arith.constant 0 : i32
    %c0_i32_1 = arith.constant 0 : i32
    return %arg0, %arg1, %c0_i32, %c0_i32_0 : i32, i32, i32, i32
  }
}

</mosaic_0001>

<sc_bundles>
// kernel: kernel.4.cloned.1.call-start
scs
__scs_entry_jumppad:
0x0: {  	(pc) =	sbr.rel $0x88, $3  }
0x1: {  	(tag) =	ssettag $0x0;
	lr =	simm.s32 $0x1  }
0x2: {  	[smem:$0x3F9F] =	sst lr;
	_ =	strace $0xD0000000  }
0x3: {  	_ = 	snop  }
0x4: {  	_ = 	snop  }
0x5: {  	_ = 	snop  }
0x6: {  	_ = 	snop  }
0x7: {  	_ = 	snop  }
__scs_overlays_trampoline_lowered:
0x8: {  	[smem:$0x3FAE] =	sst s0  }
0x9: {  	[smem:$0x3FAF] =	sst s1  }
0xa: {  	[smem:$0x3FB0] =	sst s2  }
0xb: {  	[smem:$0x3FB1] =	sst s3  }
0xc: {  	[smem:$0x3FB2] =	sst s4  }
0xd: {  	[smem:$0x3FB3] =	sst s5  }
0xe: {  	[smem:$0x3FB4] =	sst s6  }
0xf: {  	[smem:$0x3FB5] =	sst s7  }
0x10: {  	[smem:$0x3FB6] =	sst s8  }
0x11: {  	[smem:$0x3FB7] =	sst s9;
	s0 =	simm.s32 @!p0 $0x0  }
0x12: {  	s1 =	sld [smem:$0x3F9D];
	s0 =	simm.s32 @p0 $0x1  }
0x13: {  	[smem:$0x3FB8] =	sst s0;
	s0 =	simm.s32 @!p1 $0x0  }
0x14: {  	s2 =	sld [smem:$0x3F9C];
	s0 =	simm.s32 @p1 $0x1  }
0x15: {  	[smem:$0x3FB9] =	sst s0;
	s0 =	simm.s32 @!p2 $0x0  }
0x16: {  	s3 =	sld [smem:$0x3FDB];
	s0 =	simm.s32 @p2 $0x1  }
0x17: {  	s4 =	simm.s32 $0x1BF5;
	[smem:$0x3FBB] =	sst s0  }
0x18: {  	s0 =	sld [smem:$0x3F9E];
	_ =	swait.ge [sflag:s4], $0x0  }
0x19: {  	s7 =	sld [smem:$0x3F9F]  }
0x1a: {  	s8 =	sadd.s32 $0xFFFFE003, lr  }
0x1b: {  	s9 =	sadd.s32 $0xFFFFFEF7, lr;
	s5 =	simm.s32 $0xFFFFFFFF;
	p2 =	slt.u32 s8, $0xFFFFF086  }
0x1c: {  	p1 =	slt.u32 s9, $0xF7A;
	s5 =	simm.s32 @!p2 $0x0  }
0x1d: {  	s5 =	simm.s32 @p1 $0x1;
	p0 =	seq.s32 s7, s2  }
0x1e: {  	s7 =	smul.u32 @!p0 $0xF7A, s2;
	p2 =	seq.s32 @!p0 s5, $0x0  }
0x1f: {  	s9 =	smul.u32 $0xF7A, s1;
	s8 =	simm.s32 @!p0 $0x1BF5;
	p2 =	por !p2, p0  }
0x20: {  	[sflag:s8] =	ssyncset.s32 @!p0 $0xFFFFF086;
	s6 =	sadd.s32 @!p0 s3, s7;
	s7 =	simm.s32 @!p0 $0x108  }
0x21: {  	s3 =	sadd.s32 s3, s9;
	s6 =	sadd.s32 @!p0 $0x88, s6;
	s7 =	simm.s32 @p2 $0x1082  }
0x22: {  	[simem:s7], [sflag:s8] =	dma.local @!p0 [hbm:s6], $0xF7A  }
0x23: {  	s9 =	sor.u32 $0xD0000000, s2;
	s6 =	simm.s32 $0x108;
	_ =	swait.ge @!p0 [sflag:s8], $0x0  }
0x24: {  	s3 =	sadd.s32 $0x88, s3;
	s6 =	simm.s32 @!p1 $0x1082;
	[sflag:s4] =	ssyncset.s32 $0xFFFFF086  }
0x25: {  	[simem:s6], [sflag:s4] =	dma.local [hbm:s3], $0xF7A  }
0x26: {  	[smem:$0x3F9F] =	sst s1;
	(tag) =	ssettag s2;
	_ =	strace s9  }
0x27: {  	s1 =	sld [smem:$0x3FAF]  }
0x28: {  	s2 =	sld [smem:$0x3FB0]  }
0x29: {  	s4 =	sld [smem:$0x3FB2]  }
0x2a: {  	p0 =	seq.s32 s5, $0x0;
	s5 =	sld [smem:$0x3FB3]  }
0x2b: {  	s6 =	sld [smem:$0x3FB4]  }
0x2c: {  	s7 =	sld [smem:$0x3FB5]  }
0x2d: {  	s3 =	simm.s32 $0x108;
	s8 =	sld [smem:$0x3FB6]  }
0x2e: {  	s3 =	simm.s32 @!p0 $0x1082;
	s9 =	sld [smem:$0x3FB7]  }
0x2f: {  	lr =	sadd.s32 s0, s3;
	s0 =	sld [smem:$0x3FAE]  }
0x30: {  	s3 =	sld [smem:$0x3FB1]  }
0x31: {  	[smem:$0x3FBA] =	sst s10  }
0x32: {  	s10 =	sld [smem:$0x3FB8];
	_ =	sdelay $0x3  }
0x33: {  	p0 =	seq.s32 s10, $0x1;
	s10 =	sld [smem:$0x3FBA];
	_ =	sdelay $0x3  }
0x34: {  	[smem:$0x3FBA] =	sst s10  }
0x35: {  	s10 =	sld [smem:$0x3FB9];
	_ =	sdelay $0x3  }
0x36: {  	p1 =	seq.s32 s10, $0x1;
	s10 =	sld [smem:$0x3FBA];
	_ =	sdelay $0x3  }
0x37: {  	[smem:$0x3FBA] =	sst s10  }
0x38: {  	s10 =	sld [smem:$0x3FBB]  }
0x39: {  	_ = 	snop;
	(pc) =	sbr.ind lr, $3  }
0x3a: {  	_ = 	snop  }
0x3b: {  	_ = 	snop  }
0x3c: {  	p2 =	seq.s32 s10, $0x1;
	s10 =	sld [smem:$0x3FBA]  }
0x3d: {  	_ =	shalt  }
0x3e: {  	_ =	shalt  }
0x3f: {  	_ =	shalt  }
0x40: {  	_ =	shalt  }
0x41: {  	_ =	shalt  }
0x42: {  	_ =	shalt  }
0x43: {  	_ =	shalt  }
0x44: {  	_ =	shalt  }
0x45: {  	_ =	shalt  }
0x46: {  	_ =	shalt  }
0x47: {  	_ =	shalt  }
0x48: {  	_ =	shalt  }
0x49: {  	_ =	shalt  }
0x4a: {  	_ =	shalt  }
0x4b: {  	_ =	shalt  }
0x4c: {  	_ =	shalt  }
0x4d: {  	_ =	shalt  }
0x4e: {  	_ =	shalt  }
0x4f: {  	_ =	shalt  }
0x50: {  	_ =	shalt  }
0x51: {  	_ =	shalt  }
0x52: {  	_ =	shalt  }
0x53: {  	_ =	shalt  }
0x54: {  	_ =	shalt  }
0x55: {  	_ =	shalt  }
0x56: {  	_ =	shalt  }
0x57: {  	_ =	shalt  }
0x58: {  	_ =	shalt  }
0x59: {  	_ =	shalt  }
0x5a: {  	_ =	shalt  }
0x5b: {  	_ =	shalt  }
0x5c: {  	_ =	shalt  }
0x5d: {  	_ =	shalt  }
0x5e: {  	_ =	shalt  }
0x5f: {  	_ =	shalt  }
0x60: {  	_ =	shalt  }
0x61: {  	_ =	shalt  }
0x62: {  	_ =	shalt  }
0x63: {  	_ =	shalt  }
0x64: {  	_ =	shalt  }
0x65: {  	_ =	shalt  }
0x66: {  	_ =	shalt  }
0x67: {  	_ =	shalt  }
0x68: {  	_ =	shalt  }
0x69: {  	_ =	shalt  }
0x6a: {  	_ =	shalt  }
0x6b: {  	_ =	shalt  }
0x6c: {  	_ =	shalt  }
0x6d: {  	_ =	shalt  }
0x6e: {  	_ =	shalt  }
0x6f: {  	_ =	shalt  }
0x70: {  	_ =	shalt  }
0x71: {  	_ =	shalt  }
0x72: {  	_ =	shalt  }
0x73: {  	_ =	shalt  }
0x74: {  	_ =	shalt  }
0x75: {  	_ =	shalt  }
0x76: {  	_ =	shalt  }
0x77: {  	_ =	shalt  }
0x78: {  	_ =	shalt  }
0x79: {  	_ =	shalt  }
0x7a: {  	_ =	shalt  }
0x7b: {  	_ =	shalt  }
0x7c: {  	_ =	shalt  }
0x7d: {  	_ =	shalt  }
0x7e: {  	_ =	shalt  }
0x7f: {  	_ =	shalt  }
0x80: {  	_ =	shalt  }
0x81: {  	_ =	shalt  }
0x82: {  	_ =	shalt  }
0x83: {  	_ =	shalt  }
0x84: {  	_ =	shalt  }
0x85: {  	_ =	shalt  }
0x86: {  	_ =	shalt  }
0x87: {  	_ =	shalt  }
.Lfunc_end0:
.L_simem_size_0:
called_computation_lowered:
.L_overlay_start_0:
0x88: {  	s2 =	sld [smem:$0x3FD9]  }
0x89: {  	s3 =	sld [smem:$0x3FFE];
	_ =	sdelay $0x1  }
0x8a: {  	s1 =	srdreg.scid  }
0x8b: {  	s0 =	sand.u32 $0x1, s1  }
0x8c: {  	s17 =	sshll.u32 s0, $0xA;
	s2 =	sadd.s32 s3, s2  }
0x8d: {  	s2 =	sadd.s32 s2, s17  }
0x8e: {  	[smem:$0x3FC6] =	sst s2  }
0x8f: {  	_ = 	snop  }
0x90: {  	s2 =	sld [smem:$0x3FC9];
	(tm) =	ssettm $0x1  }
0x91: {  	s18 =	sld [smem:$0x3FFB];
	_ =	sdelay $0x3  }
0x92: {  	_ =	strace s18  }
0x93: {  	s3 =	sld [smem:$0x3FFC];
	_ =	sdelay $0x3  }
0x94: {  	_ =	strace s3  }
0x95: {  	s3 =	sld [smem:$0x3FFD];
	_ =	sdelay $0x3  }
0x96: {  	_ =	strace s3  }
0x97: {  	_ =	strace $0x8FFFFFFF  }
0x98: {  	s19 =	sld [smem:$0x3FDB];
	_ =	sdelay $0x1  }
0x99: {  	s4 =	simm.s32 $_scs_section_size  }
0x9a: {  	s5 =	simm.s32 $_size__tile_overlayer_lowered;
	s6 =	simm.s32 $_tile_overlayer_lowered  }
0x9b: {  	s22 =	simm.s32 $0x1BFF;
	s21 =	sshll.u32 s6, $0x1;
	s3 =	sadd.s32 s4, s19  }
0x9c: {  	s7 =	simm.s32 $0x0;
	s20 =	sshll.u32 s5, $0x1;
	s5 =	sadd.s32 s21, s3  }
0x9d: {  	[timem:s7], [sflag:s22] =	dma.local [hbm:s5], s20  }
0x9e: {  	_ =	swait.ge [sflag:s22], s20  }
0x9f: {  	s4 =	ssub.s32 $0x0, s20;
	[sflag:s22] =	ssyncset.done $0x0  }
0xa0: {  	[sflag:s22] =	ssyncadd.s32 s4;
	_ =	sdelay $0x1  }
0xa1: {  	s23 =	simm.s32 $0x1B8B  }
0xa2: {  	_ =	swait.ge [sflag:s23], $0x1  }
0xa3: {  	[sflag:s23] =	ssyncset.done $0x0  }
0xa4: {  	s25 =	simm.s32 $0x1B8E;
	s24 =	sld [smem:$0x3FFE];
	[sflag:s23] =	ssyncadd.s32 $0xFFFFFFFF  }
0xa5: {  	s26 =	simm.s32 $execute0_lowered;
	[smem:$0x3FD2] =	sst s25  }
0xa6: {  	s5 =	sshll.u32 s26, $0x1;
	_ =	strace $0x80000046;
	[dreg:$0x1] =	wrdreg $0xFFFFFFFF  }
0xa7: {  	s28 =	simm.s32 $_size_execute0_lowered;
	s3 =	sadd.s32 s3, s5;
	[dreg:$0x0] =	wrdreg $0x0  }
0xa8: {  	s5 =	sshll.u32 s28, $0x1;
	[dreg:$0x2] =	wrdreg s3  }
0xa9: {  	[dreg:$0x3] =	wrdreg s5  }
0xaa: {  	[dreg:$0x4] =	wrdreg $0xC0  }
0xab: {  	_ =	task [dreg:s7], $0x5FFFF  }
0xac: {  	[dreg:$0x1] =	wrdreg $0xFFFFFFFF  }
0xad: {  	[dreg:$0x0] =	wrdreg $0x60  }
0xae: {  	[dreg:$0x2] =	wrdreg s2  }
0xaf: {  	[dreg:$0x3] =	wrdreg s24  }
0xb0: {  	[dreg:$0x4] =	wrdreg $0x9  }
0xb1: {  	_ =	task.clear_ibuf [dreg:s7], $0x5FFFF;
	_ =	strace $0x90000046  }
0xb2: {  	s29 =	simm.s32 $0x9;
	_ =	strace $0x80000048  }
0xb3: {  	_ =	swait.ge [sflag:s29], $0x1  }
0xb4: {  	[sflag:s29] =	ssyncadd.s32 $0xFFFFFFFF  }
0xb5: {  	_ =	strace $0x90000048  }
0xb6: {  	_ =	sfence  }
0xb7: {  	s30 =	sld [smem:$0x0];
	_ =	sdelay $0x2  }
0xb8: {  	s31 =	sshll.u32 s1, $0xD;
	s1 =	sshrl.u32 s1, $0x2  }
0xb9: {  	s3 =	sand.u32 $0x4000, s31;
	s1 =	sadd.s32 s1, s30  }
0xba: {  	s0 =	sor.u32 s3, s0;
	s1 =	sshll.u32 s1, $0x11  }
0xbb: {  	s0 =	sor.u32 s1, s0  }
0xbc: {  	s0 =	sadd.s32 $0x8F2B, s0  }
0xbd: {  	[sflag:s0] =	ssyncadd.remote.s32 $0x1  }
0xbe: {  	_ =	sfence.sel $0xFFFF  }
0xbf: {  	[dreg:$0x0] =	wrdreg $0xFFFFFFFF;
	(pc) =	sbr.abs _section_cstart, $3  }
0xc0: {  	[dreg:$0x1] =	wrdreg $0xFFFFFFFF  }
0xc1: {  	_ =	task.clear_ibuf [dreg:s7], $0x2FFFF;
	_ =	strace $0x9FFFFFFF  }
0xc2: {  	(tm) =	ssettm $0x7FFFFFFF  }
0xc3: {  	_ =	shalt  }
tec
execute0_lowered:
.L_overlay_start_1:
0x0: {  	(tag) =	ssettag $0x1  }
0x1: {  	v0 =	vimm.f32 $2.500000000e+00;
	vm1 =	vcmask $0x300;
	vm0 =	vcmask $0x704  }
0x2: {  	vm2 =	vcmask $0xB08;
	vm3 =	vcmask $0x1310;
	vm4 =	vcmask $0x1B18  }
0x3: {  	vm5 =	vcmask $0x2320;
	vm6 =	vcmask $0x2B28;
	vm7 =	vcmask $0x3330  }
0x4: {  	vm8 =	vcmask $0x3B38;
	vm9 =	vcmask $0x700;
	v1 =	vimm.s32 $0x0  }
0x5: {  	v31 =	vlaneseq.u32;
	vm15 =	vcmask $0x2F00;
	v3 =	vimm.s32 $0x1  }
0x6: {  	vm10 =	vcmask $0x2F20;
	v11 =	vimm.s32 $0x3;
	v14 =	vimm.s32 $0x5  }
0x7: {  	v16 =	vimm.s32 $0x4;
	v24 =	vimm.s32 $0x7;
	vm11 =	vcmask $0x1B00  }
0x8: {  	v19 =	vimm.s32 $0x10654321;
	vm12 =	vcmask $0x371C;
	v21 =	vimm.s32 $0x6543210  }
0x9: {  	vm13 =	vcmask $0x1300;
	v20 =	vimm.s32 $0x21065432;
	v23 =	vimm.s32 $0x5040404  }
0xa: {  	v27 =	vimm.s32 $0x54321065;
	v28 =	vimm.s32 $0x43210654;
	v0 =	vsel vm1, $0x0, v0  }
0xb: {  	vm1 =	vmor vm1, vm2;
	v2 =	vshrl.u32 v31, $0x2;
	v4 =	vsel vm15, $0x0, v3  }
0xc: {  	v30 =	vshrl.u32 v31, $0x3;
	v17 =	vsel vm15, $0x4, v14;
	v25 =	vunpack.c.l.s4.s8 v19  }
0xd: {  	v19 =	vimm.s32 $0x32106543;
	v22 =	vsel vm13, $0x2, v16;
	v20 =	vunpack.c.l.s4.s8 v20  }
0xe: {  	v23 =	vunpack.c.0.s8.s32 v23;
	vm15 =	vcmask $0x2710;
	v0 =	vsel vm0, $0x3E2AAAAB, v0  }
0xf: {  	vm0 =	vcmask $0xF0C;
	vm1 =	vmor vm1, vm3;
	v6 =	vadd.s32 $0x1, v2  }
0x10: {  	v8 =	vadd.s32 $0x1, v30;
	v10 =	vadd.s32 $0x2, v2;
	v15 =	vadd.s32 $0x3, v2  }
0x11: {  	v19 =	vunpack.c.l.s4.s8 v19;
	v0 =	vsel vm2, $0x3EAAAAAB, v0;
	vm2 =	vcmask $0x1710  }
0x12: {  	vm1 =	vmor vm1, vm4;
	v20 =	vunpack.c.0.s8.s32 v20;
	v29 =	vunpack.c.0.s8.s32 v25  }
0x13: {  	v25 =	vimm.s32 $0x6;
	v0 =	vsel vm0, $0x3F000000, v0;
	vm0 =	vcmask $0x1714  }
0x14: {  	vm2 =	vmor vm9, vm2;
	vm1 =	vmor vm1, vm5;
	vm9 =	vcmask $0x1F10  }
0x15: {  	v26 =	vunpack.c.0.s8.s32 v19;
	v0 =	vsel vm3, $0x3F2AAAAB, v0;
	vm3 =	vcmask $0x2720  }
0x16: {  	vm14 =	vmor vm1, vm6;
	v0 =	vsel vm0, $0x3F555556, v0;
	vm0 =	vcmask $0x1F1C  }
0x17: {  	vm2 =	vmor vm2, vm3;
	vm3 =	vcmask $0x3730;
	v20 =	vcombine.low v20, v26  }
0x18: {  	v0 =	vsel vm4, $0x3F800000, v0;
	vm1 =	vmor vm2, vm3;
	vm2 =	vmor vm14, vm7  }
0x19: {  	vm3 =	vcmask $0xF00;
	vm14 =	vcmask $0x2F14;
	v0 =	vsel vm0, $0x3F955556, v0  }
0x1a: {  	vm0 =	vcmask $0x2724;
	vm2 =	vmor vm2, vm8;
	v5 =	vsel vm3, $0x4, v1  }
0x1b: {  	v7 =	vsel vm3, $0x5, v3;
	v19 =	vsel vm14, $0x3, v22;
	v22 =	vunpack.c.l.s4.s8 v27  }
0x1c: {  	v27 =	vunpack.c.l.s4.s8 v28;
	v23 =	vnsel vm3, $0x6, v23;
	v28 =	vunpack.c.l.s4.s8 v21  }
0x1d: {  	s0 =	rddreg [dreg:$0x0];
	v24 =	vsel vm3, $0x6, v24;
	v0 =	vsel vm5, $0x3FAAAAAB, v0;
	v5 =	vsel vm9, $0x5, v5  }
0x1e: {  	s1 =	rddreg [dreg:$0x1];
	s2 =	srdreg.scid;
	v9 =	vsel vm9, $0x6, v7;
	v7 =	vimm.s32 $0x2;
	v21 =	vsel vm15, $0x5, v23  }
0x1f: {  	s3 =	stileid.u32;
	s4 =	simm.s32 $0x0;
	s28 =	simm.s32 $0x15980;
	v23 =	vimm.s32 $0x65432106;
	v0 =	vsel vm0, $0x3FC00000, v0;
	vm0 =	vcmask $0x2F2C  }
0x20: {  	s29 =	simm.s32 $0x16180;
	s30 =	simm.s32 $0x16980;
	s31 =	simm.s32 $0x17180;
	v5 =	vsel vm10, $0x6, v5;
	v9 =	vsel vm10, $0x0, v9;
	v12 =	vsel vm3, $0x6, v7  }
0x21: {  	s8 =	simm.s32 $0x19180;
	s9 =	simm.s32 $0x19980;
	s10 =	simm.s32 $0x1;
	v18 =	vsel vm11, $0x0, v7;
	v22 =	vunpack.c.0.s8.s32 v22;
	v26 =	vunpack.c.0.s8.s32 v27  }
0x22: {  	s11 =	simm.s32 $0x80;
	s12 =	simm.s32 $0x1A180;
	s13 =	simm.s32 $0x3;
	v27 =	vimm.s32 $0x7070706;
	v28 =	vunpack.c.0.s8.s32 v28;
	v0 =	vsel vm6, $0x3FD55556, v0  }
0x23: {  	s14 =	simm.s32 $0x2;
	s15 =	simm.s32 $0x0;
	s2 =	sand.u32 $0x1, s2;
	v13 =	vsel vm9, $0x0, v12;
	v12 =	vsel vm3, $0x2, v11;
	v18 =	vsel vm12, $0x1, v18  }
0x24: {  	s3 =	sshll.u32 s3, $0x1;
	[smem:$0x7FF] =	sst s4;
	s4 =	sadd.s32 $0x1000, s1;
	v0 =	vsel vm0, $0x3FEAAAAB, v0;
	vm0 =	vcmask $0x3734;
	v13 =	vsel vm10, $0x1, v13  }
0x25: {  	s7 =	sadd.s32 $0x100, s0;
	s3 =	sor.u32 s2, s3;
	s2 =	ssub.s32 $0x2, s2;
	v22 =	vcombine.low v26, v22;
	v26 =	vunpack.c.0.s8.s32 v27;
	v27 =	vunpack.c.l.s4.s8 v23  }
.Ltmp0:
0x26: {  	s24 =	sshll.u32 s3, $0x2;
	s5 =	sshrl.u32 s2, $0x1;
	v23 =	vadd.s32 $0x5, v30;
	v30 =	vmul.u32 $0x8, v30;
	v0 =	vsel vm7, $0x40000000, v0;
	(pc) =	sbr.rel .LBB2_1-.Ltmp0, $4  }
0x27: {  	_ =	strace $0x80000047;
	s6 =	sadd.s32 s24, s1;
	s25 =	ssub.s32 s2, s5;
	v0 =	vsel vm0, $0x400AAAAB, v0;
	vm0 =	vmmov $0xffff;
	v26 =	vnsel vm3, $0x9, v26  }
0x28: {  	s5 =	sshll.u32 s3, $0x3;
	s2 =	simm.s32 $0x18180;
	s26 =	sadd.s32 $0xE00, s6;
	v32 =	vunpack.c.0.s8.s32 v27;
	vm3 =	vcmask $0x3B20;
	v0 =	vsel vm8, $0x40155556, v0  }
0x29: {  	s1 =	smax.u32 s25, $0x1;
	s6 =	simm.s32 $0x18980;
	[dreg:$0x3] =	wrdreg s26;
	v27 =	vsel vm9, $0x7, v26;
	v26 =	vcombine.low v28, v29;
	v29 =	vand.u32 $0x7, v31  }
0x2a: {  	[dreg:$0x4] =	wrdreg s1;
	s26 =	simm.s32 $0x15180;
	s1 =	simm.s32 $0x17980;
	v31 =	vor.u32 $0x8, v31;
	v27 =	vsel vm3, $0x8, v27;
	v28 =	vcombine.low v32, v28  }
.LBB2_9:
0x2b: {  	s15 =	rddreg [dreg:$0x5]  }
0x2c: {  	s3 =	rddreg [dreg:$0x4];
	s15 =	sadd.s32 $0x1, s15  }
0x2d: {  	p0 =	sne.s32 s15, s3  }
.Ltmp1:
0x2e: {  	_ = 	snop;
	(pc) =	sbr.rel @!p0 .LBB2_10-.Ltmp1, $1  }
0x2f: {  	_ =	sdelay $0x3  }
.LBB2_1:
0x30: {  	[dreg:$0x5] =	wrdreg s15;
	s3 =	simm.s32 $0x0  }
.Ltmp2:
0x31: {  	s24 =	rddreg [dreg:$0x3];
	s25 =	simm.s32 $0x4;
	(pc) =	sbr.rel .LBB2_2-.Ltmp2, $4  }
0x32: {  	[tilespmem:s3], [sflag:$0x4] =	stream.linear.gather [hbm4b:s24+s3], $0x20, $0x38;
	[tilespmem:$0x1E180] =	vst v63  }
0x33: {  	_ =	swait.ge [sflag:s25], $0x20  }
0x34: {  	[sflag:s25] =	ssyncset.done $0x0  }
0x35: {  	s3 =	simm.s32 $0x0;
	[sflag:s25] =	ssyncadd.s32 $0xFFFFFFE0  }
.LBB2_8:
0x36: {  	s3 =	sadd.s32 $0x1, s3  }
0x37: {  	p0 =	sne.s32 s3, $0x8  }
.Ltmp3:
0x38: {  	_ = 	snop;
	(pc) =	sbr.rel @!p0 .LBB2_9-.Ltmp3, $1  }
0x39: {  	_ =	sdelay $0x3  }
.LBB2_2:
0x3a: {  	s15 =	sadd.s32 s5, s3  }
0x3b: {  	p0 =	sgt.u32 s15, $0xEF  }
.Ltmp4:
0x3c: {  	_ = 	snop;
	(pc) =	sbr.rel @p0 .LBB2_8-.Ltmp4, $1  }
0x3d: {  	_ =	sdelay $0x3  }
0x3e: {  	s16 =	sshll.u32 s3, $0x2  }
0x3f: {  	s21 =	sshllo.u32 s3, $0x2;
	v32 =	vmov s16;
	s17 =	sor.u32 $0x2, s16  }
0x40: {  	s16 =	sor.u32 $0x1, s16;
	v35 =	vmov s21;
	v32 =	vbroadcast v32, $0x0;
	v33 =	vmov s17  }
0x41: {  	v34 =	vmov s16;
	v33 =	vbroadcast v33, $0x0  }
0x42: {  	v34 =	vbroadcast v34, $0x0;
	_ =	sdelay $0x1  }
0x43: {  	s16 =	simm.s32 $0x0  }
0x44: {  	v35 =	vld.idx.msk [tilespmem:v35+s16+$0x0], $0xffff  }
0x45: {  	v32 =	vld.idx.msk [tilespmem:v32+s16+$0x0], $0xffff  }
0x46: {  	v33 =	vld.idx.msk [tilespmem:v33+s16+$0x0], $0xffff  }
0x47: {  	v34 =	vld.idx.msk [tilespmem:v34+s16+$0x0], $0xffff;
	_ =	sdelay $0x3  }
0x48: {  	v33 =	vsub.f32 v33, v32  }
0x49: {  	v35 =	vsub.f32 v35, v34  }
0x4a: {  	v33 =	vmul.f32 $3.100000000e+01, v33  }
0x4b: {  	v35 =	vmul.f32 $3.100000000e+01, v35  }
0x4c: {  	v32 =	vmul.f32 $3.100000000e+01, v32;
	v33 =	vmul.f32 v0, v33  }
0x4d: {  	v47 =	vmul.f32 $3.100000000e+01, v34;
	v48 =	vmul.f32 v0, v35  }
0x4e: {  	v32 =	vadd.f32 v33, v32  }
0x4f: {  	v34 =	vadd.f32 v48, v47  }
0x50: {  	v49 =	vtrunc.f32 v32  }
0x51: {  	v50 =	vtrunc.f32 v34;
	v33 =	vcvt.f32.s32 v49  }
0x52: {  	v35 =	vcvt.f32.s32 v50  }
0x53: {  	v36 =	vcvt.s32.f32 v33  }
0x54: {  	v51 =	vcvt.s32.f32 v35;
	vm3 =	vgt.s32 v33, $0x0;
	v39 =	vadd.s32 $0x1, v35  }
0x55: {  	v52 =	vnsel vm3, $0x0, v33;
	vm3 =	vgt.s32 v35, $0x0;
	v33 =	vadd.s32 $0x1, v33  }
0x56: {  	v38 =	vsub.f32 v32, v36;
	v37 =	vnsel vm3, $0x0, v35;
	vm3 =	vgt.s32 v33, $0x0  }
0x57: {  	v32 =	vmin.u32 v52, $0x1F;
	v41 =	vsub.f32 v34, v51;
	v33 =	vnsel vm3, $0x0, v33  }
0x58: {  	vm3 =	vgt.s32 v39, $0x0;
	v35 =	vmin.u32 v37, $0x1F;
	v40 =	vperm.xlane v32, v1  }
0x59: {  	v43 =	vperm.xlane v32, v4;
	v51 =	vperm.xlane v32, v3;
	v33 =	vmin.u32 v33, $0x1F  }
0x5a: {  	v53 =	vnsel vm3, $0x0, v39;
	v56 =	vperm.xlane v35, v2;
	v57 =	vperm.xlane v35, v5  }
0x5b: {  	v45 =	vsub.f32 $1.000000000e+00, v38;
	v49 =	vperm.xlane v38, v18;
	v50 =	vperm.xlane v41, v26  }
0x5c: {  	v37 =	vmin.u32 v53, $0x1F;
	v54 =	vperm.xlane v33, v1;
	v42 =	vperm.xlane v33, v4  }
0x5d: {  	v46 =	vsub.f32 $1.000000000e+00, v41;
	v47 =	vperm.xlane v33, v3;
	v55 =	vperm.xlane v37, v2  }
0x5e: {  	v44 =	vperm.xlane v37, v5;
	v58 =	vperm.xlane v45, v18  }
0x5f: {  	v48 =	vperm.xlane v46, v26;
	v53 =	vperm.xlane v45, v19  }
0x60: {  	s22 =	smul.u32 $0x89, s15;
	v60 =	vmul.f32 v50, v49;
	v39 =	vsel vm1, v40, v54;
	v54 =	vperm.xlane v46, v20  }
0x61: {  	v42 =	vsel vm1, v43, v42;
	v43 =	vperm.xlane v38, v19;
	v34 =	vsel vm2, v56, v55  }
0x62: {  	s17 =	sshrl.u32 s22, $0x3;
	v39 =	vshll.u32 v39, $0x5;
	v52 =	vmul.f32 v48, v58;
	v36 =	vmul.f32 v50, v58  }
0x63: {  	s17 =	sand.u32 $0x1C00, s17;
	v48 =	vmul.f32 v48, v49;
	v56 =	vsel vm2, v57, v44;
	[tilespmem:$0x140] =	vst v60;
	v57 =	vperm.xlane v45, v21  }
0x64: {  	v58 =	vperm.xlane v46, v22;
	v42 =	vshll.u32 v42, $0x5;
	v34 =	vadd.s32 s17, v34;
	[tilespmem:$0x80] =	vst v52  }
0x65: {  	v61 =	vmul.f32 v54, v53;
	v39 =	vadd.s32 v39, v34;
	v52 =	vperm.xlane v41, v20;
	[tilespmem:$0xC0] =	vst v36  }
0x66: {  	v60 =	vperm.xlane v41, v22;
	v63 =	vmul.f32 v54, v43;
	[tilespmem:$0x100] =	vst v48;
	vm3 =	vgt.s32 v39, $0x0  }
0x67: {  	v45 =	vperm.xlane v45, v27;
	[tilespmem:$0x90] =	vst v61;
	v59 =	vnsel vm3, $0x0, v39;
	v62 =	vmul.f32 v52, v53  }
0x68: {  	v46 =	vperm.xlane v46, v28;
	v61 =	vmul.f32 v58, v57;
	[tilespmem:$0x110] =	vst v63;
	v50 =	vmin.u32 v59, $0xFFF  }
0x69: {  	v43 =	vmul.f32 v52, v43;
	v39 =	vmul.f32 v60, v57;
	[tilespmem:$0xD0] =	vst v62;
	v62 =	vshll.u32 v50, $0x2  }
0x6a: {  	v59 =	vperm.xlane v38, v21;
	[tilespmem:$0xA0] =	vst v61;
	v53 =	vand.u32 $0x7, v50;
	v54 =	vand.u32 $0x3FE0, v62  }
0x6b: {  	v55 =	vperm.xlane v41, v28;
	v57 =	vmul.f32 v46, v45;
	[tilespmem:$0x150] =	vst v43;
	v44 =	vor.u32 v53, v54  }
0x6c: {  	v36 =	vadd.s32 s17, v56;
	[tilespmem:$0xE0] =	vst v39;
	v40 =	vmul.f32 v58, v59;
	v56 =	vperm.xlane v44, v29  }
0x6d: {  	v42 =	vadd.s32 v42, v36;
	v38 =	vperm.xlane v38, v27;
	[tilespmem:$0xB0] =	vst v57;
	v63 =	vmul.f32 v60, v59  }
0x6e: {  	vm3 =	vgt.s32 v42, $0x0;
	v59 =	vmul.f32 v55, v45;
	[tilespmem:$0x120] =	vst v40;
	v41 =	vadd.s32 v30, v56  }
0x6f: {  	v42 =	vnsel vm3, $0x0, v42;
	v58 =	vperm.xlane v37, v6;
	v61 =	vmul.f32 v46, v38;
	[tilespmem:$0x160] =	vst v63  }
0x70: {  	v42 =	vmin.u32 v42, $0xFFF;
	v38 =	vmul.f32 v55, v38;
	[tilespmem:$0xF0] =	vst v59;
	v62 =	vperm.xlane v44, v31  }
0x71: {  	v60 =	vperm.xlane v35, v6;
	v50 =	vshll.u32 v42, $0x2;
	v42 =	vand.u32 $0x7, v42;
	[tilespmem:$0x130] =	vst v61  }
0x72: {  	s18 =	simm.s32 $0x180;
	v63 =	vsel vm1, v51, v47;
	[tilespmem:$0x170] =	vst v38;
	v40 =	vand.u32 $0x3FE0, v50;
	v39 =	vadd.s32 v30, v62  }
0x73: {  	v49 =	vsel vm2, v60, v58;
	v40 =	vor.u32 v42, v40;
	[tilespmem:s18], [sflag:$0x1] =	stream.indirect_vreg.gather [hbm4b:s0+s16], $0x80, v41, vm0, $0xb8;
	[tilespmem:$0x1E180] =	vst v63  }
0x74: {  	s23 =	simm.s32 $0x980;
	v43 =	vshll.u32 v63, $0x5;
	v38 =	vadd.s32 s17, v49;
	v52 =	vperm.xlane v40, v29  }
0x75: {  	v51 =	vadd.s32 v43, v38;
	[tilespmem:s23], [sflag:$0x1] =	stream.indirect_vreg.gather [hbm4b:s7+s16], $0x80, v41, vm0, $0xb8;
	[tilespmem:$0x1E180] =	vst v63  }
0x76: {  	s24 =	simm.s32 $0x1180;
	vm3 =	vgt.s32 v51, $0x0;
	v43 =	vadd.s32 v30, v52  }
0x77: {  	v55 =	vperm.xlane v37, v9;
	v56 =	vperm.xlane v35, v9;
	v42 =	vnsel vm3, $0x0, v51;
	[tilespmem:s24], [sflag:$0x1] =	stream.indirect_vreg.gather [hbm4b:s0+s16], $0x80, v39, vm0, $0xb8;
	[tilespmem:$0x1E180] =	vst v63  }
0x78: {  	s25 =	simm.s32 $0x1980;
	v53 =	vperm.xlane v33, v8;
	v40 =	vperm.xlane v40, v31;
	v42 =	vmin.u32 v42, $0xFFF  }
0x79: {  	v54 =	vperm.xlane v32, v8;
	v57 =	vsel vm2, v56, v55;
	v58 =	vshll.u32 v42, $0x2;
	[tilespmem:s25], [sflag:$0x1] =	stream.indirect_vreg.gather [hbm4b:s7+s16], $0x80, v39, vm0, $0xb8;
	[tilespmem:$0x1E180] =	vst v63  }
0x7a: {  	s19 =	simm.s32 $0x2180;
	v40 =	vadd.s32 v30, v40;
	v42 =	vand.u32 $0x7, v42;
	v59 =	vand.u32 $0x3FE0, v58  }
0x7b: {  	v42 =	vor.u32 v42, v59;
	v41 =	vsel vm1, v54, v53;
	[tilespmem:s19], [sflag:$0x1] =	stream.indirect_vreg.gather [hbm4b:s0+s16], $0x80, v43, vm0, $0xb8;
	[tilespmem:$0x1E180] =	vst v63  }
0x7c: {  	s20 =	simm.s32 $0x2980;
	v60 =	vperm.xlane v42, v29;
	v41 =	vshll.u32 v41, $0x5;
	v39 =	vadd.s32 s17, v57  }
0x7d: {  	v41 =	vadd.s32 v41, v39;
	[tilespmem:s20], [sflag:$0x1] =	stream.indirect_vreg.gather [hbm4b:s7+s16], $0x80, v43, vm0, $0xb8;
	[tilespmem:$0x1E180] =	vst v63  }
0x7e: {  	s21 =	simm.s32 $0x3180;
	v44 =	vadd.s32 v30, v60;
	vm3 =	vgt.s32 v41, $0x0  }
0x7f: {  	v48 =	vperm.xlane v35, v10;
	v63 =	vperm.xlane v37, v10;
	v41 =	vnsel vm3, $0x0, v41;
	[tilespmem:s21], [sflag:$0x1] =	stream.indirect_vreg.gather [hbm4b:s0+s16], $0x80, v40, vm0, $0xb8;
	[tilespmem:$0x1E180] =	vst v63  }
0x80: {  	s22 =	simm.s32 $0x3980;
	v61 =	vperm.xlane v33, v7;
	v42 =	vperm.xlane v42, v31;
	v41 =	vmin.u32 v41, $0xFFF  }
0x81: {  	v62 =	vperm.xlane v32, v7;
	v49 =	vsel vm2, v48, v63;
	v50 =	vshll.u32 v41, $0x2;
	[tilespmem:s22], [sflag:$0x1] =	stream.indirect_vreg.gather [hbm4b:s7+s16], $0x80, v40, vm0, $0xb8;
	[tilespmem:$0x1E180] =	vst v63  }
0x82: {  	s23 =	simm.s32 $0x4180;
	v42 =	vadd.s32 v30, v42;
	v41 =	vand.u32 $0x7, v41;
	v51 =	vand.u32 $0x3FE0, v50  }
0x83: {  	v43 =	vsel vm1, v62, v61;
	v41 =	vor.u32 v41, v51;
	[tilespmem:s23], [sflag:$0x1] =	stream.indirect_vreg.gather [hbm4b:s0+s16], $0x80, v44, vm0, $0xb8;
	[tilespmem:$0x1E180] =	vst v63  }
0x84: {  	s24 =	simm.s32 $0x4980;
	v43 =	vshll.u32 v43, $0x5;
	v40 =	vadd.s32 s17, v49;
	v52 =	vperm.xlane v41, v29  }
0x85: {  	v43 =	vadd.s32 v43, v40;
	[tilespmem:s24], [sflag:$0x1] =	stream.indirect_vreg.gather [hbm4b:s7+s16], $0x80, v44, vm0, $0xb8;
	[tilespmem:$0x1E180] =	vst v63  }
0x86: {  	s25 =	simm.s32 $0x5180;
	vm3 =	vgt.s32 v43, $0x0;
	v45 =	vadd.s32 v30, v52  }
0x87: {  	v55 =	vperm.xlane v37, v13;
	v56 =	vperm.xlane v35, v13;
	v43 =	vnsel vm3, $0x0, v43;
	[tilespmem:s25], [sflag:$0x1] =	stream.indirect_vreg.gather [hbm4b:s0+s16], $0x80, v42, vm0, $0xb8;
	[tilespmem:$0x1E180] =	vst v63  }
0x88: {  	v53 =	vperm.xlane v33, v12;
	s19 =	simm.s32 $0x5980;
	v41 =	vperm.xlane v41, v31;
	v43 =	vmin.u32 v43, $0xFFF  }
0x89: {  	v54 =	vperm.xlane v32, v12;
	v57 =	vsel vm2, v56, v55;
	v58 =	vshll.u32 v43, $0x2;
	[tilespmem:s19], [sflag:$0x1] =	stream.indirect_vreg.gather [hbm4b:s7+s16], $0x80, v42, vm0, $0xb8;
	[tilespmem:$0x1E180] =	vst v63  }
0x8a: {  	s20 =	simm.s32 $0x6180;
	v59 =	vadd.s32 v30, v41;
	v43 =	vand.u32 $0x7, v43;
	v42 =	vand.u32 $0x3FE0, v58  }
0x8b: {  	v44 =	vsel vm1, v54, v53;
	v42 =	vor.u32 v43, v42;
	[tilespmem:s20], [sflag:$0x1] =	stream.indirect_vreg.gather [hbm4b:s0+s16], $0x80, v45, vm0, $0xb8;
	[tilespmem:$0x1E180] =	vst v63  }
0x8c: {  	s21 =	simm.s32 $0x6980;
	v41 =	vadd.s32 s17, v57;
	v44 =	vshll.u32 v44, $0x5;
	v61 =	vperm.xlane v42, v29  }
0x8d: {  	v60 =	vadd.s32 v44, v41;
	[tilespmem:s21], [sflag:$0x1] =	stream.indirect_vreg.gather [hbm4b:s7+s16], $0x80, v45, vm0, $0xb8;
	[tilespmem:$0x1E180] =	vst v63  }
0x8e: {  	s22 =	simm.s32 $0x7180;
	vm3 =	vgt.s32 v60, $0x0;
	v44 =	vadd.s32 v30, v61  }
0x8f: {  	v63 =	vperm.xlane v32, v11;
	v37 =	vperm.xlane v37, v15;
	v43 =	vnsel vm3, $0x0, v60;
	[tilespmem:s22], [sflag:$0x1] =	stream.indirect_vreg.gather [hbm4b:s0+s16], $0x80, v59, vm0, $0xb8;
	[tilespmem:$0x1E180] =	vst v63  }
0x90: {  	v62 =	vperm.xlane v33, v11;
	s23 =	simm.s32 $0x7980;
	v43 =	vmin.u32 v43, $0xFFF;
	v42 =	vperm.xlane v42, v31  }
0x91: {  	v35 =	vperm.xlane v35, v15;
	v48 =	vshll.u32 v43, $0x2;
	v43 =	vand.u32 $0x7, v43;
	[tilespmem:s23], [sflag:$0x1] =	stream.indirect_vreg.gather [hbm4b:s7+s16], $0x80, v59, vm0, $0xb8;
	[tilespmem:$0x1E180] =	vst v63  }
0x92: {  	s24 =	simm.s32 $0x8180;
	v45 =	vsel vm1, v63, v62;
	v42 =	vadd.s32 v30, v42;
	v46 =	vand.u32 $0x3FE0, v48  }
0x93: {  	v45 =	vshll.u32 v45, $0x5;
	v43 =	vor.u32 v43, v46;
	[tilespmem:s24], [sflag:$0x1] =	stream.indirect_vreg.gather [hbm4b:s0+s16], $0x80, v44, vm0, $0xb8;
	[tilespmem:$0x1E180] =	vst v63  }
0x94: {  	v35 =	vsel vm2, v35, v37;
	s25 =	simm.s32 $0x8980;
	v49 =	vadd.s32 s17, v45;
	v50 =	vperm.xlane v43, v29  }
0x95: {  	v35 =	vadd.s32 v35, v49;
	[tilespmem:s25], [sflag:$0x1] =	stream.indirect_vreg.gather [hbm4b:s7+s16], $0x80, v44, vm0, $0xb8;
	[tilespmem:$0x1E180] =	vst v63  }
0x96: {  	s18 =	simm.s32 $0x9180;
	vm3 =	vgt.s32 v35, $0x0;
	v51 =	vadd.s32 v30, v50  }
0x97: {  	v35 =	vnsel vm3, $0x0, v35;
	[tilespmem:s18], [sflag:$0x1] =	stream.indirect_vreg.gather [hbm4b:s0+s16], $0x80, v42, vm0, $0xb8;
	[tilespmem:$0x1E180] =	vst v63  }
0x98: {  	s19 =	simm.s32 $0x9980;
	v43 =	vperm.xlane v43, v31;
	v35 =	vmin.u32 v35, $0xFFF  }
0x99: {  	v52 =	vperm.xlane v33, v16;
	v53 =	vperm.xlane v32, v16;
	v54 =	vshll.u32 v35, $0x2;
	[tilespmem:s19], [sflag:$0x1] =	stream.indirect_vreg.gather [hbm4b:s7+s16], $0x80, v42, vm0, $0xb8;
	[tilespmem:$0x1E180] =	vst v63  }
0x9a: {  	s20 =	simm.s32 $0xA180;
	v43 =	vadd.s32 v30, v43;
	v35 =	vand.u32 $0x7, v35;
	v42 =	vand.u32 $0x3FE0, v54  }
0x9b: {  	v44 =	vsel vm1, v53, v52;
	v35 =	vor.u32 v35, v42;
	[tilespmem:s20], [sflag:$0x1] =	stream.indirect_vreg.gather [hbm4b:s0+s16], $0x80, v51, vm0, $0xb8;
	[tilespmem:$0x1E180] =	vst v63  }
0x9c: {  	s21 =	simm.s32 $0xA980;
	v55 =	vshll.u32 v44, $0x5;
	v56 =	vperm.xlane v35, v29  }
0x9d: {  	v34 =	vadd.s32 v55, v34;
	[tilespmem:s21], [sflag:$0x1] =	stream.indirect_vreg.gather [hbm4b:s7+s16], $0x80, v51, vm0, $0xb8;
	[tilespmem:$0x1E180] =	vst v63  }
0x9e: {  	s22 =	simm.s32 $0xB180;
	vm3 =	vgt.s32 v34, $0x0;
	v57 =	vadd.s32 v30, v56  }
0x9f: {  	v34 =	vnsel vm3, $0x0, v34;
	[tilespmem:s22], [sflag:$0x1] =	stream.indirect_vreg.gather [hbm4b:s0+s16], $0x80, v43, vm0, $0xb8;
	[tilespmem:$0x1E180] =	vst v63  }
0xa0: {  	s23 =	simm.s32 $0xB980;
	v34 =	vmin.u32 v34, $0xFFF;
	v35 =	vperm.xlane v35, v31  }
0xa1: {  	v58 =	vperm.xlane v33, v17;
	v59 =	vperm.xlane v32, v17;
	v60 =	vshll.u32 v34, $0x2;
	[tilespmem:s23], [sflag:$0x1] =	stream.indirect_vreg.gather [hbm4b:s7+s16], $0x80, v43, vm0, $0xb8;
	[tilespmem:$0x1E180] =	vst v63  }
0xa2: {  	s24 =	simm.s32 $0xC180;
	v34 =	vand.u32 $0x7, v34;
	v35 =	vadd.s32 v30, v35;
	v43 =	vand.u32 $0x3FE0, v60  }
0xa3: {  	v42 =	vsel vm1, v59, v58;
	v34 =	vor.u32 v34, v43;
	[tilespmem:s24], [sflag:$0x2] =	stream.indirect_vreg.gather [hbm4b:s0+s16], $0x80, v57, vm0, $0xb8;
	[tilespmem:$0x1E180] =	vst v63  }
0xa4: {  	s25 =	simm.s32 $0xC980;
	v42 =	vshll.u32 v42, $0x5;
	v43 =	vperm.xlane v34, v29  }
0xa5: {  	v36 =	vadd.s32 v42, v36;
	[tilespmem:s25], [sflag:$0x2] =	stream.indirect_vreg.gather [hbm4b:s7+s16], $0x80, v57, vm0, $0xb8;
	[tilespmem:$0x1E180] =	vst v63  }
0xa6: {  	s18 =	simm.s32 $0xD180;
	vm3 =	vgt.s32 v36, $0x0;
	v61 =	vadd.s32 v30, v43  }
0xa7: {  	v36 =	vnsel vm3, $0x0, v36;
	[tilespmem:s18], [sflag:$0x2] =	stream.indirect_vreg.gather [hbm4b:s0+s16], $0x80, v35, vm0, $0xb8;
	[tilespmem:$0x1E180] =	vst v63  }
0xa8: {  	s19 =	simm.s32 $0xD980;
	v36 =	vmin.u32 v36, $0xFFF;
	v34 =	vperm.xlane v34, v31  }
0xa9: {  	v62 =	vperm.xlane v33, v14;
	v63 =	vperm.xlane v32, v14;
	v44 =	vshll.u32 v36, $0x2;
	[tilespmem:s19], [sflag:$0x2] =	stream.indirect_vreg.gather [hbm4b:s7+s16], $0x80, v35, vm0, $0xb8;
	[tilespmem:$0x1E180] =	vst v63  }
0xaa: {  	s20 =	simm.s32 $0xE180;
	v36 =	vand.u32 $0x7, v36;
	v34 =	vadd.s32 v30, v34;
	v35 =	vand.u32 $0x3FE0, v44  }
0xab: {  	v42 =	vsel vm1, v63, v62;
	v35 =	vor.u32 v36, v35;
	[tilespmem:s20], [sflag:$0x2] =	stream.indirect_vreg.gather [hbm4b:s0+s16], $0x80, v61, vm0, $0xb8;
	[tilespmem:$0x1E180] =	vst v63  }
0xac: {  	v45 =	vshll.u32 v42, $0x5;
	s21 =	simm.s32 $0xE980;
	v46 =	vperm.xlane v35, v29  }
0xad: {  	v36 =	vadd.s32 v45, v38;
	[tilespmem:s21], [sflag:$0x2] =	stream.indirect_vreg.gather [hbm4b:s7+s16], $0x80, v61, vm0, $0xb8;
	[tilespmem:$0x1E180] =	vst v63  }
0xae: {  	s22 =	simm.s32 $0xF180;
	vm3 =	vgt.s32 v36, $0x0;
	v47 =	vadd.s32 v30, v46  }
0xaf: {  	v36 =	vnsel vm3, $0x0, v36;
	[tilespmem:s22], [sflag:$0x2] =	stream.indirect_vreg.gather [hbm4b:s0+s16], $0x80, v34, vm0, $0xb8;
	[tilespmem:$0x1E180] =	vst v63  }
0xb0: {  	s23 =	simm.s32 $0xF980;
	v35 =	vperm.xlane v35, v31;
	v36 =	vmin.u32 v36, $0xFFF  }
0xb1: {  	v48 =	vperm.xlane v33, v23;
	v49 =	vperm.xlane v32, v23;
	v50 =	vshll.u32 v36, $0x2;
	[tilespmem:s23], [sflag:$0x2] =	stream.indirect_vreg.gather [hbm4b:s7+s16], $0x80, v34, vm0, $0xb8;
	[tilespmem:$0x1E180] =	vst v63  }
0xb2: {  	s24 =	simm.s32 $0x10180;
	v35 =	vadd.s32 v30, v35;
	v36 =	vand.u32 $0x7, v36;
	v34 =	vand.u32 $0x3FE0, v50  }
0xb3: {  	v38 =	vsel vm1, v49, v48;
	v34 =	vor.u32 v36, v34;
	[tilespmem:s24], [sflag:$0x2] =	stream.indirect_vreg.gather [hbm4b:s0+s16], $0x80, v47, vm0, $0xb8;
	[tilespmem:$0x1E180] =	vst v63  }
0xb4: {  	s25 =	simm.s32 $0x10980;
	v51 =	vshll.u32 v38, $0x5;
	v52 =	vperm.xlane v34, v29  }
0xb5: {  	v36 =	vadd.s32 v51, v39;
	[tilespmem:s25], [sflag:$0x2] =	stream.indirect_vreg.gather [hbm4b:s7+s16], $0x80, v47, vm0, $0xb8;
	[tilespmem:$0x1E180] =	vst v63  }
0xb6: {  	s18 =	simm.s32 $0x11180;
	vm3 =	vgt.s32 v36, $0x0;
	v53 =	vadd.s32 v30, v52  }
0xb7: {  	v36 =	vnsel vm3, $0x0, v36;
	[tilespmem:s18], [sflag:$0x2] =	stream.indirect_vreg.gather [hbm4b:s0+s16], $0x80, v35, vm0, $0xb8;
	[tilespmem:$0x1E180] =	vst v63  }
0xb8: {  	s19 =	simm.s32 $0x11980;
	v34 =	vperm.xlane v34, v31;
	v36 =	vmin.u32 v36, $0xFFF  }
0xb9: {  	v55 =	vperm.xlane v32, v25;
	v54 =	vperm.xlane v33, v25;
	v56 =	vshll.u32 v36, $0x2;
	[tilespmem:s19], [sflag:$0x2] =	stream.indirect_vreg.gather [hbm4b:s7+s16], $0x80, v35, vm0, $0xb8;
	[tilespmem:$0x1E180] =	vst v63  }
0xba: {  	s20 =	simm.s32 $0x12180;
	v34 =	vadd.s32 v30, v34;
	v36 =	vand.u32 $0x7, v36;
	v35 =	vand.u32 $0x3FE0, v56  }
0xbb: {  	v38 =	vsel vm1, v55, v54;
	v35 =	vor.u32 v36, v35;
	[tilespmem:s20], [sflag:$0x2] =	stream.indirect_vreg.gather [hbm4b:s0+s16], $0x80, v53, vm0, $0xb8;
	[tilespmem:$0x1E180] =	vst v63  }
0xbc: {  	v57 =	vshll.u32 v38, $0x5;
	s21 =	simm.s32 $0x12980;
	v58 =	vperm.xlane v35, v29  }
0xbd: {  	v36 =	vadd.s32 v57, v40;
	[tilespmem:s21], [sflag:$0x2] =	stream.indirect_vreg.gather [hbm4b:s7+s16], $0x80, v53, vm0, $0xb8;
	[tilespmem:$0x1E180] =	vst v63  }
0xbe: {  	s22 =	simm.s32 $0x13180;
	vm3 =	vgt.s32 v36, $0x0;
	v59 =	vadd.s32 v30, v58  }
0xbf: {  	v36 =	vnsel vm3, $0x0, v36;
	[tilespmem:s22], [sflag:$0x2] =	stream.indirect_vreg.gather [hbm4b:s0+s16], $0x80, v34, vm0, $0xb8;
	[tilespmem:$0x1E180] =	vst v63  }
0xc0: {  	s23 =	simm.s32 $0x13980;
	v35 =	vperm.xlane v35, v31;
	v36 =	vmin.u32 v36, $0xFFF  }
0xc1: {  	v32 =	vperm.xlane v32, v24;
	v33 =	vperm.xlane v33, v24;
	v60 =	vshll.u32 v36, $0x2;
	[tilespmem:s23], [sflag:$0x2] =	stream.indirect_vreg.gather [hbm4b:s7+s16], $0x80, v34, vm0, $0xb8;
	[tilespmem:$0x1E180] =	vst v63  }
0xc2: {  	s24 =	simm.s32 $0x14180;
	v35 =	vadd.s32 v30, v35;
	v36 =	vand.u32 $0x7, v36;
	v34 =	vand.u32 $0x3FE0, v60  }
0xc3: {  	v32 =	vsel vm1, v32, v33;
	v61 =	vor.u32 v36, v34;
	[tilespmem:s24], [sflag:$0x2] =	stream.indirect_vreg.gather [hbm4b:s0+s16], $0x80, v59, vm0, $0xb8;
	[tilespmem:$0x1E180] =	vst v63  }
0xc4: {  	v32 =	vshll.u32 v32, $0x5;
	s25 =	simm.s32 $0x14980;
	v34 =	vperm.xlane v61, v29  }
0xc5: {  	v32 =	vadd.s32 v32, v41;
	[tilespmem:s25], [sflag:$0x2] =	stream.indirect_vreg.gather [hbm4b:s7+s16], $0x80, v59, vm0, $0xb8;
	[tilespmem:$0x1E180] =	vst v63  }
0xc6: {  	vm3 =	vgt.s32 v32, $0x0;
	v34 =	vadd.s32 v30, v34  }
0xc7: {  	v32 =	vnsel vm3, $0x0, v32;
	[tilespmem:s26], [sflag:$0x2] =	stream.indirect_vreg.gather [hbm4b:s0+s16], $0x80, v35, vm0, $0xb8;
	[tilespmem:$0x1E180] =	vst v63  }
0xc8: {  	v32 =	vmin.u32 v32, $0xFFF;
	v33 =	vperm.xlane v61, v31  }
0xc9: {  	v62 =	vshll.u32 v32, $0x2;
	[tilespmem:s28], [sflag:$0x2] =	stream.indirect_vreg.gather [hbm4b:s7+s16], $0x80, v35, vm0, $0xb8;
	[tilespmem:$0x1E180] =	vst v63  }
0xca: {  	v32 =	vand.u32 $0x7, v32;
	v33 =	vadd.s32 v30, v33;
	v35 =	vand.u32 $0x3FE0, v62  }
0xcb: {  	v32 =	vor.u32 v32, v35;
	[tilespmem:s29], [sflag:$0x2] =	stream.indirect_vreg.gather [hbm4b:s0+s16], $0x80, v34, vm0, $0xb8;
	[tilespmem:$0x1E180] =	vst v63  }
0xcc: {  	v35 =	vperm.xlane v32, v29  }
0xcd: {  	[tilespmem:s30], [sflag:$0x2] =	stream.indirect_vreg.gather [hbm4b:s7+s16], $0x80, v34, vm0, $0xb8;
	[tilespmem:$0x1E180] =	vst v63  }
0xce: {  	v63 =	vadd.s32 v30, v35  }
0xcf: {  	[tilespmem:s31], [sflag:$0x2] =	stream.indirect_vreg.gather [hbm4b:s0+s16], $0x80, v33, vm0, $0xb8;
	[tilespmem:$0x1E180] =	vst v63  }
0xd0: {  	v32 =	vperm.xlane v32, v31  }
0xd1: {  	[tilespmem:s1], [sflag:$0x2] =	stream.indirect_vreg.gather [hbm4b:s7+s16], $0x80, v33, vm0, $0xb8;
	[tilespmem:$0x1E180] =	vst v63  }
0xd2: {  	v32 =	vadd.s32 v30, v32  }
0xd3: {  	[tilespmem:s2], [sflag:$0x2] =	stream.indirect_vreg.gather [hbm4b:s0+s16], $0x80, v63, vm0, $0xb8;
	[tilespmem:$0x1E180] =	vst v63  }
0xd4: {  	_ = 	snop  }
0xd5: {  	[tilespmem:s6], [sflag:$0x2] =	stream.indirect_vreg.gather [hbm4b:s7+s16], $0x80, v63, vm0, $0xb8;
	[tilespmem:$0x1E180] =	vst v63  }
0xd6: {  	_ = 	snop  }
0xd7: {  	[tilespmem:s8], [sflag:$0x2] =	stream.indirect_vreg.gather [hbm4b:s0+s16], $0x80, v32, vm0, $0xb8;
	[tilespmem:$0x1E180] =	vst v63  }
0xd8: {  	_ = 	snop  }
0xd9: {  	[tilespmem:s9], [sflag:$0x2] =	stream.indirect_vreg.gather [hbm4b:s7+s16], $0x80, v32, vm0, $0xb8;
	[tilespmem:$0x1E180] =	vst v63  }
0xda: {  	_ =	swait.ge [sflag:s10], $0x2000  }
0xdb: {  	[sflag:s10] =	ssyncset.done $0x0  }
0xdc: {  	[sflag:s10] =	ssyncadd.s32 $0xFFFFE000  }
0xdd: {  	_ =	swait.ge [sflag:s10], $0x2000  }
0xde: {  	[sflag:s10] =	ssyncset.done $0x0  }
0xdf: {  	[sflag:s10] =	ssyncadd.s32 $0xFFFFE000  }
0xe0: {  	_ =	swait.ge [sflag:s10], $0x2000  }
0xe1: {  	[sflag:s10] =	ssyncset.done $0x0  }
0xe2: {  	[sflag:s10] =	ssyncadd.s32 $0xFFFFE000  }
0xe3: {  	_ =	swait.ge [sflag:s10], $0x2000  }
0xe4: {  	[sflag:s10] =	ssyncset.done $0x0  }
0xe5: {  	[sflag:s10] =	ssyncadd.s32 $0xFFFFE000  }
0xe6: {  	_ =	swait.ge [sflag:s10], $0x2000  }
0xe7: {  	[sflag:s10] =	ssyncset.done $0x0  }
0xe8: {  	[sflag:s10] =	ssyncadd.s32 $0xFFFFE000  }
0xe9: {  	_ =	swait.ge [sflag:s10], $0x2000  }
0xea: {  	p0 =	por $0x0, $0x0;
	s17 =	simm.s32 $0x0;
	[sflag:s10] =	ssyncset.done $0x0  }
0xeb: {  	s18 =	simm.s32 $0x0;
	s19 =	simm.s32 $0x0;
	[sflag:s10] =	ssyncadd.s32 $0xFFFFE000  }
.LBB2_4:
0xec: {  	v32 =	vmov s19;
	s20 =	sadd.s32 $0x40, s19  }
0xed: {  	s21 =	sand.u32 $0xF000, s17;
	s22 =	sand.u32 $0x200, s16;
	v33 =	vmov s20  }
0xee: {  	s24 =	sadd.s32 $0x80, s19;
	s21 =	sor.u32 s22, s21  }
0xef: {  	v34 =	vmov s24;
	v36 =	vld [tilespmem:s21+$0x180]  }
0xf0: {  	s25 =	sadd.s32 $0xC0, s19;
	v37 =	vld [tilespmem:s21+$0x200]  }
0xf1: {  	v35 =	vmov s25;
	v32 =	vld.idx.msk [tilespmem:v32+s11+$0x0], $0xffff  }
0xf2: {  	v33 =	vld.idx.msk [tilespmem:v33+s11+$0x0], $0xffff  }
0xf3: {  	v38 =	vld [tilespmem:s21+$0x280]  }
0xf4: {  	v34 =	vld.idx.msk [tilespmem:v34+s11+$0x0], $0xffff  }
0xf5: {  	v39 =	vld [tilespmem:s21+$0x300]  }
0xf6: {  	v35 =	vld.idx.msk [tilespmem:v35+s11+$0x0], $0xffff  }
0xf7: {  	v36 =	vmul.f32 v36, v32;
	v37 =	vmul.f32 v37, v33;
	_ =	sdelay $0x1  }
0xf8: {  	v41 =	vmul.f32 v38, v34;
	v36 =	vadd.f32 v37, v36;
	_ =	sdelay $0x1  }
0xf9: {  	v42 =	vmul.f32 v39, v35;
	v36 =	vadd.f32 v41, v36;
	_ =	sdelay $0x1  }
0xfa: {  	s23 =	sand.u32 $0x3000, s16;
	s24 =	sand.u32 $0x380, s18;
	v36 =	vadd.f32 v42, v36  }
0xfb: {  	s20 =	sor.u32 s24, s23  }
0xfc: {  	[tilespmem:s20+$0x1A180] =	vst v36  }
0xfd: {  	v36 =	vld [tilespmem:s21+$0x190]  }
0xfe: {  	v43 =	vld [tilespmem:s21+$0x210];
	_ =	sdelay $0x1  }
0xff: {  	v44 =	vld [tilespmem:s21+$0x290];
	_ =	sdelay $0x1  }
0x100: {  	v45 =	vld [tilespmem:s21+$0x310]  }
0x101: {  	v36 =	vmul.f32 v36, v32;
	v37 =	vmul.f32 v43, v33;
	_ =	sdelay $0x1  }
0x102: {  	v46 =	vmul.f32 v44, v34;
	v36 =	vadd.f32 v37, v36;
	_ =	sdelay $0x1  }
0x103: {  	v47 =	vmul.f32 v45, v35;
	v36 =	vadd.f32 v46, v36;
	_ =	sdelay $0x1  }
0x104: {  	v36 =	vadd.f32 v47, v36  }
0x105: {  	s20 =	sadd.s32 $0x1A180, s20  }
0x106: {  	[tilespmem:s20+$0x10] =	vst v36  }
0x107: {  	v36 =	vld [tilespmem:s21+$0x1A0]  }
0x108: {  	v48 =	vld [tilespmem:s21+$0x220];
	_ =	sdelay $0x1  }
0x109: {  	v49 =	vld [tilespmem:s21+$0x2A0];
	_ =	sdelay $0x1  }
0x10a: {  	v50 =	vld [tilespmem:s21+$0x320]  }
0x10b: {  	v36 =	vmul.f32 v36, v32;
	v37 =	vmul.f32 v48, v33;
	_ =	sdelay $0x1  }
0x10c: {  	v51 =	vmul.f32 v49, v34;
	v36 =	vadd.f32 v37, v36;
	_ =	sdelay $0x1  }
0x10d: {  	v52 =	vmul.f32 v50, v35;
	v36 =	vadd.f32 v51, v36;
	_ =	sdelay $0x1  }
0x10e: {  	v36 =	vadd.f32 v52, v36;
	_ =	sdelay $0x1  }
0x10f: {  	[tilespmem:s20+$0x20] =	vst v36  }
0x110: {  	v36 =	vld [tilespmem:s21+$0x1B0]  }
0x111: {  	v53 =	vld [tilespmem:s21+$0x230];
	_ =	sdelay $0x1  }
0x112: {  	v54 =	vld [tilespmem:s21+$0x2B0];
	_ =	sdelay $0x1  }
0x113: {  	v55 =	vld [tilespmem:s21+$0x330]  }
0x114: {  	v36 =	vmul.f32 v36, v32;
	v37 =	vmul.f32 v53, v33;
	_ =	sdelay $0x1  }
0x115: {  	v56 =	vmul.f32 v54, v34;
	v36 =	vadd.f32 v37, v36;
	_ =	sdelay $0x1  }
0x116: {  	v57 =	vmul.f32 v55, v35;
	v36 =	vadd.f32 v56, v36;
	_ =	sdelay $0x1  }
0x117: {  	v36 =	vadd.f32 v57, v36;
	_ =	sdelay $0x1  }
0x118: {  	[tilespmem:s20+$0x30] =	vst v36  }
0x119: {  	v36 =	vld [tilespmem:s21+$0x1C0]  }
0x11a: {  	v58 =	vld [tilespmem:s21+$0x240];
	_ =	sdelay $0x1  }
0x11b: {  	v59 =	vld [tilespmem:s21+$0x2C0];
	_ =	sdelay $0x1  }
0x11c: {  	v60 =	vld [tilespmem:s21+$0x340]  }
0x11d: {  	v36 =	vmul.f32 v36, v32;
	v37 =	vmul.f32 v58, v33;
	_ =	sdelay $0x1  }
0x11e: {  	v61 =	vmul.f32 v59, v34;
	v36 =	vadd.f32 v37, v36;
	_ =	sdelay $0x1  }
0x11f: {  	v62 =	vmul.f32 v60, v35;
	v36 =	vadd.f32 v61, v36;
	_ =	sdelay $0x1  }
0x120: {  	v36 =	vadd.f32 v62, v36;
	_ =	sdelay $0x1  }
0x121: {  	[tilespmem:s20+$0x40] =	vst v36  }
0x122: {  	v36 =	vld [tilespmem:s21+$0x1D0]  }
0x123: {  	v63 =	vld [tilespmem:s21+$0x250];
	_ =	sdelay $0x1  }
0x124: {  	v42 =	vld [tilespmem:s21+$0x2D0];
	_ =	sdelay $0x1  }
0x125: {  	v43 =	vld [tilespmem:s21+$0x350]  }
0x126: {  	v36 =	vmul.f32 v36, v32;
	v37 =	vmul.f32 v63, v33;
	_ =	sdelay $0x1  }
0x127: {  	v44 =	vmul.f32 v42, v34;
	v36 =	vadd.f32 v37, v36;
	_ =	sdelay $0x1  }
0x128: {  	v45 =	vmul.f32 v43, v35;
	v36 =	vadd.f32 v44, v36;
	_ =	sdelay $0x1  }
0x129: {  	v36 =	vadd.f32 v45, v36;
	_ =	sdelay $0x1  }
0x12a: {  	[tilespmem:s20+$0x50] =	vst v36  }
0x12b: {  	v36 =	vld [tilespmem:s21+$0x1E0]  }
0x12c: {  	v46 =	vld [tilespmem:s21+$0x260];
	_ =	sdelay $0x1  }
0x12d: {  	v47 =	vld [tilespmem:s21+$0x2E0];
	_ =	sdelay $0x1  }
0x12e: {  	v48 =	vld [tilespmem:s21+$0x360]  }
0x12f: {  	v36 =	vmul.f32 v36, v32;
	v37 =	vmul.f32 v46, v33;
	_ =	sdelay $0x1  }
0x130: {  	v49 =	vmul.f32 v47, v34;
	v36 =	vadd.f32 v37, v36;
	_ =	sdelay $0x1  }
0x131: {  	v50 =	vmul.f32 v48, v35;
	v36 =	vadd.f32 v49, v36;
	_ =	sdelay $0x1  }
0x132: {  	v36 =	vadd.f32 v50, v36;
	_ =	sdelay $0x1  }
0x133: {  	[tilespmem:s20+$0x60] =	vst v36  }
0x134: {  	v36 =	vld [tilespmem:s21+$0x1F0]  }
0x135: {  	v51 =	vld [tilespmem:s21+$0x270];
	_ =	sdelay $0x1  }
0x136: {  	v52 =	vld [tilespmem:s21+$0x2F0];
	_ =	sdelay $0x1  }
0x137: {  	v53 =	vld [tilespmem:s21+$0x370]  }
0x138: {  	v36 =	vmul.f32 v36, v32;
	v37 =	vmul.f32 v51, v33;
	_ =	sdelay $0x1  }
0x139: {  	v54 =	vmul.f32 v52, v34;
	v36 =	vadd.f32 v37, v36;
	_ =	sdelay $0x1  }
0x13a: {  	v55 =	vmul.f32 v53, v35;
	v36 =	vadd.f32 v54, v36;
	_ =	sdelay $0x1  }
0x13b: {  	v36 =	vadd.f32 v55, v36;
	_ =	sdelay $0x1  }
0x13c: {  	[tilespmem:s20+$0x70] =	vst v36  }
0x13d: {  	v36 =	vld [tilespmem:s21+$0x580]  }
0x13e: {  	v56 =	vld [tilespmem:s21+$0x600];
	_ =	sdelay $0x1  }
0x13f: {  	v57 =	vld [tilespmem:s21+$0x680];
	_ =	sdelay $0x1  }
0x140: {  	v58 =	vld [tilespmem:s21+$0x700]  }
0x141: {  	v36 =	vmul.f32 v36, v32;
	v37 =	vmul.f32 v56, v33;
	_ =	sdelay $0x1  }
0x142: {  	v59 =	vmul.f32 v57, v34;
	v36 =	vadd.f32 v37, v36;
	_ =	sdelay $0x1  }
0x143: {  	v60 =	vmul.f32 v58, v35;
	v36 =	vadd.f32 v59, v36;
	_ =	sdelay $0x1  }
0x144: {  	v36 =	vadd.f32 v60, v36;
	_ =	sdelay $0x1  }
0x145: {  	[tilespmem:s20+$0x400] =	vst v36  }
0x146: {  	v36 =	vld [tilespmem:s21+$0x590]  }
0x147: {  	v61 =	vld [tilespmem:s21+$0x610];
	_ =	sdelay $0x1  }
0x148: {  	v62 =	vld [tilespmem:s21+$0x690];
	_ =	sdelay $0x1  }
0x149: {  	v63 =	vld [tilespmem:s21+$0x710]  }
0x14a: {  	v36 =	vmul.f32 v36, v32;
	v37 =	vmul.f32 v61, v33;
	_ =	sdelay $0x1  }
0x14b: {  	v41 =	vmul.f32 v62, v34;
	v36 =	vadd.f32 v37, v36;
	_ =	sdelay $0x1  }
0x14c: {  	v42 =	vmul.f32 v63, v35;
	v36 =	vadd.f32 v41, v36;
	_ =	sdelay $0x1  }
0x14d: {  	v36 =	vadd.f32 v42, v36;
	_ =	sdelay $0x1  }
0x14e: {  	[tilespmem:s20+$0x410] =	vst v36  }
0x14f: {  	v36 =	vld [tilespmem:s21+$0x5A0]  }
0x150: {  	v43 =	vld [tilespmem:s21+$0x620];
	_ =	sdelay $0x1  }
0x151: {  	v44 =	vld [tilespmem:s21+$0x6A0];
	_ =	sdelay $0x1  }
0x152: {  	v45 =	vld [tilespmem:s21+$0x720]  }
0x153: {  	v36 =	vmul.f32 v36, v32;
	v37 =	vmul.f32 v43, v33;
	_ =	sdelay $0x1  }
0x154: {  	v46 =	vmul.f32 v44, v34;
	v36 =	vadd.f32 v37, v36;
	_ =	sdelay $0x1  }
0x155: {  	v47 =	vmul.f32 v45, v35;
	v36 =	vadd.f32 v46, v36;
	_ =	sdelay $0x1  }
0x156: {  	v36 =	vadd.f32 v47, v36;
	_ =	sdelay $0x1  }
0x157: {  	[tilespmem:s20+$0x420] =	vst v36  }
0x158: {  	v36 =	vld [tilespmem:s21+$0x5B0]  }
0x159: {  	v48 =	vld [tilespmem:s21+$0x630];
	_ =	sdelay $0x1  }
0x15a: {  	v49 =	vld [tilespmem:s21+$0x6B0];
	_ =	sdelay $0x1  }
0x15b: {  	v50 =	vld [tilespmem:s21+$0x730]  }
0x15c: {  	v36 =	vmul.f32 v36, v32;
	v37 =	vmul.f32 v48, v33;
	_ =	sdelay $0x1  }
0x15d: {  	v51 =	vmul.f32 v49, v34;
	v36 =	vadd.f32 v37, v36;
	_ =	sdelay $0x1  }
0x15e: {  	v52 =	vmul.f32 v50, v35;
	v36 =	vadd.f32 v51, v36;
	_ =	sdelay $0x1  }
0x15f: {  	v36 =	vadd.f32 v52, v36;
	_ =	sdelay $0x1  }
0x160: {  	[tilespmem:s20+$0x430] =	vst v36  }
0x161: {  	v36 =	vld [tilespmem:s21+$0x5C0]  }
0x162: {  	v53 =	vld [tilespmem:s21+$0x640];
	_ =	sdelay $0x1  }
0x163: {  	v54 =	vld [tilespmem:s21+$0x6C0];
	_ =	sdelay $0x1  }
0x164: {  	v55 =	vld [tilespmem:s21+$0x740]  }
0x165: {  	v36 =	vmul.f32 v36, v32;
	v37 =	vmul.f32 v53, v33;
	_ =	sdelay $0x1  }
0x166: {  	v56 =	vmul.f32 v54, v34;
	v36 =	vadd.f32 v37, v36;
	_ =	sdelay $0x1  }
0x167: {  	v57 =	vmul.f32 v55, v35;
	v36 =	vadd.f32 v56, v36;
	_ =	sdelay $0x1  }
0x168: {  	v36 =	vadd.f32 v57, v36;
	_ =	sdelay $0x1  }
0x169: {  	[tilespmem:s20+$0x440] =	vst v36  }
0x16a: {  	v36 =	vld [tilespmem:s21+$0x5D0]  }
0x16b: {  	v58 =	vld [tilespmem:s21+$0x650];
	_ =	sdelay $0x1  }
0x16c: {  	v59 =	vld [tilespmem:s21+$0x6D0];
	_ =	sdelay $0x1  }
0x16d: {  	v60 =	vld [tilespmem:s21+$0x750]  }
0x16e: {  	v36 =	vmul.f32 v36, v32;
	v37 =	vmul.f32 v58, v33;
	_ =	sdelay $0x1  }
0x16f: {  	v61 =	vmul.f32 v59, v34;
	v36 =	vadd.f32 v37, v36;
	_ =	sdelay $0x1  }
0x170: {  	v62 =	vmul.f32 v60, v35;
	v36 =	vadd.f32 v61, v36;
	_ =	sdelay $0x1  }
0x171: {  	v36 =	vadd.f32 v62, v36;
	_ =	sdelay $0x1  }
0x172: {  	[tilespmem:s20+$0x450] =	vst v36  }
0x173: {  	v36 =	vld [tilespmem:s21+$0x5E0]  }
0x174: {  	v63 =	vld [tilespmem:s21+$0x660];
	_ =	sdelay $0x1  }
0x175: {  	v42 =	vld [tilespmem:s21+$0x6E0];
	_ =	sdelay $0x1  }
0x176: {  	v43 =	vld [tilespmem:s21+$0x760]  }
0x177: {  	v36 =	vmul.f32 v36, v32;
	v37 =	vmul.f32 v63, v33;
	_ =	sdelay $0x1  }
0x178: {  	v44 =	vmul.f32 v42, v34;
	v36 =	vadd.f32 v37, v36;
	_ =	sdelay $0x1  }
0x179: {  	v45 =	vmul.f32 v43, v35;
	v36 =	vadd.f32 v44, v36;
	_ =	sdelay $0x1  }
0x17a: {  	v36 =	vadd.f32 v45, v36;
	_ =	sdelay $0x1  }
0x17b: {  	[tilespmem:s20+$0x460] =	vst v36  }
0x17c: {  	v36 =	vld [tilespmem:s21+$0x5F0]  }
0x17d: {  	v46 =	vld [tilespmem:s21+$0x670];
	_ =	sdelay $0x1  }
0x17e: {  	v47 =	vld [tilespmem:s21+$0x6F0];
	_ =	sdelay $0x1  }
0x17f: {  	v48 =	vld [tilespmem:s21+$0x770]  }
0x180: {  	v36 =	vmul.f32 v36, v32;
	v37 =	vmul.f32 v46, v33;
	_ =	sdelay $0x1  }
0x181: {  	v49 =	vmul.f32 v47, v34;
	v36 =	vadd.f32 v37, v36;
	_ =	sdelay $0x1  }
0x182: {  	s21 =	simm.s32 $0x1;
	v50 =	vmul.f32 v48, v35;
	v36 =	vadd.f32 v49, v36  }
0x183: {  	s21 =	simm.s32 @!p0 $0x0  }
0x184: {  	s21 =	sshll.u32 s21, $0x9;
	v36 =	vadd.f32 v50, v36  }
0x185: {  	s21 =	sadd.s32 s21, s17  }
0x186: {  	s23 =	sor.u32 $0x800, s21;
	s22 =	sadd.s32 $0x80, s21;
	[tilespmem:s20+$0x470] =	vst v36  }
0x187: {  	s25 =	sor.u32 $0x800, s22;
	v36 =	vld [tilespmem:s23+$0x180]  }
0x188: {  	v51 =	vld [tilespmem:s25+$0x180];
	s23 =	sadd.s32 $0x100, s21  }
0x189: {  	s24 =	sor.u32 $0x800, s23  }
0x18a: {  	v52 =	vld [tilespmem:s24+$0x180];
	s24 =	sadd.s32 $0x180, s21  }
0x18b: {  	s25 =	sor.u32 $0x800, s24  }
0x18c: {  	v53 =	vld [tilespmem:s25+$0x180]  }
0x18d: {  	v36 =	vmul.f32 v36, v32;
	v37 =	vmul.f32 v51, v33;
	_ =	sdelay $0x1  }
0x18e: {  	v36 =	vadd.f32 v37, v36;
	v54 =	vmul.f32 v52, v34;
	_ =	sdelay $0x1  }
0x18f: {  	v36 =	vadd.f32 v54, v36;
	v55 =	vmul.f32 v53, v35;
	_ =	sdelay $0x1  }
0x190: {  	v36 =	vadd.f32 v55, v36;
	_ =	sdelay $0x1  }
0x191: {  	s25 =	sor.u32 $0x810, s21;
	[tilespmem:s20+$0x800] =	vst v36  }
0x192: {  	v36 =	vld [tilespmem:s25+$0x180];
	s25 =	sor.u32 $0x810, s22  }
0x193: {  	v56 =	vld [tilespmem:s25+$0x180]  }
0x194: {  	s25 =	sor.u32 $0x810, s23  }
0x195: {  	v57 =	vld [tilespmem:s25+$0x180]  }
0x196: {  	s25 =	sor.u32 $0x810, s24  }
0x197: {  	v58 =	vld [tilespmem:s25+$0x180]  }
0x198: {  	v36 =	vmul.f32 v36, v32;
	v37 =	vmul.f32 v56, v33;
	_ =	sdelay $0x1  }
0x199: {  	v59 =	vmul.f32 v57, v34;
	v36 =	vadd.f32 v37, v36;
	_ =	sdelay $0x1  }
0x19a: {  	v60 =	vmul.f32 v58, v35;
	v36 =	vadd.f32 v59, v36;
	_ =	sdelay $0x1  }
0x19b: {  	v36 =	vadd.f32 v60, v36;
	_ =	sdelay $0x1  }
0x19c: {  	s25 =	sor.u32 $0x820, s21;
	[tilespmem:s20+$0x810] =	vst v36  }
0x19d: {  	v36 =	vld [tilespmem:s25+$0x180];
	s25 =	sor.u32 $0x820, s22  }
0x19e: {  	v61 =	vld [tilespmem:s25+$0x180]  }
0x19f: {  	s25 =	sor.u32 $0x820, s23  }
0x1a0: {  	v62 =	vld [tilespmem:s25+$0x180]  }
0x1a1: {  	s25 =	sor.u32 $0x820, s24  }
0x1a2: {  	v63 =	vld [tilespmem:s25+$0x180]  }
0x1a3: {  	v36 =	vmul.f32 v36, v32;
	v37 =	vmul.f32 v61, v33;
	_ =	sdelay $0x1  }
0x1a4: {  	v41 =	vmul.f32 v62, v34;
	v36 =	vadd.f32 v37, v36;
	_ =	sdelay $0x1  }
0x1a5: {  	v42 =	vmul.f32 v63, v35;
	v36 =	vadd.f32 v41, v36;
	_ =	sdelay $0x1  }
0x1a6: {  	v36 =	vadd.f32 v42, v36;
	_ =	sdelay $0x1  }
0x1a7: {  	s25 =	sor.u32 $0x830, s21;
	[tilespmem:s20+$0x820] =	vst v36  }
0x1a8: {  	v36 =	vld [tilespmem:s25+$0x180];
	s25 =	sor.u32 $0x830, s22  }
0x1a9: {  	v43 =	vld [tilespmem:s25+$0x180]  }
0x1aa: {  	s25 =	sor.u32 $0x830, s23  }
0x1ab: {  	v44 =	vld [tilespmem:s25+$0x180]  }
0x1ac: {  	s25 =	sor.u32 $0x830, s24  }
0x1ad: {  	v45 =	vld [tilespmem:s25+$0x180]  }
0x1ae: {  	v36 =	vmul.f32 v36, v32;
	v37 =	vmul.f32 v43, v33;
	_ =	sdelay $0x1  }
0x1af: {  	v46 =	vmul.f32 v44, v34;
	v36 =	vadd.f32 v37, v36;
	_ =	sdelay $0x1  }
0x1b0: {  	v47 =	vmul.f32 v45, v35;
	v36 =	vadd.f32 v46, v36;
	_ =	sdelay $0x1  }
0x1b1: {  	v36 =	vadd.f32 v47, v36;
	_ =	sdelay $0x1  }
0x1b2: {  	s25 =	sor.u32 $0x840, s21;
	[tilespmem:s20+$0x830] =	vst v36  }
0x1b3: {  	v36 =	vld [tilespmem:s25+$0x180];
	s25 =	sor.u32 $0x840, s22  }
0x1b4: {  	v48 =	vld [tilespmem:s25+$0x180]  }
0x1b5: {  	s25 =	sor.u32 $0x840, s23  }
0x1b6: {  	v49 =	vld [tilespmem:s25+$0x180]  }
0x1b7: {  	s25 =	sor.u32 $0x840, s24  }
0x1b8: {  	v50 =	vld [tilespmem:s25+$0x180]  }
0x1b9: {  	v36 =	vmul.f32 v36, v32;
	v37 =	vmul.f32 v48, v33;
	_ =	sdelay $0x1  }
0x1ba: {  	v51 =	vmul.f32 v49, v34;
	v36 =	vadd.f32 v37, v36;
	_ =	sdelay $0x1  }
0x1bb: {  	v52 =	vmul.f32 v50, v35;
	v36 =	vadd.f32 v51, v36;
	_ =	sdelay $0x1  }
0x1bc: {  	v36 =	vadd.f32 v52, v36;
	_ =	sdelay $0x1  }
0x1bd: {  	s25 =	sor.u32 $0x850, s21;
	[tilespmem:s20+$0x840] =	vst v36  }
0x1be: {  	v36 =	vld [tilespmem:s25+$0x180];
	s25 =	sor.u32 $0x850, s22  }
0x1bf: {  	v53 =	vld [tilespmem:s25+$0x180]  }
0x1c0: {  	s25 =	sor.u32 $0x850, s23  }
0x1c1: {  	v54 =	vld [tilespmem:s25+$0x180]  }
0x1c2: {  	s25 =	sor.u32 $0x850, s24  }
0x1c3: {  	v55 =	vld [tilespmem:s25+$0x180]  }
0x1c4: {  	v36 =	vmul.f32 v36, v32;
	v37 =	vmul.f32 v53, v33;
	_ =	sdelay $0x1  }
0x1c5: {  	v56 =	vmul.f32 v54, v34;
	v36 =	vadd.f32 v37, v36;
	_ =	sdelay $0x1  }
0x1c6: {  	v57 =	vmul.f32 v55, v35;
	v36 =	vadd.f32 v56, v36;
	_ =	sdelay $0x1  }
0x1c7: {  	v36 =	vadd.f32 v57, v36;
	_ =	sdelay $0x1  }
0x1c8: {  	s25 =	sor.u32 $0x860, s21;
	[tilespmem:s20+$0x850] =	vst v36  }
0x1c9: {  	v36 =	vld [tilespmem:s25+$0x180];
	s25 =	sor.u32 $0x860, s22  }
0x1ca: {  	v58 =	vld [tilespmem:s25+$0x180]  }
0x1cb: {  	s25 =	sor.u32 $0x860, s23  }
0x1cc: {  	v59 =	vld [tilespmem:s25+$0x180]  }
0x1cd: {  	s25 =	sor.u32 $0x860, s24  }
0x1ce: {  	v60 =	vld [tilespmem:s25+$0x180]  }
0x1cf: {  	v36 =	vmul.f32 v36, v32;
	v37 =	vmul.f32 v58, v33;
	_ =	sdelay $0x1  }
0x1d0: {  	v61 =	vmul.f32 v59, v34;
	v36 =	vadd.f32 v37, v36;
	_ =	sdelay $0x1  }
0x1d1: {  	v62 =	vmul.f32 v60, v35;
	v36 =	vadd.f32 v61, v36;
	_ =	sdelay $0x1  }
0x1d2: {  	v36 =	vadd.f32 v62, v36;
	_ =	sdelay $0x1  }
0x1d3: {  	s25 =	sor.u32 $0x870, s21;
	[tilespmem:s20+$0x860] =	vst v36  }
0x1d4: {  	v36 =	vld [tilespmem:s25+$0x180];
	s25 =	sor.u32 $0x870, s22  }
0x1d5: {  	v63 =	vld [tilespmem:s25+$0x180]  }
0x1d6: {  	s25 =	sor.u32 $0x870, s23  }
0x1d7: {  	v42 =	vld [tilespmem:s25+$0x180]  }
0x1d8: {  	s25 =	sor.u32 $0x870, s24  }
0x1d9: {  	v43 =	vld [tilespmem:s25+$0x180]  }
0x1da: {  	v36 =	vmul.f32 v36, v32;
	v37 =	vmul.f32 v63, v33;
	_ =	sdelay $0x1  }
0x1db: {  	v44 =	vmul.f32 v42, v34;
	v36 =	vadd.f32 v37, v36;
	_ =	sdelay $0x1  }
0x1dc: {  	v45 =	vmul.f32 v43, v35;
	v36 =	vadd.f32 v44, v36;
	_ =	sdelay $0x1  }
0x1dd: {  	v36 =	vadd.f32 v45, v36;
	_ =	sdelay $0x1  }
0x1de: {  	s25 =	sor.u32 $0xC00, s21;
	[tilespmem:s20+$0x870] =	vst v36  }
0x1df: {  	v36 =	vld [tilespmem:s25+$0x180];
	s25 =	sor.u32 $0xC00, s22  }
0x1e0: {  	v46 =	vld [tilespmem:s25+$0x180]  }
0x1e1: {  	s25 =	sor.u32 $0xC00, s23  }
0x1e2: {  	v47 =	vld [tilespmem:s25+$0x180]  }
0x1e3: {  	s25 =	sor.u32 $0xC00, s24  }
0x1e4: {  	v48 =	vld [tilespmem:s25+$0x180]  }
0x1e5: {  	v36 =	vmul.f32 v36, v32;
	v37 =	vmul.f32 v46, v33;
	_ =	sdelay $0x1  }
0x1e6: {  	v49 =	vmul.f32 v47, v34;
	v36 =	vadd.f32 v37, v36;
	_ =	sdelay $0x1  }
0x1e7: {  	v50 =	vmul.f32 v48, v35;
	v36 =	vadd.f32 v49, v36;
	_ =	sdelay $0x1  }
0x1e8: {  	v36 =	vadd.f32 v50, v36;
	_ =	sdelay $0x1  }
0x1e9: {  	s25 =	sor.u32 $0xC10, s21;
	[tilespmem:s20+$0xC00] =	vst v36  }
0x1ea: {  	v36 =	vld [tilespmem:s25+$0x180];
	s25 =	sor.u32 $0xC10, s22  }
0x1eb: {  	v51 =	vld [tilespmem:s25+$0x180]  }
0x1ec: {  	s25 =	sor.u32 $0xC10, s23  }
0x1ed: {  	v52 =	vld [tilespmem:s25+$0x180]  }
0x1ee: {  	s25 =	sor.u32 $0xC10, s24  }
0x1ef: {  	v53 =	vld [tilespmem:s25+$0x180]  }
0x1f0: {  	v36 =	vmul.f32 v36, v32;
	v37 =	vmul.f32 v51, v33;
	_ =	sdelay $0x1  }
0x1f1: {  	v54 =	vmul.f32 v52, v34;
	v36 =	vadd.f32 v37, v36;
	_ =	sdelay $0x1  }
0x1f2: {  	v55 =	vmul.f32 v53, v35;
	v36 =	vadd.f32 v54, v36;
	_ =	sdelay $0x1  }
0x1f3: {  	v36 =	vadd.f32 v55, v36;
	_ =	sdelay $0x1  }
0x1f4: {  	s25 =	sor.u32 $0xC20, s21;
	[tilespmem:s20+$0xC10] =	vst v36  }
0x1f5: {  	v36 =	vld [tilespmem:s25+$0x180];
	s25 =	sor.u32 $0xC20, s22  }
0x1f6: {  	v56 =	vld [tilespmem:s25+$0x180]  }
0x1f7: {  	s25 =	sor.u32 $0xC20, s23  }
0x1f8: {  	v57 =	vld [tilespmem:s25+$0x180]  }
0x1f9: {  	s25 =	sor.u32 $0xC20, s24  }
0x1fa: {  	v58 =	vld [tilespmem:s25+$0x180]  }
0x1fb: {  	v36 =	vmul.f32 v36, v32;
	v37 =	vmul.f32 v56, v33;
	_ =	sdelay $0x1  }
0x1fc: {  	v59 =	vmul.f32 v57, v34;
	v36 =	vadd.f32 v37, v36;
	_ =	sdelay $0x1  }
0x1fd: {  	v60 =	vmul.f32 v58, v35;
	v36 =	vadd.f32 v59, v36;
	_ =	sdelay $0x1  }
0x1fe: {  	v36 =	vadd.f32 v60, v36;
	_ =	sdelay $0x1  }
0x1ff: {  	s25 =	sor.u32 $0xC30, s21;
	[tilespmem:s20+$0xC20] =	vst v36  }
0x200: {  	v36 =	vld [tilespmem:s25+$0x180];
	s25 =	sor.u32 $0xC30, s22  }
0x201: {  	v61 =	vld [tilespmem:s25+$0x180]  }
0x202: {  	s25 =	sor.u32 $0xC30, s23  }
0x203: {  	v62 =	vld [tilespmem:s25+$0x180]  }
0x204: {  	s25 =	sor.u32 $0xC30, s24  }
0x205: {  	v63 =	vld [tilespmem:s25+$0x180]  }
0x206: {  	v36 =	vmul.f32 v36, v32;
	v37 =	vmul.f32 v61, v33;
	_ =	sdelay $0x1  }
0x207: {  	v42 =	vmul.f32 v62, v34;
	v36 =	vadd.f32 v37, v36;
	_ =	sdelay $0x1  }
0x208: {  	v43 =	vmul.f32 v63, v35;
	v36 =	vadd.f32 v42, v36;
	_ =	sdelay $0x1  }
0x209: {  	v36 =	vadd.f32 v43, v36;
	_ =	sdelay $0x1  }
0x20a: {  	s25 =	sor.u32 $0xC40, s21;
	[tilespmem:s20+$0xC30] =	vst v36  }
0x20b: {  	v36 =	vld [tilespmem:s25+$0x180];
	s25 =	sor.u32 $0xC40, s22  }
0x20c: {  	v44 =	vld [tilespmem:s25+$0x180]  }
0x20d: {  	s25 =	sor.u32 $0xC40, s23  }
0x20e: {  	v45 =	vld [tilespmem:s25+$0x180]  }
0x20f: {  	s25 =	sor.u32 $0xC40, s24  }
0x210: {  	v46 =	vld [tilespmem:s25+$0x180]  }
0x211: {  	v36 =	vmul.f32 v36, v32;
	v37 =	vmul.f32 v44, v33;
	_ =	sdelay $0x1  }
0x212: {  	v47 =	vmul.f32 v45, v34;
	v36 =	vadd.f32 v37, v36;
	_ =	sdelay $0x1  }
0x213: {  	v48 =	vmul.f32 v46, v35;
	v36 =	vadd.f32 v47, v36;
	_ =	sdelay $0x1  }
0x214: {  	v36 =	vadd.f32 v48, v36;
	_ =	sdelay $0x1  }
0x215: {  	s25 =	sor.u32 $0xC50, s21;
	[tilespmem:s20+$0xC40] =	vst v36  }
0x216: {  	v36 =	vld [tilespmem:s25+$0x180];
	s25 =	sor.u32 $0xC50, s22  }
0x217: {  	v49 =	vld [tilespmem:s25+$0x180]  }
0x218: {  	s25 =	sor.u32 $0xC50, s23  }
0x219: {  	v50 =	vld [tilespmem:s25+$0x180]  }
0x21a: {  	s25 =	sor.u32 $0xC50, s24  }
0x21b: {  	v51 =	vld [tilespmem:s25+$0x180]  }
0x21c: {  	v36 =	vmul.f32 v36, v32;
	v37 =	vmul.f32 v49, v33;
	_ =	sdelay $0x1  }
0x21d: {  	v52 =	vmul.f32 v50, v34;
	v36 =	vadd.f32 v37, v36;
	_ =	sdelay $0x1  }
0x21e: {  	v53 =	vmul.f32 v51, v35;
	v36 =	vadd.f32 v52, v36;
	_ =	sdelay $0x1  }
0x21f: {  	v36 =	vadd.f32 v53, v36;
	_ =	sdelay $0x1  }
0x220: {  	s25 =	sor.u32 $0xC60, s21;
	[tilespmem:s20+$0xC50] =	vst v36  }
0x221: {  	v36 =	vld [tilespmem:s25+$0x180];
	s25 =	sor.u32 $0xC60, s22  }
0x222: {  	v54 =	vld [tilespmem:s25+$0x180]  }
0x223: {  	s25 =	sor.u32 $0xC60, s23  }
0x224: {  	v55 =	vld [tilespmem:s25+$0x180]  }
0x225: {  	s25 =	sor.u32 $0xC60, s24  }
0x226: {  	v56 =	vld [tilespmem:s25+$0x180]  }
0x227: {  	v36 =	vmul.f32 v36, v32;
	v37 =	vmul.f32 v54, v33;
	_ =	sdelay $0x1  }
0x228: {  	v57 =	vmul.f32 v55, v34;
	v36 =	vadd.f32 v37, v36;
	_ =	sdelay $0x1  }
0x229: {  	v58 =	vmul.f32 v56, v35;
	v36 =	vadd.f32 v57, v36;
	_ =	sdelay $0x1  }
0x22a: {  	v36 =	vadd.f32 v58, v36;
	_ =	sdelay $0x1  }
0x22b: {  	s21 =	sor.u32 $0xC70, s21;
	[tilespmem:s20+$0xC60] =	vst v36  }
0x22c: {  	s22 =	sor.u32 $0xC70, s22;
	v36 =	vld [tilespmem:s21+$0x180]  }
0x22d: {  	v59 =	vld [tilespmem:s22+$0x180]  }
0x22e: {  	s23 =	sor.u32 $0xC70, s23  }
0x22f: {  	v60 =	vld [tilespmem:s23+$0x180]  }
0x230: {  	s25 =	sor.u32 $0xC70, s24  }
0x231: {  	v61 =	vld [tilespmem:s25+$0x180]  }
0x232: {  	v32 =	vmul.f32 v36, v32;
	v33 =	vmul.f32 v59, v33;
	_ =	sdelay $0x1  }
0x233: {  	v62 =	vmul.f32 v60, v34;
	v32 =	vadd.f32 v33, v32  }
0x234: {  	p1 =	sne.s32 s19, $0x17  }
.Ltmp5:
0x235: {  	v63 =	vmul.f32 v61, v35;
	v32 =	vadd.f32 v62, v32;
	(pc) =	sbr.rel @p1 .LBB2_4-.Ltmp5, $4  }
0x236: {  	_ = 	snop  }
0x237: {  	v32 =	vadd.f32 v63, v32  }
0x238: {  	s16 =	sadd.s32 $0x200, s16;
	s19 =	sadd.s32 $0x1, s19  }
0x239: {  	s18 =	sadd.s32 $0x80, s18;
	p0 =	por !p0, !p0;
	s17 =	sadd.s32 $0x800, s17;
	[tilespmem:s20+$0xC70] =	vst v32  }
0x23a: {  	s15 =	smul.u32 $0x7000, s15;
	_ =	sdelay $0x1  }
0x23b: {  	s15 =	sshrl.u32 s15, $0x3  }
0x23c: {  	s16 =	simm.s32 $0x0;
	s15 =	sadd.s32 s4, s15  }
0x23d: {  	[hbm4b:s15+s16] =	stream.linear.scatter [tilespmem:s12], [sflag:$0x3], $0x3000, $0x38;
	[tilespmem:$0x1E180] =	vst v63  }
0x23e: {  	_ =	swait.ge [sflag:s13], $0x3000  }
0x23f: {  	[sflag:s13] =	ssyncset.done $0x0  }
0x240: {  	[sflag:s13] =	ssyncadd.s32 $0xFFFFD000  }
0x241: {  	_ =	swait.ge [sflag:s14], $0x2000  }
0x242: {  	[sflag:s14] =	ssyncset.done $0x0  }
0x243: {  	[sflag:s14] =	ssyncadd.s32 $0xFFFFE000  }
0x244: {  	_ =	swait.ge [sflag:s14], $0x2000  }
0x245: {  	[sflag:s14] =	ssyncset.done $0x0  }
0x246: {  	[sflag:s14] =	ssyncadd.s32 $0xFFFFE000  }
0x247: {  	_ =	swait.ge [sflag:s14], $0x2000  }
0x248: {  	[sflag:s14] =	ssyncset.done $0x0  }
0x249: {  	[sflag:s14] =	ssyncadd.s32 $0xFFFFE000  }
0x24a: {  	_ =	swait.ge [sflag:s14], $0x2000  }
0x24b: {  	[sflag:s14] =	ssyncset.done $0x0  }
0x24c: {  	[sflag:s14] =	ssyncadd.s32 $0xFFFFE000  }
0x24d: {  	_ =	swait.ge [sflag:s14], $0x2000  }
0x24e: {  	[sflag:s14] =	ssyncset.done $0x0  }
0x24f: {  	[sflag:s14] =	ssyncadd.s32 $0xFFFFE000  }
0x250: {  	_ =	swait.ge [sflag:s14], $0x2000  }
0x251: {  	[sflag:s14] =	ssyncset.done $0x0  }
0x252: {  	[sflag:s14] =	ssyncadd.s32 $0xFFFFE000  }
0x253: {  	_ =	swait.ge [sflag:s14], $0x2000  }
0x254: {  	s17 =	simm.s32 $0x18;
	s18 =	simm.s32 $0xC00;
	[sflag:s14] =	ssyncset.done $0x0  }
0x255: {  	s19 =	simm.s32 $0x3000;
	p0 =	por $0x0, $0x0;
	[sflag:s14] =	ssyncadd.s32 $0xFFFFE000  }
.LBB2_6:
0x256: {  	v32 =	vmov s17;
	s20 =	sadd.s32 $0x40, s17  }
0x257: {  	s21 =	sand.u32 $0xFFFFF000, s16;
	s22 =	sand.u32 $0x200, s19;
	v33 =	vmov s20  }
0x258: {  	s24 =	sadd.s32 $0x80, s17;
	s21 =	sor.u32 s22, s21  }
0x259: {  	v34 =	vmov s24;
	v36 =	vld [tilespmem:s21+$0xC180]  }
0x25a: {  	s25 =	sadd.s32 $0xC0, s17;
	v37 =	vld [tilespmem:s21+$0xC200]  }
0x25b: {  	v35 =	vmov s25;
	v32 =	vld.idx.msk [tilespmem:v32+s11+$0x0], $0xffff  }
0x25c: {  	v33 =	vld.idx.msk [tilespmem:v33+s11+$0x0], $0xffff  }
0x25d: {  	v38 =	vld [tilespmem:s21+$0xC280]  }
0x25e: {  	v34 =	vld.idx.msk [tilespmem:v34+s11+$0x0], $0xffff  }
0x25f: {  	v39 =	vld [tilespmem:s21+$0xC300]  }
0x260: {  	v35 =	vld.idx.msk [tilespmem:v35+s11+$0x0], $0xffff  }
0x261: {  	v36 =	vmul.f32 v36, v32;
	v37 =	vmul.f32 v37, v33;
	_ =	sdelay $0x1  }
0x262: {  	v41 =	vmul.f32 v38, v34;
	v36 =	vadd.f32 v37, v36;
	_ =	sdelay $0x1  }
0x263: {  	v42 =	vmul.f32 v39, v35;
	v36 =	vadd.f32 v41, v36  }
0x264: {  	s23 =	sadd.s32 $0xFFFFD000, s19  }
0x265: {  	s20 =	sand.u32 $0xFFFFF000, s23;
	s24 =	sand.u32 $0x380, s18;
	v36 =	vadd.f32 v42, v36  }
0x266: {  	s20 =	sor.u32 s24, s20  }
0x267: {  	[tilespmem:s20+$0x1A180] =	vst v36  }
0x268: {  	v36 =	vld [tilespmem:s21+$0xC190]  }
0x269: {  	v43 =	vld [tilespmem:s21+$0xC210];
	_ =	sdelay $0x1  }
0x26a: {  	v44 =	vld [tilespmem:s21+$0xC290];
	_ =	sdelay $0x1  }
0x26b: {  	v45 =	vld [tilespmem:s21+$0xC310]  }
0x26c: {  	v36 =	vmul.f32 v36, v32;
	v37 =	vmul.f32 v43, v33;
	_ =	sdelay $0x1  }
0x26d: {  	v46 =	vmul.f32 v44, v34;
	v36 =	vadd.f32 v37, v36;
	_ =	sdelay $0x1  }
0x26e: {  	v47 =	vmul.f32 v45, v35;
	v36 =	vadd.f32 v46, v36;
	_ =	sdelay $0x1  }
0x26f: {  	v36 =	vadd.f32 v47, v36  }
0x270: {  	s20 =	sadd.s32 $0x1A180, s20  }
0x271: {  	[tilespmem:s20+$0x10] =	vst v36  }
0x272: {  	v36 =	vld [tilespmem:s21+$0xC1A0]  }
0x273: {  	v48 =	vld [tilespmem:s21+$0xC220];
	_ =	sdelay $0x1  }
0x274: {  	v49 =	vld [tilespmem:s21+$0xC2A0];
	_ =	sdelay $0x1  }
0x275: {  	v50 =	vld [tilespmem:s21+$0xC320]  }
0x276: {  	v36 =	vmul.f32 v36, v32;
	v37 =	vmul.f32 v48, v33;
	_ =	sdelay $0x1  }
0x277: {  	v51 =	vmul.f32 v49, v34;
	v36 =	vadd.f32 v37, v36;
	_ =	sdelay $0x1  }
0x278: {  	v52 =	vmul.f32 v50, v35;
	v36 =	vadd.f32 v51, v36;
	_ =	sdelay $0x1  }
0x279: {  	v36 =	vadd.f32 v52, v36;
	_ =	sdelay $0x1  }
0x27a: {  	[tilespmem:s20+$0x20] =	vst v36  }
0x27b: {  	v36 =	vld [tilespmem:s21+$0xC1B0]  }
0x27c: {  	v53 =	vld [tilespmem:s21+$0xC230];
	_ =	sdelay $0x1  }
0x27d: {  	v54 =	vld [tilespmem:s21+$0xC2B0];
	_ =	sdelay $0x1  }
0x27e: {  	v55 =	vld [tilespmem:s21+$0xC330]  }
0x27f: {  	v36 =	vmul.f32 v36, v32;
	v37 =	vmul.f32 v53, v33;
	_ =	sdelay $0x1  }
0x280: {  	v56 =	vmul.f32 v54, v34;
	v36 =	vadd.f32 v37, v36;
	_ =	sdelay $0x1  }
0x281: {  	v57 =	vmul.f32 v55, v35;
	v36 =	vadd.f32 v56, v36;
	_ =	sdelay $0x1  }
0x282: {  	v36 =	vadd.f32 v57, v36;
	_ =	sdelay $0x1  }
0x283: {  	[tilespmem:s20+$0x30] =	vst v36  }
0x284: {  	v36 =	vld [tilespmem:s21+$0xC1C0]  }
0x285: {  	v58 =	vld [tilespmem:s21+$0xC240];
	_ =	sdelay $0x1  }
0x286: {  	v59 =	vld [tilespmem:s21+$0xC2C0];
	_ =	sdelay $0x1  }
0x287: {  	v60 =	vld [tilespmem:s21+$0xC340]  }
0x288: {  	v36 =	vmul.f32 v36, v32;
	v37 =	vmul.f32 v58, v33;
	_ =	sdelay $0x1  }
0x289: {  	v61 =	vmul.f32 v59, v34;
	v36 =	vadd.f32 v37, v36;
	_ =	sdelay $0x1  }
0x28a: {  	v62 =	vmul.f32 v60, v35;
	v36 =	vadd.f32 v61, v36;
	_ =	sdelay $0x1  }
0x28b: {  	v36 =	vadd.f32 v62, v36;
	_ =	sdelay $0x1  }
0x28c: {  	[tilespmem:s20+$0x40] =	vst v36  }
0x28d: {  	v36 =	vld [tilespmem:s21+$0xC1D0]  }
0x28e: {  	v63 =	vld [tilespmem:s21+$0xC250];
	_ =	sdelay $0x1  }
0x28f: {  	v42 =	vld [tilespmem:s21+$0xC2D0];
	_ =	sdelay $0x1  }
0x290: {  	v43 =	vld [tilespmem:s21+$0xC350]  }
0x291: {  	v36 =	vmul.f32 v36, v32;
	v37 =	vmul.f32 v63, v33;
	_ =	sdelay $0x1  }
0x292: {  	v44 =	vmul.f32 v42, v34;
	v36 =	vadd.f32 v37, v36;
	_ =	sdelay $0x1  }
0x293: {  	v45 =	vmul.f32 v43, v35;
	v36 =	vadd.f32 v44, v36;
	_ =	sdelay $0x1  }
0x294: {  	v36 =	vadd.f32 v45, v36;
	_ =	sdelay $0x1  }
0x295: {  	[tilespmem:s20+$0x50] =	vst v36  }
0x296: {  	v36 =	vld [tilespmem:s21+$0xC1E0]  }
0x297: {  	v46 =	vld [tilespmem:s21+$0xC260];
	_ =	sdelay $0x1  }
0x298: {  	v47 =	vld [tilespmem:s21+$0xC2E0];
	_ =	sdelay $0x1  }
0x299: {  	v48 =	vld [tilespmem:s21+$0xC360]  }
0x29a: {  	v36 =	vmul.f32 v36, v32;
	v37 =	vmul.f32 v46, v33;
	_ =	sdelay $0x1  }
0x29b: {  	v49 =	vmul.f32 v47, v34;
	v36 =	vadd.f32 v37, v36;
	_ =	sdelay $0x1  }
0x29c: {  	v50 =	vmul.f32 v48, v35;
	v36 =	vadd.f32 v49, v36;
	_ =	sdelay $0x1  }
0x29d: {  	v36 =	vadd.f32 v50, v36;
	_ =	sdelay $0x1  }
0x29e: {  	[tilespmem:s20+$0x60] =	vst v36  }
0x29f: {  	v36 =	vld [tilespmem:s21+$0xC1F0]  }
0x2a0: {  	v51 =	vld [tilespmem:s21+$0xC270];
	_ =	sdelay $0x1  }
0x2a1: {  	v52 =	vld [tilespmem:s21+$0xC2F0];
	_ =	sdelay $0x1  }
0x2a2: {  	v53 =	vld [tilespmem:s21+$0xC370]  }
0x2a3: {  	v36 =	vmul.f32 v36, v32;
	v37 =	vmul.f32 v51, v33;
	_ =	sdelay $0x1  }
0x2a4: {  	v54 =	vmul.f32 v52, v34;
	v36 =	vadd.f32 v37, v36;
	_ =	sdelay $0x1  }
0x2a5: {  	v55 =	vmul.f32 v53, v35;
	v36 =	vadd.f32 v54, v36;
	_ =	sdelay $0x1  }
0x2a6: {  	v36 =	vadd.f32 v55, v36;
	_ =	sdelay $0x1  }
0x2a7: {  	[tilespmem:s20+$0x70] =	vst v36  }
0x2a8: {  	v36 =	vld [tilespmem:s21+$0xC580]  }
0x2a9: {  	v56 =	vld [tilespmem:s21+$0xC600];
	_ =	sdelay $0x1  }
0x2aa: {  	v57 =	vld [tilespmem:s21+$0xC680];
	_ =	sdelay $0x1  }
0x2ab: {  	v58 =	vld [tilespmem:s21+$0xC700]  }
0x2ac: {  	v36 =	vmul.f32 v36, v32;
	v37 =	vmul.f32 v56, v33;
	_ =	sdelay $0x1  }
0x2ad: {  	v59 =	vmul.f32 v57, v34;
	v36 =	vadd.f32 v37, v36;
	_ =	sdelay $0x1  }
0x2ae: {  	v60 =	vmul.f32 v58, v35;
	v36 =	vadd.f32 v59, v36;
	_ =	sdelay $0x1  }
0x2af: {  	v36 =	vadd.f32 v60, v36;
	_ =	sdelay $0x1  }
0x2b0: {  	[tilespmem:s20+$0x400] =	vst v36  }
0x2b1: {  	v36 =	vld [tilespmem:s21+$0xC590]  }
0x2b2: {  	v61 =	vld [tilespmem:s21+$0xC610];
	_ =	sdelay $0x1  }
0x2b3: {  	v62 =	vld [tilespmem:s21+$0xC690];
	_ =	sdelay $0x1  }
0x2b4: {  	v63 =	vld [tilespmem:s21+$0xC710]  }
0x2b5: {  	v36 =	vmul.f32 v36, v32;
	v37 =	vmul.f32 v61, v33;
	_ =	sdelay $0x1  }
0x2b6: {  	v41 =	vmul.f32 v62, v34;
	v36 =	vadd.f32 v37, v36;
	_ =	sdelay $0x1  }
0x2b7: {  	v42 =	vmul.f32 v63, v35;
	v36 =	vadd.f32 v41, v36;
	_ =	sdelay $0x1  }
0x2b8: {  	v36 =	vadd.f32 v42, v36;
	_ =	sdelay $0x1  }
0x2b9: {  	[tilespmem:s20+$0x410] =	vst v36  }
0x2ba: {  	v36 =	vld [tilespmem:s21+$0xC5A0]  }
0x2bb: {  	v43 =	vld [tilespmem:s21+$0xC620];
	_ =	sdelay $0x1  }
0x2bc: {  	v44 =	vld [tilespmem:s21+$0xC6A0];
	_ =	sdelay $0x1  }
0x2bd: {  	v45 =	vld [tilespmem:s21+$0xC720]  }
0x2be: {  	v36 =	vmul.f32 v36, v32;
	v37 =	vmul.f32 v43, v33;
	_ =	sdelay $0x1  }
0x2bf: {  	v46 =	vmul.f32 v44, v34;
	v36 =	vadd.f32 v37, v36;
	_ =	sdelay $0x1  }
0x2c0: {  	v47 =	vmul.f32 v45, v35;
	v36 =	vadd.f32 v46, v36;
	_ =	sdelay $0x1  }
0x2c1: {  	v36 =	vadd.f32 v47, v36;
	_ =	sdelay $0x1  }
0x2c2: {  	[tilespmem:s20+$0x420] =	vst v36  }
0x2c3: {  	v36 =	vld [tilespmem:s21+$0xC5B0]  }
0x2c4: {  	v48 =	vld [tilespmem:s21+$0xC630];
	_ =	sdelay $0x1  }
0x2c5: {  	v49 =	vld [tilespmem:s21+$0xC6B0];
	_ =	sdelay $0x1  }
0x2c6: {  	v50 =	vld [tilespmem:s21+$0xC730]  }
0x2c7: {  	v36 =	vmul.f32 v36, v32;
	v37 =	vmul.f32 v48, v33;
	_ =	sdelay $0x1  }
0x2c8: {  	v51 =	vmul.f32 v49, v34;
	v36 =	vadd.f32 v37, v36;
	_ =	sdelay $0x1  }
0x2c9: {  	v52 =	vmul.f32 v50, v35;
	v36 =	vadd.f32 v51, v36;
	_ =	sdelay $0x1  }
0x2ca: {  	v36 =	vadd.f32 v52, v36;
	_ =	sdelay $0x1  }
0x2cb: {  	[tilespmem:s20+$0x430] =	vst v36  }
0x2cc: {  	v36 =	vld [tilespmem:s21+$0xC5C0]  }
0x2cd: {  	v53 =	vld [tilespmem:s21+$0xC640];
	_ =	sdelay $0x1  }
0x2ce: {  	v54 =	vld [tilespmem:s21+$0xC6C0];
	_ =	sdelay $0x1  }
0x2cf: {  	v55 =	vld [tilespmem:s21+$0xC740]  }
0x2d0: {  	v36 =	vmul.f32 v36, v32;
	v37 =	vmul.f32 v53, v33;
	_ =	sdelay $0x1  }
0x2d1: {  	v56 =	vmul.f32 v54, v34;
	v36 =	vadd.f32 v37, v36;
	_ =	sdelay $0x1  }
0x2d2: {  	v57 =	vmul.f32 v55, v35;
	v36 =	vadd.f32 v56, v36;
	_ =	sdelay $0x1  }
0x2d3: {  	v36 =	vadd.f32 v57, v36;
	_ =	sdelay $0x1  }
0x2d4: {  	[tilespmem:s20+$0x440] =	vst v36  }
0x2d5: {  	v36 =	vld [tilespmem:s21+$0xC5D0]  }
0x2d6: {  	v58 =	vld [tilespmem:s21+$0xC650];
	_ =	sdelay $0x1  }
0x2d7: {  	v59 =	vld [tilespmem:s21+$0xC6D0];
	_ =	sdelay $0x1  }
0x2d8: {  	v60 =	vld [tilespmem:s21+$0xC750]  }
0x2d9: {  	v36 =	vmul.f32 v36, v32;
	v37 =	vmul.f32 v58, v33;
	_ =	sdelay $0x1  }
0x2da: {  	v61 =	vmul.f32 v59, v34;
	v36 =	vadd.f32 v37, v36;
	_ =	sdelay $0x1  }
0x2db: {  	v62 =	vmul.f32 v60, v35;
	v36 =	vadd.f32 v61, v36;
	_ =	sdelay $0x1  }
0x2dc: {  	v36 =	vadd.f32 v62, v36;
	_ =	sdelay $0x1  }
0x2dd: {  	[tilespmem:s20+$0x450] =	vst v36  }
0x2de: {  	v36 =	vld [tilespmem:s21+$0xC5E0]  }
0x2df: {  	v63 =	vld [tilespmem:s21+$0xC660];
	_ =	sdelay $0x1  }
0x2e0: {  	v42 =	vld [tilespmem:s21+$0xC6E0];
	_ =	sdelay $0x1  }
0x2e1: {  	v43 =	vld [tilespmem:s21+$0xC760]  }
0x2e2: {  	v36 =	vmul.f32 v36, v32;
	v37 =	vmul.f32 v63, v33;
	_ =	sdelay $0x1  }
0x2e3: {  	v44 =	vmul.f32 v42, v34;
	v36 =	vadd.f32 v37, v36;
	_ =	sdelay $0x1  }
0x2e4: {  	v45 =	vmul.f32 v43, v35;
	v36 =	vadd.f32 v44, v36;
	_ =	sdelay $0x1  }
0x2e5: {  	v36 =	vadd.f32 v45, v36;
	_ =	sdelay $0x1  }
0x2e6: {  	[tilespmem:s20+$0x460] =	vst v36  }
0x2e7: {  	v36 =	vld [tilespmem:s21+$0xC5F0]  }
0x2e8: {  	v46 =	vld [tilespmem:s21+$0xC670];
	_ =	sdelay $0x1  }
0x2e9: {  	v47 =	vld [tilespmem:s21+$0xC6F0];
	_ =	sdelay $0x1  }
0x2ea: {  	v48 =	vld [tilespmem:s21+$0xC770]  }
0x2eb: {  	v36 =	vmul.f32 v36, v32;
	v37 =	vmul.f32 v46, v33;
	_ =	sdelay $0x1  }
0x2ec: {  	v49 =	vmul.f32 v47, v34;
	v36 =	vadd.f32 v37, v36;
	_ =	sdelay $0x1  }
0x2ed: {  	s21 =	simm.s32 $0x1;
	v50 =	vmul.f32 v48, v35;
	v36 =	vadd.f32 v49, v36  }
0x2ee: {  	s21 =	simm.s32 @!p0 $0x0  }
0x2ef: {  	s21 =	sshll.u32 s21, $0x9;
	v36 =	vadd.f32 v50, v36  }
0x2f0: {  	s21 =	sadd.s32 s21, s16  }
0x2f1: {  	s23 =	sor.u32 $0x800, s21;
	s22 =	sadd.s32 $0x80, s21;
	[tilespmem:s20+$0x470] =	vst v36  }
0x2f2: {  	s25 =	sor.u32 $0x800, s22;
	v36 =	vld [tilespmem:s23+$0xC180]  }
0x2f3: {  	v51 =	vld [tilespmem:s25+$0xC180];
	s23 =	sadd.s32 $0x100, s21  }
0x2f4: {  	s24 =	sor.u32 $0x800, s23  }
0x2f5: {  	v52 =	vld [tilespmem:s24+$0xC180];
	s24 =	sadd.s32 $0x180, s21  }
0x2f6: {  	s25 =	sor.u32 $0x800, s24  }
0x2f7: {  	v53 =	vld [tilespmem:s25+$0xC180]  }
0x2f8: {  	v36 =	vmul.f32 v36, v32;
	v37 =	vmul.f32 v51, v33;
	_ =	sdelay $0x1  }
0x2f9: {  	v36 =	vadd.f32 v37, v36;
	v54 =	vmul.f32 v52, v34;
	_ =	sdelay $0x1  }
0x2fa: {  	v36 =	vadd.f32 v54, v36;
	v55 =	vmul.f32 v53, v35;
	_ =	sdelay $0x1  }
0x2fb: {  	v36 =	vadd.f32 v55, v36;
	_ =	sdelay $0x1  }
0x2fc: {  	s25 =	sor.u32 $0x810, s21;
	[tilespmem:s20+$0x800] =	vst v36  }
0x2fd: {  	v36 =	vld [tilespmem:s25+$0xC180];
	s25 =	sor.u32 $0x810, s22  }
0x2fe: {  	v56 =	vld [tilespmem:s25+$0xC180]  }
0x2ff: {  	s25 =	sor.u32 $0x810, s23  }
0x300: {  	v57 =	vld [tilespmem:s25+$0xC180]  }
0x301: {  	s25 =	sor.u32 $0x810, s24  }
0x302: {  	v58 =	vld [tilespmem:s25+$0xC180]  }
0x303: {  	v36 =	vmul.f32 v36, v32;
	v37 =	vmul.f32 v56, v33;
	_ =	sdelay $0x1  }
0x304: {  	v59 =	vmul.f32 v57, v34;
	v36 =	vadd.f32 v37, v36;
	_ =	sdelay $0x1  }
0x305: {  	v60 =	vmul.f32 v58, v35;
	v36 =	vadd.f32 v59, v36;
	_ =	sdelay $0x1  }
0x306: {  	v36 =	vadd.f32 v60, v36;
	_ =	sdelay $0x1  }
0x307: {  	s25 =	sor.u32 $0x820, s21;
	[tilespmem:s20+$0x810] =	vst v36  }
0x308: {  	v36 =	vld [tilespmem:s25+$0xC180];
	s25 =	sor.u32 $0x820, s22  }
0x309: {  	v61 =	vld [tilespmem:s25+$0xC180]  }
0x30a: {  	s25 =	sor.u32 $0x820, s23  }
0x30b: {  	v62 =	vld [tilespmem:s25+$0xC180]  }
0x30c: {  	s25 =	sor.u32 $0x820, s24  }
0x30d: {  	v63 =	vld [tilespmem:s25+$0xC180]  }
0x30e: {  	v36 =	vmul.f32 v36, v32;
	v37 =	vmul.f32 v61, v33;
	_ =	sdelay $0x1  }
0x30f: {  	v41 =	vmul.f32 v62, v34;
	v36 =	vadd.f32 v37, v36;
	_ =	sdelay $0x1  }
0x310: {  	v42 =	vmul.f32 v63, v35;
	v36 =	vadd.f32 v41, v36;
	_ =	sdelay $0x1  }
0x311: {  	v36 =	vadd.f32 v42, v36;
	_ =	sdelay $0x1  }
0x312: {  	s25 =	sor.u32 $0x830, s21;
	[tilespmem:s20+$0x820] =	vst v36  }
0x313: {  	v36 =	vld [tilespmem:s25+$0xC180];
	s25 =	sor.u32 $0x830, s22  }
0x314: {  	v43 =	vld [tilespmem:s25+$0xC180]  }
0x315: {  	s25 =	sor.u32 $0x830, s23  }
0x316: {  	v44 =	vld [tilespmem:s25+$0xC180]  }
0x317: {  	s25 =	sor.u32 $0x830, s24  }
0x318: {  	v45 =	vld [tilespmem:s25+$0xC180]  }
0x319: {  	v36 =	vmul.f32 v36, v32;
	v37 =	vmul.f32 v43, v33;
	_ =	sdelay $0x1  }
0x31a: {  	v46 =	vmul.f32 v44, v34;
	v36 =	vadd.f32 v37, v36;
	_ =	sdelay $0x1  }
0x31b: {  	v47 =	vmul.f32 v45, v35;
	v36 =	vadd.f32 v46, v36;
	_ =	sdelay $0x1  }
0x31c: {  	v36 =	vadd.f32 v47, v36;
	_ =	sdelay $0x1  }
0x31d: {  	s25 =	sor.u32 $0x840, s21;
	[tilespmem:s20+$0x830] =	vst v36  }
0x31e: {  	v36 =	vld [tilespmem:s25+$0xC180];
	s25 =	sor.u32 $0x840, s22  }
0x31f: {  	v48 =	vld [tilespmem:s25+$0xC180]  }
0x320: {  	s25 =	sor.u32 $0x840, s23  }
0x321: {  	v49 =	vld [tilespmem:s25+$0xC180]  }
0x322: {  	s25 =	sor.u32 $0x840, s24  }
0x323: {  	v50 =	vld [tilespmem:s25+$0xC180]  }
0x324: {  	v36 =	vmul.f32 v36, v32;
	v37 =	vmul.f32 v48, v33;
	_ =	sdelay $0x1  }
0x325: {  	v51 =	vmul.f32 v49, v34;
	v36 =	vadd.f32 v37, v36;
	_ =	sdelay $0x1  }
0x326: {  	v52 =	vmul.f32 v50, v35;
	v36 =	vadd.f32 v51, v36;
	_ =	sdelay $0x1  }
0x327: {  	v36 =	vadd.f32 v52, v36;
	_ =	sdelay $0x1  }
0x328: {  	s25 =	sor.u32 $0x850, s21;
	[tilespmem:s20+$0x840] =	vst v36  }
0x329: {  	v36 =	vld [tilespmem:s25+$0xC180];
	s25 =	sor.u32 $0x850, s22  }
0x32a: {  	v53 =	vld [tilespmem:s25+$0xC180]  }
0x32b: {  	s25 =	sor.u32 $0x850, s23  }
0x32c: {  	v54 =	vld [tilespmem:s25+$0xC180]  }
0x32d: {  	s25 =	sor.u32 $0x850, s24  }
0x32e: {  	v55 =	vld [tilespmem:s25+$0xC180]  }
0x32f: {  	v36 =	vmul.f32 v36, v32;
	v37 =	vmul.f32 v53, v33;
	_ =	sdelay $0x1  }
0x330: {  	v56 =	vmul.f32 v54, v34;
	v36 =	vadd.f32 v37, v36;
	_ =	sdelay $0x1  }
0x331: {  	v57 =	vmul.f32 v55, v35;
	v36 =	vadd.f32 v56, v36;
	_ =	sdelay $0x1  }
0x332: {  	v36 =	vadd.f32 v57, v36;
	_ =	sdelay $0x1  }
0x333: {  	s25 =	sor.u32 $0x860, s21;
	[tilespmem:s20+$0x850] =	vst v36  }
0x334: {  	v36 =	vld [tilespmem:s25+$0xC180];
	s25 =	sor.u32 $0x860, s22  }
0x335: {  	v58 =	vld [tilespmem:s25+$0xC180]  }
0x336: {  	s25 =	sor.u32 $0x860, s23  }
0x337: {  	v59 =	vld [tilespmem:s25+$0xC180]  }
0x338: {  	s25 =	sor.u32 $0x860, s24  }
0x339: {  	v60 =	vld [tilespmem:s25+$0xC180]  }
0x33a: {  	v36 =	vmul.f32 v36, v32;
	v37 =	vmul.f32 v58, v33;
	_ =	sdelay $0x1  }
0x33b: {  	v61 =	vmul.f32 v59, v34;
	v36 =	vadd.f32 v37, v36;
	_ =	sdelay $0x1  }
0x33c: {  	v62 =	vmul.f32 v60, v35;
	v36 =	vadd.f32 v61, v36;
	_ =	sdelay $0x1  }
0x33d: {  	v36 =	vadd.f32 v62, v36;
	_ =	sdelay $0x1  }
0x33e: {  	s25 =	sor.u32 $0x870, s21;
	[tilespmem:s20+$0x860] =	vst v36  }
0x33f: {  	v36 =	vld [tilespmem:s25+$0xC180];
	s25 =	sor.u32 $0x870, s22  }
0x340: {  	v63 =	vld [tilespmem:s25+$0xC180]  }
0x341: {  	s25 =	sor.u32 $0x870, s23  }
0x342: {  	v42 =	vld [tilespmem:s25+$0xC180]  }
0x343: {  	s25 =	sor.u32 $0x870, s24  }
0x344: {  	v43 =	vld [tilespmem:s25+$0xC180]  }
0x345: {  	v36 =	vmul.f32 v36, v32;
	v37 =	vmul.f32 v63, v33;
	_ =	sdelay $0x1  }
0x346: {  	v44 =	vmul.f32 v42, v34;
	v36 =	vadd.f32 v37, v36;
	_ =	sdelay $0x1  }
0x347: {  	v45 =	vmul.f32 v43, v35;
	v36 =	vadd.f32 v44, v36;
	_ =	sdelay $0x1  }
0x348: {  	v36 =	vadd.f32 v45, v36;
	_ =	sdelay $0x1  }
0x349: {  	s25 =	sor.u32 $0xC00, s21;
	[tilespmem:s20+$0x870] =	vst v36  }
0x34a: {  	v36 =	vld [tilespmem:s25+$0xC180];
	s25 =	sor.u32 $0xC00, s22  }
0x34b: {  	v46 =	vld [tilespmem:s25+$0xC180]  }
0x34c: {  	s25 =	sor.u32 $0xC00, s23  }
0x34d: {  	v47 =	vld [tilespmem:s25+$0xC180]  }
0x34e: {  	s25 =	sor.u32 $0xC00, s24  }
0x34f: {  	v48 =	vld [tilespmem:s25+$0xC180]  }
0x350: {  	v36 =	vmul.f32 v36, v32;
	v37 =	vmul.f32 v46, v33;
	_ =	sdelay $0x1  }
0x351: {  	v49 =	vmul.f32 v47, v34;
	v36 =	vadd.f32 v37, v36;
	_ =	sdelay $0x1  }
0x352: {  	v50 =	vmul.f32 v48, v35;
	v36 =	vadd.f32 v49, v36;
	_ =	sdelay $0x1  }
0x353: {  	v36 =	vadd.f32 v50, v36;
	_ =	sdelay $0x1  }
0x354: {  	s25 =	sor.u32 $0xC10, s21;
	[tilespmem:s20+$0xC00] =	vst v36  }
0x355: {  	v36 =	vld [tilespmem:s25+$0xC180];
	s25 =	sor.u32 $0xC10, s22  }
0x356: {  	v51 =	vld [tilespmem:s25+$0xC180]  }
0x357: {  	s25 =	sor.u32 $0xC10, s23  }
0x358: {  	v52 =	vld [tilespmem:s25+$0xC180]  }
0x359: {  	s25 =	sor.u32 $0xC10, s24  }
0x35a: {  	v53 =	vld [tilespmem:s25+$0xC180]  }
0x35b: {  	v36 =	vmul.f32 v36, v32;
	v37 =	vmul.f32 v51, v33;
	_ =	sdelay $0x1  }
0x35c: {  	v54 =	vmul.f32 v52, v34;
	v36 =	vadd.f32 v37, v36;
	_ =	sdelay $0x1  }
0x35d: {  	v55 =	vmul.f32 v53, v35;
	v36 =	vadd.f32 v54, v36;
	_ =	sdelay $0x1  }
0x35e: {  	v36 =	vadd.f32 v55, v36;
	_ =	sdelay $0x1  }
0x35f: {  	s25 =	sor.u32 $0xC20, s21;
	[tilespmem:s20+$0xC10] =	vst v36  }
0x360: {  	v36 =	vld [tilespmem:s25+$0xC180];
	s25 =	sor.u32 $0xC20, s22  }
0x361: {  	v56 =	vld [tilespmem:s25+$0xC180]  }
0x362: {  	s25 =	sor.u32 $0xC20, s23  }
0x363: {  	v57 =	vld [tilespmem:s25+$0xC180]  }
0x364: {  	s25 =	sor.u32 $0xC20, s24  }
0x365: {  	v58 =	vld [tilespmem:s25+$0xC180]  }
0x366: {  	v36 =	vmul.f32 v36, v32;
	v37 =	vmul.f32 v56, v33;
	_ =	sdelay $0x1  }
0x367: {  	v59 =	vmul.f32 v57, v34;
	v36 =	vadd.f32 v37, v36;
	_ =	sdelay $0x1  }
0x368: {  	v60 =	vmul.f32 v58, v35;
	v36 =	vadd.f32 v59, v36;
	_ =	sdelay $0x1  }
0x369: {  	v36 =	vadd.f32 v60, v36;
	_ =	sdelay $0x1  }
0x36a: {  	s25 =	sor.u32 $0xC30, s21;
	[tilespmem:s20+$0xC20] =	vst v36  }
0x36b: {  	v36 =	vld [tilespmem:s25+$0xC180];
	s25 =	sor.u32 $0xC30, s22  }
0x36c: {  	v61 =	vld [tilespmem:s25+$0xC180]  }
0x36d: {  	s25 =	sor.u32 $0xC30, s23  }
0x36e: {  	v62 =	vld [tilespmem:s25+$0xC180]  }
0x36f: {  	s25 =	sor.u32 $0xC30, s24  }
0x370: {  	v63 =	vld [tilespmem:s25+$0xC180]  }
0x371: {  	v36 =	vmul.f32 v36, v32;
	v37 =	vmul.f32 v61, v33;
	_ =	sdelay $0x1  }
0x372: {  	v42 =	vmul.f32 v62, v34;
	v36 =	vadd.f32 v37, v36;
	_ =	sdelay $0x1  }
0x373: {  	v43 =	vmul.f32 v63, v35;
	v36 =	vadd.f32 v42, v36;
	_ =	sdelay $0x1  }
0x374: {  	v36 =	vadd.f32 v43, v36;
	_ =	sdelay $0x1  }
0x375: {  	s25 =	sor.u32 $0xC40, s21;
	[tilespmem:s20+$0xC30] =	vst v36  }
0x376: {  	v36 =	vld [tilespmem:s25+$0xC180];
	s25 =	sor.u32 $0xC40, s22  }
0x377: {  	v44 =	vld [tilespmem:s25+$0xC180]  }
0x378: {  	s25 =	sor.u32 $0xC40, s23  }
0x379: {  	v45 =	vld [tilespmem:s25+$0xC180]  }
0x37a: {  	s25 =	sor.u32 $0xC40, s24  }
0x37b: {  	v46 =	vld [tilespmem:s25+$0xC180]  }
0x37c: {  	v36 =	vmul.f32 v36, v32;
	v37 =	vmul.f32 v44, v33;
	_ =	sdelay $0x1  }
0x37d: {  	v47 =	vmul.f32 v45, v34;
	v36 =	vadd.f32 v37, v36;
	_ =	sdelay $0x1  }
0x37e: {  	v48 =	vmul.f32 v46, v35;
	v36 =	vadd.f32 v47, v36;
	_ =	sdelay $0x1  }
0x37f: {  	v36 =	vadd.f32 v48, v36;
	_ =	sdelay $0x1  }
0x380: {  	s25 =	sor.u32 $0xC50, s21;
	[tilespmem:s20+$0xC40] =	vst v36  }
0x381: {  	v36 =	vld [tilespmem:s25+$0xC180];
	s25 =	sor.u32 $0xC50, s22  }
0x382: {  	v49 =	vld [tilespmem:s25+$0xC180]  }
0x383: {  	s25 =	sor.u32 $0xC50, s23  }
0x384: {  	v50 =	vld [tilespmem:s25+$0xC180]  }
0x385: {  	s25 =	sor.u32 $0xC50, s24  }
0x386: {  	v51 =	vld [tilespmem:s25+$0xC180]  }
0x387: {  	v36 =	vmul.f32 v36, v32;
	v37 =	vmul.f32 v49, v33;
	_ =	sdelay $0x1  }
0x388: {  	v52 =	vmul.f32 v50, v34;
	v36 =	vadd.f32 v37, v36;
	_ =	sdelay $0x1  }
0x389: {  	v53 =	vmul.f32 v51, v35;
	v36 =	vadd.f32 v52, v36;
	_ =	sdelay $0x1  }
0x38a: {  	v36 =	vadd.f32 v53, v36;
	_ =	sdelay $0x1  }
0x38b: {  	s25 =	sor.u32 $0xC60, s21;
	[tilespmem:s20+$0xC50] =	vst v36  }
0x38c: {  	v36 =	vld [tilespmem:s25+$0xC180];
	s25 =	sor.u32 $0xC60, s22  }
0x38d: {  	v54 =	vld [tilespmem:s25+$0xC180]  }
0x38e: {  	s25 =	sor.u32 $0xC60, s23  }
0x38f: {  	v55 =	vld [tilespmem:s25+$0xC180]  }
0x390: {  	s25 =	sor.u32 $0xC60, s24  }
0x391: {  	v56 =	vld [tilespmem:s25+$0xC180]  }
0x392: {  	v36 =	vmul.f32 v36, v32;
	v37 =	vmul.f32 v54, v33;
	_ =	sdelay $0x1  }
0x393: {  	v57 =	vmul.f32 v55, v34;
	v36 =	vadd.f32 v37, v36;
	_ =	sdelay $0x1  }
0x394: {  	v58 =	vmul.f32 v56, v35;
	v36 =	vadd.f32 v57, v36;
	_ =	sdelay $0x1  }
0x395: {  	v36 =	vadd.f32 v58, v36;
	_ =	sdelay $0x1  }
0x396: {  	s21 =	sor.u32 $0xC70, s21;
	[tilespmem:s20+$0xC60] =	vst v36  }
0x397: {  	s22 =	sor.u32 $0xC70, s22;
	v36 =	vld [tilespmem:s21+$0xC180]  }
0x398: {  	v59 =	vld [tilespmem:s22+$0xC180]  }
0x399: {  	s23 =	sor.u32 $0xC70, s23  }
0x39a: {  	v60 =	vld [tilespmem:s23+$0xC180]  }
0x39b: {  	s25 =	sor.u32 $0xC70, s24  }
0x39c: {  	v61 =	vld [tilespmem:s25+$0xC180]  }
0x39d: {  	v32 =	vmul.f32 v36, v32;
	v33 =	vmul.f32 v59, v33;
	_ =	sdelay $0x1  }
0x39e: {  	v62 =	vmul.f32 v60, v34;
	v32 =	vadd.f32 v33, v32  }
0x39f: {  	p1 =	sne.s32 s17, $0x30  }
.Ltmp6:
0x3a0: {  	v63 =	vmul.f32 v61, v35;
	v32 =	vadd.f32 v62, v32;
	(pc) =	sbr.rel @p1 .LBB2_6-.Ltmp6, $4  }
0x3a1: {  	_ = 	snop  }
0x3a2: {  	v32 =	vadd.f32 v63, v32  }
0x3a3: {  	s19 =	sadd.s32 $0x200, s19;
	s17 =	sadd.s32 $0x1, s17  }
0x3a4: {  	s18 =	sadd.s32 $0x80, s18;
	p0 =	por !p0, !p0;
	s16 =	sadd.s32 $0x800, s16;
	[tilespmem:s20+$0xC70] =	vst v32  }
.Ltmp7:
0x3a5: {  	s15 =	sadd.s32 $0x600, s15;
	s16 =	simm.s32 $0x0;
	(pc) =	sbr.rel .LBB2_8-.Ltmp7, $4  }
0x3a6: {  	[hbm4b:s15+s16] =	stream.linear.scatter [tilespmem:s12], [sflag:$0x3], $0x4000, $0x38;
	[tilespmem:$0x1E180] =	vst v63  }
0x3a7: {  	_ =	swait.ge [sflag:s13], $0x4000  }
0x3a8: {  	[sflag:s13] =	ssyncset.done $0x0  }
0x3a9: {  	[sflag:s13] =	ssyncadd.s32 $0xFFFFC000  }
.LBB2_10:
0x3aa: {  	_ =	sfence.sel $0x180000  }
0x3ab: {  	[bflag:$0x0] =	sbarrier.arrive $0xFFFF  }
0x3ac: {  	_ =	strace $0x90000047  }
0x3ad: {  	s0 =	stileid.u32;
	[bflag:$0x2] =	sbarrier.arrive $0xFFFF  }
0x3ae: {  	p0 =	sne.s32 s0, $0x0;
	s0 =	rddreg [dreg:$0x2]  }
0x3af: {  	s0 =	sadd.s32 @!p0 $0x100000, s0  }
0x3b0: {  	[sflag:s0] =	ssyncadd.tile.s32 @!p0 $0x1;
	_ =	shalt  }
.Lfunc_end2:
_tile_overlayer_lowered:
.L_overlay_start_2:
0x3b1: {  	(tag) =	ssettag $0x2  }
0x3b2: {  	s0 =	rddreg [dreg:$0x0];
	s2 =	stileid.u32  }
0x3b3: {  	s1 =	rddreg [dreg:$0x1];
	p0 =	sne.s32 s2, $0x0  }
0x3b4: {  	s3 =	rddreg [dreg:$0x2];
	[bflag:$0x3] =	sbarrier.arrive $0xFFFF;
	s2 =	simm.s32 @!p0 $0x1C04  }
0x3b5: {  	[timem:s3], [sflag:s2] =	dma.local @!p0 [hbm:s0], s1  }
0x3b6: {  	s0 =	simm.s32 @!p0 $0x4  }
0x3b7: {  	_ =	swait.ge @!p0 [sflag:s0], s1  }
0x3b8: {  	s1 =	ssub.s32 @!p0 $0x0, s1;
	[sflag:s0] =	ssyncset.done @!p0 $0x0  }
0x3b9: {  	[sflag:s0] =	ssyncadd.s32 @!p0 s1  }
0x3ba: {  	[bflag:$0x3] =	sbarrier.arrive $0xFFFF  }
0x3bb: {  	_ =	shalt  }

</sc_bundles>
